<compile_context>
chip_gen: v7x
topology: tpu7x:2x2x1
jax: 0.10.2.dev20260603
libtpu: 0.0.44.dev20260713+nightly
codegen_flags: <defaults>
</compile_context>

<pallas_src>
import functools

import jax
import jax.numpy as jnp
from jax import lax
from jax.experimental import pallas as pl
from jax.experimental.pallas import tpu as pltpu
from jax.experimental.pallas import tpu_sc as plsc

_N = 1024
_E = 32768
_NTILES = 16
_EPT = _E // _NTILES
_NPT = _N // _NTILES
_ROWS_F32 = _N * _N // _NTILES
_ZCHUNK = 4096


_HALF = _N // 2
_HWORDS = _HALF * _N
_TWORDS = _HWORDS // _NTILES


def _sc_body(ei_hbm, adj_hbm,
             src_v, dst_v, dinv_v, idx2d, val2d, zbuf, sh_deg, sh_adj):
    cid = lax.axis_index("c")
    t = lax.axis_index("s")
    ebase = t * _EPT
    nbase = t * _NPT
    row0 = cid * _HALF
    lane = lax.broadcasted_iota(jnp.int32, (16,), 0)
    fzero = jnp.zeros((16,), jnp.float32)
    fone = jnp.ones((16,), jnp.float32)

    pltpu.sync_copy(ei_hbm.at[0, pl.ds(ebase, _EPT)], src_v)
    pltpu.sync_copy(ei_hbm.at[1, pl.ds(ebase, _EPT)], dst_v)

    def _zb(i, c):
        zbuf[pl.ds(i * 16, 16)] = fzero
        return c
    lax.fori_loop(0, _ZCHUNK // 16, _zb, 0)
    pltpu.sync_copy(zbuf.at[pl.ds(0, _NPT)], sh_deg.at[pl.ds(nbase, _NPT)])
    for i in range(_TWORDS // _ZCHUNK):
        pltpu.sync_copy(zbuf, sh_adj.at[pl.ds(t * _TWORDS + i * _ZCHUNK, _ZCHUNK)])
    plsc.subcore_barrier()

    def _ones(v, c):
        val2d[0, pl.ds(v * 16, 16)] = fone
        return c
    lax.fori_loop(0, 8, _ones, 0)
    for c in range(_EPT // 128):
        def _fi(v, _, c=c):
            idx2d[c, pl.ds(v * 16, 16)] = dst_v[pl.ds(c * 128 + v * 16, 16)]
            return _
        lax.fori_loop(0, 8, _fi, 0)
    for c in range(_EPT // 128):
        pltpu.sync_copy(val2d.at[0], sh_deg.at[idx2d.at[c]], add=True)
    plsc.subcore_barrier()

    pltpu.sync_copy(sh_deg, dinv_v)
    def _newton(i, c):
        d = dinv_v[pl.ds(i * 16, 16)] + 1.0
        ib = lax.bitcast_convert_type(d, jnp.int32)
        ib = jnp.int32(0x5F3759DF) - lax.shift_right_logical(ib, 1)
        y = lax.bitcast_convert_type(ib, jnp.float32)
        half = d * 0.5
        y = y * (1.5 - half * y * y)
        y = y * (1.5 - half * y * y)
        y = y * (1.5 - half * y * y)
        dinv_v[pl.ds(i * 16, 16)] = y
        return c
    lax.fori_loop(0, _N // 16, _newton, 0)

    def _route(d16, s16):
        rel = d16 - row0
        own = (rel >= 0) & (rel < _HALF)
        return jnp.where(own, rel * _N + s16, _HWORDS + s16)

    for c in range(_EPT // 128):
        def _fe(v, _, c=c):
            sl = pl.ds(v * 16, 16)
            off = pl.ds(c * 128 + v * 16, 16)
            s16 = src_v[off]
            d16 = dst_v[off]
            ga = plsc.load_gather(dinv_v, [s16])
            gb = plsc.load_gather(dinv_v, [d16])
            idx2d[c, sl] = _route(d16, s16)
            val2d[c, sl] = ga * gb
            return _
        lax.fori_loop(0, 8, _fe, 0)
        pltpu.sync_copy(val2d.at[c], sh_adj.at[idx2d.at[c]], add=True)

    def _fs(v, c):
        sl = pl.ds(v * 16, 16)
        n16 = nbase + v * 16 + lane
        dv = plsc.load_gather(dinv_v, [n16])
        idx2d[16, sl] = _route(n16, n16)
        val2d[16, sl] = dv * dv
        return c
    lax.fori_loop(0, 4, _fs, 0)
    def _fp(v, c):
        sl = pl.ds(64 + v * 16, 16)
        idx2d[16, sl] = jnp.full((16,), _HWORDS, jnp.int32)
        val2d[16, sl] = fzero
        return c
    lax.fori_loop(0, 4, _fp, 0)
    pltpu.sync_copy(val2d.at[16], sh_adj.at[idx2d.at[16]], add=True)
    plsc.subcore_barrier()

    pltpu.sync_copy(sh_adj.at[pl.ds(t * _TWORDS, _TWORDS)],
                    adj_hbm.at[pl.ds(cid * _HWORDS + t * _TWORDS, _TWORDS)])


@functools.lru_cache(maxsize=1)
def _sc_build_adj_fn():
    return functools.partial(
        pl.kernel,
        out_type=jax.ShapeDtypeStruct((_N * _N,), jnp.float32),
        mesh=plsc.VectorSubcoreMesh(core_axis_name="c", subcore_axis_name="s"),
        compiler_params=pltpu.CompilerParams(needs_layout_passes=False),
        scratch_types=[
            pltpu.VMEM((_EPT,), jnp.int32),
            pltpu.VMEM((_EPT,), jnp.int32),
            pltpu.VMEM((_N,), jnp.float32),
            pltpu.VMEM((17, 128), jnp.int32),
            pltpu.VMEM((17, 128), jnp.float32),
            pltpu.VMEM((_ZCHUNK,), jnp.float32),
            pltpu.VMEM_SHARED((_N,), jnp.float32),
            pltpu.VMEM_SHARED((_HWORDS + _N,), jnp.float32),
        ],
    )(_sc_body)


_BI = 128


def _precise_dot(a, b):
    f32 = jnp.float32
    bf = jnp.bfloat16
    ahi = a.astype(bf)
    alo = (a - ahi.astype(f32)).astype(bf)
    bhi = b.astype(bf)
    blo = (b - bhi.astype(f32)).astype(bf)
    d = lambda x, y: jnp.dot(x, y, preferred_element_type=f32)
    return d(ahi, bhi) + (d(ahi, blo) + d(alo, bhi))


def _precise_dot_tn(a, b):
    f32 = jnp.float32
    bf = jnp.bfloat16
    ahi = a.astype(bf)
    alo = (a - ahi.astype(f32)).astype(bf)
    bhi = b.astype(bf)
    blo = (b - bhi.astype(f32)).astype(bf)
    d = lambda x, y: lax.dot_general(x, y, (((0,), (1,)), ((), ())),
                                     preferred_element_type=f32)
    return d(ahi, bhi) + (d(ahi, blo) + d(alo, bhi))


def _tc_all_body(x_ref, w1_ref, adj_ref, b1_ref, w2_ref, b2_ref,
                 we1_ref, be1_ref, we2_ref, be2_ref,
                 node_ref, eout_ref, fei_ref, u_sc, vt_sc):
    pid = pl.program_id(0)

    @pl.when(pid == 0)
    def _prep():
        xw = _precise_dot(x_ref[...], w1_ref[...])
        agg1 = _precise_dot(adj_ref[...], xw)
        h = jnp.maximum(agg1 + b1_ref[...], 0.0)
        aggh = _precise_dot(adj_ref[...], h)
        node_ref[...] = _precise_dot(aggh, w2_ref[...]) + b2_ref[...]
        u_sc[...] = _precise_dot(h, we1_ref[0:16, :]) + be1_ref[...]
        vt_sc[...] = _precise_dot_tn(we1_ref[16:32, :], h)

    u = u_sc[pl.ds(pid * _BI, _BI), :]
    vt = vt_sc[...]
    acc = jnp.zeros((_BI, _N), jnp.float32)
    for k in range(16):
        acc = acc + jnp.maximum(u[:, k:k + 1] + vt[k:k + 1, :], 0.0) * we2_ref[k, 0]
    eout_ref[...] = jax.nn.sigmoid(acc + be2_ref[0]).reshape(_BI * _N)
    p = pid * (_BI * _N) + lax.broadcasted_iota(jnp.int32, (_BI * _N,), 0)
    fei_ref[0] = lax.shift_right_logical(p, 10)
    fei_ref[1] = lax.bitwise_and(p, _N - 1)


def _tc_all_call(x, W1, adj, b1, W2, b2, We1, be1, We2, be2):
    vmem_full = pl.BlockSpec(memory_space=pltpu.VMEM)
    return pl.pallas_call(
        _tc_all_body,
        grid=(_N // _BI,),
        in_specs=[vmem_full] * 8 + [
            pl.BlockSpec(memory_space=pltpu.SMEM),
            pl.BlockSpec(memory_space=pltpu.SMEM),
        ],
        out_specs=[
            pl.BlockSpec((_N, 2), lambda i: (0, 0)),
            pl.BlockSpec((_BI * _N,), lambda i: (i,)),
            pl.BlockSpec((2, _BI * _N), lambda i: (0, i)),
        ],
        out_shape=[
            jax.ShapeDtypeStruct((_N, 2), jnp.float32),
            jax.ShapeDtypeStruct((_N * _N,), jnp.float32),
            jax.ShapeDtypeStruct((2, _N * _N), jnp.int32),
        ],
        scratch_shapes=[
            pltpu.VMEM((_N, 16), jnp.float32),
            pltpu.VMEM((16, _N), jnp.float32),
        ],
    )(x, W1, adj, b1, W2, b2, We1, be1, We2, be2)


def kernel(x, edge_index, W1, b1, W2, b2, We1, be1, We2, be2):
    adj = _sc_build_adj_fn()(edge_index).reshape(_N, _N)
    node_out, edge_out, fei = _tc_all_call(x, W1, adj, b1, W2, b2,
                                           We1, be1, We2, be2)
    return node_out, edge_out, fei

# --- scband reference (transcript-rebuilt; emitter-appended) ---
"""Pipeline reference for scband-enhanced-gnn-27273042329839 (READ-ONLY COPY).

The authoritative reference and input builder live on the scoring server;
editing this copy changes nothing except your own understanding.
"""

import jax, jax.numpy as jnp
import numpy as np

N = 1024
E = 32768
D_IN = 128


def gcn_conv(x, edge_index, W, b):
    n = x.shape[0]
    loop = jnp.arange(n, dtype=edge_index.dtype)
    src = jnp.concatenate([edge_index[0], loop])
    dst = jnp.concatenate([edge_index[1], loop])
    deg = jnp.zeros(n, x.dtype).at[dst].add(1.0)
    dinv = jnp.where(deg > 0, deg ** -0.5, 0.0)
    norm = dinv[src] * dinv[dst]
    xw = x @ W
    out = jnp.zeros((n, W.shape[1]), x.dtype).at[dst].add(xw[src] * norm[:, None])
    return out + b


def setup_inputs(seed: int = 0) -> dict:
    key = jax.random.key(seed)
    ks = jax.random.split(key, 12)
    x = jax.random.normal(ks[0], (N, D_IN), dtype=jnp.float32)
    edge_index = jax.random.randint(ks[1], (2, E), 0, N, dtype=jnp.int32)
    W1 = jax.random.normal(ks[2], (D_IN, 16), dtype=jnp.float32) / np.sqrt(D_IN)
    b1 = jnp.zeros((16,), jnp.float32)
    W2 = jax.random.normal(ks[3], (16, 2), dtype=jnp.float32) / np.sqrt(16.0)
    b2 = jnp.zeros((2,), jnp.float32)
    We1 = jax.random.normal(ks[4], (32, 16), dtype=jnp.float32) / np.sqrt(32.0)
    be1 = jnp.zeros((16,), jnp.float32)
    We2 = jax.random.normal(ks[5], (16, 1), dtype=jnp.float32) / np.sqrt(16.0)
    be2 = jnp.zeros((1,), jnp.float32)
    return {"x": x, "edge_index": edge_index, "W1": W1, "b1": b1, "W2": W2, "b2": b2, "We1": We1, "be1": be1, "We2": We2, "be2": be2}


def reference(x, edge_index, W1, b1, W2, b2, We1, be1, We2, be2):
    # conv1 + relu (dropout is identity in eval mode)
    h = jax.nn.relu(gcn_conv(x, edge_index, W1, b1))
    # conv2 -> node logits
    node_out = gcn_conv(h, edge_index, W2, b2)
    # dense all-pairs edge index (row-major, matches dense_to_sparse(ones(N,N)))
    n = h.shape[0]
    start = jnp.repeat(jnp.arange(n, dtype=jnp.int32), n)
    end = jnp.tile(jnp.arange(n, dtype=jnp.int32), n)
    edge_features = jnp.concatenate([h[start], h[end]], axis=1)
    z = jax.nn.relu(edge_features @ We1 + be1)
    edge_out = jax.nn.sigmoid(z @ We2 + be2)
    edge_out = jnp.squeeze(edge_out, axis=-1)
    full_edge_index = jnp.stack([start, end], axis=0)
    return (node_out, edge_out, full_edge_index)

if __name__ == "__main__":
    import jax
    _d = setup_inputs()
    print(jax.jit(kernel)(*tuple(_d.values())))

</pallas_src>

<mosaic_0001>
#map = affine_map<(d0, d1) -> (0, 0)>
#map1 = affine_map<(d0, d1) -> (0)>
module attributes {stable_mosaic.version = 14 : i64} {
  func.func @_sc_body(%arg0: i32, %arg1: i32, %arg2: memref<2x32768xi32, #tpu.memory_space<hbm>>, %arg3: memref<1048576xf32, #tpu.memory_space<hbm>>, %arg4: memref<2048xi32, #tpu.memory_space<vmem>>, %arg5: memref<2048xi32, #tpu.memory_space<vmem>>, %arg6: memref<1024xf32, #tpu.memory_space<vmem>>, %arg7: memref<17x128xi32, #tpu.memory_space<vmem>>, %arg8: memref<17x128xf32, #tpu.memory_space<vmem>>, %arg9: memref<4096xf32, #tpu.memory_space<vmem>>, %arg10: memref<1024xf32, #tpu.memory_space<vmem_shared>>, %arg11: memref<525312xf32, #tpu.memory_space<vmem_shared>>) attributes {dimension_semantics = [#tpu.dimension_semantics<core_parallel>, #tpu.dimension_semantics<subcore_parallel>], iteration_bounds = array<i64: 2, 16>, scalar_prefetch = 0 : i64, scratch_operands = 8 : i64, tpu.core_type = #tpu.core_type<sc_vector_subcore>, window_params = [{transform_indices = #map}, {transform_indices = #map1}]} {
    %mul3A = arith.constant 2048 : i32
    %mul3A_0 = arith.muli %arg1, %mul3A : i32
    %mul3A_1 = arith.constant 64 : i32
    %mul3A_2 = arith.muli %arg1, %mul3A_1 : i32
    %mul3A_3 = arith.constant 512 : i32
    %mul3A_4 = arith.muli %arg0, %mul3A_3 : i32
    %iota3A = tpu.iota {dimensions = array<i32: 0>} : vector<16xi32>
    %broadcast_in_dim3A = arith.constant 0.000000e+00 : f32
    %broadcast_in_dim3A_5 = vector.broadcast %broadcast_in_dim3A : f32 to vector<16xf32>
    %broadcast_in_dim3A_6 = arith.constant 1.000000e+00 : f32
    %broadcast_in_dim3A_7 = vector.broadcast %broadcast_in_dim3A_6 : f32 to vector<16xf32>
    %run_scoped3A = arith.constant 0 : i32
    "tpu.region"() ({
      %run_scoped3A_336 = tpu.sem_alloc : memref<!tpu.dma_semaphore, #tpu.memory_space<semaphore_mem>>
      %dma_start3A = tpu.memref_slice %arg2[%run_scoped3A, %mul3A_0] : memref<2x32768xi32, #tpu.memory_space<hbm>> -> memref<1x2048xi32, #tpu.memory_space<hbm>>
      %dma_start3A_337 = tpu.memref_squeeze %dma_start3A : memref<1x2048xi32, #tpu.memory_space<hbm>> -> memref<2048xi32, #tpu.memory_space<hbm>>
      %dma_start3A_338 = tpu.memref_slice %arg2[%run_scoped3A, %mul3A_0] : memref<2x32768xi32, #tpu.memory_space<hbm>> -> memref<1x2048xi32, #tpu.memory_space<hbm>>
      %dma_start3A_339 = tpu.memref_squeeze %dma_start3A_338 : memref<1x2048xi32, #tpu.memory_space<hbm>> -> memref<2048xi32, #tpu.memory_space<hbm>>
      tpu.enqueue_dma source(%dma_start3A_339 : memref<2048xi32, #tpu.memory_space<hbm>>) target(%arg4 : memref<2048xi32, #tpu.memory_space<vmem>>) target_semaphore(%run_scoped3A_336 : memref<!tpu.dma_semaphore, #tpu.memory_space<semaphore_mem>>)
      %dma_wait3A = tpu.memref_slice %arg2[%run_scoped3A, %mul3A_0] : memref<2x32768xi32, #tpu.memory_space<hbm>> -> memref<1x2048xi32, #tpu.memory_space<hbm>>
      %dma_wait3A_340 = tpu.memref_squeeze %dma_wait3A : memref<1x2048xi32, #tpu.memory_space<hbm>> -> memref<2048xi32, #tpu.memory_space<hbm>>
      %dma_wait3A_341 = tpu.memref_slice %arg2[%run_scoped3A, %mul3A_0] : memref<2x32768xi32, #tpu.memory_space<hbm>> -> memref<1x2048xi32, #tpu.memory_space<hbm>>
      %dma_wait3A_342 = tpu.memref_squeeze %dma_wait3A_341 : memref<1x2048xi32, #tpu.memory_space<hbm>> -> memref<2048xi32, #tpu.memory_space<hbm>>
      tpu.wait_dma2 semaphore(%run_scoped3A_336 : memref<!tpu.dma_semaphore, #tpu.memory_space<semaphore_mem>>) src(%dma_wait3A_342 : memref<2048xi32, #tpu.memory_space<hbm>>) dst(%arg4 : memref<2048xi32, #tpu.memory_space<vmem>>)
      tpu.yield
    }) : () -> ()
    %run_scoped3A_8 = arith.constant 1 : i32
    "tpu.region"() ({
      %run_scoped3A_336 = tpu.sem_alloc : memref<!tpu.dma_semaphore, #tpu.memory_space<semaphore_mem>>
      %dma_start3A = tpu.memref_slice %arg2[%run_scoped3A_8, %mul3A_0] : memref<2x32768xi32, #tpu.memory_space<hbm>> -> memref<1x2048xi32, #tpu.memory_space<hbm>>
      %dma_start3A_337 = tpu.memref_squeeze %dma_start3A : memref<1x2048xi32, #tpu.memory_space<hbm>> -> memref<2048xi32, #tpu.memory_space<hbm>>
      %dma_start3A_338 = tpu.memref_slice %arg2[%run_scoped3A_8, %mul3A_0] : memref<2x32768xi32, #tpu.memory_space<hbm>> -> memref<1x2048xi32, #tpu.memory_space<hbm>>
      %dma_start3A_339 = tpu.memref_squeeze %dma_start3A_338 : memref<1x2048xi32, #tpu.memory_space<hbm>> -> memref<2048xi32, #tpu.memory_space<hbm>>
      tpu.enqueue_dma source(%dma_start3A_339 : memref<2048xi32, #tpu.memory_space<hbm>>) target(%arg5 : memref<2048xi32, #tpu.memory_space<vmem>>) target_semaphore(%run_scoped3A_336 : memref<!tpu.dma_semaphore, #tpu.memory_space<semaphore_mem>>)
      %dma_wait3A = tpu.memref_slice %arg2[%run_scoped3A_8, %mul3A_0] : memref<2x32768xi32, #tpu.memory_space<hbm>> -> memref<1x2048xi32, #tpu.memory_space<hbm>>
      %dma_wait3A_340 = tpu.memref_squeeze %dma_wait3A : memref<1x2048xi32, #tpu.memory_space<hbm>> -> memref<2048xi32, #tpu.memory_space<hbm>>
      %dma_wait3A_341 = tpu.memref_slice %arg2[%run_scoped3A_8, %mul3A_0] : memref<2x32768xi32, #tpu.memory_space<hbm>> -> memref<1x2048xi32, #tpu.memory_space<hbm>>
      %dma_wait3A_342 = tpu.memref_squeeze %dma_wait3A_341 : memref<1x2048xi32, #tpu.memory_space<hbm>> -> memref<2048xi32, #tpu.memory_space<hbm>>
      tpu.wait_dma2 semaphore(%run_scoped3A_336 : memref<!tpu.dma_semaphore, #tpu.memory_space<semaphore_mem>>) src(%dma_wait3A_342 : memref<2048xi32, #tpu.memory_space<hbm>>) dst(%arg5 : memref<2048xi32, #tpu.memory_space<vmem>>)
      tpu.yield
    }) : () -> ()
    %scan3A = arith.constant 0 : i32
    %scan3A_9 = arith.constant 0 : i32
    %scan3A_10 = arith.constant 256 : i32
    %scan3A_11 = arith.addi %scan3A_9, %scan3A_10 : i32
    %scan3A_12 = arith.constant 1 : i32
    scf.for %scan3A_336 = %scan3A_9 to %scan3A_11 step %scan3A_12  : i32 {
      %mul3A_337 = arith.constant 16 : i32
      %mul3A_338 = arith.muli %scan3A_336, %mul3A_337 : i32
      %swap3A = arith.index_cast %mul3A_338 : i32 to index
      %swap3A_339 = tpu.vector_load %arg9[%swap3A] {strides = array<i32>} : memref<4096xf32, #tpu.memory_space<vmem>>, vector<16xf32>,
      tpu.vector_store %arg9[%swap3A], %broadcast_in_dim3A_5 {strides = array<i32>} : memref<4096xf32, #tpu.memory_space<vmem>>, vector<16xf32>,
    }
    %scan3A_13 = arith.constant 256 : i32
    "tpu.region"() ({
      %run_scoped3A_336 = tpu.sem_alloc : memref<!tpu.dma_semaphore, #tpu.memory_space<semaphore_mem>>
      %dma_start3A = arith.constant 0 : i32
      %dma_start3A_337 = tpu.memref_slice %arg9[%dma_start3A] : memref<4096xf32, #tpu.memory_space<vmem>> -> memref<64xf32, #tpu.memory_space<vmem>>
      %dma_start3A_338 = tpu.memref_slice %arg10[%mul3A_2] : memref<1024xf32, #tpu.memory_space<vmem_shared>> -> memref<64xf32, #tpu.memory_space<vmem_shared>>
      %dma_start3A_339 = tpu.memref_slice %arg10[%mul3A_2] : memref<1024xf32, #tpu.memory_space<vmem_shared>> -> memref<64xf32, #tpu.memory_space<vmem_shared>>
      %dma_start3A_340 = arith.constant 0 : i32
      %dma_start3A_341 = tpu.memref_slice %arg9[%dma_start3A_340] : memref<4096xf32, #tpu.memory_space<vmem>> -> memref<64xf32, #tpu.memory_space<vmem>>
      tpu.enqueue_dma source(%dma_start3A_341 : memref<64xf32, #tpu.memory_space<vmem>>) target(%dma_start3A_339 : memref<64xf32, #tpu.memory_space<vmem_shared>>) target_semaphore(%run_scoped3A_336 : memref<!tpu.dma_semaphore, #tpu.memory_space<semaphore_mem>>)
      %dma_wait3A = arith.constant 0 : i32
      %dma_wait3A_342 = tpu.memref_slice %arg9[%dma_wait3A] : memref<4096xf32, #tpu.memory_space<vmem>> -> memref<64xf32, #tpu.memory_space<vmem>>
      %dma_wait3A_343 = tpu.memref_slice %arg10[%mul3A_2] : memref<1024xf32, #tpu.memory_space<vmem_shared>> -> memref<64xf32, #tpu.memory_space<vmem_shared>>
      %dma_wait3A_344 = tpu.memref_slice %arg10[%mul3A_2] : memref<1024xf32, #tpu.memory_space<vmem_shared>> -> memref<64xf32, #tpu.memory_space<vmem_shared>>
      %dma_wait3A_345 = arith.constant 0 : i32
      %dma_wait3A_346 = tpu.memref_slice %arg9[%dma_wait3A_345] : memref<4096xf32, #tpu.memory_space<vmem>> -> memref<64xf32, #tpu.memory_space<vmem>>
      tpu.wait_dma2 semaphore(%run_scoped3A_336 : memref<!tpu.dma_semaphore, #tpu.memory_space<semaphore_mem>>) src(%dma_wait3A_346 : memref<64xf32, #tpu.memory_space<vmem>>) dst(%dma_wait3A_344 : memref<64xf32, #tpu.memory_space<vmem_shared>>)
      tpu.yield
    }) : () -> ()
    %mul3A_14 = arith.constant 32768 : i32
    %mul3A_15 = arith.muli %arg1, %mul3A_14 : i32
    %add3A = arith.constant 0 : i32
    %add3A_16 = arith.addi %mul3A_15, %add3A : i32
    "tpu.region"() ({
      %run_scoped3A_336 = tpu.sem_alloc : memref<!tpu.dma_semaphore, #tpu.memory_space<semaphore_mem>>
      %dma_start3A = tpu.memref_slice %arg11[%add3A_16] : memref<525312xf32, #tpu.memory_space<vmem_shared>> -> memref<4096xf32, #tpu.memory_space<vmem_shared>>
      %dma_start3A_337 = tpu.memref_slice %arg11[%add3A_16] : memref<525312xf32, #tpu.memory_space<vmem_shared>> -> memref<4096xf32, #tpu.memory_space<vmem_shared>>
      tpu.enqueue_dma source(%arg9 : memref<4096xf32, #tpu.memory_space<vmem>>) target(%dma_start3A_337 : memref<4096xf32, #tpu.memory_space<vmem_shared>>) target_semaphore(%run_scoped3A_336 : memref<!tpu.dma_semaphore, #tpu.memory_space<semaphore_mem>>)
      %dma_wait3A = tpu.memref_slice %arg11[%add3A_16] : memref<525312xf32, #tpu.memory_space<vmem_shared>> -> memref<4096xf32, #tpu.memory_space<vmem_shared>>
      %dma_wait3A_338 = tpu.memref_slice %arg11[%add3A_16] : memref<525312xf32, #tpu.memory_space<vmem_shared>> -> memref<4096xf32, #tpu.memory_space<vmem_shared>>
      tpu.wait_dma2 semaphore(%run_scoped3A_336 : memref<!tpu.dma_semaphore, #tpu.memory_space<semaphore_mem>>) src(%arg9 : memref<4096xf32, #tpu.memory_space<vmem>>) dst(%dma_wait3A_338 : memref<4096xf32, #tpu.memory_space<vmem_shared>>)
      tpu.yield
    }) : () -> ()
    %mul3A_17 = arith.constant 32768 : i32
    %mul3A_18 = arith.muli %arg1, %mul3A_17 : i32
    %add3A_19 = arith.constant 4096 : i32
    %add3A_20 = arith.addi %mul3A_18, %add3A_19 : i32
    "tpu.region"() ({
      %run_scoped3A_336 = tpu.sem_alloc : memref<!tpu.dma_semaphore, #tpu.memory_space<semaphore_mem>>
      %dma_start3A = tpu.memref_slice %arg11[%add3A_20] : memref<525312xf32, #tpu.memory_space<vmem_shared>> -> memref<4096xf32, #tpu.memory_space<vmem_shared>>
      %dma_start3A_337 = tpu.memref_slice %arg11[%add3A_20] : memref<525312xf32, #tpu.memory_space<vmem_shared>> -> memref<4096xf32, #tpu.memory_space<vmem_shared>>
      tpu.enqueue_dma source(%arg9 : memref<4096xf32, #tpu.memory_space<vmem>>) target(%dma_start3A_337 : memref<4096xf32, #tpu.memory_space<vmem_shared>>) target_semaphore(%run_scoped3A_336 : memref<!tpu.dma_semaphore, #tpu.memory_space<semaphore_mem>>)
      %dma_wait3A = tpu.memref_slice %arg11[%add3A_20] : memref<525312xf32, #tpu.memory_space<vmem_shared>> -> memref<4096xf32, #tpu.memory_space<vmem_shared>>
      %dma_wait3A_338 = tpu.memref_slice %arg11[%add3A_20] : memref<525312xf32, #tpu.memory_space<vmem_shared>> -> memref<4096xf32, #tpu.memory_space<vmem_shared>>
      tpu.wait_dma2 semaphore(%run_scoped3A_336 : memref<!tpu.dma_semaphore, #tpu.memory_space<semaphore_mem>>) src(%arg9 : memref<4096xf32, #tpu.memory_space<vmem>>) dst(%dma_wait3A_338 : memref<4096xf32, #tpu.memory_space<vmem_shared>>)
      tpu.yield
    }) : () -> ()
    %mul3A_21 = arith.constant 32768 : i32
    %mul3A_22 = arith.muli %arg1, %mul3A_21 : i32
    %add3A_23 = arith.constant 8192 : i32
    %add3A_24 = arith.addi %mul3A_22, %add3A_23 : i32
    "tpu.region"() ({
      %run_scoped3A_336 = tpu.sem_alloc : memref<!tpu.dma_semaphore, #tpu.memory_space<semaphore_mem>>
      %dma_start3A = tpu.memref_slice %arg11[%add3A_24] : memref<525312xf32, #tpu.memory_space<vmem_shared>> -> memref<4096xf32, #tpu.memory_space<vmem_shared>>
      %dma_start3A_337 = tpu.memref_slice %arg11[%add3A_24] : memref<525312xf32, #tpu.memory_space<vmem_shared>> -> memref<4096xf32, #tpu.memory_space<vmem_shared>>
      tpu.enqueue_dma source(%arg9 : memref<4096xf32, #tpu.memory_space<vmem>>) target(%dma_start3A_337 : memref<4096xf32, #tpu.memory_space<vmem_shared>>) target_semaphore(%run_scoped3A_336 : memref<!tpu.dma_semaphore, #tpu.memory_space<semaphore_mem>>)
      %dma_wait3A = tpu.memref_slice %arg11[%add3A_24] : memref<525312xf32, #tpu.memory_space<vmem_shared>> -> memref<4096xf32, #tpu.memory_space<vmem_shared>>
      %dma_wait3A_338 = tpu.memref_slice %arg11[%add3A_24] : memref<525312xf32, #tpu.memory_space<vmem_shared>> -> memref<4096xf32, #tpu.memory_space<vmem_shared>>
      tpu.wait_dma2 semaphore(%run_scoped3A_336 : memref<!tpu.dma_semaphore, #tpu.memory_space<semaphore_mem>>) src(%arg9 : memref<4096xf32, #tpu.memory_space<vmem>>) dst(%dma_wait3A_338 : memref<4096xf32, #tpu.memory_space<vmem_shared>>)
      tpu.yield
    }) : () -> ()
    %mul3A_25 = arith.constant 32768 : i32
    %mul3A_26 = arith.muli %arg1, %mul3A_25 : i32
    %add3A_27 = arith.constant 12288 : i32
    %add3A_28 = arith.addi %mul3A_26, %add3A_27 : i32
    "tpu.region"() ({
      %run_scoped3A_336 = tpu.sem_alloc : memref<!tpu.dma_semaphore, #tpu.memory_space<semaphore_mem>>
      %dma_start3A = tpu.memref_slice %arg11[%add3A_28] : memref<525312xf32, #tpu.memory_space<vmem_shared>> -> memref<4096xf32, #tpu.memory_space<vmem_shared>>
      %dma_start3A_337 = tpu.memref_slice %arg11[%add3A_28] : memref<525312xf32, #tpu.memory_space<vmem_shared>> -> memref<4096xf32, #tpu.memory_space<vmem_shared>>
      tpu.enqueue_dma source(%arg9 : memref<4096xf32, #tpu.memory_space<vmem>>) target(%dma_start3A_337 : memref<4096xf32, #tpu.memory_space<vmem_shared>>) target_semaphore(%run_scoped3A_336 : memref<!tpu.dma_semaphore, #tpu.memory_space<semaphore_mem>>)
      %dma_wait3A = tpu.memref_slice %arg11[%add3A_28] : memref<525312xf32, #tpu.memory_space<vmem_shared>> -> memref<4096xf32, #tpu.memory_space<vmem_shared>>
      %dma_wait3A_338 = tpu.memref_slice %arg11[%add3A_28] : memref<525312xf32, #tpu.memory_space<vmem_shared>> -> memref<4096xf32, #tpu.memory_space<vmem_shared>>
      tpu.wait_dma2 semaphore(%run_scoped3A_336 : memref<!tpu.dma_semaphore, #tpu.memory_space<semaphore_mem>>) src(%arg9 : memref<4096xf32, #tpu.memory_space<vmem>>) dst(%dma_wait3A_338 : memref<4096xf32, #tpu.memory_space<vmem_shared>>)
      tpu.yield
    }) : () -> ()
    %mul3A_29 = arith.constant 32768 : i32
    %mul3A_30 = arith.muli %arg1, %mul3A_29 : i32
    %add3A_31 = arith.constant 16384 : i32
    %add3A_32 = arith.addi %mul3A_30, %add3A_31 : i32
    "tpu.region"() ({
      %run_scoped3A_336 = tpu.sem_alloc : memref<!tpu.dma_semaphore, #tpu.memory_space<semaphore_mem>>
      %dma_start3A = tpu.memref_slice %arg11[%add3A_32] : memref<525312xf32, #tpu.memory_space<vmem_shared>> -> memref<4096xf32, #tpu.memory_space<vmem_shared>>
      %dma_start3A_337 = tpu.memref_slice %arg11[%add3A_32] : memref<525312xf32, #tpu.memory_space<vmem_shared>> -> memref<4096xf32, #tpu.memory_space<vmem_shared>>
      tpu.enqueue_dma source(%arg9 : memref<4096xf32, #tpu.memory_space<vmem>>) target(%dma_start3A_337 : memref<4096xf32, #tpu.memory_space<vmem_shared>>) target_semaphore(%run_scoped3A_336 : memref<!tpu.dma_semaphore, #tpu.memory_space<semaphore_mem>>)
      %dma_wait3A = tpu.memref_slice %arg11[%add3A_32] : memref<525312xf32, #tpu.memory_space<vmem_shared>> -> memref<4096xf32, #tpu.memory_space<vmem_shared>>
      %dma_wait3A_338 = tpu.memref_slice %arg11[%add3A_32] : memref<525312xf32, #tpu.memory_space<vmem_shared>> -> memref<4096xf32, #tpu.memory_space<vmem_shared>>
      tpu.wait_dma2 semaphore(%run_scoped3A_336 : memref<!tpu.dma_semaphore, #tpu.memory_space<semaphore_mem>>) src(%arg9 : memref<4096xf32, #tpu.memory_space<vmem>>) dst(%dma_wait3A_338 : memref<4096xf32, #tpu.memory_space<vmem_shared>>)
      tpu.yield
    }) : () -> ()
    %mul3A_33 = arith.constant 32768 : i32
    %mul3A_34 = arith.muli %arg1, %mul3A_33 : i32
    %add3A_35 = arith.constant 20480 : i32
    %add3A_36 = arith.addi %mul3A_34, %add3A_35 : i32
    "tpu.region"() ({
      %run_scoped3A_336 = tpu.sem_alloc : memref<!tpu.dma_semaphore, #tpu.memory_space<semaphore_mem>>
      %dma_start3A = tpu.memref_slice %arg11[%add3A_36] : memref<525312xf32, #tpu.memory_space<vmem_shared>> -> memref<4096xf32, #tpu.memory_space<vmem_shared>>
      %dma_start3A_337 = tpu.memref_slice %arg11[%add3A_36] : memref<525312xf32, #tpu.memory_space<vmem_shared>> -> memref<4096xf32, #tpu.memory_space<vmem_shared>>
      tpu.enqueue_dma source(%arg9 : memref<4096xf32, #tpu.memory_space<vmem>>) target(%dma_start3A_337 : memref<4096xf32, #tpu.memory_space<vmem_shared>>) target_semaphore(%run_scoped3A_336 : memref<!tpu.dma_semaphore, #tpu.memory_space<semaphore_mem>>)
      %dma_wait3A = tpu.memref_slice %arg11[%add3A_36] : memref<525312xf32, #tpu.memory_space<vmem_shared>> -> memref<4096xf32, #tpu.memory_space<vmem_shared>>
      %dma_wait3A_338 = tpu.memref_slice %arg11[%add3A_36] : memref<525312xf32, #tpu.memory_space<vmem_shared>> -> memref<4096xf32, #tpu.memory_space<vmem_shared>>
      tpu.wait_dma2 semaphore(%run_scoped3A_336 : memref<!tpu.dma_semaphore, #tpu.memory_space<semaphore_mem>>) src(%arg9 : memref<4096xf32, #tpu.memory_space<vmem>>) dst(%dma_wait3A_338 : memref<4096xf32, #tpu.memory_space<vmem_shared>>)
      tpu.yield
    }) : () -> ()
    %mul3A_37 = arith.constant 32768 : i32
    %mul3A_38 = arith.muli %arg1, %mul3A_37 : i32
    %add3A_39 = arith.constant 24576 : i32
    %add3A_40 = arith.addi %mul3A_38, %add3A_39 : i32
    "tpu.region"() ({
      %run_scoped3A_336 = tpu.sem_alloc : memref<!tpu.dma_semaphore, #tpu.memory_space<semaphore_mem>>
      %dma_start3A = tpu.memref_slice %arg11[%add3A_40] : memref<525312xf32, #tpu.memory_space<vmem_shared>> -> memref<4096xf32, #tpu.memory_space<vmem_shared>>
      %dma_start3A_337 = tpu.memref_slice %arg11[%add3A_40] : memref<525312xf32, #tpu.memory_space<vmem_shared>> -> memref<4096xf32, #tpu.memory_space<vmem_shared>>
      tpu.enqueue_dma source(%arg9 : memref<4096xf32, #tpu.memory_space<vmem>>) target(%dma_start3A_337 : memref<4096xf32, #tpu.memory_space<vmem_shared>>) target_semaphore(%run_scoped3A_336 : memref<!tpu.dma_semaphore, #tpu.memory_space<semaphore_mem>>)
      %dma_wait3A = tpu.memref_slice %arg11[%add3A_40] : memref<525312xf32, #tpu.memory_space<vmem_shared>> -> memref<4096xf32, #tpu.memory_space<vmem_shared>>
      %dma_wait3A_338 = tpu.memref_slice %arg11[%add3A_40] : memref<525312xf32, #tpu.memory_space<vmem_shared>> -> memref<4096xf32, #tpu.memory_space<vmem_shared>>
      tpu.wait_dma2 semaphore(%run_scoped3A_336 : memref<!tpu.dma_semaphore, #tpu.memory_space<semaphore_mem>>) src(%arg9 : memref<4096xf32, #tpu.memory_space<vmem>>) dst(%dma_wait3A_338 : memref<4096xf32, #tpu.memory_space<vmem_shared>>)
      tpu.yield
    }) : () -> ()
    %mul3A_41 = arith.constant 32768 : i32
    %mul3A_42 = arith.muli %arg1, %mul3A_41 : i32
    %add3A_43 = arith.constant 28672 : i32
    %add3A_44 = arith.addi %mul3A_42, %add3A_43 : i32
    "tpu.region"() ({
      %run_scoped3A_336 = tpu.sem_alloc : memref<!tpu.dma_semaphore, #tpu.memory_space<semaphore_mem>>
      %dma_start3A = tpu.memref_slice %arg11[%add3A_44] : memref<525312xf32, #tpu.memory_space<vmem_shared>> -> memref<4096xf32, #tpu.memory_space<vmem_shared>>
      %dma_start3A_337 = tpu.memref_slice %arg11[%add3A_44] : memref<525312xf32, #tpu.memory_space<vmem_shared>> -> memref<4096xf32, #tpu.memory_space<vmem_shared>>
      tpu.enqueue_dma source(%arg9 : memref<4096xf32, #tpu.memory_space<vmem>>) target(%dma_start3A_337 : memref<4096xf32, #tpu.memory_space<vmem_shared>>) target_semaphore(%run_scoped3A_336 : memref<!tpu.dma_semaphore, #tpu.memory_space<semaphore_mem>>)
      %dma_wait3A = tpu.memref_slice %arg11[%add3A_44] : memref<525312xf32, #tpu.memory_space<vmem_shared>> -> memref<4096xf32, #tpu.memory_space<vmem_shared>>
      %dma_wait3A_338 = tpu.memref_slice %arg11[%add3A_44] : memref<525312xf32, #tpu.memory_space<vmem_shared>> -> memref<4096xf32, #tpu.memory_space<vmem_shared>>
      tpu.wait_dma2 semaphore(%run_scoped3A_336 : memref<!tpu.dma_semaphore, #tpu.memory_space<semaphore_mem>>) src(%arg9 : memref<4096xf32, #tpu.memory_space<vmem>>) dst(%dma_wait3A_338 : memref<4096xf32, #tpu.memory_space<vmem_shared>>)
      tpu.yield
    }) : () -> ()
    %barrier3A = arith.constant 0 : index
    tpu.barrier barrier_id(%barrier3A)
    %scan3A_45 = arith.constant 0 : i32
    %scan3A_46 = arith.constant 0 : i32
    %scan3A_47 = arith.constant 8 : i32
    %scan3A_48 = arith.addi %scan3A_46, %scan3A_47 : i32
    %scan3A_49 = arith.constant 1 : i32
    scf.for %scan3A_336 = %scan3A_46 to %scan3A_48 step %scan3A_49  : i32 {
      %mul3A_337 = arith.constant 16 : i32
      %mul3A_338 = arith.muli %scan3A_336, %mul3A_337 : i32
      %swap3A = arith.constant 0 : i32
      %swap3A_339 = arith.index_cast %swap3A : i32 to index
      %swap3A_340 = arith.index_cast %mul3A_338 : i32 to index
      %swap3A_341 = tpu.vector_load %arg8[%swap3A_339, %swap3A_340] {strides = array<i32>} : memref<17x128xf32, #tpu.memory_space<vmem>>, vector<16xf32>,
      tpu.vector_store %arg8[%swap3A_339, %swap3A_340], %broadcast_in_dim3A_7 {strides = array<i32>} : memref<17x128xf32, #tpu.memory_space<vmem>>, vector<16xf32>,
    }
    %scan3A_50 = arith.constant 8 : i32
    %scan3A_51 = arith.constant 0 : i32
    %scan3A_52 = arith.constant 0 : i32
    %scan3A_53 = arith.constant 8 : i32
    %scan3A_54 = arith.addi %scan3A_52, %scan3A_53 : i32
    %scan3A_55 = arith.constant 1 : i32
    scf.for %scan3A_336 = %scan3A_52 to %scan3A_54 step %scan3A_55  : i32 {
      %mul3A_337 = arith.constant 16 : i32
      %mul3A_338 = arith.muli %scan3A_336, %mul3A_337 : i32
      %add3A_339 = arith.constant 0 : i32
      %add3A_340 = arith.addi %add3A_339, %mul3A_338 : i32
      %get3A = arith.index_cast %add3A_340 : i32 to index
      %get3A_341 = tpu.vector_load %arg5[%get3A] {strides = array<i32>} : memref<2048xi32, #tpu.memory_space<vmem>>, vector<16xi32>,
      %mul3A_342 = arith.constant 16 : i32
      %mul3A_343 = arith.muli %scan3A_336, %mul3A_342 : i32
      %swap3A = arith.constant 0 : i32
      %swap3A_344 = arith.index_cast %swap3A : i32 to index
      %swap3A_345 = arith.index_cast %mul3A_343 : i32 to index
      %swap3A_346 = tpu.vector_load %arg7[%swap3A_344, %swap3A_345] {strides = array<i32>} : memref<17x128xi32, #tpu.memory_space<vmem>>, vector<16xi32>,
      tpu.vector_store %arg7[%swap3A_344, %swap3A_345], %get3A_341 {strides = array<i32>} : memref<17x128xi32, #tpu.memory_space<vmem>>, vector<16xi32>,
    }
    %scan3A_56 = arith.constant 8 : i32
    %scan3A_57 = arith.constant 0 : i32
    %scan3A_58 = arith.constant 0 : i32
    %scan3A_59 = arith.constant 8 : i32
    %scan3A_60 = arith.addi %scan3A_58, %scan3A_59 : i32
    %scan3A_61 = arith.constant 1 : i32
    scf.for %scan3A_336 = %scan3A_58 to %scan3A_60 step %scan3A_61  : i32 {
      %mul3A_337 = arith.constant 16 : i32
      %mul3A_338 = arith.muli %scan3A_336, %mul3A_337 : i32
      %add3A_339 = arith.constant 128 : i32
      %add3A_340 = arith.addi %add3A_339, %mul3A_338 : i32
      %get3A = arith.index_cast %add3A_340 : i32 to index
      %get3A_341 = tpu.vector_load %arg5[%get3A] {strides = array<i32>} : memref<2048xi32, #tpu.memory_space<vmem>>, vector<16xi32>,
      %mul3A_342 = arith.constant 16 : i32
      %mul3A_343 = arith.muli %scan3A_336, %mul3A_342 : i32
      %swap3A = arith.constant 1 : i32
      %swap3A_344 = arith.index_cast %swap3A : i32 to index
      %swap3A_345 = arith.index_cast %mul3A_343 : i32 to index
      %swap3A_346 = tpu.vector_load %arg7[%swap3A_344, %swap3A_345] {strides = array<i32>} : memref<17x128xi32, #tpu.memory_space<vmem>>, vector<16xi32>,
      tpu.vector_store %arg7[%swap3A_344, %swap3A_345], %get3A_341 {strides = array<i32>} : memref<17x128xi32, #tpu.memory_space<vmem>>, vector<16xi32>,
    }
    %scan3A_62 = arith.constant 8 : i32
    %scan3A_63 = arith.constant 0 : i32
    %scan3A_64 = arith.constant 0 : i32
    %scan3A_65 = arith.constant 8 : i32
    %scan3A_66 = arith.addi %scan3A_64, %scan3A_65 : i32
    %scan3A_67 = arith.constant 1 : i32
    scf.for %scan3A_336 = %scan3A_64 to %scan3A_66 step %scan3A_67  : i32 {
      %mul3A_337 = arith.constant 16 : i32
      %mul3A_338 = arith.muli %scan3A_336, %mul3A_337 : i32
      %add3A_339 = arith.constant 256 : i32
      %add3A_340 = arith.addi %add3A_339, %mul3A_338 : i32
      %get3A = arith.index_cast %add3A_340 : i32 to index
      %get3A_341 = tpu.vector_load %arg5[%get3A] {strides = array<i32>} : memref<2048xi32, #tpu.memory_space<vmem>>, vector<16xi32>,
      %mul3A_342 = arith.constant 16 : i32
      %mul3A_343 = arith.muli %scan3A_336, %mul3A_342 : i32
      %swap3A = arith.constant 2 : i32
      %swap3A_344 = arith.index_cast %swap3A : i32 to index
      %swap3A_345 = arith.index_cast %mul3A_343 : i32 to index
      %swap3A_346 = tpu.vector_load %arg7[%swap3A_344, %swap3A_345] {strides = array<i32>} : memref<17x128xi32, #tpu.memory_space<vmem>>, vector<16xi32>,
      tpu.vector_store %arg7[%swap3A_344, %swap3A_345], %get3A_341 {strides = array<i32>} : memref<17x128xi32, #tpu.memory_space<vmem>>, vector<16xi32>,
    }
    %scan3A_68 = arith.constant 8 : i32
    %scan3A_69 = arith.constant 0 : i32
    %scan3A_70 = arith.constant 0 : i32
    %scan3A_71 = arith.constant 8 : i32
    %scan3A_72 = arith.addi %scan3A_70, %scan3A_71 : i32
    %scan3A_73 = arith.constant 1 : i32
    scf.for %scan3A_336 = %scan3A_70 to %scan3A_72 step %scan3A_73  : i32 {
      %mul3A_337 = arith.constant 16 : i32
      %mul3A_338 = arith.muli %scan3A_336, %mul3A_337 : i32
      %add3A_339 = arith.constant 384 : i32
      %add3A_340 = arith.addi %add3A_339, %mul3A_338 : i32
      %get3A = arith.index_cast %add3A_340 : i32 to index
      %get3A_341 = tpu.vector_load %arg5[%get3A] {strides = array<i32>} : memref<2048xi32, #tpu.memory_space<vmem>>, vector<16xi32>,
      %mul3A_342 = arith.constant 16 : i32
      %mul3A_343 = arith.muli %scan3A_336, %mul3A_342 : i32
      %swap3A = arith.constant 3 : i32
      %swap3A_344 = arith.index_cast %swap3A : i32 to index
      %swap3A_345 = arith.index_cast %mul3A_343 : i32 to index
      %swap3A_346 = tpu.vector_load %arg7[%swap3A_344, %swap3A_345] {strides = array<i32>} : memref<17x128xi32, #tpu.memory_space<vmem>>, vector<16xi32>,
      tpu.vector_store %arg7[%swap3A_344, %swap3A_345], %get3A_341 {strides = array<i32>} : memref<17x128xi32, #tpu.memory_space<vmem>>, vector<16xi32>,
    }
    %scan3A_74 = arith.constant 8 : i32
    %scan3A_75 = arith.constant 0 : i32
    %scan3A_76 = arith.constant 0 : i32
    %scan3A_77 = arith.constant 8 : i32
    %scan3A_78 = arith.addi %scan3A_76, %scan3A_77 : i32
    %scan3A_79 = arith.constant 1 : i32
    scf.for %scan3A_336 = %scan3A_76 to %scan3A_78 step %scan3A_79  : i32 {
      %mul3A_337 = arith.constant 16 : i32
      %mul3A_338 = arith.muli %scan3A_336, %mul3A_337 : i32
      %add3A_339 = arith.constant 512 : i32
      %add3A_340 = arith.addi %add3A_339, %mul3A_338 : i32
      %get3A = arith.index_cast %add3A_340 : i32 to index
      %get3A_341 = tpu.vector_load %arg5[%get3A] {strides = array<i32>} : memref<2048xi32, #tpu.memory_space<vmem>>, vector<16xi32>,
      %mul3A_342 = arith.constant 16 : i32
      %mul3A_343 = arith.muli %scan3A_336, %mul3A_342 : i32
      %swap3A = arith.constant 4 : i32
      %swap3A_344 = arith.index_cast %swap3A : i32 to index
      %swap3A_345 = arith.index_cast %mul3A_343 : i32 to index
      %swap3A_346 = tpu.vector_load %arg7[%swap3A_344, %swap3A_345] {strides = array<i32>} : memref<17x128xi32, #tpu.memory_space<vmem>>, vector<16xi32>,
      tpu.vector_store %arg7[%swap3A_344, %swap3A_345], %get3A_341 {strides = array<i32>} : memref<17x128xi32, #tpu.memory_space<vmem>>, vector<16xi32>,
    }
    %scan3A_80 = arith.constant 8 : i32
    %scan3A_81 = arith.constant 0 : i32
    %scan3A_82 = arith.constant 0 : i32
    %scan3A_83 = arith.constant 8 : i32
    %scan3A_84 = arith.addi %scan3A_82, %scan3A_83 : i32
    %scan3A_85 = arith.constant 1 : i32
    scf.for %scan3A_336 = %scan3A_82 to %scan3A_84 step %scan3A_85  : i32 {
      %mul3A_337 = arith.constant 16 : i32
      %mul3A_338 = arith.muli %scan3A_336, %mul3A_337 : i32
      %add3A_339 = arith.constant 640 : i32
      %add3A_340 = arith.addi %add3A_339, %mul3A_338 : i32
      %get3A = arith.index_cast %add3A_340 : i32 to index
      %get3A_341 = tpu.vector_load %arg5[%get3A] {strides = array<i32>} : memref<2048xi32, #tpu.memory_space<vmem>>, vector<16xi32>,
      %mul3A_342 = arith.constant 16 : i32
      %mul3A_343 = arith.muli %scan3A_336, %mul3A_342 : i32
      %swap3A = arith.constant 5 : i32
      %swap3A_344 = arith.index_cast %swap3A : i32 to index
      %swap3A_345 = arith.index_cast %mul3A_343 : i32 to index
      %swap3A_346 = tpu.vector_load %arg7[%swap3A_344, %swap3A_345] {strides = array<i32>} : memref<17x128xi32, #tpu.memory_space<vmem>>, vector<16xi32>,
      tpu.vector_store %arg7[%swap3A_344, %swap3A_345], %get3A_341 {strides = array<i32>} : memref<17x128xi32, #tpu.memory_space<vmem>>, vector<16xi32>,
    }
    %scan3A_86 = arith.constant 8 : i32
    %scan3A_87 = arith.constant 0 : i32
    %scan3A_88 = arith.constant 0 : i32
    %scan3A_89 = arith.constant 8 : i32
    %scan3A_90 = arith.addi %scan3A_88, %scan3A_89 : i32
    %scan3A_91 = arith.constant 1 : i32
    scf.for %scan3A_336 = %scan3A_88 to %scan3A_90 step %scan3A_91  : i32 {
      %mul3A_337 = arith.constant 16 : i32
      %mul3A_338 = arith.muli %scan3A_336, %mul3A_337 : i32
      %add3A_339 = arith.constant 768 : i32
      %add3A_340 = arith.addi %add3A_339, %mul3A_338 : i32
      %get3A = arith.index_cast %add3A_340 : i32 to index
      %get3A_341 = tpu.vector_load %arg5[%get3A] {strides = array<i32>} : memref<2048xi32, #tpu.memory_space<vmem>>, vector<16xi32>,
      %mul3A_342 = arith.constant 16 : i32
      %mul3A_343 = arith.muli %scan3A_336, %mul3A_342 : i32
      %swap3A = arith.constant 6 : i32
      %swap3A_344 = arith.index_cast %swap3A : i32 to index
      %swap3A_345 = arith.index_cast %mul3A_343 : i32 to index
      %swap3A_346 = tpu.vector_load %arg7[%swap3A_344, %swap3A_345] {strides = array<i32>} : memref<17x128xi32, #tpu.memory_space<vmem>>, vector<16xi32>,
      tpu.vector_store %arg7[%swap3A_344, %swap3A_345], %get3A_341 {strides = array<i32>} : memref<17x128xi32, #tpu.memory_space<vmem>>, vector<16xi32>,
    }
    %scan3A_92 = arith.constant 8 : i32
    %scan3A_93 = arith.constant 0 : i32
    %scan3A_94 = arith.constant 0 : i32
    %scan3A_95 = arith.constant 8 : i32
    %scan3A_96 = arith.addi %scan3A_94, %scan3A_95 : i32
    %scan3A_97 = arith.constant 1 : i32
    scf.for %scan3A_336 = %scan3A_94 to %scan3A_96 step %scan3A_97  : i32 {
      %mul3A_337 = arith.constant 16 : i32
      %mul3A_338 = arith.muli %scan3A_336, %mul3A_337 : i32
      %add3A_339 = arith.constant 896 : i32
      %add3A_340 = arith.addi %add3A_339, %mul3A_338 : i32
      %get3A = arith.index_cast %add3A_340 : i32 to index
      %get3A_341 = tpu.vector_load %arg5[%get3A] {strides = array<i32>} : memref<2048xi32, #tpu.memory_space<vmem>>, vector<16xi32>,
      %mul3A_342 = arith.constant 16 : i32
      %mul3A_343 = arith.muli %scan3A_336, %mul3A_342 : i32
      %swap3A = arith.constant 7 : i32
      %swap3A_344 = arith.index_cast %swap3A : i32 to index
      %swap3A_345 = arith.index_cast %mul3A_343 : i32 to index
      %swap3A_346 = tpu.vector_load %arg7[%swap3A_344, %swap3A_345] {strides = array<i32>} : memref<17x128xi32, #tpu.memory_space<vmem>>, vector<16xi32>,
      tpu.vector_store %arg7[%swap3A_344, %swap3A_345], %get3A_341 {strides = array<i32>} : memref<17x128xi32, #tpu.memory_space<vmem>>, vector<16xi32>,
    }
    %scan3A_98 = arith.constant 8 : i32
    %scan3A_99 = arith.constant 0 : i32
    %scan3A_100 = arith.constant 0 : i32
    %scan3A_101 = arith.constant 8 : i32
    %scan3A_102 = arith.addi %scan3A_100, %scan3A_101 : i32
    %scan3A_103 = arith.constant 1 : i32
    scf.for %scan3A_336 = %scan3A_100 to %scan3A_102 step %scan3A_103  : i32 {
      %mul3A_337 = arith.constant 16 : i32
      %mul3A_338 = arith.muli %scan3A_336, %mul3A_337 : i32
      %add3A_339 = arith.constant 1024 : i32
      %add3A_340 = arith.addi %add3A_339, %mul3A_338 : i32
      %get3A = arith.index_cast %add3A_340 : i32 to index
      %get3A_341 = tpu.vector_load %arg5[%get3A] {strides = array<i32>} : memref<2048xi32, #tpu.memory_space<vmem>>, vector<16xi32>,
      %mul3A_342 = arith.constant 16 : i32
      %mul3A_343 = arith.muli %scan3A_336, %mul3A_342 : i32
      %swap3A = arith.constant 8 : i32
      %swap3A_344 = arith.index_cast %swap3A : i32 to index
      %swap3A_345 = arith.index_cast %mul3A_343 : i32 to index
      %swap3A_346 = tpu.vector_load %arg7[%swap3A_344, %swap3A_345] {strides = array<i32>} : memref<17x128xi32, #tpu.memory_space<vmem>>, vector<16xi32>,
      tpu.vector_store %arg7[%swap3A_344, %swap3A_345], %get3A_341 {strides = array<i32>} : memref<17x128xi32, #tpu.memory_space<vmem>>, vector<16xi32>,
    }
    %scan3A_104 = arith.constant 8 : i32
    %scan3A_105 = arith.constant 0 : i32
    %scan3A_106 = arith.constant 0 : i32
    %scan3A_107 = arith.constant 8 : i32
    %scan3A_108 = arith.addi %scan3A_106, %scan3A_107 : i32
    %scan3A_109 = arith.constant 1 : i32
    scf.for %scan3A_336 = %scan3A_106 to %scan3A_108 step %scan3A_109  : i32 {
      %mul3A_337 = arith.constant 16 : i32
      %mul3A_338 = arith.muli %scan3A_336, %mul3A_337 : i32
      %add3A_339 = arith.constant 1152 : i32
      %add3A_340 = arith.addi %add3A_339, %mul3A_338 : i32
      %get3A = arith.index_cast %add3A_340 : i32 to index
      %get3A_341 = tpu.vector_load %arg5[%get3A] {strides = array<i32>} : memref<2048xi32, #tpu.memory_space<vmem>>, vector<16xi32>,
      %mul3A_342 = arith.constant 16 : i32
      %mul3A_343 = arith.muli %scan3A_336, %mul3A_342 : i32
      %swap3A = arith.constant 9 : i32
      %swap3A_344 = arith.index_cast %swap3A : i32 to index
      %swap3A_345 = arith.index_cast %mul3A_343 : i32 to index
      %swap3A_346 = tpu.vector_load %arg7[%swap3A_344, %swap3A_345] {strides = array<i32>} : memref<17x128xi32, #tpu.memory_space<vmem>>, vector<16xi32>,
      tpu.vector_store %arg7[%swap3A_344, %swap3A_345], %get3A_341 {strides = array<i32>} : memref<17x128xi32, #tpu.memory_space<vmem>>, vector<16xi32>,
    }
    %scan3A_110 = arith.constant 8 : i32
    %scan3A_111 = arith.constant 0 : i32
    %scan3A_112 = arith.constant 0 : i32
    %scan3A_113 = arith.constant 8 : i32
    %scan3A_114 = arith.addi %scan3A_112, %scan3A_113 : i32
    %scan3A_115 = arith.constant 1 : i32
    scf.for %scan3A_336 = %scan3A_112 to %scan3A_114 step %scan3A_115  : i32 {
      %mul3A_337 = arith.constant 16 : i32
      %mul3A_338 = arith.muli %scan3A_336, %mul3A_337 : i32
      %add3A_339 = arith.constant 1280 : i32
      %add3A_340 = arith.addi %add3A_339, %mul3A_338 : i32
      %get3A = arith.index_cast %add3A_340 : i32 to index
      %get3A_341 = tpu.vector_load %arg5[%get3A] {strides = array<i32>} : memref<2048xi32, #tpu.memory_space<vmem>>, vector<16xi32>,
      %mul3A_342 = arith.constant 16 : i32
      %mul3A_343 = arith.muli %scan3A_336, %mul3A_342 : i32
      %swap3A = arith.constant 10 : i32
      %swap3A_344 = arith.index_cast %swap3A : i32 to index
      %swap3A_345 = arith.index_cast %mul3A_343 : i32 to index
      %swap3A_346 = tpu.vector_load %arg7[%swap3A_344, %swap3A_345] {strides = array<i32>} : memref<17x128xi32, #tpu.memory_space<vmem>>, vector<16xi32>,
      tpu.vector_store %arg7[%swap3A_344, %swap3A_345], %get3A_341 {strides = array<i32>} : memref<17x128xi32, #tpu.memory_space<vmem>>, vector<16xi32>,
    }
    %scan3A_116 = arith.constant 8 : i32
    %scan3A_117 = arith.constant 0 : i32
    %scan3A_118 = arith.constant 0 : i32
    %scan3A_119 = arith.constant 8 : i32
    %scan3A_120 = arith.addi %scan3A_118, %scan3A_119 : i32
    %scan3A_121 = arith.constant 1 : i32
    scf.for %scan3A_336 = %scan3A_118 to %scan3A_120 step %scan3A_121  : i32 {
      %mul3A_337 = arith.constant 16 : i32
      %mul3A_338 = arith.muli %scan3A_336, %mul3A_337 : i32
      %add3A_339 = arith.constant 1408 : i32
      %add3A_340 = arith.addi %add3A_339, %mul3A_338 : i32
      %get3A = arith.index_cast %add3A_340 : i32 to index
      %get3A_341 = tpu.vector_load %arg5[%get3A] {strides = array<i32>} : memref<2048xi32, #tpu.memory_space<vmem>>, vector<16xi32>,
      %mul3A_342 = arith.constant 16 : i32
      %mul3A_343 = arith.muli %scan3A_336, %mul3A_342 : i32
      %swap3A = arith.constant 11 : i32
      %swap3A_344 = arith.index_cast %swap3A : i32 to index
      %swap3A_345 = arith.index_cast %mul3A_343 : i32 to index
      %swap3A_346 = tpu.vector_load %arg7[%swap3A_344, %swap3A_345] {strides = array<i32>} : memref<17x128xi32, #tpu.memory_space<vmem>>, vector<16xi32>,
      tpu.vector_store %arg7[%swap3A_344, %swap3A_345], %get3A_341 {strides = array<i32>} : memref<17x128xi32, #tpu.memory_space<vmem>>, vector<16xi32>,
    }
    %scan3A_122 = arith.constant 8 : i32
    %scan3A_123 = arith.constant 0 : i32
    %scan3A_124 = arith.constant 0 : i32
    %scan3A_125 = arith.constant 8 : i32
    %scan3A_126 = arith.addi %scan3A_124, %scan3A_125 : i32
    %scan3A_127 = arith.constant 1 : i32
    scf.for %scan3A_336 = %scan3A_124 to %scan3A_126 step %scan3A_127  : i32 {
      %mul3A_337 = arith.constant 16 : i32
      %mul3A_338 = arith.muli %scan3A_336, %mul3A_337 : i32
      %add3A_339 = arith.constant 1536 : i32
      %add3A_340 = arith.addi %add3A_339, %mul3A_338 : i32
      %get3A = arith.index_cast %add3A_340 : i32 to index
      %get3A_341 = tpu.vector_load %arg5[%get3A] {strides = array<i32>} : memref<2048xi32, #tpu.memory_space<vmem>>, vector<16xi32>,
      %mul3A_342 = arith.constant 16 : i32
      %mul3A_343 = arith.muli %scan3A_336, %mul3A_342 : i32
      %swap3A = arith.constant 12 : i32
      %swap3A_344 = arith.index_cast %swap3A : i32 to index
      %swap3A_345 = arith.index_cast %mul3A_343 : i32 to index
      %swap3A_346 = tpu.vector_load %arg7[%swap3A_344, %swap3A_345] {strides = array<i32>} : memref<17x128xi32, #tpu.memory_space<vmem>>, vector<16xi32>,
      tpu.vector_store %arg7[%swap3A_344, %swap3A_345], %get3A_341 {strides = array<i32>} : memref<17x128xi32, #tpu.memory_space<vmem>>, vector<16xi32>,
    }
    %scan3A_128 = arith.constant 8 : i32
    %scan3A_129 = arith.constant 0 : i32
    %scan3A_130 = arith.constant 0 : i32
    %scan3A_131 = arith.constant 8 : i32
    %scan3A_132 = arith.addi %scan3A_130, %scan3A_131 : i32
    %scan3A_133 = arith.constant 1 : i32
    scf.for %scan3A_336 = %scan3A_130 to %scan3A_132 step %scan3A_133  : i32 {
      %mul3A_337 = arith.constant 16 : i32
      %mul3A_338 = arith.muli %scan3A_336, %mul3A_337 : i32
      %add3A_339 = arith.constant 1664 : i32
      %add3A_340 = arith.addi %add3A_339, %mul3A_338 : i32
      %get3A = arith.index_cast %add3A_340 : i32 to index
      %get3A_341 = tpu.vector_load %arg5[%get3A] {strides = array<i32>} : memref<2048xi32, #tpu.memory_space<vmem>>, vector<16xi32>,
      %mul3A_342 = arith.constant 16 : i32
      %mul3A_343 = arith.muli %scan3A_336, %mul3A_342 : i32
      %swap3A = arith.constant 13 : i32
      %swap3A_344 = arith.index_cast %swap3A : i32 to index
      %swap3A_345 = arith.index_cast %mul3A_343 : i32 to index
      %swap3A_346 = tpu.vector_load %arg7[%swap3A_344, %swap3A_345] {strides = array<i32>} : memref<17x128xi32, #tpu.memory_space<vmem>>, vector<16xi32>,
      tpu.vector_store %arg7[%swap3A_344, %swap3A_345], %get3A_341 {strides = array<i32>} : memref<17x128xi32, #tpu.memory_space<vmem>>, vector<16xi32>,
    }
    %scan3A_134 = arith.constant 8 : i32
    %scan3A_135 = arith.constant 0 : i32
    %scan3A_136 = arith.constant 0 : i32
    %scan3A_137 = arith.constant 8 : i32
    %scan3A_138 = arith.addi %scan3A_136, %scan3A_137 : i32
    %scan3A_139 = arith.constant 1 : i32
    scf.for %scan3A_336 = %scan3A_136 to %scan3A_138 step %scan3A_139  : i32 {
      %mul3A_337 = arith.constant 16 : i32
      %mul3A_338 = arith.muli %scan3A_336, %mul3A_337 : i32
      %add3A_339 = arith.constant 1792 : i32
      %add3A_340 = arith.addi %add3A_339, %mul3A_338 : i32
      %get3A = arith.index_cast %add3A_340 : i32 to index
      %get3A_341 = tpu.vector_load %arg5[%get3A] {strides = array<i32>} : memref<2048xi32, #tpu.memory_space<vmem>>, vector<16xi32>,
      %mul3A_342 = arith.constant 16 : i32
      %mul3A_343 = arith.muli %scan3A_336, %mul3A_342 : i32
      %swap3A = arith.constant 14 : i32
      %swap3A_344 = arith.index_cast %swap3A : i32 to index
      %swap3A_345 = arith.index_cast %mul3A_343 : i32 to index
      %swap3A_346 = tpu.vector_load %arg7[%swap3A_344, %swap3A_345] {strides = array<i32>} : memref<17x128xi32, #tpu.memory_space<vmem>>, vector<16xi32>,
      tpu.vector_store %arg7[%swap3A_344, %swap3A_345], %get3A_341 {strides = array<i32>} : memref<17x128xi32, #tpu.memory_space<vmem>>, vector<16xi32>,
    }
    %scan3A_140 = arith.constant 8 : i32
    %scan3A_141 = arith.constant 0 : i32
    %scan3A_142 = arith.constant 0 : i32
    %scan3A_143 = arith.constant 8 : i32
    %scan3A_144 = arith.addi %scan3A_142, %scan3A_143 : i32
    %scan3A_145 = arith.constant 1 : i32
    scf.for %scan3A_336 = %scan3A_142 to %scan3A_144 step %scan3A_145  : i32 {
      %mul3A_337 = arith.constant 16 : i32
      %mul3A_338 = arith.muli %scan3A_336, %mul3A_337 : i32
      %add3A_339 = arith.constant 1920 : i32
      %add3A_340 = arith.addi %add3A_339, %mul3A_338 : i32
      %get3A = arith.index_cast %add3A_340 : i32 to index
      %get3A_341 = tpu.vector_load %arg5[%get3A] {strides = array<i32>} : memref<2048xi32, #tpu.memory_space<vmem>>, vector<16xi32>,
      %mul3A_342 = arith.constant 16 : i32
      %mul3A_343 = arith.muli %scan3A_336, %mul3A_342 : i32
      %swap3A = arith.constant 15 : i32
      %swap3A_344 = arith.index_cast %swap3A : i32 to index
      %swap3A_345 = arith.index_cast %mul3A_343 : i32 to index
      %swap3A_346 = tpu.vector_load %arg7[%swap3A_344, %swap3A_345] {strides = array<i32>} : memref<17x128xi32, #tpu.memory_space<vmem>>, vector<16xi32>,
      tpu.vector_store %arg7[%swap3A_344, %swap3A_345], %get3A_341 {strides = array<i32>} : memref<17x128xi32, #tpu.memory_space<vmem>>, vector<16xi32>,
    }
    %scan3A_146 = arith.constant 8 : i32
    %run_scoped3A_147 = arith.constant 0 : i32
    %run_scoped3A_148 = arith.constant 0 : i32
    "tpu.region"() ({
      %run_scoped3A_336 = tpu.sem_alloc : memref<!tpu.dma_semaphore, #tpu.memory_space<semaphore_mem>>
      %dma_start3A = arith.constant 0 : i32
      %dma_start3A_337 = tpu.memref_slice %arg8[%run_scoped3A_147, %dma_start3A] : memref<17x128xf32, #tpu.memory_space<vmem>> -> memref<1x128xf32, #tpu.memory_space<vmem>>
      %dma_start3A_338 = tpu.memref_squeeze %dma_start3A_337 : memref<1x128xf32, #tpu.memory_space<vmem>> -> memref<128xf32, #tpu.memory_space<vmem>>
      %dma_start3A_339 = arith.constant 0 : i32
      %dma_start3A_340 = tpu.memref_slice %arg7[%run_scoped3A_148, %dma_start3A_339] : memref<17x128xi32, #tpu.memory_space<vmem>> -> memref<1x128xi32, #tpu.memory_space<vmem>>
      %dma_start3A_341 = tpu.memref_squeeze %dma_start3A_340 : memref<1x128xi32, #tpu.memory_space<vmem>> -> memref<128xi32, #tpu.memory_space<vmem>>
      %dma_start3A_342 = arith.constant 0 : i32
      %dma_start3A_343 = tpu.memref_slice %arg10[%dma_start3A_342] : memref<1024xf32, #tpu.memory_space<vmem_shared>> -> memref<1024xf32, #tpu.memory_space<vmem_shared>>
      tpu.enqueue_indirect_dma source(%dma_start3A_338 : memref<128xf32, #tpu.memory_space<vmem>>) target(%dma_start3A_343 : memref<1024xf32, #tpu.memory_space<vmem_shared>>) offsets(%dma_start3A_341 : memref<128xi32, #tpu.memory_space<vmem>>) semaphore(%run_scoped3A_336 : memref<!tpu.dma_semaphore, #tpu.memory_space<semaphore_mem>>) {add = true}
      %dma_wait3A = arith.constant 0 : i32
      %dma_wait3A_344 = tpu.memref_slice %arg8[%run_scoped3A_147, %dma_wait3A] : memref<17x128xf32, #tpu.memory_space<vmem>> -> memref<1x128xf32, #tpu.memory_space<vmem>>
      %dma_wait3A_345 = tpu.memref_squeeze %dma_wait3A_344 : memref<1x128xf32, #tpu.memory_space<vmem>> -> memref<128xf32, #tpu.memory_space<vmem>>
      %dma_wait3A_346 = arith.constant 0 : i32
      %dma_wait3A_347 = tpu.memref_slice %arg7[%run_scoped3A_148, %dma_wait3A_346] : memref<17x128xi32, #tpu.memory_space<vmem>> -> memref<1x128xi32, #tpu.memory_space<vmem>>
      %dma_wait3A_348 = tpu.memref_squeeze %dma_wait3A_347 : memref<1x128xi32, #tpu.memory_space<vmem>> -> memref<128xi32, #tpu.memory_space<vmem>>
      %dma_wait3A_349 = arith.constant 0 : i32
      %dma_wait3A_350 = tpu.memref_slice %arg10[%dma_wait3A_349] : memref<1024xf32, #tpu.memory_space<vmem_shared>> -> memref<1024xf32, #tpu.memory_space<vmem_shared>>
      tpu.wait_indirect_dma semaphore(%run_scoped3A_336 : memref<!tpu.dma_semaphore, #tpu.memory_space<semaphore_mem>>) src(%dma_wait3A_345 : memref<128xf32, #tpu.memory_space<vmem>>) dst(%dma_wait3A_350 : memref<1024xf32, #tpu.memory_space<vmem_shared>>)
      tpu.yield
    }) : () -> ()
    %run_scoped3A_149 = arith.constant 0 : i32
    %run_scoped3A_150 = arith.constant 1 : i32
    "tpu.region"() ({
      %run_scoped3A_336 = tpu.sem_alloc : memref<!tpu.dma_semaphore, #tpu.memory_space<semaphore_mem>>
      %dma_start3A = arith.constant 0 : i32
      %dma_start3A_337 = tpu.memref_slice %arg8[%run_scoped3A_149, %dma_start3A] : memref<17x128xf32, #tpu.memory_space<vmem>> -> memref<1x128xf32, #tpu.memory_space<vmem>>
      %dma_start3A_338 = tpu.memref_squeeze %dma_start3A_337 : memref<1x128xf32, #tpu.memory_space<vmem>> -> memref<128xf32, #tpu.memory_space<vmem>>
      %dma_start3A_339 = arith.constant 0 : i32
      %dma_start3A_340 = tpu.memref_slice %arg7[%run_scoped3A_150, %dma_start3A_339] : memref<17x128xi32, #tpu.memory_space<vmem>> -> memref<1x128xi32, #tpu.memory_space<vmem>>
      %dma_start3A_341 = tpu.memref_squeeze %dma_start3A_340 : memref<1x128xi32, #tpu.memory_space<vmem>> -> memref<128xi32, #tpu.memory_space<vmem>>
      %dma_start3A_342 = arith.constant 0 : i32
      %dma_start3A_343 = tpu.memref_slice %arg10[%dma_start3A_342] : memref<1024xf32, #tpu.memory_space<vmem_shared>> -> memref<1024xf32, #tpu.memory_space<vmem_shared>>
      tpu.enqueue_indirect_dma source(%dma_start3A_338 : memref<128xf32, #tpu.memory_space<vmem>>) target(%dma_start3A_343 : memref<1024xf32, #tpu.memory_space<vmem_shared>>) offsets(%dma_start3A_341 : memref<128xi32, #tpu.memory_space<vmem>>) semaphore(%run_scoped3A_336 : memref<!tpu.dma_semaphore, #tpu.memory_space<semaphore_mem>>) {add = true}
      %dma_wait3A = arith.constant 0 : i32
      %dma_wait3A_344 = tpu.memref_slice %arg8[%run_scoped3A_149, %dma_wait3A] : memref<17x128xf32, #tpu.memory_space<vmem>> -> memref<1x128xf32, #tpu.memory_space<vmem>>
      %dma_wait3A_345 = tpu.memref_squeeze %dma_wait3A_344 : memref<1x128xf32, #tpu.memory_space<vmem>> -> memref<128xf32, #tpu.memory_space<vmem>>
      %dma_wait3A_346 = arith.constant 0 : i32
      %dma_wait3A_347 = tpu.memref_slice %arg7[%run_scoped3A_150, %dma_wait3A_346] : memref<17x128xi32, #tpu.memory_space<vmem>> -> memref<1x128xi32, #tpu.memory_space<vmem>>
      %dma_wait3A_348 = tpu.memref_squeeze %dma_wait3A_347 : memref<1x128xi32, #tpu.memory_space<vmem>> -> memref<128xi32, #tpu.memory_space<vmem>>
      %dma_wait3A_349 = arith.constant 0 : i32
      %dma_wait3A_350 = tpu.memref_slice %arg10[%dma_wait3A_349] : memref<1024xf32, #tpu.memory_space<vmem_shared>> -> memref<1024xf32, #tpu.memory_space<vmem_shared>>
      tpu.wait_indirect_dma semaphore(%run_scoped3A_336 : memref<!tpu.dma_semaphore, #tpu.memory_space<semaphore_mem>>) src(%dma_wait3A_345 : memref<128xf32, #tpu.memory_space<vmem>>) dst(%dma_wait3A_350 : memref<1024xf32, #tpu.memory_space<vmem_shared>>)
      tpu.yield
    }) : () -> ()
    %run_scoped3A_151 = arith.constant 0 : i32
    %run_scoped3A_152 = arith.constant 2 : i32
    "tpu.region"() ({
      %run_scoped3A_336 = tpu.sem_alloc : memref<!tpu.dma_semaphore, #tpu.memory_space<semaphore_mem>>
      %dma_start3A = arith.constant 0 : i32
      %dma_start3A_337 = tpu.memref_slice %arg8[%run_scoped3A_151, %dma_start3A] : memref<17x128xf32, #tpu.memory_space<vmem>> -> memref<1x128xf32, #tpu.memory_space<vmem>>
      %dma_start3A_338 = tpu.memref_squeeze %dma_start3A_337 : memref<1x128xf32, #tpu.memory_space<vmem>> -> memref<128xf32, #tpu.memory_space<vmem>>
      %dma_start3A_339 = arith.constant 0 : i32
      %dma_start3A_340 = tpu.memref_slice %arg7[%run_scoped3A_152, %dma_start3A_339] : memref<17x128xi32, #tpu.memory_space<vmem>> -> memref<1x128xi32, #tpu.memory_space<vmem>>
      %dma_start3A_341 = tpu.memref_squeeze %dma_start3A_340 : memref<1x128xi32, #tpu.memory_space<vmem>> -> memref<128xi32, #tpu.memory_space<vmem>>
      %dma_start3A_342 = arith.constant 0 : i32
      %dma_start3A_343 = tpu.memref_slice %arg10[%dma_start3A_342] : memref<1024xf32, #tpu.memory_space<vmem_shared>> -> memref<1024xf32, #tpu.memory_space<vmem_shared>>
      tpu.enqueue_indirect_dma source(%dma_start3A_338 : memref<128xf32, #tpu.memory_space<vmem>>) target(%dma_start3A_343 : memref<1024xf32, #tpu.memory_space<vmem_shared>>) offsets(%dma_start3A_341 : memref<128xi32, #tpu.memory_space<vmem>>) semaphore(%run_scoped3A_336 : memref<!tpu.dma_semaphore, #tpu.memory_space<semaphore_mem>>) {add = true}
      %dma_wait3A = arith.constant 0 : i32
      %dma_wait3A_344 = tpu.memref_slice %arg8[%run_scoped3A_151, %dma_wait3A] : memref<17x128xf32, #tpu.memory_space<vmem>> -> memref<1x128xf32, #tpu.memory_space<vmem>>
      %dma_wait3A_345 = tpu.memref_squeeze %dma_wait3A_344 : memref<1x128xf32, #tpu.memory_space<vmem>> -> memref<128xf32, #tpu.memory_space<vmem>>
      %dma_wait3A_346 = arith.constant 0 : i32
      %dma_wait3A_347 = tpu.memref_slice %arg7[%run_scoped3A_152, %dma_wait3A_346] : memref<17x128xi32, #tpu.memory_space<vmem>> -> memref<1x128xi32, #tpu.memory_space<vmem>>
      %dma_wait3A_348 = tpu.memref_squeeze %dma_wait3A_347 : memref<1x128xi32, #tpu.memory_space<vmem>> -> memref<128xi32, #tpu.memory_space<vmem>>
      %dma_wait3A_349 = arith.constant 0 : i32
      %dma_wait3A_350 = tpu.memref_slice %arg10[%dma_wait3A_349] : memref<1024xf32, #tpu.memory_space<vmem_shared>> -> memref<1024xf32, #tpu.memory_space<vmem_shared>>
      tpu.wait_indirect_dma semaphore(%run_scoped3A_336 : memref<!tpu.dma_semaphore, #tpu.memory_space<semaphore_mem>>) src(%dma_wait3A_345 : memref<128xf32, #tpu.memory_space<vmem>>) dst(%dma_wait3A_350 : memref<1024xf32, #tpu.memory_space<vmem_shared>>)
      tpu.yield
    }) : () -> ()
    %run_scoped3A_153 = arith.constant 0 : i32
    %run_scoped3A_154 = arith.constant 3 : i32
    "tpu.region"() ({
      %run_scoped3A_336 = tpu.sem_alloc : memref<!tpu.dma_semaphore, #tpu.memory_space<semaphore_mem>>
      %dma_start3A = arith.constant 0 : i32
      %dma_start3A_337 = tpu.memref_slice %arg8[%run_scoped3A_153, %dma_start3A] : memref<17x128xf32, #tpu.memory_space<vmem>> -> memref<1x128xf32, #tpu.memory_space<vmem>>
      %dma_start3A_338 = tpu.memref_squeeze %dma_start3A_337 : memref<1x128xf32, #tpu.memory_space<vmem>> -> memref<128xf32, #tpu.memory_space<vmem>>
      %dma_start3A_339 = arith.constant 0 : i32
      %dma_start3A_340 = tpu.memref_slice %arg7[%run_scoped3A_154, %dma_start3A_339] : memref<17x128xi32, #tpu.memory_space<vmem>> -> memref<1x128xi32, #tpu.memory_space<vmem>>
      %dma_start3A_341 = tpu.memref_squeeze %dma_start3A_340 : memref<1x128xi32, #tpu.memory_space<vmem>> -> memref<128xi32, #tpu.memory_space<vmem>>
      %dma_start3A_342 = arith.constant 0 : i32
      %dma_start3A_343 = tpu.memref_slice %arg10[%dma_start3A_342] : memref<1024xf32, #tpu.memory_space<vmem_shared>> -> memref<1024xf32, #tpu.memory_space<vmem_shared>>
      tpu.enqueue_indirect_dma source(%dma_start3A_338 : memref<128xf32, #tpu.memory_space<vmem>>) target(%dma_start3A_343 : memref<1024xf32, #tpu.memory_space<vmem_shared>>) offsets(%dma_start3A_341 : memref<128xi32, #tpu.memory_space<vmem>>) semaphore(%run_scoped3A_336 : memref<!tpu.dma_semaphore, #tpu.memory_space<semaphore_mem>>) {add = true}
      %dma_wait3A = arith.constant 0 : i32
      %dma_wait3A_344 = tpu.memref_slice %arg8[%run_scoped3A_153, %dma_wait3A] : memref<17x128xf32, #tpu.memory_space<vmem>> -> memref<1x128xf32, #tpu.memory_space<vmem>>
      %dma_wait3A_345 = tpu.memref_squeeze %dma_wait3A_344 : memref<1x128xf32, #tpu.memory_space<vmem>> -> memref<128xf32, #tpu.memory_space<vmem>>
      %dma_wait3A_346 = arith.constant 0 : i32
      %dma_wait3A_347 = tpu.memref_slice %arg7[%run_scoped3A_154, %dma_wait3A_346] : memref<17x128xi32, #tpu.memory_space<vmem>> -> memref<1x128xi32, #tpu.memory_space<vmem>>
      %dma_wait3A_348 = tpu.memref_squeeze %dma_wait3A_347 : memref<1x128xi32, #tpu.memory_space<vmem>> -> memref<128xi32, #tpu.memory_space<vmem>>
      %dma_wait3A_349 = arith.constant 0 : i32
      %dma_wait3A_350 = tpu.memref_slice %arg10[%dma_wait3A_349] : memref<1024xf32, #tpu.memory_space<vmem_shared>> -> memref<1024xf32, #tpu.memory_space<vmem_shared>>
      tpu.wait_indirect_dma semaphore(%run_scoped3A_336 : memref<!tpu.dma_semaphore, #tpu.memory_space<semaphore_mem>>) src(%dma_wait3A_345 : memref<128xf32, #tpu.memory_space<vmem>>) dst(%dma_wait3A_350 : memref<1024xf32, #tpu.memory_space<vmem_shared>>)
      tpu.yield
    }) : () -> ()
    %run_scoped3A_155 = arith.constant 0 : i32
    %run_scoped3A_156 = arith.constant 4 : i32
    "tpu.region"() ({
      %run_scoped3A_336 = tpu.sem_alloc : memref<!tpu.dma_semaphore, #tpu.memory_space<semaphore_mem>>
      %dma_start3A = arith.constant 0 : i32
      %dma_start3A_337 = tpu.memref_slice %arg8[%run_scoped3A_155, %dma_start3A] : memref<17x128xf32, #tpu.memory_space<vmem>> -> memref<1x128xf32, #tpu.memory_space<vmem>>
      %dma_start3A_338 = tpu.memref_squeeze %dma_start3A_337 : memref<1x128xf32, #tpu.memory_space<vmem>> -> memref<128xf32, #tpu.memory_space<vmem>>
      %dma_start3A_339 = arith.constant 0 : i32
      %dma_start3A_340 = tpu.memref_slice %arg7[%run_scoped3A_156, %dma_start3A_339] : memref<17x128xi32, #tpu.memory_space<vmem>> -> memref<1x128xi32, #tpu.memory_space<vmem>>
      %dma_start3A_341 = tpu.memref_squeeze %dma_start3A_340 : memref<1x128xi32, #tpu.memory_space<vmem>> -> memref<128xi32, #tpu.memory_space<vmem>>
      %dma_start3A_342 = arith.constant 0 : i32
      %dma_start3A_343 = tpu.memref_slice %arg10[%dma_start3A_342] : memref<1024xf32, #tpu.memory_space<vmem_shared>> -> memref<1024xf32, #tpu.memory_space<vmem_shared>>
      tpu.enqueue_indirect_dma source(%dma_start3A_338 : memref<128xf32, #tpu.memory_space<vmem>>) target(%dma_start3A_343 : memref<1024xf32, #tpu.memory_space<vmem_shared>>) offsets(%dma_start3A_341 : memref<128xi32, #tpu.memory_space<vmem>>) semaphore(%run_scoped3A_336 : memref<!tpu.dma_semaphore, #tpu.memory_space<semaphore_mem>>) {add = true}
      %dma_wait3A = arith.constant 0 : i32
      %dma_wait3A_344 = tpu.memref_slice %arg8[%run_scoped3A_155, %dma_wait3A] : memref<17x128xf32, #tpu.memory_space<vmem>> -> memref<1x128xf32, #tpu.memory_space<vmem>>
      %dma_wait3A_345 = tpu.memref_squeeze %dma_wait3A_344 : memref<1x128xf32, #tpu.memory_space<vmem>> -> memref<128xf32, #tpu.memory_space<vmem>>
      %dma_wait3A_346 = arith.constant 0 : i32
      %dma_wait3A_347 = tpu.memref_slice %arg7[%run_scoped3A_156, %dma_wait3A_346] : memref<17x128xi32, #tpu.memory_space<vmem>> -> memref<1x128xi32, #tpu.memory_space<vmem>>
      %dma_wait3A_348 = tpu.memref_squeeze %dma_wait3A_347 : memref<1x128xi32, #tpu.memory_space<vmem>> -> memref<128xi32, #tpu.memory_space<vmem>>
      %dma_wait3A_349 = arith.constant 0 : i32
      %dma_wait3A_350 = tpu.memref_slice %arg10[%dma_wait3A_349] : memref<1024xf32, #tpu.memory_space<vmem_shared>> -> memref<1024xf32, #tpu.memory_space<vmem_shared>>
      tpu.wait_indirect_dma semaphore(%run_scoped3A_336 : memref<!tpu.dma_semaphore, #tpu.memory_space<semaphore_mem>>) src(%dma_wait3A_345 : memref<128xf32, #tpu.memory_space<vmem>>) dst(%dma_wait3A_350 : memref<1024xf32, #tpu.memory_space<vmem_shared>>)
      tpu.yield
    }) : () -> ()
    %run_scoped3A_157 = arith.constant 0 : i32
    %run_scoped3A_158 = arith.constant 5 : i32
    "tpu.region"() ({
      %run_scoped3A_336 = tpu.sem_alloc : memref<!tpu.dma_semaphore, #tpu.memory_space<semaphore_mem>>
      %dma_start3A = arith.constant 0 : i32
      %dma_start3A_337 = tpu.memref_slice %arg8[%run_scoped3A_157, %dma_start3A] : memref<17x128xf32, #tpu.memory_space<vmem>> -> memref<1x128xf32, #tpu.memory_space<vmem>>
      %dma_start3A_338 = tpu.memref_squeeze %dma_start3A_337 : memref<1x128xf32, #tpu.memory_space<vmem>> -> memref<128xf32, #tpu.memory_space<vmem>>
      %dma_start3A_339 = arith.constant 0 : i32
      %dma_start3A_340 = tpu.memref_slice %arg7[%run_scoped3A_158, %dma_start3A_339] : memref<17x128xi32, #tpu.memory_space<vmem>> -> memref<1x128xi32, #tpu.memory_space<vmem>>
      %dma_start3A_341 = tpu.memref_squeeze %dma_start3A_340 : memref<1x128xi32, #tpu.memory_space<vmem>> -> memref<128xi32, #tpu.memory_space<vmem>>
      %dma_start3A_342 = arith.constant 0 : i32
      %dma_start3A_343 = tpu.memref_slice %arg10[%dma_start3A_342] : memref<1024xf32, #tpu.memory_space<vmem_shared>> -> memref<1024xf32, #tpu.memory_space<vmem_shared>>
      tpu.enqueue_indirect_dma source(%dma_start3A_338 : memref<128xf32, #tpu.memory_space<vmem>>) target(%dma_start3A_343 : memref<1024xf32, #tpu.memory_space<vmem_shared>>) offsets(%dma_start3A_341 : memref<128xi32, #tpu.memory_space<vmem>>) semaphore(%run_scoped3A_336 : memref<!tpu.dma_semaphore, #tpu.memory_space<semaphore_mem>>) {add = true}
      %dma_wait3A = arith.constant 0 : i32
      %dma_wait3A_344 = tpu.memref_slice %arg8[%run_scoped3A_157, %dma_wait3A] : memref<17x128xf32, #tpu.memory_space<vmem>> -> memref<1x128xf32, #tpu.memory_space<vmem>>
      %dma_wait3A_345 = tpu.memref_squeeze %dma_wait3A_344 : memref<1x128xf32, #tpu.memory_space<vmem>> -> memref<128xf32, #tpu.memory_space<vmem>>
      %dma_wait3A_346 = arith.constant 0 : i32
      %dma_wait3A_347 = tpu.memref_slice %arg7[%run_scoped3A_158, %dma_wait3A_346] : memref<17x128xi32, #tpu.memory_space<vmem>> -> memref<1x128xi32, #tpu.memory_space<vmem>>
      %dma_wait3A_348 = tpu.memref_squeeze %dma_wait3A_347 : memref<1x128xi32, #tpu.memory_space<vmem>> -> memref<128xi32, #tpu.memory_space<vmem>>
      %dma_wait3A_349 = arith.constant 0 : i32
      %dma_wait3A_350 = tpu.memref_slice %arg10[%dma_wait3A_349] : memref<1024xf32, #tpu.memory_space<vmem_shared>> -> memref<1024xf32, #tpu.memory_space<vmem_shared>>
      tpu.wait_indirect_dma semaphore(%run_scoped3A_336 : memref<!tpu.dma_semaphore, #tpu.memory_space<semaphore_mem>>) src(%dma_wait3A_345 : memref<128xf32, #tpu.memory_space<vmem>>) dst(%dma_wait3A_350 : memref<1024xf32, #tpu.memory_space<vmem_shared>>)
      tpu.yield
    }) : () -> ()
    %run_scoped3A_159 = arith.constant 0 : i32
    %run_scoped3A_160 = arith.constant 6 : i32
    "tpu.region"() ({
      %run_scoped3A_336 = tpu.sem_alloc : memref<!tpu.dma_semaphore, #tpu.memory_space<semaphore_mem>>
      %dma_start3A = arith.constant 0 : i32
      %dma_start3A_337 = tpu.memref_slice %arg8[%run_scoped3A_159, %dma_start3A] : memref<17x128xf32, #tpu.memory_space<vmem>> -> memref<1x128xf32, #tpu.memory_space<vmem>>
      %dma_start3A_338 = tpu.memref_squeeze %dma_start3A_337 : memref<1x128xf32, #tpu.memory_space<vmem>> -> memref<128xf32, #tpu.memory_space<vmem>>
      %dma_start3A_339 = arith.constant 0 : i32
      %dma_start3A_340 = tpu.memref_slice %arg7[%run_scoped3A_160, %dma_start3A_339] : memref<17x128xi32, #tpu.memory_space<vmem>> -> memref<1x128xi32, #tpu.memory_space<vmem>>
      %dma_start3A_341 = tpu.memref_squeeze %dma_start3A_340 : memref<1x128xi32, #tpu.memory_space<vmem>> -> memref<128xi32, #tpu.memory_space<vmem>>
      %dma_start3A_342 = arith.constant 0 : i32
      %dma_start3A_343 = tpu.memref_slice %arg10[%dma_start3A_342] : memref<1024xf32, #tpu.memory_space<vmem_shared>> -> memref<1024xf32, #tpu.memory_space<vmem_shared>>
      tpu.enqueue_indirect_dma source(%dma_start3A_338 : memref<128xf32, #tpu.memory_space<vmem>>) target(%dma_start3A_343 : memref<1024xf32, #tpu.memory_space<vmem_shared>>) offsets(%dma_start3A_341 : memref<128xi32, #tpu.memory_space<vmem>>) semaphore(%run_scoped3A_336 : memref<!tpu.dma_semaphore, #tpu.memory_space<semaphore_mem>>) {add = true}
      %dma_wait3A = arith.constant 0 : i32
      %dma_wait3A_344 = tpu.memref_slice %arg8[%run_scoped3A_159, %dma_wait3A] : memref<17x128xf32, #tpu.memory_space<vmem>> -> memref<1x128xf32, #tpu.memory_space<vmem>>
      %dma_wait3A_345 = tpu.memref_squeeze %dma_wait3A_344 : memref<1x128xf32, #tpu.memory_space<vmem>> -> memref<128xf32, #tpu.memory_space<vmem>>
      %dma_wait3A_346 = arith.constant 0 : i32
      %dma_wait3A_347 = tpu.memref_slice %arg7[%run_scoped3A_160, %dma_wait3A_346] : memref<17x128xi32, #tpu.memory_space<vmem>> -> memref<1x128xi32, #tpu.memory_space<vmem>>
      %dma_wait3A_348 = tpu.memref_squeeze %dma_wait3A_347 : memref<1x128xi32, #tpu.memory_space<vmem>> -> memref<128xi32, #tpu.memory_space<vmem>>
      %dma_wait3A_349 = arith.constant 0 : i32
      %dma_wait3A_350 = tpu.memref_slice %arg10[%dma_wait3A_349] : memref<1024xf32, #tpu.memory_space<vmem_shared>> -> memref<1024xf32, #tpu.memory_space<vmem_shared>>
      tpu.wait_indirect_dma semaphore(%run_scoped3A_336 : memref<!tpu.dma_semaphore, #tpu.memory_space<semaphore_mem>>) src(%dma_wait3A_345 : memref<128xf32, #tpu.memory_space<vmem>>) dst(%dma_wait3A_350 : memref<1024xf32, #tpu.memory_space<vmem_shared>>)
      tpu.yield
    }) : () -> ()
    %run_scoped3A_161 = arith.constant 0 : i32
    %run_scoped3A_162 = arith.constant 7 : i32
    "tpu.region"() ({
      %run_scoped3A_336 = tpu.sem_alloc : memref<!tpu.dma_semaphore, #tpu.memory_space<semaphore_mem>>
      %dma_start3A = arith.constant 0 : i32
      %dma_start3A_337 = tpu.memref_slice %arg8[%run_scoped3A_161, %dma_start3A] : memref<17x128xf32, #tpu.memory_space<vmem>> -> memref<1x128xf32, #tpu.memory_space<vmem>>
      %dma_start3A_338 = tpu.memref_squeeze %dma_start3A_337 : memref<1x128xf32, #tpu.memory_space<vmem>> -> memref<128xf32, #tpu.memory_space<vmem>>
      %dma_start3A_339 = arith.constant 0 : i32
      %dma_start3A_340 = tpu.memref_slice %arg7[%run_scoped3A_162, %dma_start3A_339] : memref<17x128xi32, #tpu.memory_space<vmem>> -> memref<1x128xi32, #tpu.memory_space<vmem>>
      %dma_start3A_341 = tpu.memref_squeeze %dma_start3A_340 : memref<1x128xi32, #tpu.memory_space<vmem>> -> memref<128xi32, #tpu.memory_space<vmem>>
      %dma_start3A_342 = arith.constant 0 : i32
      %dma_start3A_343 = tpu.memref_slice %arg10[%dma_start3A_342] : memref<1024xf32, #tpu.memory_space<vmem_shared>> -> memref<1024xf32, #tpu.memory_space<vmem_shared>>
      tpu.enqueue_indirect_dma source(%dma_start3A_338 : memref<128xf32, #tpu.memory_space<vmem>>) target(%dma_start3A_343 : memref<1024xf32, #tpu.memory_space<vmem_shared>>) offsets(%dma_start3A_341 : memref<128xi32, #tpu.memory_space<vmem>>) semaphore(%run_scoped3A_336 : memref<!tpu.dma_semaphore, #tpu.memory_space<semaphore_mem>>) {add = true}
      %dma_wait3A = arith.constant 0 : i32
      %dma_wait3A_344 = tpu.memref_slice %arg8[%run_scoped3A_161, %dma_wait3A] : memref<17x128xf32, #tpu.memory_space<vmem>> -> memref<1x128xf32, #tpu.memory_space<vmem>>
      %dma_wait3A_345 = tpu.memref_squeeze %dma_wait3A_344 : memref<1x128xf32, #tpu.memory_space<vmem>> -> memref<128xf32, #tpu.memory_space<vmem>>
      %dma_wait3A_346 = arith.constant 0 : i32
      %dma_wait3A_347 = tpu.memref_slice %arg7[%run_scoped3A_162, %dma_wait3A_346] : memref<17x128xi32, #tpu.memory_space<vmem>> -> memref<1x128xi32, #tpu.memory_space<vmem>>
      %dma_wait3A_348 = tpu.memref_squeeze %dma_wait3A_347 : memref<1x128xi32, #tpu.memory_space<vmem>> -> memref<128xi32, #tpu.memory_space<vmem>>
      %dma_wait3A_349 = arith.constant 0 : i32
      %dma_wait3A_350 = tpu.memref_slice %arg10[%dma_wait3A_349] : memref<1024xf32, #tpu.memory_space<vmem_shared>> -> memref<1024xf32, #tpu.memory_space<vmem_shared>>
      tpu.wait_indirect_dma semaphore(%run_scoped3A_336 : memref<!tpu.dma_semaphore, #tpu.memory_space<semaphore_mem>>) src(%dma_wait3A_345 : memref<128xf32, #tpu.memory_space<vmem>>) dst(%dma_wait3A_350 : memref<1024xf32, #tpu.memory_space<vmem_shared>>)
      tpu.yield
    }) : () -> ()
    %run_scoped3A_163 = arith.constant 0 : i32
    %run_scoped3A_164 = arith.constant 8 : i32
    "tpu.region"() ({
      %run_scoped3A_336 = tpu.sem_alloc : memref<!tpu.dma_semaphore, #tpu.memory_space<semaphore_mem>>
      %dma_start3A = arith.constant 0 : i32
      %dma_start3A_337 = tpu.memref_slice %arg8[%run_scoped3A_163, %dma_start3A] : memref<17x128xf32, #tpu.memory_space<vmem>> -> memref<1x128xf32, #tpu.memory_space<vmem>>
      %dma_start3A_338 = tpu.memref_squeeze %dma_start3A_337 : memref<1x128xf32, #tpu.memory_space<vmem>> -> memref<128xf32, #tpu.memory_space<vmem>>
      %dma_start3A_339 = arith.constant 0 : i32
      %dma_start3A_340 = tpu.memref_slice %arg7[%run_scoped3A_164, %dma_start3A_339] : memref<17x128xi32, #tpu.memory_space<vmem>> -> memref<1x128xi32, #tpu.memory_space<vmem>>
      %dma_start3A_341 = tpu.memref_squeeze %dma_start3A_340 : memref<1x128xi32, #tpu.memory_space<vmem>> -> memref<128xi32, #tpu.memory_space<vmem>>
      %dma_start3A_342 = arith.constant 0 : i32
      %dma_start3A_343 = tpu.memref_slice %arg10[%dma_start3A_342] : memref<1024xf32, #tpu.memory_space<vmem_shared>> -> memref<1024xf32, #tpu.memory_space<vmem_shared>>
      tpu.enqueue_indirect_dma source(%dma_start3A_338 : memref<128xf32, #tpu.memory_space<vmem>>) target(%dma_start3A_343 : memref<1024xf32, #tpu.memory_space<vmem_shared>>) offsets(%dma_start3A_341 : memref<128xi32, #tpu.memory_space<vmem>>) semaphore(%run_scoped3A_336 : memref<!tpu.dma_semaphore, #tpu.memory_space<semaphore_mem>>) {add = true}
      %dma_wait3A = arith.constant 0 : i32
      %dma_wait3A_344 = tpu.memref_slice %arg8[%run_scoped3A_163, %dma_wait3A] : memref<17x128xf32, #tpu.memory_space<vmem>> -> memref<1x128xf32, #tpu.memory_space<vmem>>
      %dma_wait3A_345 = tpu.memref_squeeze %dma_wait3A_344 : memref<1x128xf32, #tpu.memory_space<vmem>> -> memref<128xf32, #tpu.memory_space<vmem>>
      %dma_wait3A_346 = arith.constant 0 : i32
      %dma_wait3A_347 = tpu.memref_slice %arg7[%run_scoped3A_164, %dma_wait3A_346] : memref<17x128xi32, #tpu.memory_space<vmem>> -> memref<1x128xi32, #tpu.memory_space<vmem>>
      %dma_wait3A_348 = tpu.memref_squeeze %dma_wait3A_347 : memref<1x128xi32, #tpu.memory_space<vmem>> -> memref<128xi32, #tpu.memory_space<vmem>>
      %dma_wait3A_349 = arith.constant 0 : i32
      %dma_wait3A_350 = tpu.memref_slice %arg10[%dma_wait3A_349] : memref<1024xf32, #tpu.memory_space<vmem_shared>> -> memref<1024xf32, #tpu.memory_space<vmem_shared>>
      tpu.wait_indirect_dma semaphore(%run_scoped3A_336 : memref<!tpu.dma_semaphore, #tpu.memory_space<semaphore_mem>>) src(%dma_wait3A_345 : memref<128xf32, #tpu.memory_space<vmem>>) dst(%dma_wait3A_350 : memref<1024xf32, #tpu.memory_space<vmem_shared>>)
      tpu.yield
    }) : () -> ()
    %run_scoped3A_165 = arith.constant 0 : i32
    %run_scoped3A_166 = arith.constant 9 : i32
    "tpu.region"() ({
      %run_scoped3A_336 = tpu.sem_alloc : memref<!tpu.dma_semaphore, #tpu.memory_space<semaphore_mem>>
      %dma_start3A = arith.constant 0 : i32
      %dma_start3A_337 = tpu.memref_slice %arg8[%run_scoped3A_165, %dma_start3A] : memref<17x128xf32, #tpu.memory_space<vmem>> -> memref<1x128xf32, #tpu.memory_space<vmem>>
      %dma_start3A_338 = tpu.memref_squeeze %dma_start3A_337 : memref<1x128xf32, #tpu.memory_space<vmem>> -> memref<128xf32, #tpu.memory_space<vmem>>
      %dma_start3A_339 = arith.constant 0 : i32
      %dma_start3A_340 = tpu.memref_slice %arg7[%run_scoped3A_166, %dma_start3A_339] : memref<17x128xi32, #tpu.memory_space<vmem>> -> memref<1x128xi32, #tpu.memory_space<vmem>>
      %dma_start3A_341 = tpu.memref_squeeze %dma_start3A_340 : memref<1x128xi32, #tpu.memory_space<vmem>> -> memref<128xi32, #tpu.memory_space<vmem>>
      %dma_start3A_342 = arith.constant 0 : i32
      %dma_start3A_343 = tpu.memref_slice %arg10[%dma_start3A_342] : memref<1024xf32, #tpu.memory_space<vmem_shared>> -> memref<1024xf32, #tpu.memory_space<vmem_shared>>
      tpu.enqueue_indirect_dma source(%dma_start3A_338 : memref<128xf32, #tpu.memory_space<vmem>>) target(%dma_start3A_343 : memref<1024xf32, #tpu.memory_space<vmem_shared>>) offsets(%dma_start3A_341 : memref<128xi32, #tpu.memory_space<vmem>>) semaphore(%run_scoped3A_336 : memref<!tpu.dma_semaphore, #tpu.memory_space<semaphore_mem>>) {add = true}
      %dma_wait3A = arith.constant 0 : i32
      %dma_wait3A_344 = tpu.memref_slice %arg8[%run_scoped3A_165, %dma_wait3A] : memref<17x128xf32, #tpu.memory_space<vmem>> -> memref<1x128xf32, #tpu.memory_space<vmem>>
      %dma_wait3A_345 = tpu.memref_squeeze %dma_wait3A_344 : memref<1x128xf32, #tpu.memory_space<vmem>> -> memref<128xf32, #tpu.memory_space<vmem>>
      %dma_wait3A_346 = arith.constant 0 : i32
      %dma_wait3A_347 = tpu.memref_slice %arg7[%run_scoped3A_166, %dma_wait3A_346] : memref<17x128xi32, #tpu.memory_space<vmem>> -> memref<1x128xi32, #tpu.memory_space<vmem>>
      %dma_wait3A_348 = tpu.memref_squeeze %dma_wait3A_347 : memref<1x128xi32, #tpu.memory_space<vmem>> -> memref<128xi32, #tpu.memory_space<vmem>>
      %dma_wait3A_349 = arith.constant 0 : i32
      %dma_wait3A_350 = tpu.memref_slice %arg10[%dma_wait3A_349] : memref<1024xf32, #tpu.memory_space<vmem_shared>> -> memref<1024xf32, #tpu.memory_space<vmem_shared>>
      tpu.wait_indirect_dma semaphore(%run_scoped3A_336 : memref<!tpu.dma_semaphore, #tpu.memory_space<semaphore_mem>>) src(%dma_wait3A_345 : memref<128xf32, #tpu.memory_space<vmem>>) dst(%dma_wait3A_350 : memref<1024xf32, #tpu.memory_space<vmem_shared>>)
      tpu.yield
    }) : () -> ()
    %run_scoped3A_167 = arith.constant 0 : i32
    %run_scoped3A_168 = arith.constant 10 : i32
    "tpu.region"() ({
      %run_scoped3A_336 = tpu.sem_alloc : memref<!tpu.dma_semaphore, #tpu.memory_space<semaphore_mem>>
      %dma_start3A = arith.constant 0 : i32
      %dma_start3A_337 = tpu.memref_slice %arg8[%run_scoped3A_167, %dma_start3A] : memref<17x128xf32, #tpu.memory_space<vmem>> -> memref<1x128xf32, #tpu.memory_space<vmem>>
      %dma_start3A_338 = tpu.memref_squeeze %dma_start3A_337 : memref<1x128xf32, #tpu.memory_space<vmem>> -> memref<128xf32, #tpu.memory_space<vmem>>
      %dma_start3A_339 = arith.constant 0 : i32
      %dma_start3A_340 = tpu.memref_slice %arg7[%run_scoped3A_168, %dma_start3A_339] : memref<17x128xi32, #tpu.memory_space<vmem>> -> memref<1x128xi32, #tpu.memory_space<vmem>>
      %dma_start3A_341 = tpu.memref_squeeze %dma_start3A_340 : memref<1x128xi32, #tpu.memory_space<vmem>> -> memref<128xi32, #tpu.memory_space<vmem>>
      %dma_start3A_342 = arith.constant 0 : i32
      %dma_start3A_343 = tpu.memref_slice %arg10[%dma_start3A_342] : memref<1024xf32, #tpu.memory_space<vmem_shared>> -> memref<1024xf32, #tpu.memory_space<vmem_shared>>
      tpu.enqueue_indirect_dma source(%dma_start3A_338 : memref<128xf32, #tpu.memory_space<vmem>>) target(%dma_start3A_343 : memref<1024xf32, #tpu.memory_space<vmem_shared>>) offsets(%dma_start3A_341 : memref<128xi32, #tpu.memory_space<vmem>>) semaphore(%run_scoped3A_336 : memref<!tpu.dma_semaphore, #tpu.memory_space<semaphore_mem>>) {add = true}
      %dma_wait3A = arith.constant 0 : i32
      %dma_wait3A_344 = tpu.memref_slice %arg8[%run_scoped3A_167, %dma_wait3A] : memref<17x128xf32, #tpu.memory_space<vmem>> -> memref<1x128xf32, #tpu.memory_space<vmem>>
      %dma_wait3A_345 = tpu.memref_squeeze %dma_wait3A_344 : memref<1x128xf32, #tpu.memory_space<vmem>> -> memref<128xf32, #tpu.memory_space<vmem>>
      %dma_wait3A_346 = arith.constant 0 : i32
      %dma_wait3A_347 = tpu.memref_slice %arg7[%run_scoped3A_168, %dma_wait3A_346] : memref<17x128xi32, #tpu.memory_space<vmem>> -> memref<1x128xi32, #tpu.memory_space<vmem>>
      %dma_wait3A_348 = tpu.memref_squeeze %dma_wait3A_347 : memref<1x128xi32, #tpu.memory_space<vmem>> -> memref<128xi32, #tpu.memory_space<vmem>>
      %dma_wait3A_349 = arith.constant 0 : i32
      %dma_wait3A_350 = tpu.memref_slice %arg10[%dma_wait3A_349] : memref<1024xf32, #tpu.memory_space<vmem_shared>> -> memref<1024xf32, #tpu.memory_space<vmem_shared>>
      tpu.wait_indirect_dma semaphore(%run_scoped3A_336 : memref<!tpu.dma_semaphore, #tpu.memory_space<semaphore_mem>>) src(%dma_wait3A_345 : memref<128xf32, #tpu.memory_space<vmem>>) dst(%dma_wait3A_350 : memref<1024xf32, #tpu.memory_space<vmem_shared>>)
      tpu.yield
    }) : () -> ()
    %run_scoped3A_169 = arith.constant 0 : i32
    %run_scoped3A_170 = arith.constant 11 : i32
    "tpu.region"() ({
      %run_scoped3A_336 = tpu.sem_alloc : memref<!tpu.dma_semaphore, #tpu.memory_space<semaphore_mem>>
      %dma_start3A = arith.constant 0 : i32
      %dma_start3A_337 = tpu.memref_slice %arg8[%run_scoped3A_169, %dma_start3A] : memref<17x128xf32, #tpu.memory_space<vmem>> -> memref<1x128xf32, #tpu.memory_space<vmem>>
      %dma_start3A_338 = tpu.memref_squeeze %dma_start3A_337 : memref<1x128xf32, #tpu.memory_space<vmem>> -> memref<128xf32, #tpu.memory_space<vmem>>
      %dma_start3A_339 = arith.constant 0 : i32
      %dma_start3A_340 = tpu.memref_slice %arg7[%run_scoped3A_170, %dma_start3A_339] : memref<17x128xi32, #tpu.memory_space<vmem>> -> memref<1x128xi32, #tpu.memory_space<vmem>>
      %dma_start3A_341 = tpu.memref_squeeze %dma_start3A_340 : memref<1x128xi32, #tpu.memory_space<vmem>> -> memref<128xi32, #tpu.memory_space<vmem>>
      %dma_start3A_342 = arith.constant 0 : i32
      %dma_start3A_343 = tpu.memref_slice %arg10[%dma_start3A_342] : memref<1024xf32, #tpu.memory_space<vmem_shared>> -> memref<1024xf32, #tpu.memory_space<vmem_shared>>
      tpu.enqueue_indirect_dma source(%dma_start3A_338 : memref<128xf32, #tpu.memory_space<vmem>>) target(%dma_start3A_343 : memref<1024xf32, #tpu.memory_space<vmem_shared>>) offsets(%dma_start3A_341 : memref<128xi32, #tpu.memory_space<vmem>>) semaphore(%run_scoped3A_336 : memref<!tpu.dma_semaphore, #tpu.memory_space<semaphore_mem>>) {add = true}
      %dma_wait3A = arith.constant 0 : i32
      %dma_wait3A_344 = tpu.memref_slice %arg8[%run_scoped3A_169, %dma_wait3A] : memref<17x128xf32, #tpu.memory_space<vmem>> -> memref<1x128xf32, #tpu.memory_space<vmem>>
      %dma_wait3A_345 = tpu.memref_squeeze %dma_wait3A_344 : memref<1x128xf32, #tpu.memory_space<vmem>> -> memref<128xf32, #tpu.memory_space<vmem>>
      %dma_wait3A_346 = arith.constant 0 : i32
      %dma_wait3A_347 = tpu.memref_slice %arg7[%run_scoped3A_170, %dma_wait3A_346] : memref<17x128xi32, #tpu.memory_space<vmem>> -> memref<1x128xi32, #tpu.memory_space<vmem>>
      %dma_wait3A_348 = tpu.memref_squeeze %dma_wait3A_347 : memref<1x128xi32, #tpu.memory_space<vmem>> -> memref<128xi32, #tpu.memory_space<vmem>>
      %dma_wait3A_349 = arith.constant 0 : i32
      %dma_wait3A_350 = tpu.memref_slice %arg10[%dma_wait3A_349] : memref<1024xf32, #tpu.memory_space<vmem_shared>> -> memref<1024xf32, #tpu.memory_space<vmem_shared>>
      tpu.wait_indirect_dma semaphore(%run_scoped3A_336 : memref<!tpu.dma_semaphore, #tpu.memory_space<semaphore_mem>>) src(%dma_wait3A_345 : memref<128xf32, #tpu.memory_space<vmem>>) dst(%dma_wait3A_350 : memref<1024xf32, #tpu.memory_space<vmem_shared>>)
      tpu.yield
    }) : () -> ()
    %run_scoped3A_171 = arith.constant 0 : i32
    %run_scoped3A_172 = arith.constant 12 : i32
    "tpu.region"() ({
      %run_scoped3A_336 = tpu.sem_alloc : memref<!tpu.dma_semaphore, #tpu.memory_space<semaphore_mem>>
      %dma_start3A = arith.constant 0 : i32
      %dma_start3A_337 = tpu.memref_slice %arg8[%run_scoped3A_171, %dma_start3A] : memref<17x128xf32, #tpu.memory_space<vmem>> -> memref<1x128xf32, #tpu.memory_space<vmem>>
      %dma_start3A_338 = tpu.memref_squeeze %dma_start3A_337 : memref<1x128xf32, #tpu.memory_space<vmem>> -> memref<128xf32, #tpu.memory_space<vmem>>
      %dma_start3A_339 = arith.constant 0 : i32
      %dma_start3A_340 = tpu.memref_slice %arg7[%run_scoped3A_172, %dma_start3A_339] : memref<17x128xi32, #tpu.memory_space<vmem>> -> memref<1x128xi32, #tpu.memory_space<vmem>>
      %dma_start3A_341 = tpu.memref_squeeze %dma_start3A_340 : memref<1x128xi32, #tpu.memory_space<vmem>> -> memref<128xi32, #tpu.memory_space<vmem>>
      %dma_start3A_342 = arith.constant 0 : i32
      %dma_start3A_343 = tpu.memref_slice %arg10[%dma_start3A_342] : memref<1024xf32, #tpu.memory_space<vmem_shared>> -> memref<1024xf32, #tpu.memory_space<vmem_shared>>
      tpu.enqueue_indirect_dma source(%dma_start3A_338 : memref<128xf32, #tpu.memory_space<vmem>>) target(%dma_start3A_343 : memref<1024xf32, #tpu.memory_space<vmem_shared>>) offsets(%dma_start3A_341 : memref<128xi32, #tpu.memory_space<vmem>>) semaphore(%run_scoped3A_336 : memref<!tpu.dma_semaphore, #tpu.memory_space<semaphore_mem>>) {add = true}
      %dma_wait3A = arith.constant 0 : i32
      %dma_wait3A_344 = tpu.memref_slice %arg8[%run_scoped3A_171, %dma_wait3A] : memref<17x128xf32, #tpu.memory_space<vmem>> -> memref<1x128xf32, #tpu.memory_space<vmem>>
      %dma_wait3A_345 = tpu.memref_squeeze %dma_wait3A_344 : memref<1x128xf32, #tpu.memory_space<vmem>> -> memref<128xf32, #tpu.memory_space<vmem>>
      %dma_wait3A_346 = arith.constant 0 : i32
      %dma_wait3A_347 = tpu.memref_slice %arg7[%run_scoped3A_172, %dma_wait3A_346] : memref<17x128xi32, #tpu.memory_space<vmem>> -> memref<1x128xi32, #tpu.memory_space<vmem>>
      %dma_wait3A_348 = tpu.memref_squeeze %dma_wait3A_347 : memref<1x128xi32, #tpu.memory_space<vmem>> -> memref<128xi32, #tpu.memory_space<vmem>>
      %dma_wait3A_349 = arith.constant 0 : i32
      %dma_wait3A_350 = tpu.memref_slice %arg10[%dma_wait3A_349] : memref<1024xf32, #tpu.memory_space<vmem_shared>> -> memref<1024xf32, #tpu.memory_space<vmem_shared>>
      tpu.wait_indirect_dma semaphore(%run_scoped3A_336 : memref<!tpu.dma_semaphore, #tpu.memory_space<semaphore_mem>>) src(%dma_wait3A_345 : memref<128xf32, #tpu.memory_space<vmem>>) dst(%dma_wait3A_350 : memref<1024xf32, #tpu.memory_space<vmem_shared>>)
      tpu.yield
    }) : () -> ()
    %run_scoped3A_173 = arith.constant 0 : i32
    %run_scoped3A_174 = arith.constant 13 : i32
    "tpu.region"() ({
      %run_scoped3A_336 = tpu.sem_alloc : memref<!tpu.dma_semaphore, #tpu.memory_space<semaphore_mem>>
      %dma_start3A = arith.constant 0 : i32
      %dma_start3A_337 = tpu.memref_slice %arg8[%run_scoped3A_173, %dma_start3A] : memref<17x128xf32, #tpu.memory_space<vmem>> -> memref<1x128xf32, #tpu.memory_space<vmem>>
      %dma_start3A_338 = tpu.memref_squeeze %dma_start3A_337 : memref<1x128xf32, #tpu.memory_space<vmem>> -> memref<128xf32, #tpu.memory_space<vmem>>
      %dma_start3A_339 = arith.constant 0 : i32
      %dma_start3A_340 = tpu.memref_slice %arg7[%run_scoped3A_174, %dma_start3A_339] : memref<17x128xi32, #tpu.memory_space<vmem>> -> memref<1x128xi32, #tpu.memory_space<vmem>>
      %dma_start3A_341 = tpu.memref_squeeze %dma_start3A_340 : memref<1x128xi32, #tpu.memory_space<vmem>> -> memref<128xi32, #tpu.memory_space<vmem>>
      %dma_start3A_342 = arith.constant 0 : i32
      %dma_start3A_343 = tpu.memref_slice %arg10[%dma_start3A_342] : memref<1024xf32, #tpu.memory_space<vmem_shared>> -> memref<1024xf32, #tpu.memory_space<vmem_shared>>
      tpu.enqueue_indirect_dma source(%dma_start3A_338 : memref<128xf32, #tpu.memory_space<vmem>>) target(%dma_start3A_343 : memref<1024xf32, #tpu.memory_space<vmem_shared>>) offsets(%dma_start3A_341 : memref<128xi32, #tpu.memory_space<vmem>>) semaphore(%run_scoped3A_336 : memref<!tpu.dma_semaphore, #tpu.memory_space<semaphore_mem>>) {add = true}
      %dma_wait3A = arith.constant 0 : i32
      %dma_wait3A_344 = tpu.memref_slice %arg8[%run_scoped3A_173, %dma_wait3A] : memref<17x128xf32, #tpu.memory_space<vmem>> -> memref<1x128xf32, #tpu.memory_space<vmem>>
      %dma_wait3A_345 = tpu.memref_squeeze %dma_wait3A_344 : memref<1x128xf32, #tpu.memory_space<vmem>> -> memref<128xf32, #tpu.memory_space<vmem>>
      %dma_wait3A_346 = arith.constant 0 : i32
      %dma_wait3A_347 = tpu.memref_slice %arg7[%run_scoped3A_174, %dma_wait3A_346] : memref<17x128xi32, #tpu.memory_space<vmem>> -> memref<1x128xi32, #tpu.memory_space<vmem>>
      %dma_wait3A_348 = tpu.memref_squeeze %dma_wait3A_347 : memref<1x128xi32, #tpu.memory_space<vmem>> -> memref<128xi32, #tpu.memory_space<vmem>>
      %dma_wait3A_349 = arith.constant 0 : i32
      %dma_wait3A_350 = tpu.memref_slice %arg10[%dma_wait3A_349] : memref<1024xf32, #tpu.memory_space<vmem_shared>> -> memref<1024xf32, #tpu.memory_space<vmem_shared>>
      tpu.wait_indirect_dma semaphore(%run_scoped3A_336 : memref<!tpu.dma_semaphore, #tpu.memory_space<semaphore_mem>>) src(%dma_wait3A_345 : memref<128xf32, #tpu.memory_space<vmem>>) dst(%dma_wait3A_350 : memref<1024xf32, #tpu.memory_space<vmem_shared>>)
      tpu.yield
    }) : () -> ()
    %run_scoped3A_175 = arith.constant 0 : i32
    %run_scoped3A_176 = arith.constant 14 : i32
    "tpu.region"() ({
      %run_scoped3A_336 = tpu.sem_alloc : memref<!tpu.dma_semaphore, #tpu.memory_space<semaphore_mem>>
      %dma_start3A = arith.constant 0 : i32
      %dma_start3A_337 = tpu.memref_slice %arg8[%run_scoped3A_175, %dma_start3A] : memref<17x128xf32, #tpu.memory_space<vmem>> -> memref<1x128xf32, #tpu.memory_space<vmem>>
      %dma_start3A_338 = tpu.memref_squeeze %dma_start3A_337 : memref<1x128xf32, #tpu.memory_space<vmem>> -> memref<128xf32, #tpu.memory_space<vmem>>
      %dma_start3A_339 = arith.constant 0 : i32
      %dma_start3A_340 = tpu.memref_slice %arg7[%run_scoped3A_176, %dma_start3A_339] : memref<17x128xi32, #tpu.memory_space<vmem>> -> memref<1x128xi32, #tpu.memory_space<vmem>>
      %dma_start3A_341 = tpu.memref_squeeze %dma_start3A_340 : memref<1x128xi32, #tpu.memory_space<vmem>> -> memref<128xi32, #tpu.memory_space<vmem>>
      %dma_start3A_342 = arith.constant 0 : i32
      %dma_start3A_343 = tpu.memref_slice %arg10[%dma_start3A_342] : memref<1024xf32, #tpu.memory_space<vmem_shared>> -> memref<1024xf32, #tpu.memory_space<vmem_shared>>
      tpu.enqueue_indirect_dma source(%dma_start3A_338 : memref<128xf32, #tpu.memory_space<vmem>>) target(%dma_start3A_343 : memref<1024xf32, #tpu.memory_space<vmem_shared>>) offsets(%dma_start3A_341 : memref<128xi32, #tpu.memory_space<vmem>>) semaphore(%run_scoped3A_336 : memref<!tpu.dma_semaphore, #tpu.memory_space<semaphore_mem>>) {add = true}
      %dma_wait3A = arith.constant 0 : i32
      %dma_wait3A_344 = tpu.memref_slice %arg8[%run_scoped3A_175, %dma_wait3A] : memref<17x128xf32, #tpu.memory_space<vmem>> -> memref<1x128xf32, #tpu.memory_space<vmem>>
      %dma_wait3A_345 = tpu.memref_squeeze %dma_wait3A_344 : memref<1x128xf32, #tpu.memory_space<vmem>> -> memref<128xf32, #tpu.memory_space<vmem>>
      %dma_wait3A_346 = arith.constant 0 : i32
      %dma_wait3A_347 = tpu.memref_slice %arg7[%run_scoped3A_176, %dma_wait3A_346] : memref<17x128xi32, #tpu.memory_space<vmem>> -> memref<1x128xi32, #tpu.memory_space<vmem>>
      %dma_wait3A_348 = tpu.memref_squeeze %dma_wait3A_347 : memref<1x128xi32, #tpu.memory_space<vmem>> -> memref<128xi32, #tpu.memory_space<vmem>>
      %dma_wait3A_349 = arith.constant 0 : i32
      %dma_wait3A_350 = tpu.memref_slice %arg10[%dma_wait3A_349] : memref<1024xf32, #tpu.memory_space<vmem_shared>> -> memref<1024xf32, #tpu.memory_space<vmem_shared>>
      tpu.wait_indirect_dma semaphore(%run_scoped3A_336 : memref<!tpu.dma_semaphore, #tpu.memory_space<semaphore_mem>>) src(%dma_wait3A_345 : memref<128xf32, #tpu.memory_space<vmem>>) dst(%dma_wait3A_350 : memref<1024xf32, #tpu.memory_space<vmem_shared>>)
      tpu.yield
    }) : () -> ()
    %run_scoped3A_177 = arith.constant 0 : i32
    %run_scoped3A_178 = arith.constant 15 : i32
    "tpu.region"() ({
      %run_scoped3A_336 = tpu.sem_alloc : memref<!tpu.dma_semaphore, #tpu.memory_space<semaphore_mem>>
      %dma_start3A = arith.constant 0 : i32
      %dma_start3A_337 = tpu.memref_slice %arg8[%run_scoped3A_177, %dma_start3A] : memref<17x128xf32, #tpu.memory_space<vmem>> -> memref<1x128xf32, #tpu.memory_space<vmem>>
      %dma_start3A_338 = tpu.memref_squeeze %dma_start3A_337 : memref<1x128xf32, #tpu.memory_space<vmem>> -> memref<128xf32, #tpu.memory_space<vmem>>
      %dma_start3A_339 = arith.constant 0 : i32
      %dma_start3A_340 = tpu.memref_slice %arg7[%run_scoped3A_178, %dma_start3A_339] : memref<17x128xi32, #tpu.memory_space<vmem>> -> memref<1x128xi32, #tpu.memory_space<vmem>>
      %dma_start3A_341 = tpu.memref_squeeze %dma_start3A_340 : memref<1x128xi32, #tpu.memory_space<vmem>> -> memref<128xi32, #tpu.memory_space<vmem>>
      %dma_start3A_342 = arith.constant 0 : i32
      %dma_start3A_343 = tpu.memref_slice %arg10[%dma_start3A_342] : memref<1024xf32, #tpu.memory_space<vmem_shared>> -> memref<1024xf32, #tpu.memory_space<vmem_shared>>
      tpu.enqueue_indirect_dma source(%dma_start3A_338 : memref<128xf32, #tpu.memory_space<vmem>>) target(%dma_start3A_343 : memref<1024xf32, #tpu.memory_space<vmem_shared>>) offsets(%dma_start3A_341 : memref<128xi32, #tpu.memory_space<vmem>>) semaphore(%run_scoped3A_336 : memref<!tpu.dma_semaphore, #tpu.memory_space<semaphore_mem>>) {add = true}
      %dma_wait3A = arith.constant 0 : i32
      %dma_wait3A_344 = tpu.memref_slice %arg8[%run_scoped3A_177, %dma_wait3A] : memref<17x128xf32, #tpu.memory_space<vmem>> -> memref<1x128xf32, #tpu.memory_space<vmem>>
      %dma_wait3A_345 = tpu.memref_squeeze %dma_wait3A_344 : memref<1x128xf32, #tpu.memory_space<vmem>> -> memref<128xf32, #tpu.memory_space<vmem>>
      %dma_wait3A_346 = arith.constant 0 : i32
      %dma_wait3A_347 = tpu.memref_slice %arg7[%run_scoped3A_178, %dma_wait3A_346] : memref<17x128xi32, #tpu.memory_space<vmem>> -> memref<1x128xi32, #tpu.memory_space<vmem>>
      %dma_wait3A_348 = tpu.memref_squeeze %dma_wait3A_347 : memref<1x128xi32, #tpu.memory_space<vmem>> -> memref<128xi32, #tpu.memory_space<vmem>>
      %dma_wait3A_349 = arith.constant 0 : i32
      %dma_wait3A_350 = tpu.memref_slice %arg10[%dma_wait3A_349] : memref<1024xf32, #tpu.memory_space<vmem_shared>> -> memref<1024xf32, #tpu.memory_space<vmem_shared>>
      tpu.wait_indirect_dma semaphore(%run_scoped3A_336 : memref<!tpu.dma_semaphore, #tpu.memory_space<semaphore_mem>>) src(%dma_wait3A_345 : memref<128xf32, #tpu.memory_space<vmem>>) dst(%dma_wait3A_350 : memref<1024xf32, #tpu.memory_space<vmem_shared>>)
      tpu.yield
    }) : () -> ()
    %barrier3A_179 = arith.constant 0 : index
    tpu.barrier barrier_id(%barrier3A_179)
    "tpu.region"() ({
      %run_scoped3A_336 = tpu.sem_alloc : memref<!tpu.dma_semaphore, #tpu.memory_space<semaphore_mem>>
      tpu.enqueue_dma source(%arg10 : memref<1024xf32, #tpu.memory_space<vmem_shared>>) target(%arg6 : memref<1024xf32, #tpu.memory_space<vmem>>) target_semaphore(%run_scoped3A_336 : memref<!tpu.dma_semaphore, #tpu.memory_space<semaphore_mem>>)
      tpu.wait_dma2 semaphore(%run_scoped3A_336 : memref<!tpu.dma_semaphore, #tpu.memory_space<semaphore_mem>>) src(%arg10 : memref<1024xf32, #tpu.memory_space<vmem_shared>>) dst(%arg6 : memref<1024xf32, #tpu.memory_space<vmem>>)
      tpu.yield
    }) : () -> ()
    %scan3A_180 = arith.constant 0 : i32
    %scan3A_181 = arith.constant 0 : i32
    %scan3A_182 = arith.constant 64 : i32
    %scan3A_183 = arith.addi %scan3A_181, %scan3A_182 : i32
    %scan3A_184 = arith.constant 1 : i32
    scf.for %scan3A_336 = %scan3A_181 to %scan3A_183 step %scan3A_184  : i32 {
      %mul3A_337 = arith.constant 16 : i32
      %mul3A_338 = arith.muli %scan3A_336, %mul3A_337 : i32
      %get3A = arith.index_cast %mul3A_338 : i32 to index
      %get3A_339 = tpu.vector_load %arg6[%get3A] {strides = array<i32>} : memref<1024xf32, #tpu.memory_space<vmem>>, vector<16xf32>,
      %add3A_340 = arith.constant 1.000000e+00 : f32
      %add3A_341 = vector.broadcast %add3A_340 : f32 to vector<16xf32>
      %add3A_342 = arith.addf %get3A_339, %add3A_341 : vector<16xf32>
      %bitcast_convert_type3A = tpu.bitcast %add3A_342 : vector<16xf32> -> vector<16xi32>
      %shift_right_logical3A = arith.constant 1 : i32
      %shift_right_logical3A_343 = vector.broadcast %shift_right_logical3A : i32 to vector<16xi32>
      %shift_right_logical3A_344 = arith.shrui %bitcast_convert_type3A, %shift_right_logical3A_343 : vector<16xi32>
      %sub3A = arith.constant 1597463007 : i32
      %sub3A_345 = vector.broadcast %sub3A : i32 to vector<16xi32>
      %sub3A_346 = arith.subi %sub3A_345, %shift_right_logical3A_344 : vector<16xi32>
      %bitcast_convert_type3A_347 = tpu.bitcast %sub3A_346 : vector<16xi32> -> vector<16xf32>
      %mul3A_348 = arith.constant 5.000000e-01 : f32
      %mul3A_349 = vector.broadcast %mul3A_348 : f32 to vector<16xf32>
      %mul3A_350 = arith.mulf %add3A_342, %mul3A_349 : vector<16xf32>
      %mul3A_351 = arith.mulf %mul3A_350, %bitcast_convert_type3A_347 : vector<16xf32>
      %mul3A_352 = arith.mulf %mul3A_351, %bitcast_convert_type3A_347 : vector<16xf32>
      %sub3A_353 = arith.constant 1.500000e+00 : f32
      %sub3A_354 = vector.broadcast %sub3A_353 : f32 to vector<16xf32>
      %sub3A_355 = arith.subf %sub3A_354, %mul3A_352 : vector<16xf32>
      %mul3A_356 = arith.mulf %bitcast_convert_type3A_347, %sub3A_355 : vector<16xf32>
      %mul3A_357 = arith.mulf %mul3A_350, %mul3A_356 : vector<16xf32>
      %mul3A_358 = arith.mulf %mul3A_357, %mul3A_356 : vector<16xf32>
      %sub3A_359 = arith.constant 1.500000e+00 : f32
      %sub3A_360 = vector.broadcast %sub3A_359 : f32 to vector<16xf32>
      %sub3A_361 = arith.subf %sub3A_360, %mul3A_358 : vector<16xf32>
      %mul3A_362 = arith.mulf %mul3A_356, %sub3A_361 : vector<16xf32>
      %mul3A_363 = arith.mulf %mul3A_350, %mul3A_362 : vector<16xf32>
      %mul3A_364 = arith.mulf %mul3A_363, %mul3A_362 : vector<16xf32>
      %sub3A_365 = arith.constant 1.500000e+00 : f32
      %sub3A_366 = vector.broadcast %sub3A_365 : f32 to vector<16xf32>
      %sub3A_367 = arith.subf %sub3A_366, %mul3A_364 : vector<16xf32>
      %mul3A_368 = arith.mulf %mul3A_362, %sub3A_367 : vector<16xf32>
      %mul3A_369 = arith.constant 16 : i32
      %mul3A_370 = arith.muli %scan3A_336, %mul3A_369 : i32
      %swap3A = arith.index_cast %mul3A_370 : i32 to index
      %swap3A_371 = tpu.vector_load %arg6[%swap3A] {strides = array<i32>} : memref<1024xf32, #tpu.memory_space<vmem>>, vector<16xf32>,
      tpu.vector_store %arg6[%swap3A], %mul3A_368 {strides = array<i32>} : memref<1024xf32, #tpu.memory_space<vmem>>, vector<16xf32>,
    }
    %scan3A_185 = arith.constant 64 : i32
    %scan3A_186 = arith.constant 0 : i32
    %scan3A_187 = arith.constant 0 : i32
    %scan3A_188 = arith.constant 8 : i32
    %scan3A_189 = arith.addi %scan3A_187, %scan3A_188 : i32
    %scan3A_190 = arith.constant 1 : i32
    scf.for %scan3A_336 = %scan3A_187 to %scan3A_189 step %scan3A_190  : i32 {
      %mul3A_337 = arith.constant 16 : i32
      %mul3A_338 = arith.muli %scan3A_336, %mul3A_337 : i32
      %mul3A_339 = arith.constant 16 : i32
      %mul3A_340 = arith.muli %scan3A_336, %mul3A_339 : i32
      %add3A_341 = arith.constant 0 : i32
      %add3A_342 = arith.addi %add3A_341, %mul3A_340 : i32
      %get3A = arith.index_cast %add3A_342 : i32 to index
      %get3A_343 = tpu.vector_load %arg4[%get3A] {strides = array<i32>} : memref<2048xi32, #tpu.memory_space<vmem>>, vector<16xi32>,
      %get3A_344 = arith.index_cast %add3A_342 : i32 to index
      %get3A_345 = tpu.vector_load %arg5[%get3A_344] {strides = array<i32>} : memref<2048xi32, #tpu.memory_space<vmem>>, vector<16xi32>,
      %gather3A = tpu.vector_load_idx %arg6[%get3A_343] : memref<1024xf32, #tpu.memory_space<vmem>>[vector<16xi32>], vector<16xf32>,
      %gather3A_346 = tpu.vector_load_idx %arg6[%get3A_345] : memref<1024xf32, #tpu.memory_space<vmem>>[vector<16xi32>], vector<16xf32>,
      %sub3A = vector.broadcast %mul3A_4 : i32 to vector<16xi32>
      %sub3A_347 = arith.subi %get3A_345, %sub3A : vector<16xi32>
      %ge3A = arith.constant 0 : i32
      %ge3A_348 = vector.broadcast %ge3A : i32 to vector<16xi32>
      %ge3A_349 = arith.cmpi sge, %sub3A_347, %ge3A_348 : vector<16xi32>
      %lt3A = arith.constant 512 : i32
      %lt3A_350 = vector.broadcast %lt3A : i32 to vector<16xi32>
      %lt3A_351 = arith.cmpi slt, %sub3A_347, %lt3A_350 : vector<16xi32>
      %and3A = arith.andi %ge3A_349, %lt3A_351 : vector<16xi1>
      %mul3A_352 = arith.constant 1024 : i32
      %mul3A_353 = vector.broadcast %mul3A_352 : i32 to vector<16xi32>
      %mul3A_354 = arith.muli %sub3A_347, %mul3A_353 : vector<16xi32>
      %add3A_355 = arith.addi %mul3A_354, %get3A_343 : vector<16xi32>
      %add3A_356 = arith.constant 524288 : i32
      %add3A_357 = vector.broadcast %add3A_356 : i32 to vector<16xi32>
      %add3A_358 = arith.addi %add3A_357, %get3A_343 : vector<16xi32>
      %select_n3A = arith.select %and3A, %add3A_355, %add3A_358 : vector<16xi1>, vector<16xi32>
      %swap3A = arith.constant 0 : i32
      %swap3A_359 = arith.index_cast %swap3A : i32 to index
      %swap3A_360 = arith.index_cast %mul3A_338 : i32 to index
      %swap3A_361 = tpu.vector_load %arg7[%swap3A_359, %swap3A_360] {strides = array<i32>} : memref<17x128xi32, #tpu.memory_space<vmem>>, vector<16xi32>,
      tpu.vector_store %arg7[%swap3A_359, %swap3A_360], %select_n3A {strides = array<i32>} : memref<17x128xi32, #tpu.memory_space<vmem>>, vector<16xi32>,
      %mul3A_362 = arith.mulf %gather3A, %gather3A_346 : vector<16xf32>
      %swap3A_363 = arith.constant 0 : i32
      %swap3A_364 = arith.index_cast %swap3A_363 : i32 to index
      %swap3A_365 = arith.index_cast %mul3A_338 : i32 to index
      %swap3A_366 = tpu.vector_load %arg8[%swap3A_364, %swap3A_365] {strides = array<i32>} : memref<17x128xf32, #tpu.memory_space<vmem>>, vector<16xf32>,
      tpu.vector_store %arg8[%swap3A_364, %swap3A_365], %mul3A_362 {strides = array<i32>} : memref<17x128xf32, #tpu.memory_space<vmem>>, vector<16xf32>,
    }
    %scan3A_191 = arith.constant 8 : i32
    %run_scoped3A_192 = arith.constant 0 : i32
    %run_scoped3A_193 = arith.constant 0 : i32
    "tpu.region"() ({
      %run_scoped3A_336 = tpu.sem_alloc : memref<!tpu.dma_semaphore, #tpu.memory_space<semaphore_mem>>
      %dma_start3A = arith.constant 0 : i32
      %dma_start3A_337 = tpu.memref_slice %arg8[%run_scoped3A_192, %dma_start3A] : memref<17x128xf32, #tpu.memory_space<vmem>> -> memref<1x128xf32, #tpu.memory_space<vmem>>
      %dma_start3A_338 = tpu.memref_squeeze %dma_start3A_337 : memref<1x128xf32, #tpu.memory_space<vmem>> -> memref<128xf32, #tpu.memory_space<vmem>>
      %dma_start3A_339 = arith.constant 0 : i32
      %dma_start3A_340 = tpu.memref_slice %arg7[%run_scoped3A_193, %dma_start3A_339] : memref<17x128xi32, #tpu.memory_space<vmem>> -> memref<1x128xi32, #tpu.memory_space<vmem>>
      %dma_start3A_341 = tpu.memref_squeeze %dma_start3A_340 : memref<1x128xi32, #tpu.memory_space<vmem>> -> memref<128xi32, #tpu.memory_space<vmem>>
      %dma_start3A_342 = arith.constant 0 : i32
      %dma_start3A_343 = tpu.memref_slice %arg11[%dma_start3A_342] : memref<525312xf32, #tpu.memory_space<vmem_shared>> -> memref<525312xf32, #tpu.memory_space<vmem_shared>>
      tpu.enqueue_indirect_dma source(%dma_start3A_338 : memref<128xf32, #tpu.memory_space<vmem>>) target(%dma_start3A_343 : memref<525312xf32, #tpu.memory_space<vmem_shared>>) offsets(%dma_start3A_341 : memref<128xi32, #tpu.memory_space<vmem>>) semaphore(%run_scoped3A_336 : memref<!tpu.dma_semaphore, #tpu.memory_space<semaphore_mem>>) {add = true}
      %dma_wait3A = arith.constant 0 : i32
      %dma_wait3A_344 = tpu.memref_slice %arg8[%run_scoped3A_192, %dma_wait3A] : memref<17x128xf32, #tpu.memory_space<vmem>> -> memref<1x128xf32, #tpu.memory_space<vmem>>
      %dma_wait3A_345 = tpu.memref_squeeze %dma_wait3A_344 : memref<1x128xf32, #tpu.memory_space<vmem>> -> memref<128xf32, #tpu.memory_space<vmem>>
      %dma_wait3A_346 = arith.constant 0 : i32
      %dma_wait3A_347 = tpu.memref_slice %arg7[%run_scoped3A_193, %dma_wait3A_346] : memref<17x128xi32, #tpu.memory_space<vmem>> -> memref<1x128xi32, #tpu.memory_space<vmem>>
      %dma_wait3A_348 = tpu.memref_squeeze %dma_wait3A_347 : memref<1x128xi32, #tpu.memory_space<vmem>> -> memref<128xi32, #tpu.memory_space<vmem>>
      %dma_wait3A_349 = arith.constant 0 : i32
      %dma_wait3A_350 = tpu.memref_slice %arg11[%dma_wait3A_349] : memref<525312xf32, #tpu.memory_space<vmem_shared>> -> memref<525312xf32, #tpu.memory_space<vmem_shared>>
      tpu.wait_indirect_dma semaphore(%run_scoped3A_336 : memref<!tpu.dma_semaphore, #tpu.memory_space<semaphore_mem>>) src(%dma_wait3A_345 : memref<128xf32, #tpu.memory_space<vmem>>) dst(%dma_wait3A_350 : memref<525312xf32, #tpu.memory_space<vmem_shared>>)
      tpu.yield
    }) : () -> ()
    %scan3A_194 = arith.constant 0 : i32
    %scan3A_195 = arith.constant 0 : i32
    %scan3A_196 = arith.constant 8 : i32
    %scan3A_197 = arith.addi %scan3A_195, %scan3A_196 : i32
    %scan3A_198 = arith.constant 1 : i32
    scf.for %scan3A_336 = %scan3A_195 to %scan3A_197 step %scan3A_198  : i32 {
      %mul3A_337 = arith.constant 16 : i32
      %mul3A_338 = arith.muli %scan3A_336, %mul3A_337 : i32
      %mul3A_339 = arith.constant 16 : i32
      %mul3A_340 = arith.muli %scan3A_336, %mul3A_339 : i32
      %add3A_341 = arith.constant 128 : i32
      %add3A_342 = arith.addi %add3A_341, %mul3A_340 : i32
      %get3A = arith.index_cast %add3A_342 : i32 to index
      %get3A_343 = tpu.vector_load %arg4[%get3A] {strides = array<i32>} : memref<2048xi32, #tpu.memory_space<vmem>>, vector<16xi32>,
      %get3A_344 = arith.index_cast %add3A_342 : i32 to index
      %get3A_345 = tpu.vector_load %arg5[%get3A_344] {strides = array<i32>} : memref<2048xi32, #tpu.memory_space<vmem>>, vector<16xi32>,
      %gather3A = tpu.vector_load_idx %arg6[%get3A_343] : memref<1024xf32, #tpu.memory_space<vmem>>[vector<16xi32>], vector<16xf32>,
      %gather3A_346 = tpu.vector_load_idx %arg6[%get3A_345] : memref<1024xf32, #tpu.memory_space<vmem>>[vector<16xi32>], vector<16xf32>,
      %sub3A = vector.broadcast %mul3A_4 : i32 to vector<16xi32>
      %sub3A_347 = arith.subi %get3A_345, %sub3A : vector<16xi32>
      %ge3A = arith.constant 0 : i32
      %ge3A_348 = vector.broadcast %ge3A : i32 to vector<16xi32>
      %ge3A_349 = arith.cmpi sge, %sub3A_347, %ge3A_348 : vector<16xi32>
      %lt3A = arith.constant 512 : i32
      %lt3A_350 = vector.broadcast %lt3A : i32 to vector<16xi32>
      %lt3A_351 = arith.cmpi slt, %sub3A_347, %lt3A_350 : vector<16xi32>
      %and3A = arith.andi %ge3A_349, %lt3A_351 : vector<16xi1>
      %mul3A_352 = arith.constant 1024 : i32
      %mul3A_353 = vector.broadcast %mul3A_352 : i32 to vector<16xi32>
      %mul3A_354 = arith.muli %sub3A_347, %mul3A_353 : vector<16xi32>
      %add3A_355 = arith.addi %mul3A_354, %get3A_343 : vector<16xi32>
      %add3A_356 = arith.constant 524288 : i32
      %add3A_357 = vector.broadcast %add3A_356 : i32 to vector<16xi32>
      %add3A_358 = arith.addi %add3A_357, %get3A_343 : vector<16xi32>
      %select_n3A = arith.select %and3A, %add3A_355, %add3A_358 : vector<16xi1>, vector<16xi32>
      %swap3A = arith.constant 1 : i32
      %swap3A_359 = arith.index_cast %swap3A : i32 to index
      %swap3A_360 = arith.index_cast %mul3A_338 : i32 to index
      %swap3A_361 = tpu.vector_load %arg7[%swap3A_359, %swap3A_360] {strides = array<i32>} : memref<17x128xi32, #tpu.memory_space<vmem>>, vector<16xi32>,
      tpu.vector_store %arg7[%swap3A_359, %swap3A_360], %select_n3A {strides = array<i32>} : memref<17x128xi32, #tpu.memory_space<vmem>>, vector<16xi32>,
      %mul3A_362 = arith.mulf %gather3A, %gather3A_346 : vector<16xf32>
      %swap3A_363 = arith.constant 1 : i32
      %swap3A_364 = arith.index_cast %swap3A_363 : i32 to index
      %swap3A_365 = arith.index_cast %mul3A_338 : i32 to index
      %swap3A_366 = tpu.vector_load %arg8[%swap3A_364, %swap3A_365] {strides = array<i32>} : memref<17x128xf32, #tpu.memory_space<vmem>>, vector<16xf32>,
      tpu.vector_store %arg8[%swap3A_364, %swap3A_365], %mul3A_362 {strides = array<i32>} : memref<17x128xf32, #tpu.memory_space<vmem>>, vector<16xf32>,
    }
    %scan3A_199 = arith.constant 8 : i32
    %run_scoped3A_200 = arith.constant 1 : i32
    %run_scoped3A_201 = arith.constant 1 : i32
    "tpu.region"() ({
      %run_scoped3A_336 = tpu.sem_alloc : memref<!tpu.dma_semaphore, #tpu.memory_space<semaphore_mem>>
      %dma_start3A = arith.constant 0 : i32
      %dma_start3A_337 = tpu.memref_slice %arg8[%run_scoped3A_200, %dma_start3A] : memref<17x128xf32, #tpu.memory_space<vmem>> -> memref<1x128xf32, #tpu.memory_space<vmem>>
      %dma_start3A_338 = tpu.memref_squeeze %dma_start3A_337 : memref<1x128xf32, #tpu.memory_space<vmem>> -> memref<128xf32, #tpu.memory_space<vmem>>
      %dma_start3A_339 = arith.constant 0 : i32
      %dma_start3A_340 = tpu.memref_slice %arg7[%run_scoped3A_201, %dma_start3A_339] : memref<17x128xi32, #tpu.memory_space<vmem>> -> memref<1x128xi32, #tpu.memory_space<vmem>>
      %dma_start3A_341 = tpu.memref_squeeze %dma_start3A_340 : memref<1x128xi32, #tpu.memory_space<vmem>> -> memref<128xi32, #tpu.memory_space<vmem>>
      %dma_start3A_342 = arith.constant 0 : i32
      %dma_start3A_343 = tpu.memref_slice %arg11[%dma_start3A_342] : memref<525312xf32, #tpu.memory_space<vmem_shared>> -> memref<525312xf32, #tpu.memory_space<vmem_shared>>
      tpu.enqueue_indirect_dma source(%dma_start3A_338 : memref<128xf32, #tpu.memory_space<vmem>>) target(%dma_start3A_343 : memref<525312xf32, #tpu.memory_space<vmem_shared>>) offsets(%dma_start3A_341 : memref<128xi32, #tpu.memory_space<vmem>>) semaphore(%run_scoped3A_336 : memref<!tpu.dma_semaphore, #tpu.memory_space<semaphore_mem>>) {add = true}
      %dma_wait3A = arith.constant 0 : i32
      %dma_wait3A_344 = tpu.memref_slice %arg8[%run_scoped3A_200, %dma_wait3A] : memref<17x128xf32, #tpu.memory_space<vmem>> -> memref<1x128xf32, #tpu.memory_space<vmem>>
      %dma_wait3A_345 = tpu.memref_squeeze %dma_wait3A_344 : memref<1x128xf32, #tpu.memory_space<vmem>> -> memref<128xf32, #tpu.memory_space<vmem>>
      %dma_wait3A_346 = arith.constant 0 : i32
      %dma_wait3A_347 = tpu.memref_slice %arg7[%run_scoped3A_201, %dma_wait3A_346] : memref<17x128xi32, #tpu.memory_space<vmem>> -> memref<1x128xi32, #tpu.memory_space<vmem>>
      %dma_wait3A_348 = tpu.memref_squeeze %dma_wait3A_347 : memref<1x128xi32, #tpu.memory_space<vmem>> -> memref<128xi32, #tpu.memory_space<vmem>>
      %dma_wait3A_349 = arith.constant 0 : i32
      %dma_wait3A_350 = tpu.memref_slice %arg11[%dma_wait3A_349] : memref<525312xf32, #tpu.memory_space<vmem_shared>> -> memref<525312xf32, #tpu.memory_space<vmem_shared>>
      tpu.wait_indirect_dma semaphore(%run_scoped3A_336 : memref<!tpu.dma_semaphore, #tpu.memory_space<semaphore_mem>>) src(%dma_wait3A_345 : memref<128xf32, #tpu.memory_space<vmem>>) dst(%dma_wait3A_350 : memref<525312xf32, #tpu.memory_space<vmem_shared>>)
      tpu.yield
    }) : () -> ()
    %scan3A_202 = arith.constant 0 : i32
    %scan3A_203 = arith.constant 0 : i32
    %scan3A_204 = arith.constant 8 : i32
    %scan3A_205 = arith.addi %scan3A_203, %scan3A_204 : i32
    %scan3A_206 = arith.constant 1 : i32
    scf.for %scan3A_336 = %scan3A_203 to %scan3A_205 step %scan3A_206  : i32 {
      %mul3A_337 = arith.constant 16 : i32
      %mul3A_338 = arith.muli %scan3A_336, %mul3A_337 : i32
      %mul3A_339 = arith.constant 16 : i32
      %mul3A_340 = arith.muli %scan3A_336, %mul3A_339 : i32
      %add3A_341 = arith.constant 256 : i32
      %add3A_342 = arith.addi %add3A_341, %mul3A_340 : i32
      %get3A = arith.index_cast %add3A_342 : i32 to index
      %get3A_343 = tpu.vector_load %arg4[%get3A] {strides = array<i32>} : memref<2048xi32, #tpu.memory_space<vmem>>, vector<16xi32>,
      %get3A_344 = arith.index_cast %add3A_342 : i32 to index
      %get3A_345 = tpu.vector_load %arg5[%get3A_344] {strides = array<i32>} : memref<2048xi32, #tpu.memory_space<vmem>>, vector<16xi32>,
      %gather3A = tpu.vector_load_idx %arg6[%get3A_343] : memref<1024xf32, #tpu.memory_space<vmem>>[vector<16xi32>], vector<16xf32>,
      %gather3A_346 = tpu.vector_load_idx %arg6[%get3A_345] : memref<1024xf32, #tpu.memory_space<vmem>>[vector<16xi32>], vector<16xf32>,
      %sub3A = vector.broadcast %mul3A_4 : i32 to vector<16xi32>
      %sub3A_347 = arith.subi %get3A_345, %sub3A : vector<16xi32>
      %ge3A = arith.constant 0 : i32
      %ge3A_348 = vector.broadcast %ge3A : i32 to vector<16xi32>
      %ge3A_349 = arith.cmpi sge, %sub3A_347, %ge3A_348 : vector<16xi32>
      %lt3A = arith.constant 512 : i32
      %lt3A_350 = vector.broadcast %lt3A : i32 to vector<16xi32>
      %lt3A_351 = arith.cmpi slt, %sub3A_347, %lt3A_350 : vector<16xi32>
      %and3A = arith.andi %ge3A_349, %lt3A_351 : vector<16xi1>
      %mul3A_352 = arith.constant 1024 : i32
      %mul3A_353 = vector.broadcast %mul3A_352 : i32 to vector<16xi32>
      %mul3A_354 = arith.muli %sub3A_347, %mul3A_353 : vector<16xi32>
      %add3A_355 = arith.addi %mul3A_354, %get3A_343 : vector<16xi32>
      %add3A_356 = arith.constant 524288 : i32
      %add3A_357 = vector.broadcast %add3A_356 : i32 to vector<16xi32>
      %add3A_358 = arith.addi %add3A_357, %get3A_343 : vector<16xi32>
      %select_n3A = arith.select %and3A, %add3A_355, %add3A_358 : vector<16xi1>, vector<16xi32>
      %swap3A = arith.constant 2 : i32
      %swap3A_359 = arith.index_cast %swap3A : i32 to index
      %swap3A_360 = arith.index_cast %mul3A_338 : i32 to index
      %swap3A_361 = tpu.vector_load %arg7[%swap3A_359, %swap3A_360] {strides = array<i32>} : memref<17x128xi32, #tpu.memory_space<vmem>>, vector<16xi32>,
      tpu.vector_store %arg7[%swap3A_359, %swap3A_360], %select_n3A {strides = array<i32>} : memref<17x128xi32, #tpu.memory_space<vmem>>, vector<16xi32>,
      %mul3A_362 = arith.mulf %gather3A, %gather3A_346 : vector<16xf32>
      %swap3A_363 = arith.constant 2 : i32
      %swap3A_364 = arith.index_cast %swap3A_363 : i32 to index
      %swap3A_365 = arith.index_cast %mul3A_338 : i32 to index
      %swap3A_366 = tpu.vector_load %arg8[%swap3A_364, %swap3A_365] {strides = array<i32>} : memref<17x128xf32, #tpu.memory_space<vmem>>, vector<16xf32>,
      tpu.vector_store %arg8[%swap3A_364, %swap3A_365], %mul3A_362 {strides = array<i32>} : memref<17x128xf32, #tpu.memory_space<vmem>>, vector<16xf32>,
    }
    %scan3A_207 = arith.constant 8 : i32
    %run_scoped3A_208 = arith.constant 2 : i32
    %run_scoped3A_209 = arith.constant 2 : i32
    "tpu.region"() ({
      %run_scoped3A_336 = tpu.sem_alloc : memref<!tpu.dma_semaphore, #tpu.memory_space<semaphore_mem>>
      %dma_start3A = arith.constant 0 : i32
      %dma_start3A_337 = tpu.memref_slice %arg8[%run_scoped3A_208, %dma_start3A] : memref<17x128xf32, #tpu.memory_space<vmem>> -> memref<1x128xf32, #tpu.memory_space<vmem>>
      %dma_start3A_338 = tpu.memref_squeeze %dma_start3A_337 : memref<1x128xf32, #tpu.memory_space<vmem>> -> memref<128xf32, #tpu.memory_space<vmem>>
      %dma_start3A_339 = arith.constant 0 : i32
      %dma_start3A_340 = tpu.memref_slice %arg7[%run_scoped3A_209, %dma_start3A_339] : memref<17x128xi32, #tpu.memory_space<vmem>> -> memref<1x128xi32, #tpu.memory_space<vmem>>
      %dma_start3A_341 = tpu.memref_squeeze %dma_start3A_340 : memref<1x128xi32, #tpu.memory_space<vmem>> -> memref<128xi32, #tpu.memory_space<vmem>>
      %dma_start3A_342 = arith.constant 0 : i32
      %dma_start3A_343 = tpu.memref_slice %arg11[%dma_start3A_342] : memref<525312xf32, #tpu.memory_space<vmem_shared>> -> memref<525312xf32, #tpu.memory_space<vmem_shared>>
      tpu.enqueue_indirect_dma source(%dma_start3A_338 : memref<128xf32, #tpu.memory_space<vmem>>) target(%dma_start3A_343 : memref<525312xf32, #tpu.memory_space<vmem_shared>>) offsets(%dma_start3A_341 : memref<128xi32, #tpu.memory_space<vmem>>) semaphore(%run_scoped3A_336 : memref<!tpu.dma_semaphore, #tpu.memory_space<semaphore_mem>>) {add = true}
      %dma_wait3A = arith.constant 0 : i32
      %dma_wait3A_344 = tpu.memref_slice %arg8[%run_scoped3A_208, %dma_wait3A] : memref<17x128xf32, #tpu.memory_space<vmem>> -> memref<1x128xf32, #tpu.memory_space<vmem>>
      %dma_wait3A_345 = tpu.memref_squeeze %dma_wait3A_344 : memref<1x128xf32, #tpu.memory_space<vmem>> -> memref<128xf32, #tpu.memory_space<vmem>>
      %dma_wait3A_346 = arith.constant 0 : i32
      %dma_wait3A_347 = tpu.memref_slice %arg7[%run_scoped3A_209, %dma_wait3A_346] : memref<17x128xi32, #tpu.memory_space<vmem>> -> memref<1x128xi32, #tpu.memory_space<vmem>>
      %dma_wait3A_348 = tpu.memref_squeeze %dma_wait3A_347 : memref<1x128xi32, #tpu.memory_space<vmem>> -> memref<128xi32, #tpu.memory_space<vmem>>
      %dma_wait3A_349 = arith.constant 0 : i32
      %dma_wait3A_350 = tpu.memref_slice %arg11[%dma_wait3A_349] : memref<525312xf32, #tpu.memory_space<vmem_shared>> -> memref<525312xf32, #tpu.memory_space<vmem_shared>>
      tpu.wait_indirect_dma semaphore(%run_scoped3A_336 : memref<!tpu.dma_semaphore, #tpu.memory_space<semaphore_mem>>) src(%dma_wait3A_345 : memref<128xf32, #tpu.memory_space<vmem>>) dst(%dma_wait3A_350 : memref<525312xf32, #tpu.memory_space<vmem_shared>>)
      tpu.yield
    }) : () -> ()
    %scan3A_210 = arith.constant 0 : i32
    %scan3A_211 = arith.constant 0 : i32
    %scan3A_212 = arith.constant 8 : i32
    %scan3A_213 = arith.addi %scan3A_211, %scan3A_212 : i32
    %scan3A_214 = arith.constant 1 : i32
    scf.for %scan3A_336 = %scan3A_211 to %scan3A_213 step %scan3A_214  : i32 {
      %mul3A_337 = arith.constant 16 : i32
      %mul3A_338 = arith.muli %scan3A_336, %mul3A_337 : i32
      %mul3A_339 = arith.constant 16 : i32
      %mul3A_340 = arith.muli %scan3A_336, %mul3A_339 : i32
      %add3A_341 = arith.constant 384 : i32
      %add3A_342 = arith.addi %add3A_341, %mul3A_340 : i32
      %get3A = arith.index_cast %add3A_342 : i32 to index
      %get3A_343 = tpu.vector_load %arg4[%get3A] {strides = array<i32>} : memref<2048xi32, #tpu.memory_space<vmem>>, vector<16xi32>,
      %get3A_344 = arith.index_cast %add3A_342 : i32 to index
      %get3A_345 = tpu.vector_load %arg5[%get3A_344] {strides = array<i32>} : memref<2048xi32, #tpu.memory_space<vmem>>, vector<16xi32>,
      %gather3A = tpu.vector_load_idx %arg6[%get3A_343] : memref<1024xf32, #tpu.memory_space<vmem>>[vector<16xi32>], vector<16xf32>,
      %gather3A_346 = tpu.vector_load_idx %arg6[%get3A_345] : memref<1024xf32, #tpu.memory_space<vmem>>[vector<16xi32>], vector<16xf32>,
      %sub3A = vector.broadcast %mul3A_4 : i32 to vector<16xi32>
      %sub3A_347 = arith.subi %get3A_345, %sub3A : vector<16xi32>
      %ge3A = arith.constant 0 : i32
      %ge3A_348 = vector.broadcast %ge3A : i32 to vector<16xi32>
      %ge3A_349 = arith.cmpi sge, %sub3A_347, %ge3A_348 : vector<16xi32>
      %lt3A = arith.constant 512 : i32
      %lt3A_350 = vector.broadcast %lt3A : i32 to vector<16xi32>
      %lt3A_351 = arith.cmpi slt, %sub3A_347, %lt3A_350 : vector<16xi32>
      %and3A = arith.andi %ge3A_349, %lt3A_351 : vector<16xi1>
      %mul3A_352 = arith.constant 1024 : i32
      %mul3A_353 = vector.broadcast %mul3A_352 : i32 to vector<16xi32>
      %mul3A_354 = arith.muli %sub3A_347, %mul3A_353 : vector<16xi32>
      %add3A_355 = arith.addi %mul3A_354, %get3A_343 : vector<16xi32>
      %add3A_356 = arith.constant 524288 : i32
      %add3A_357 = vector.broadcast %add3A_356 : i32 to vector<16xi32>
      %add3A_358 = arith.addi %add3A_357, %get3A_343 : vector<16xi32>
      %select_n3A = arith.select %and3A, %add3A_355, %add3A_358 : vector<16xi1>, vector<16xi32>
      %swap3A = arith.constant 3 : i32
      %swap3A_359 = arith.index_cast %swap3A : i32 to index
      %swap3A_360 = arith.index_cast %mul3A_338 : i32 to index
      %swap3A_361 = tpu.vector_load %arg7[%swap3A_359, %swap3A_360] {strides = array<i32>} : memref<17x128xi32, #tpu.memory_space<vmem>>, vector<16xi32>,
      tpu.vector_store %arg7[%swap3A_359, %swap3A_360], %select_n3A {strides = array<i32>} : memref<17x128xi32, #tpu.memory_space<vmem>>, vector<16xi32>,
      %mul3A_362 = arith.mulf %gather3A, %gather3A_346 : vector<16xf32>
      %swap3A_363 = arith.constant 3 : i32
      %swap3A_364 = arith.index_cast %swap3A_363 : i32 to index
      %swap3A_365 = arith.index_cast %mul3A_338 : i32 to index
      %swap3A_366 = tpu.vector_load %arg8[%swap3A_364, %swap3A_365] {strides = array<i32>} : memref<17x128xf32, #tpu.memory_space<vmem>>, vector<16xf32>,
      tpu.vector_store %arg8[%swap3A_364, %swap3A_365], %mul3A_362 {strides = array<i32>} : memref<17x128xf32, #tpu.memory_space<vmem>>, vector<16xf32>,
    }
    %scan3A_215 = arith.constant 8 : i32
    %run_scoped3A_216 = arith.constant 3 : i32
    %run_scoped3A_217 = arith.constant 3 : i32
    "tpu.region"() ({
      %run_scoped3A_336 = tpu.sem_alloc : memref<!tpu.dma_semaphore, #tpu.memory_space<semaphore_mem>>
      %dma_start3A = arith.constant 0 : i32
      %dma_start3A_337 = tpu.memref_slice %arg8[%run_scoped3A_216, %dma_start3A] : memref<17x128xf32, #tpu.memory_space<vmem>> -> memref<1x128xf32, #tpu.memory_space<vmem>>
      %dma_start3A_338 = tpu.memref_squeeze %dma_start3A_337 : memref<1x128xf32, #tpu.memory_space<vmem>> -> memref<128xf32, #tpu.memory_space<vmem>>
      %dma_start3A_339 = arith.constant 0 : i32
      %dma_start3A_340 = tpu.memref_slice %arg7[%run_scoped3A_217, %dma_start3A_339] : memref<17x128xi32, #tpu.memory_space<vmem>> -> memref<1x128xi32, #tpu.memory_space<vmem>>
      %dma_start3A_341 = tpu.memref_squeeze %dma_start3A_340 : memref<1x128xi32, #tpu.memory_space<vmem>> -> memref<128xi32, #tpu.memory_space<vmem>>
      %dma_start3A_342 = arith.constant 0 : i32
      %dma_start3A_343 = tpu.memref_slice %arg11[%dma_start3A_342] : memref<525312xf32, #tpu.memory_space<vmem_shared>> -> memref<525312xf32, #tpu.memory_space<vmem_shared>>
      tpu.enqueue_indirect_dma source(%dma_start3A_338 : memref<128xf32, #tpu.memory_space<vmem>>) target(%dma_start3A_343 : memref<525312xf32, #tpu.memory_space<vmem_shared>>) offsets(%dma_start3A_341 : memref<128xi32, #tpu.memory_space<vmem>>) semaphore(%run_scoped3A_336 : memref<!tpu.dma_semaphore, #tpu.memory_space<semaphore_mem>>) {add = true}
      %dma_wait3A = arith.constant 0 : i32
      %dma_wait3A_344 = tpu.memref_slice %arg8[%run_scoped3A_216, %dma_wait3A] : memref<17x128xf32, #tpu.memory_space<vmem>> -> memref<1x128xf32, #tpu.memory_space<vmem>>
      %dma_wait3A_345 = tpu.memref_squeeze %dma_wait3A_344 : memref<1x128xf32, #tpu.memory_space<vmem>> -> memref<128xf32, #tpu.memory_space<vmem>>
      %dma_wait3A_346 = arith.constant 0 : i32
      %dma_wait3A_347 = tpu.memref_slice %arg7[%run_scoped3A_217, %dma_wait3A_346] : memref<17x128xi32, #tpu.memory_space<vmem>> -> memref<1x128xi32, #tpu.memory_space<vmem>>
      %dma_wait3A_348 = tpu.memref_squeeze %dma_wait3A_347 : memref<1x128xi32, #tpu.memory_space<vmem>> -> memref<128xi32, #tpu.memory_space<vmem>>
      %dma_wait3A_349 = arith.constant 0 : i32
      %dma_wait3A_350 = tpu.memref_slice %arg11[%dma_wait3A_349] : memref<525312xf32, #tpu.memory_space<vmem_shared>> -> memref<525312xf32, #tpu.memory_space<vmem_shared>>
      tpu.wait_indirect_dma semaphore(%run_scoped3A_336 : memref<!tpu.dma_semaphore, #tpu.memory_space<semaphore_mem>>) src(%dma_wait3A_345 : memref<128xf32, #tpu.memory_space<vmem>>) dst(%dma_wait3A_350 : memref<525312xf32, #tpu.memory_space<vmem_shared>>)
      tpu.yield
    }) : () -> ()
    %scan3A_218 = arith.constant 0 : i32
    %scan3A_219 = arith.constant 0 : i32
    %scan3A_220 = arith.constant 8 : i32
    %scan3A_221 = arith.addi %scan3A_219, %scan3A_220 : i32
    %scan3A_222 = arith.constant 1 : i32
    scf.for %scan3A_336 = %scan3A_219 to %scan3A_221 step %scan3A_222  : i32 {
      %mul3A_337 = arith.constant 16 : i32
      %mul3A_338 = arith.muli %scan3A_336, %mul3A_337 : i32
      %mul3A_339 = arith.constant 16 : i32
      %mul3A_340 = arith.muli %scan3A_336, %mul3A_339 : i32
      %add3A_341 = arith.constant 512 : i32
      %add3A_342 = arith.addi %add3A_341, %mul3A_340 : i32
      %get3A = arith.index_cast %add3A_342 : i32 to index
      %get3A_343 = tpu.vector_load %arg4[%get3A] {strides = array<i32>} : memref<2048xi32, #tpu.memory_space<vmem>>, vector<16xi32>,
      %get3A_344 = arith.index_cast %add3A_342 : i32 to index
      %get3A_345 = tpu.vector_load %arg5[%get3A_344] {strides = array<i32>} : memref<2048xi32, #tpu.memory_space<vmem>>, vector<16xi32>,
      %gather3A = tpu.vector_load_idx %arg6[%get3A_343] : memref<1024xf32, #tpu.memory_space<vmem>>[vector<16xi32>], vector<16xf32>,
      %gather3A_346 = tpu.vector_load_idx %arg6[%get3A_345] : memref<1024xf32, #tpu.memory_space<vmem>>[vector<16xi32>], vector<16xf32>,
      %sub3A = vector.broadcast %mul3A_4 : i32 to vector<16xi32>
      %sub3A_347 = arith.subi %get3A_345, %sub3A : vector<16xi32>
      %ge3A = arith.constant 0 : i32
      %ge3A_348 = vector.broadcast %ge3A : i32 to vector<16xi32>
      %ge3A_349 = arith.cmpi sge, %sub3A_347, %ge3A_348 : vector<16xi32>
      %lt3A = arith.constant 512 : i32
      %lt3A_350 = vector.broadcast %lt3A : i32 to vector<16xi32>
      %lt3A_351 = arith.cmpi slt, %sub3A_347, %lt3A_350 : vector<16xi32>
      %and3A = arith.andi %ge3A_349, %lt3A_351 : vector<16xi1>
      %mul3A_352 = arith.constant 1024 : i32
      %mul3A_353 = vector.broadcast %mul3A_352 : i32 to vector<16xi32>
      %mul3A_354 = arith.muli %sub3A_347, %mul3A_353 : vector<16xi32>
      %add3A_355 = arith.addi %mul3A_354, %get3A_343 : vector<16xi32>
      %add3A_356 = arith.constant 524288 : i32
      %add3A_357 = vector.broadcast %add3A_356 : i32 to vector<16xi32>
      %add3A_358 = arith.addi %add3A_357, %get3A_343 : vector<16xi32>
      %select_n3A = arith.select %and3A, %add3A_355, %add3A_358 : vector<16xi1>, vector<16xi32>
      %swap3A = arith.constant 4 : i32
      %swap3A_359 = arith.index_cast %swap3A : i32 to index
      %swap3A_360 = arith.index_cast %mul3A_338 : i32 to index
      %swap3A_361 = tpu.vector_load %arg7[%swap3A_359, %swap3A_360] {strides = array<i32>} : memref<17x128xi32, #tpu.memory_space<vmem>>, vector<16xi32>,
      tpu.vector_store %arg7[%swap3A_359, %swap3A_360], %select_n3A {strides = array<i32>} : memref<17x128xi32, #tpu.memory_space<vmem>>, vector<16xi32>,
      %mul3A_362 = arith.mulf %gather3A, %gather3A_346 : vector<16xf32>
      %swap3A_363 = arith.constant 4 : i32
      %swap3A_364 = arith.index_cast %swap3A_363 : i32 to index
      %swap3A_365 = arith.index_cast %mul3A_338 : i32 to index
      %swap3A_366 = tpu.vector_load %arg8[%swap3A_364, %swap3A_365] {strides = array<i32>} : memref<17x128xf32, #tpu.memory_space<vmem>>, vector<16xf32>,
      tpu.vector_store %arg8[%swap3A_364, %swap3A_365], %mul3A_362 {strides = array<i32>} : memref<17x128xf32, #tpu.memory_space<vmem>>, vector<16xf32>,
    }
    %scan3A_223 = arith.constant 8 : i32
    %run_scoped3A_224 = arith.constant 4 : i32
    %run_scoped3A_225 = arith.constant 4 : i32
    "tpu.region"() ({
      %run_scoped3A_336 = tpu.sem_alloc : memref<!tpu.dma_semaphore, #tpu.memory_space<semaphore_mem>>
      %dma_start3A = arith.constant 0 : i32
      %dma_start3A_337 = tpu.memref_slice %arg8[%run_scoped3A_224, %dma_start3A] : memref<17x128xf32, #tpu.memory_space<vmem>> -> memref<1x128xf32, #tpu.memory_space<vmem>>
      %dma_start3A_338 = tpu.memref_squeeze %dma_start3A_337 : memref<1x128xf32, #tpu.memory_space<vmem>> -> memref<128xf32, #tpu.memory_space<vmem>>
      %dma_start3A_339 = arith.constant 0 : i32
      %dma_start3A_340 = tpu.memref_slice %arg7[%run_scoped3A_225, %dma_start3A_339] : memref<17x128xi32, #tpu.memory_space<vmem>> -> memref<1x128xi32, #tpu.memory_space<vmem>>
      %dma_start3A_341 = tpu.memref_squeeze %dma_start3A_340 : memref<1x128xi32, #tpu.memory_space<vmem>> -> memref<128xi32, #tpu.memory_space<vmem>>
      %dma_start3A_342 = arith.constant 0 : i32
      %dma_start3A_343 = tpu.memref_slice %arg11[%dma_start3A_342] : memref<525312xf32, #tpu.memory_space<vmem_shared>> -> memref<525312xf32, #tpu.memory_space<vmem_shared>>
      tpu.enqueue_indirect_dma source(%dma_start3A_338 : memref<128xf32, #tpu.memory_space<vmem>>) target(%dma_start3A_343 : memref<525312xf32, #tpu.memory_space<vmem_shared>>) offsets(%dma_start3A_341 : memref<128xi32, #tpu.memory_space<vmem>>) semaphore(%run_scoped3A_336 : memref<!tpu.dma_semaphore, #tpu.memory_space<semaphore_mem>>) {add = true}
      %dma_wait3A = arith.constant 0 : i32
      %dma_wait3A_344 = tpu.memref_slice %arg8[%run_scoped3A_224, %dma_wait3A] : memref<17x128xf32, #tpu.memory_space<vmem>> -> memref<1x128xf32, #tpu.memory_space<vmem>>
      %dma_wait3A_345 = tpu.memref_squeeze %dma_wait3A_344 : memref<1x128xf32, #tpu.memory_space<vmem>> -> memref<128xf32, #tpu.memory_space<vmem>>
      %dma_wait3A_346 = arith.constant 0 : i32
      %dma_wait3A_347 = tpu.memref_slice %arg7[%run_scoped3A_225, %dma_wait3A_346] : memref<17x128xi32, #tpu.memory_space<vmem>> -> memref<1x128xi32, #tpu.memory_space<vmem>>
      %dma_wait3A_348 = tpu.memref_squeeze %dma_wait3A_347 : memref<1x128xi32, #tpu.memory_space<vmem>> -> memref<128xi32, #tpu.memory_space<vmem>>
      %dma_wait3A_349 = arith.constant 0 : i32
      %dma_wait3A_350 = tpu.memref_slice %arg11[%dma_wait3A_349] : memref<525312xf32, #tpu.memory_space<vmem_shared>> -> memref<525312xf32, #tpu.memory_space<vmem_shared>>
      tpu.wait_indirect_dma semaphore(%run_scoped3A_336 : memref<!tpu.dma_semaphore, #tpu.memory_space<semaphore_mem>>) src(%dma_wait3A_345 : memref<128xf32, #tpu.memory_space<vmem>>) dst(%dma_wait3A_350 : memref<525312xf32, #tpu.memory_space<vmem_shared>>)
      tpu.yield
    }) : () -> ()
    %scan3A_226 = arith.constant 0 : i32
    %scan3A_227 = arith.constant 0 : i32
    %scan3A_228 = arith.constant 8 : i32
    %scan3A_229 = arith.addi %scan3A_227, %scan3A_228 : i32
    %scan3A_230 = arith.constant 1 : i32
    scf.for %scan3A_336 = %scan3A_227 to %scan3A_229 step %scan3A_230  : i32 {
      %mul3A_337 = arith.constant 16 : i32
      %mul3A_338 = arith.muli %scan3A_336, %mul3A_337 : i32
      %mul3A_339 = arith.constant 16 : i32
      %mul3A_340 = arith.muli %scan3A_336, %mul3A_339 : i32
      %add3A_341 = arith.constant 640 : i32
      %add3A_342 = arith.addi %add3A_341, %mul3A_340 : i32
      %get3A = arith.index_cast %add3A_342 : i32 to index
      %get3A_343 = tpu.vector_load %arg4[%get3A] {strides = array<i32>} : memref<2048xi32, #tpu.memory_space<vmem>>, vector<16xi32>,
      %get3A_344 = arith.index_cast %add3A_342 : i32 to index
      %get3A_345 = tpu.vector_load %arg5[%get3A_344] {strides = array<i32>} : memref<2048xi32, #tpu.memory_space<vmem>>, vector<16xi32>,
      %gather3A = tpu.vector_load_idx %arg6[%get3A_343] : memref<1024xf32, #tpu.memory_space<vmem>>[vector<16xi32>], vector<16xf32>,
      %gather3A_346 = tpu.vector_load_idx %arg6[%get3A_345] : memref<1024xf32, #tpu.memory_space<vmem>>[vector<16xi32>], vector<16xf32>,
      %sub3A = vector.broadcast %mul3A_4 : i32 to vector<16xi32>
      %sub3A_347 = arith.subi %get3A_345, %sub3A : vector<16xi32>
      %ge3A = arith.constant 0 : i32
      %ge3A_348 = vector.broadcast %ge3A : i32 to vector<16xi32>
      %ge3A_349 = arith.cmpi sge, %sub3A_347, %ge3A_348 : vector<16xi32>
      %lt3A = arith.constant 512 : i32
      %lt3A_350 = vector.broadcast %lt3A : i32 to vector<16xi32>
      %lt3A_351 = arith.cmpi slt, %sub3A_347, %lt3A_350 : vector<16xi32>
      %and3A = arith.andi %ge3A_349, %lt3A_351 : vector<16xi1>
      %mul3A_352 = arith.constant 1024 : i32
      %mul3A_353 = vector.broadcast %mul3A_352 : i32 to vector<16xi32>
      %mul3A_354 = arith.muli %sub3A_347, %mul3A_353 : vector<16xi32>
      %add3A_355 = arith.addi %mul3A_354, %get3A_343 : vector<16xi32>
      %add3A_356 = arith.constant 524288 : i32
      %add3A_357 = vector.broadcast %add3A_356 : i32 to vector<16xi32>
      %add3A_358 = arith.addi %add3A_357, %get3A_343 : vector<16xi32>
      %select_n3A = arith.select %and3A, %add3A_355, %add3A_358 : vector<16xi1>, vector<16xi32>
      %swap3A = arith.constant 5 : i32
      %swap3A_359 = arith.index_cast %swap3A : i32 to index
      %swap3A_360 = arith.index_cast %mul3A_338 : i32 to index
      %swap3A_361 = tpu.vector_load %arg7[%swap3A_359, %swap3A_360] {strides = array<i32>} : memref<17x128xi32, #tpu.memory_space<vmem>>, vector<16xi32>,
      tpu.vector_store %arg7[%swap3A_359, %swap3A_360], %select_n3A {strides = array<i32>} : memref<17x128xi32, #tpu.memory_space<vmem>>, vector<16xi32>,
      %mul3A_362 = arith.mulf %gather3A, %gather3A_346 : vector<16xf32>
      %swap3A_363 = arith.constant 5 : i32
      %swap3A_364 = arith.index_cast %swap3A_363 : i32 to index
      %swap3A_365 = arith.index_cast %mul3A_338 : i32 to index
      %swap3A_366 = tpu.vector_load %arg8[%swap3A_364, %swap3A_365] {strides = array<i32>} : memref<17x128xf32, #tpu.memory_space<vmem>>, vector<16xf32>,
      tpu.vector_store %arg8[%swap3A_364, %swap3A_365], %mul3A_362 {strides = array<i32>} : memref<17x128xf32, #tpu.memory_space<vmem>>, vector<16xf32>,
    }
    %scan3A_231 = arith.constant 8 : i32
    %run_scoped3A_232 = arith.constant 5 : i32
    %run_scoped3A_233 = arith.constant 5 : i32
    "tpu.region"() ({
      %run_scoped3A_336 = tpu.sem_alloc : memref<!tpu.dma_semaphore, #tpu.memory_space<semaphore_mem>>
      %dma_start3A = arith.constant 0 : i32
      %dma_start3A_337 = tpu.memref_slice %arg8[%run_scoped3A_232, %dma_start3A] : memref<17x128xf32, #tpu.memory_space<vmem>> -> memref<1x128xf32, #tpu.memory_space<vmem>>
      %dma_start3A_338 = tpu.memref_squeeze %dma_start3A_337 : memref<1x128xf32, #tpu.memory_space<vmem>> -> memref<128xf32, #tpu.memory_space<vmem>>
      %dma_start3A_339 = arith.constant 0 : i32
      %dma_start3A_340 = tpu.memref_slice %arg7[%run_scoped3A_233, %dma_start3A_339] : memref<17x128xi32, #tpu.memory_space<vmem>> -> memref<1x128xi32, #tpu.memory_space<vmem>>
      %dma_start3A_341 = tpu.memref_squeeze %dma_start3A_340 : memref<1x128xi32, #tpu.memory_space<vmem>> -> memref<128xi32, #tpu.memory_space<vmem>>
      %dma_start3A_342 = arith.constant 0 : i32
      %dma_start3A_343 = tpu.memref_slice %arg11[%dma_start3A_342] : memref<525312xf32, #tpu.memory_space<vmem_shared>> -> memref<525312xf32, #tpu.memory_space<vmem_shared>>
      tpu.enqueue_indirect_dma source(%dma_start3A_338 : memref<128xf32, #tpu.memory_space<vmem>>) target(%dma_start3A_343 : memref<525312xf32, #tpu.memory_space<vmem_shared>>) offsets(%dma_start3A_341 : memref<128xi32, #tpu.memory_space<vmem>>) semaphore(%run_scoped3A_336 : memref<!tpu.dma_semaphore, #tpu.memory_space<semaphore_mem>>) {add = true}
      %dma_wait3A = arith.constant 0 : i32
      %dma_wait3A_344 = tpu.memref_slice %arg8[%run_scoped3A_232, %dma_wait3A] : memref<17x128xf32, #tpu.memory_space<vmem>> -> memref<1x128xf32, #tpu.memory_space<vmem>>
      %dma_wait3A_345 = tpu.memref_squeeze %dma_wait3A_344 : memref<1x128xf32, #tpu.memory_space<vmem>> -> memref<128xf32, #tpu.memory_space<vmem>>
      %dma_wait3A_346 = arith.constant 0 : i32
      %dma_wait3A_347 = tpu.memref_slice %arg7[%run_scoped3A_233, %dma_wait3A_346] : memref<17x128xi32, #tpu.memory_space<vmem>> -> memref<1x128xi32, #tpu.memory_space<vmem>>
      %dma_wait3A_348 = tpu.memref_squeeze %dma_wait3A_347 : memref<1x128xi32, #tpu.memory_space<vmem>> -> memref<128xi32, #tpu.memory_space<vmem>>
      %dma_wait3A_349 = arith.constant 0 : i32
      %dma_wait3A_350 = tpu.memref_slice %arg11[%dma_wait3A_349] : memref<525312xf32, #tpu.memory_space<vmem_shared>> -> memref<525312xf32, #tpu.memory_space<vmem_shared>>
      tpu.wait_indirect_dma semaphore(%run_scoped3A_336 : memref<!tpu.dma_semaphore, #tpu.memory_space<semaphore_mem>>) src(%dma_wait3A_345 : memref<128xf32, #tpu.memory_space<vmem>>) dst(%dma_wait3A_350 : memref<525312xf32, #tpu.memory_space<vmem_shared>>)
      tpu.yield
    }) : () -> ()
    %scan3A_234 = arith.constant 0 : i32
    %scan3A_235 = arith.constant 0 : i32
    %scan3A_236 = arith.constant 8 : i32
    %scan3A_237 = arith.addi %scan3A_235, %scan3A_236 : i32
    %scan3A_238 = arith.constant 1 : i32
    scf.for %scan3A_336 = %scan3A_235 to %scan3A_237 step %scan3A_238  : i32 {
      %mul3A_337 = arith.constant 16 : i32
      %mul3A_338 = arith.muli %scan3A_336, %mul3A_337 : i32
      %mul3A_339 = arith.constant 16 : i32
      %mul3A_340 = arith.muli %scan3A_336, %mul3A_339 : i32
      %add3A_341 = arith.constant 768 : i32
      %add3A_342 = arith.addi %add3A_341, %mul3A_340 : i32
      %get3A = arith.index_cast %add3A_342 : i32 to index
      %get3A_343 = tpu.vector_load %arg4[%get3A] {strides = array<i32>} : memref<2048xi32, #tpu.memory_space<vmem>>, vector<16xi32>,
      %get3A_344 = arith.index_cast %add3A_342 : i32 to index
      %get3A_345 = tpu.vector_load %arg5[%get3A_344] {strides = array<i32>} : memref<2048xi32, #tpu.memory_space<vmem>>, vector<16xi32>,
      %gather3A = tpu.vector_load_idx %arg6[%get3A_343] : memref<1024xf32, #tpu.memory_space<vmem>>[vector<16xi32>], vector<16xf32>,
      %gather3A_346 = tpu.vector_load_idx %arg6[%get3A_345] : memref<1024xf32, #tpu.memory_space<vmem>>[vector<16xi32>], vector<16xf32>,
      %sub3A = vector.broadcast %mul3A_4 : i32 to vector<16xi32>
      %sub3A_347 = arith.subi %get3A_345, %sub3A : vector<16xi32>
      %ge3A = arith.constant 0 : i32
      %ge3A_348 = vector.broadcast %ge3A : i32 to vector<16xi32>
      %ge3A_349 = arith.cmpi sge, %sub3A_347, %ge3A_348 : vector<16xi32>
      %lt3A = arith.constant 512 : i32
      %lt3A_350 = vector.broadcast %lt3A : i32 to vector<16xi32>
      %lt3A_351 = arith.cmpi slt, %sub3A_347, %lt3A_350 : vector<16xi32>
      %and3A = arith.andi %ge3A_349, %lt3A_351 : vector<16xi1>
      %mul3A_352 = arith.constant 1024 : i32
      %mul3A_353 = vector.broadcast %mul3A_352 : i32 to vector<16xi32>
      %mul3A_354 = arith.muli %sub3A_347, %mul3A_353 : vector<16xi32>
      %add3A_355 = arith.addi %mul3A_354, %get3A_343 : vector<16xi32>
      %add3A_356 = arith.constant 524288 : i32
      %add3A_357 = vector.broadcast %add3A_356 : i32 to vector<16xi32>
      %add3A_358 = arith.addi %add3A_357, %get3A_343 : vector<16xi32>
      %select_n3A = arith.select %and3A, %add3A_355, %add3A_358 : vector<16xi1>, vector<16xi32>
      %swap3A = arith.constant 6 : i32
      %swap3A_359 = arith.index_cast %swap3A : i32 to index
      %swap3A_360 = arith.index_cast %mul3A_338 : i32 to index
      %swap3A_361 = tpu.vector_load %arg7[%swap3A_359, %swap3A_360] {strides = array<i32>} : memref<17x128xi32, #tpu.memory_space<vmem>>, vector<16xi32>,
      tpu.vector_store %arg7[%swap3A_359, %swap3A_360], %select_n3A {strides = array<i32>} : memref<17x128xi32, #tpu.memory_space<vmem>>, vector<16xi32>,
      %mul3A_362 = arith.mulf %gather3A, %gather3A_346 : vector<16xf32>
      %swap3A_363 = arith.constant 6 : i32
      %swap3A_364 = arith.index_cast %swap3A_363 : i32 to index
      %swap3A_365 = arith.index_cast %mul3A_338 : i32 to index
      %swap3A_366 = tpu.vector_load %arg8[%swap3A_364, %swap3A_365] {strides = array<i32>} : memref<17x128xf32, #tpu.memory_space<vmem>>, vector<16xf32>,
      tpu.vector_store %arg8[%swap3A_364, %swap3A_365], %mul3A_362 {strides = array<i32>} : memref<17x128xf32, #tpu.memory_space<vmem>>, vector<16xf32>,
    }
    %scan3A_239 = arith.constant 8 : i32
    %run_scoped3A_240 = arith.constant 6 : i32
    %run_scoped3A_241 = arith.constant 6 : i32
    "tpu.region"() ({
      %run_scoped3A_336 = tpu.sem_alloc : memref<!tpu.dma_semaphore, #tpu.memory_space<semaphore_mem>>
      %dma_start3A = arith.constant 0 : i32
      %dma_start3A_337 = tpu.memref_slice %arg8[%run_scoped3A_240, %dma_start3A] : memref<17x128xf32, #tpu.memory_space<vmem>> -> memref<1x128xf32, #tpu.memory_space<vmem>>
      %dma_start3A_338 = tpu.memref_squeeze %dma_start3A_337 : memref<1x128xf32, #tpu.memory_space<vmem>> -> memref<128xf32, #tpu.memory_space<vmem>>
      %dma_start3A_339 = arith.constant 0 : i32
      %dma_start3A_340 = tpu.memref_slice %arg7[%run_scoped3A_241, %dma_start3A_339] : memref<17x128xi32, #tpu.memory_space<vmem>> -> memref<1x128xi32, #tpu.memory_space<vmem>>
      %dma_start3A_341 = tpu.memref_squeeze %dma_start3A_340 : memref<1x128xi32, #tpu.memory_space<vmem>> -> memref<128xi32, #tpu.memory_space<vmem>>
      %dma_start3A_342 = arith.constant 0 : i32
      %dma_start3A_343 = tpu.memref_slice %arg11[%dma_start3A_342] : memref<525312xf32, #tpu.memory_space<vmem_shared>> -> memref<525312xf32, #tpu.memory_space<vmem_shared>>
      tpu.enqueue_indirect_dma source(%dma_start3A_338 : memref<128xf32, #tpu.memory_space<vmem>>) target(%dma_start3A_343 : memref<525312xf32, #tpu.memory_space<vmem_shared>>) offsets(%dma_start3A_341 : memref<128xi32, #tpu.memory_space<vmem>>) semaphore(%run_scoped3A_336 : memref<!tpu.dma_semaphore, #tpu.memory_space<semaphore_mem>>) {add = true}
      %dma_wait3A = arith.constant 0 : i32
      %dma_wait3A_344 = tpu.memref_slice %arg8[%run_scoped3A_240, %dma_wait3A] : memref<17x128xf32, #tpu.memory_space<vmem>> -> memref<1x128xf32, #tpu.memory_space<vmem>>
      %dma_wait3A_345 = tpu.memref_squeeze %dma_wait3A_344 : memref<1x128xf32, #tpu.memory_space<vmem>> -> memref<128xf32, #tpu.memory_space<vmem>>
      %dma_wait3A_346 = arith.constant 0 : i32
      %dma_wait3A_347 = tpu.memref_slice %arg7[%run_scoped3A_241, %dma_wait3A_346] : memref<17x128xi32, #tpu.memory_space<vmem>> -> memref<1x128xi32, #tpu.memory_space<vmem>>
      %dma_wait3A_348 = tpu.memref_squeeze %dma_wait3A_347 : memref<1x128xi32, #tpu.memory_space<vmem>> -> memref<128xi32, #tpu.memory_space<vmem>>
      %dma_wait3A_349 = arith.constant 0 : i32
      %dma_wait3A_350 = tpu.memref_slice %arg11[%dma_wait3A_349] : memref<525312xf32, #tpu.memory_space<vmem_shared>> -> memref<525312xf32, #tpu.memory_space<vmem_shared>>
      tpu.wait_indirect_dma semaphore(%run_scoped3A_336 : memref<!tpu.dma_semaphore, #tpu.memory_space<semaphore_mem>>) src(%dma_wait3A_345 : memref<128xf32, #tpu.memory_space<vmem>>) dst(%dma_wait3A_350 : memref<525312xf32, #tpu.memory_space<vmem_shared>>)
      tpu.yield
    }) : () -> ()
    %scan3A_242 = arith.constant 0 : i32
    %scan3A_243 = arith.constant 0 : i32
    %scan3A_244 = arith.constant 8 : i32
    %scan3A_245 = arith.addi %scan3A_243, %scan3A_244 : i32
    %scan3A_246 = arith.constant 1 : i32
    scf.for %scan3A_336 = %scan3A_243 to %scan3A_245 step %scan3A_246  : i32 {
      %mul3A_337 = arith.constant 16 : i32
      %mul3A_338 = arith.muli %scan3A_336, %mul3A_337 : i32
      %mul3A_339 = arith.constant 16 : i32
      %mul3A_340 = arith.muli %scan3A_336, %mul3A_339 : i32
      %add3A_341 = arith.constant 896 : i32
      %add3A_342 = arith.addi %add3A_341, %mul3A_340 : i32
      %get3A = arith.index_cast %add3A_342 : i32 to index
      %get3A_343 = tpu.vector_load %arg4[%get3A] {strides = array<i32>} : memref<2048xi32, #tpu.memory_space<vmem>>, vector<16xi32>,
      %get3A_344 = arith.index_cast %add3A_342 : i32 to index
      %get3A_345 = tpu.vector_load %arg5[%get3A_344] {strides = array<i32>} : memref<2048xi32, #tpu.memory_space<vmem>>, vector<16xi32>,
      %gather3A = tpu.vector_load_idx %arg6[%get3A_343] : memref<1024xf32, #tpu.memory_space<vmem>>[vector<16xi32>], vector<16xf32>,
      %gather3A_346 = tpu.vector_load_idx %arg6[%get3A_345] : memref<1024xf32, #tpu.memory_space<vmem>>[vector<16xi32>], vector<16xf32>,
      %sub3A = vector.broadcast %mul3A_4 : i32 to vector<16xi32>
      %sub3A_347 = arith.subi %get3A_345, %sub3A : vector<16xi32>
      %ge3A = arith.constant 0 : i32
      %ge3A_348 = vector.broadcast %ge3A : i32 to vector<16xi32>
      %ge3A_349 = arith.cmpi sge, %sub3A_347, %ge3A_348 : vector<16xi32>
      %lt3A = arith.constant 512 : i32
      %lt3A_350 = vector.broadcast %lt3A : i32 to vector<16xi32>
      %lt3A_351 = arith.cmpi slt, %sub3A_347, %lt3A_350 : vector<16xi32>
      %and3A = arith.andi %ge3A_349, %lt3A_351 : vector<16xi1>
      %mul3A_352 = arith.constant 1024 : i32
      %mul3A_353 = vector.broadcast %mul3A_352 : i32 to vector<16xi32>
      %mul3A_354 = arith.muli %sub3A_347, %mul3A_353 : vector<16xi32>
      %add3A_355 = arith.addi %mul3A_354, %get3A_343 : vector<16xi32>
      %add3A_356 = arith.constant 524288 : i32
      %add3A_357 = vector.broadcast %add3A_356 : i32 to vector<16xi32>
      %add3A_358 = arith.addi %add3A_357, %get3A_343 : vector<16xi32>
      %select_n3A = arith.select %and3A, %add3A_355, %add3A_358 : vector<16xi1>, vector<16xi32>
      %swap3A = arith.constant 7 : i32
      %swap3A_359 = arith.index_cast %swap3A : i32 to index
      %swap3A_360 = arith.index_cast %mul3A_338 : i32 to index
      %swap3A_361 = tpu.vector_load %arg7[%swap3A_359, %swap3A_360] {strides = array<i32>} : memref<17x128xi32, #tpu.memory_space<vmem>>, vector<16xi32>,
      tpu.vector_store %arg7[%swap3A_359, %swap3A_360], %select_n3A {strides = array<i32>} : memref<17x128xi32, #tpu.memory_space<vmem>>, vector<16xi32>,
      %mul3A_362 = arith.mulf %gather3A, %gather3A_346 : vector<16xf32>
      %swap3A_363 = arith.constant 7 : i32
      %swap3A_364 = arith.index_cast %swap3A_363 : i32 to index
      %swap3A_365 = arith.index_cast %mul3A_338 : i32 to index
      %swap3A_366 = tpu.vector_load %arg8[%swap3A_364, %swap3A_365] {strides = array<i32>} : memref<17x128xf32, #tpu.memory_space<vmem>>, vector<16xf32>,
      tpu.vector_store %arg8[%swap3A_364, %swap3A_365], %mul3A_362 {strides = array<i32>} : memref<17x128xf32, #tpu.memory_space<vmem>>, vector<16xf32>,
    }
    %scan3A_247 = arith.constant 8 : i32
    %run_scoped3A_248 = arith.constant 7 : i32
    %run_scoped3A_249 = arith.constant 7 : i32
    "tpu.region"() ({
      %run_scoped3A_336 = tpu.sem_alloc : memref<!tpu.dma_semaphore, #tpu.memory_space<semaphore_mem>>
      %dma_start3A = arith.constant 0 : i32
      %dma_start3A_337 = tpu.memref_slice %arg8[%run_scoped3A_248, %dma_start3A] : memref<17x128xf32, #tpu.memory_space<vmem>> -> memref<1x128xf32, #tpu.memory_space<vmem>>
      %dma_start3A_338 = tpu.memref_squeeze %dma_start3A_337 : memref<1x128xf32, #tpu.memory_space<vmem>> -> memref<128xf32, #tpu.memory_space<vmem>>
      %dma_start3A_339 = arith.constant 0 : i32
      %dma_start3A_340 = tpu.memref_slice %arg7[%run_scoped3A_249, %dma_start3A_339] : memref<17x128xi32, #tpu.memory_space<vmem>> -> memref<1x128xi32, #tpu.memory_space<vmem>>
      %dma_start3A_341 = tpu.memref_squeeze %dma_start3A_340 : memref<1x128xi32, #tpu.memory_space<vmem>> -> memref<128xi32, #tpu.memory_space<vmem>>
      %dma_start3A_342 = arith.constant 0 : i32
      %dma_start3A_343 = tpu.memref_slice %arg11[%dma_start3A_342] : memref<525312xf32, #tpu.memory_space<vmem_shared>> -> memref<525312xf32, #tpu.memory_space<vmem_shared>>
      tpu.enqueue_indirect_dma source(%dma_start3A_338 : memref<128xf32, #tpu.memory_space<vmem>>) target(%dma_start3A_343 : memref<525312xf32, #tpu.memory_space<vmem_shared>>) offsets(%dma_start3A_341 : memref<128xi32, #tpu.memory_space<vmem>>) semaphore(%run_scoped3A_336 : memref<!tpu.dma_semaphore, #tpu.memory_space<semaphore_mem>>) {add = true}
      %dma_wait3A = arith.constant 0 : i32
      %dma_wait3A_344 = tpu.memref_slice %arg8[%run_scoped3A_248, %dma_wait3A] : memref<17x128xf32, #tpu.memory_space<vmem>> -> memref<1x128xf32, #tpu.memory_space<vmem>>
      %dma_wait3A_345 = tpu.memref_squeeze %dma_wait3A_344 : memref<1x128xf32, #tpu.memory_space<vmem>> -> memref<128xf32, #tpu.memory_space<vmem>>
      %dma_wait3A_346 = arith.constant 0 : i32
      %dma_wait3A_347 = tpu.memref_slice %arg7[%run_scoped3A_249, %dma_wait3A_346] : memref<17x128xi32, #tpu.memory_space<vmem>> -> memref<1x128xi32, #tpu.memory_space<vmem>>
      %dma_wait3A_348 = tpu.memref_squeeze %dma_wait3A_347 : memref<1x128xi32, #tpu.memory_space<vmem>> -> memref<128xi32, #tpu.memory_space<vmem>>
      %dma_wait3A_349 = arith.constant 0 : i32
      %dma_wait3A_350 = tpu.memref_slice %arg11[%dma_wait3A_349] : memref<525312xf32, #tpu.memory_space<vmem_shared>> -> memref<525312xf32, #tpu.memory_space<vmem_shared>>
      tpu.wait_indirect_dma semaphore(%run_scoped3A_336 : memref<!tpu.dma_semaphore, #tpu.memory_space<semaphore_mem>>) src(%dma_wait3A_345 : memref<128xf32, #tpu.memory_space<vmem>>) dst(%dma_wait3A_350 : memref<525312xf32, #tpu.memory_space<vmem_shared>>)
      tpu.yield
    }) : () -> ()
    %scan3A_250 = arith.constant 0 : i32
    %scan3A_251 = arith.constant 0 : i32
    %scan3A_252 = arith.constant 8 : i32
    %scan3A_253 = arith.addi %scan3A_251, %scan3A_252 : i32
    %scan3A_254 = arith.constant 1 : i32
    scf.for %scan3A_336 = %scan3A_251 to %scan3A_253 step %scan3A_254  : i32 {
      %mul3A_337 = arith.constant 16 : i32
      %mul3A_338 = arith.muli %scan3A_336, %mul3A_337 : i32
      %mul3A_339 = arith.constant 16 : i32
      %mul3A_340 = arith.muli %scan3A_336, %mul3A_339 : i32
      %add3A_341 = arith.constant 1024 : i32
      %add3A_342 = arith.addi %add3A_341, %mul3A_340 : i32
      %get3A = arith.index_cast %add3A_342 : i32 to index
      %get3A_343 = tpu.vector_load %arg4[%get3A] {strides = array<i32>} : memref<2048xi32, #tpu.memory_space<vmem>>, vector<16xi32>,
      %get3A_344 = arith.index_cast %add3A_342 : i32 to index
      %get3A_345 = tpu.vector_load %arg5[%get3A_344] {strides = array<i32>} : memref<2048xi32, #tpu.memory_space<vmem>>, vector<16xi32>,
      %gather3A = tpu.vector_load_idx %arg6[%get3A_343] : memref<1024xf32, #tpu.memory_space<vmem>>[vector<16xi32>], vector<16xf32>,
      %gather3A_346 = tpu.vector_load_idx %arg6[%get3A_345] : memref<1024xf32, #tpu.memory_space<vmem>>[vector<16xi32>], vector<16xf32>,
      %sub3A = vector.broadcast %mul3A_4 : i32 to vector<16xi32>
      %sub3A_347 = arith.subi %get3A_345, %sub3A : vector<16xi32>
      %ge3A = arith.constant 0 : i32
      %ge3A_348 = vector.broadcast %ge3A : i32 to vector<16xi32>
      %ge3A_349 = arith.cmpi sge, %sub3A_347, %ge3A_348 : vector<16xi32>
      %lt3A = arith.constant 512 : i32
      %lt3A_350 = vector.broadcast %lt3A : i32 to vector<16xi32>
      %lt3A_351 = arith.cmpi slt, %sub3A_347, %lt3A_350 : vector<16xi32>
      %and3A = arith.andi %ge3A_349, %lt3A_351 : vector<16xi1>
      %mul3A_352 = arith.constant 1024 : i32
      %mul3A_353 = vector.broadcast %mul3A_352 : i32 to vector<16xi32>
      %mul3A_354 = arith.muli %sub3A_347, %mul3A_353 : vector<16xi32>
      %add3A_355 = arith.addi %mul3A_354, %get3A_343 : vector<16xi32>
      %add3A_356 = arith.constant 524288 : i32
      %add3A_357 = vector.broadcast %add3A_356 : i32 to vector<16xi32>
      %add3A_358 = arith.addi %add3A_357, %get3A_343 : vector<16xi32>
      %select_n3A = arith.select %and3A, %add3A_355, %add3A_358 : vector<16xi1>, vector<16xi32>
      %swap3A = arith.constant 8 : i32
      %swap3A_359 = arith.index_cast %swap3A : i32 to index
      %swap3A_360 = arith.index_cast %mul3A_338 : i32 to index
      %swap3A_361 = tpu.vector_load %arg7[%swap3A_359, %swap3A_360] {strides = array<i32>} : memref<17x128xi32, #tpu.memory_space<vmem>>, vector<16xi32>,
      tpu.vector_store %arg7[%swap3A_359, %swap3A_360], %select_n3A {strides = array<i32>} : memref<17x128xi32, #tpu.memory_space<vmem>>, vector<16xi32>,
      %mul3A_362 = arith.mulf %gather3A, %gather3A_346 : vector<16xf32>
      %swap3A_363 = arith.constant 8 : i32
      %swap3A_364 = arith.index_cast %swap3A_363 : i32 to index
      %swap3A_365 = arith.index_cast %mul3A_338 : i32 to index
      %swap3A_366 = tpu.vector_load %arg8[%swap3A_364, %swap3A_365] {strides = array<i32>} : memref<17x128xf32, #tpu.memory_space<vmem>>, vector<16xf32>,
      tpu.vector_store %arg8[%swap3A_364, %swap3A_365], %mul3A_362 {strides = array<i32>} : memref<17x128xf32, #tpu.memory_space<vmem>>, vector<16xf32>,
    }
    %scan3A_255 = arith.constant 8 : i32
    %run_scoped3A_256 = arith.constant 8 : i32
    %run_scoped3A_257 = arith.constant 8 : i32
    "tpu.region"() ({
      %run_scoped3A_336 = tpu.sem_alloc : memref<!tpu.dma_semaphore, #tpu.memory_space<semaphore_mem>>
      %dma_start3A = arith.constant 0 : i32
      %dma_start3A_337 = tpu.memref_slice %arg8[%run_scoped3A_256, %dma_start3A] : memref<17x128xf32, #tpu.memory_space<vmem>> -> memref<1x128xf32, #tpu.memory_space<vmem>>
      %dma_start3A_338 = tpu.memref_squeeze %dma_start3A_337 : memref<1x128xf32, #tpu.memory_space<vmem>> -> memref<128xf32, #tpu.memory_space<vmem>>
      %dma_start3A_339 = arith.constant 0 : i32
      %dma_start3A_340 = tpu.memref_slice %arg7[%run_scoped3A_257, %dma_start3A_339] : memref<17x128xi32, #tpu.memory_space<vmem>> -> memref<1x128xi32, #tpu.memory_space<vmem>>
      %dma_start3A_341 = tpu.memref_squeeze %dma_start3A_340 : memref<1x128xi32, #tpu.memory_space<vmem>> -> memref<128xi32, #tpu.memory_space<vmem>>
      %dma_start3A_342 = arith.constant 0 : i32
      %dma_start3A_343 = tpu.memref_slice %arg11[%dma_start3A_342] : memref<525312xf32, #tpu.memory_space<vmem_shared>> -> memref<525312xf32, #tpu.memory_space<vmem_shared>>
      tpu.enqueue_indirect_dma source(%dma_start3A_338 : memref<128xf32, #tpu.memory_space<vmem>>) target(%dma_start3A_343 : memref<525312xf32, #tpu.memory_space<vmem_shared>>) offsets(%dma_start3A_341 : memref<128xi32, #tpu.memory_space<vmem>>) semaphore(%run_scoped3A_336 : memref<!tpu.dma_semaphore, #tpu.memory_space<semaphore_mem>>) {add = true}
      %dma_wait3A = arith.constant 0 : i32
      %dma_wait3A_344 = tpu.memref_slice %arg8[%run_scoped3A_256, %dma_wait3A] : memref<17x128xf32, #tpu.memory_space<vmem>> -> memref<1x128xf32, #tpu.memory_space<vmem>>
      %dma_wait3A_345 = tpu.memref_squeeze %dma_wait3A_344 : memref<1x128xf32, #tpu.memory_space<vmem>> -> memref<128xf32, #tpu.memory_space<vmem>>
      %dma_wait3A_346 = arith.constant 0 : i32
      %dma_wait3A_347 = tpu.memref_slice %arg7[%run_scoped3A_257, %dma_wait3A_346] : memref<17x128xi32, #tpu.memory_space<vmem>> -> memref<1x128xi32, #tpu.memory_space<vmem>>
      %dma_wait3A_348 = tpu.memref_squeeze %dma_wait3A_347 : memref<1x128xi32, #tpu.memory_space<vmem>> -> memref<128xi32, #tpu.memory_space<vmem>>
      %dma_wait3A_349 = arith.constant 0 : i32
      %dma_wait3A_350 = tpu.memref_slice %arg11[%dma_wait3A_349] : memref<525312xf32, #tpu.memory_space<vmem_shared>> -> memref<525312xf32, #tpu.memory_space<vmem_shared>>
      tpu.wait_indirect_dma semaphore(%run_scoped3A_336 : memref<!tpu.dma_semaphore, #tpu.memory_space<semaphore_mem>>) src(%dma_wait3A_345 : memref<128xf32, #tpu.memory_space<vmem>>) dst(%dma_wait3A_350 : memref<525312xf32, #tpu.memory_space<vmem_shared>>)
      tpu.yield
    }) : () -> ()
    %scan3A_258 = arith.constant 0 : i32
    %scan3A_259 = arith.constant 0 : i32
    %scan3A_260 = arith.constant 8 : i32
    %scan3A_261 = arith.addi %scan3A_259, %scan3A_260 : i32
    %scan3A_262 = arith.constant 1 : i32
    scf.for %scan3A_336 = %scan3A_259 to %scan3A_261 step %scan3A_262  : i32 {
      %mul3A_337 = arith.constant 16 : i32
      %mul3A_338 = arith.muli %scan3A_336, %mul3A_337 : i32
      %mul3A_339 = arith.constant 16 : i32
      %mul3A_340 = arith.muli %scan3A_336, %mul3A_339 : i32
      %add3A_341 = arith.constant 1152 : i32
      %add3A_342 = arith.addi %add3A_341, %mul3A_340 : i32
      %get3A = arith.index_cast %add3A_342 : i32 to index
      %get3A_343 = tpu.vector_load %arg4[%get3A] {strides = array<i32>} : memref<2048xi32, #tpu.memory_space<vmem>>, vector<16xi32>,
      %get3A_344 = arith.index_cast %add3A_342 : i32 to index
      %get3A_345 = tpu.vector_load %arg5[%get3A_344] {strides = array<i32>} : memref<2048xi32, #tpu.memory_space<vmem>>, vector<16xi32>,
      %gather3A = tpu.vector_load_idx %arg6[%get3A_343] : memref<1024xf32, #tpu.memory_space<vmem>>[vector<16xi32>], vector<16xf32>,
      %gather3A_346 = tpu.vector_load_idx %arg6[%get3A_345] : memref<1024xf32, #tpu.memory_space<vmem>>[vector<16xi32>], vector<16xf32>,
      %sub3A = vector.broadcast %mul3A_4 : i32 to vector<16xi32>
      %sub3A_347 = arith.subi %get3A_345, %sub3A : vector<16xi32>
      %ge3A = arith.constant 0 : i32
      %ge3A_348 = vector.broadcast %ge3A : i32 to vector<16xi32>
      %ge3A_349 = arith.cmpi sge, %sub3A_347, %ge3A_348 : vector<16xi32>
      %lt3A = arith.constant 512 : i32
      %lt3A_350 = vector.broadcast %lt3A : i32 to vector<16xi32>
      %lt3A_351 = arith.cmpi slt, %sub3A_347, %lt3A_350 : vector<16xi32>
      %and3A = arith.andi %ge3A_349, %lt3A_351 : vector<16xi1>
      %mul3A_352 = arith.constant 1024 : i32
      %mul3A_353 = vector.broadcast %mul3A_352 : i32 to vector<16xi32>
      %mul3A_354 = arith.muli %sub3A_347, %mul3A_353 : vector<16xi32>
      %add3A_355 = arith.addi %mul3A_354, %get3A_343 : vector<16xi32>
      %add3A_356 = arith.constant 524288 : i32
      %add3A_357 = vector.broadcast %add3A_356 : i32 to vector<16xi32>
      %add3A_358 = arith.addi %add3A_357, %get3A_343 : vector<16xi32>
      %select_n3A = arith.select %and3A, %add3A_355, %add3A_358 : vector<16xi1>, vector<16xi32>
      %swap3A = arith.constant 9 : i32
      %swap3A_359 = arith.index_cast %swap3A : i32 to index
      %swap3A_360 = arith.index_cast %mul3A_338 : i32 to index
      %swap3A_361 = tpu.vector_load %arg7[%swap3A_359, %swap3A_360] {strides = array<i32>} : memref<17x128xi32, #tpu.memory_space<vmem>>, vector<16xi32>,
      tpu.vector_store %arg7[%swap3A_359, %swap3A_360], %select_n3A {strides = array<i32>} : memref<17x128xi32, #tpu.memory_space<vmem>>, vector<16xi32>,
      %mul3A_362 = arith.mulf %gather3A, %gather3A_346 : vector<16xf32>
      %swap3A_363 = arith.constant 9 : i32
      %swap3A_364 = arith.index_cast %swap3A_363 : i32 to index
      %swap3A_365 = arith.index_cast %mul3A_338 : i32 to index
      %swap3A_366 = tpu.vector_load %arg8[%swap3A_364, %swap3A_365] {strides = array<i32>} : memref<17x128xf32, #tpu.memory_space<vmem>>, vector<16xf32>,
      tpu.vector_store %arg8[%swap3A_364, %swap3A_365], %mul3A_362 {strides = array<i32>} : memref<17x128xf32, #tpu.memory_space<vmem>>, vector<16xf32>,
    }
    %scan3A_263 = arith.constant 8 : i32
    %run_scoped3A_264 = arith.constant 9 : i32
    %run_scoped3A_265 = arith.constant 9 : i32
    "tpu.region"() ({
      %run_scoped3A_336 = tpu.sem_alloc : memref<!tpu.dma_semaphore, #tpu.memory_space<semaphore_mem>>
      %dma_start3A = arith.constant 0 : i32
      %dma_start3A_337 = tpu.memref_slice %arg8[%run_scoped3A_264, %dma_start3A] : memref<17x128xf32, #tpu.memory_space<vmem>> -> memref<1x128xf32, #tpu.memory_space<vmem>>
      %dma_start3A_338 = tpu.memref_squeeze %dma_start3A_337 : memref<1x128xf32, #tpu.memory_space<vmem>> -> memref<128xf32, #tpu.memory_space<vmem>>
      %dma_start3A_339 = arith.constant 0 : i32
      %dma_start3A_340 = tpu.memref_slice %arg7[%run_scoped3A_265, %dma_start3A_339] : memref<17x128xi32, #tpu.memory_space<vmem>> -> memref<1x128xi32, #tpu.memory_space<vmem>>
      %dma_start3A_341 = tpu.memref_squeeze %dma_start3A_340 : memref<1x128xi32, #tpu.memory_space<vmem>> -> memref<128xi32, #tpu.memory_space<vmem>>
      %dma_start3A_342 = arith.constant 0 : i32
      %dma_start3A_343 = tpu.memref_slice %arg11[%dma_start3A_342] : memref<525312xf32, #tpu.memory_space<vmem_shared>> -> memref<525312xf32, #tpu.memory_space<vmem_shared>>
      tpu.enqueue_indirect_dma source(%dma_start3A_338 : memref<128xf32, #tpu.memory_space<vmem>>) target(%dma_start3A_343 : memref<525312xf32, #tpu.memory_space<vmem_shared>>) offsets(%dma_start3A_341 : memref<128xi32, #tpu.memory_space<vmem>>) semaphore(%run_scoped3A_336 : memref<!tpu.dma_semaphore, #tpu.memory_space<semaphore_mem>>) {add = true}
      %dma_wait3A = arith.constant 0 : i32
      %dma_wait3A_344 = tpu.memref_slice %arg8[%run_scoped3A_264, %dma_wait3A] : memref<17x128xf32, #tpu.memory_space<vmem>> -> memref<1x128xf32, #tpu.memory_space<vmem>>
      %dma_wait3A_345 = tpu.memref_squeeze %dma_wait3A_344 : memref<1x128xf32, #tpu.memory_space<vmem>> -> memref<128xf32, #tpu.memory_space<vmem>>
      %dma_wait3A_346 = arith.constant 0 : i32
      %dma_wait3A_347 = tpu.memref_slice %arg7[%run_scoped3A_265, %dma_wait3A_346] : memref<17x128xi32, #tpu.memory_space<vmem>> -> memref<1x128xi32, #tpu.memory_space<vmem>>
      %dma_wait3A_348 = tpu.memref_squeeze %dma_wait3A_347 : memref<1x128xi32, #tpu.memory_space<vmem>> -> memref<128xi32, #tpu.memory_space<vmem>>
      %dma_wait3A_349 = arith.constant 0 : i32
      %dma_wait3A_350 = tpu.memref_slice %arg11[%dma_wait3A_349] : memref<525312xf32, #tpu.memory_space<vmem_shared>> -> memref<525312xf32, #tpu.memory_space<vmem_shared>>
      tpu.wait_indirect_dma semaphore(%run_scoped3A_336 : memref<!tpu.dma_semaphore, #tpu.memory_space<semaphore_mem>>) src(%dma_wait3A_345 : memref<128xf32, #tpu.memory_space<vmem>>) dst(%dma_wait3A_350 : memref<525312xf32, #tpu.memory_space<vmem_shared>>)
      tpu.yield
    }) : () -> ()
    %scan3A_266 = arith.constant 0 : i32
    %scan3A_267 = arith.constant 0 : i32
    %scan3A_268 = arith.constant 8 : i32
    %scan3A_269 = arith.addi %scan3A_267, %scan3A_268 : i32
    %scan3A_270 = arith.constant 1 : i32
    scf.for %scan3A_336 = %scan3A_267 to %scan3A_269 step %scan3A_270  : i32 {
      %mul3A_337 = arith.constant 16 : i32
      %mul3A_338 = arith.muli %scan3A_336, %mul3A_337 : i32
      %mul3A_339 = arith.constant 16 : i32
      %mul3A_340 = arith.muli %scan3A_336, %mul3A_339 : i32
      %add3A_341 = arith.constant 1280 : i32
      %add3A_342 = arith.addi %add3A_341, %mul3A_340 : i32
      %get3A = arith.index_cast %add3A_342 : i32 to index
      %get3A_343 = tpu.vector_load %arg4[%get3A] {strides = array<i32>} : memref<2048xi32, #tpu.memory_space<vmem>>, vector<16xi32>,
      %get3A_344 = arith.index_cast %add3A_342 : i32 to index
      %get3A_345 = tpu.vector_load %arg5[%get3A_344] {strides = array<i32>} : memref<2048xi32, #tpu.memory_space<vmem>>, vector<16xi32>,
      %gather3A = tpu.vector_load_idx %arg6[%get3A_343] : memref<1024xf32, #tpu.memory_space<vmem>>[vector<16xi32>], vector<16xf32>,
      %gather3A_346 = tpu.vector_load_idx %arg6[%get3A_345] : memref<1024xf32, #tpu.memory_space<vmem>>[vector<16xi32>], vector<16xf32>,
      %sub3A = vector.broadcast %mul3A_4 : i32 to vector<16xi32>
      %sub3A_347 = arith.subi %get3A_345, %sub3A : vector<16xi32>
      %ge3A = arith.constant 0 : i32
      %ge3A_348 = vector.broadcast %ge3A : i32 to vector<16xi32>
      %ge3A_349 = arith.cmpi sge, %sub3A_347, %ge3A_348 : vector<16xi32>
      %lt3A = arith.constant 512 : i32
      %lt3A_350 = vector.broadcast %lt3A : i32 to vector<16xi32>
      %lt3A_351 = arith.cmpi slt, %sub3A_347, %lt3A_350 : vector<16xi32>
      %and3A = arith.andi %ge3A_349, %lt3A_351 : vector<16xi1>
      %mul3A_352 = arith.constant 1024 : i32
      %mul3A_353 = vector.broadcast %mul3A_352 : i32 to vector<16xi32>
      %mul3A_354 = arith.muli %sub3A_347, %mul3A_353 : vector<16xi32>
      %add3A_355 = arith.addi %mul3A_354, %get3A_343 : vector<16xi32>
      %add3A_356 = arith.constant 524288 : i32
      %add3A_357 = vector.broadcast %add3A_356 : i32 to vector<16xi32>
      %add3A_358 = arith.addi %add3A_357, %get3A_343 : vector<16xi32>
      %select_n3A = arith.select %and3A, %add3A_355, %add3A_358 : vector<16xi1>, vector<16xi32>
      %swap3A = arith.constant 10 : i32
      %swap3A_359 = arith.index_cast %swap3A : i32 to index
      %swap3A_360 = arith.index_cast %mul3A_338 : i32 to index
      %swap3A_361 = tpu.vector_load %arg7[%swap3A_359, %swap3A_360] {strides = array<i32>} : memref<17x128xi32, #tpu.memory_space<vmem>>, vector<16xi32>,
      tpu.vector_store %arg7[%swap3A_359, %swap3A_360], %select_n3A {strides = array<i32>} : memref<17x128xi32, #tpu.memory_space<vmem>>, vector<16xi32>,
      %mul3A_362 = arith.mulf %gather3A, %gather3A_346 : vector<16xf32>
      %swap3A_363 = arith.constant 10 : i32
      %swap3A_364 = arith.index_cast %swap3A_363 : i32 to index
      %swap3A_365 = arith.index_cast %mul3A_338 : i32 to index
      %swap3A_366 = tpu.vector_load %arg8[%swap3A_364, %swap3A_365] {strides = array<i32>} : memref<17x128xf32, #tpu.memory_space<vmem>>, vector<16xf32>,
      tpu.vector_store %arg8[%swap3A_364, %swap3A_365], %mul3A_362 {strides = array<i32>} : memref<17x128xf32, #tpu.memory_space<vmem>>, vector<16xf32>,
    }
    %scan3A_271 = arith.constant 8 : i32
    %run_scoped3A_272 = arith.constant 10 : i32
    %run_scoped3A_273 = arith.constant 10 : i32
    "tpu.region"() ({
      %run_scoped3A_336 = tpu.sem_alloc : memref<!tpu.dma_semaphore, #tpu.memory_space<semaphore_mem>>
      %dma_start3A = arith.constant 0 : i32
      %dma_start3A_337 = tpu.memref_slice %arg8[%run_scoped3A_272, %dma_start3A] : memref<17x128xf32, #tpu.memory_space<vmem>> -> memref<1x128xf32, #tpu.memory_space<vmem>>
      %dma_start3A_338 = tpu.memref_squeeze %dma_start3A_337 : memref<1x128xf32, #tpu.memory_space<vmem>> -> memref<128xf32, #tpu.memory_space<vmem>>
      %dma_start3A_339 = arith.constant 0 : i32
      %dma_start3A_340 = tpu.memref_slice %arg7[%run_scoped3A_273, %dma_start3A_339] : memref<17x128xi32, #tpu.memory_space<vmem>> -> memref<1x128xi32, #tpu.memory_space<vmem>>
      %dma_start3A_341 = tpu.memref_squeeze %dma_start3A_340 : memref<1x128xi32, #tpu.memory_space<vmem>> -> memref<128xi32, #tpu.memory_space<vmem>>
      %dma_start3A_342 = arith.constant 0 : i32
      %dma_start3A_343 = tpu.memref_slice %arg11[%dma_start3A_342] : memref<525312xf32, #tpu.memory_space<vmem_shared>> -> memref<525312xf32, #tpu.memory_space<vmem_shared>>
      tpu.enqueue_indirect_dma source(%dma_start3A_338 : memref<128xf32, #tpu.memory_space<vmem>>) target(%dma_start3A_343 : memref<525312xf32, #tpu.memory_space<vmem_shared>>) offsets(%dma_start3A_341 : memref<128xi32, #tpu.memory_space<vmem>>) semaphore(%run_scoped3A_336 : memref<!tpu.dma_semaphore, #tpu.memory_space<semaphore_mem>>) {add = true}
      %dma_wait3A = arith.constant 0 : i32
      %dma_wait3A_344 = tpu.memref_slice %arg8[%run_scoped3A_272, %dma_wait3A] : memref<17x128xf32, #tpu.memory_space<vmem>> -> memref<1x128xf32, #tpu.memory_space<vmem>>
      %dma_wait3A_345 = tpu.memref_squeeze %dma_wait3A_344 : memref<1x128xf32, #tpu.memory_space<vmem>> -> memref<128xf32, #tpu.memory_space<vmem>>
      %dma_wait3A_346 = arith.constant 0 : i32
      %dma_wait3A_347 = tpu.memref_slice %arg7[%run_scoped3A_273, %dma_wait3A_346] : memref<17x128xi32, #tpu.memory_space<vmem>> -> memref<1x128xi32, #tpu.memory_space<vmem>>
      %dma_wait3A_348 = tpu.memref_squeeze %dma_wait3A_347 : memref<1x128xi32, #tpu.memory_space<vmem>> -> memref<128xi32, #tpu.memory_space<vmem>>
      %dma_wait3A_349 = arith.constant 0 : i32
      %dma_wait3A_350 = tpu.memref_slice %arg11[%dma_wait3A_349] : memref<525312xf32, #tpu.memory_space<vmem_shared>> -> memref<525312xf32, #tpu.memory_space<vmem_shared>>
      tpu.wait_indirect_dma semaphore(%run_scoped3A_336 : memref<!tpu.dma_semaphore, #tpu.memory_space<semaphore_mem>>) src(%dma_wait3A_345 : memref<128xf32, #tpu.memory_space<vmem>>) dst(%dma_wait3A_350 : memref<525312xf32, #tpu.memory_space<vmem_shared>>)
      tpu.yield
    }) : () -> ()
    %scan3A_274 = arith.constant 0 : i32
    %scan3A_275 = arith.constant 0 : i32
    %scan3A_276 = arith.constant 8 : i32
    %scan3A_277 = arith.addi %scan3A_275, %scan3A_276 : i32
    %scan3A_278 = arith.constant 1 : i32
    scf.for %scan3A_336 = %scan3A_275 to %scan3A_277 step %scan3A_278  : i32 {
      %mul3A_337 = arith.constant 16 : i32
      %mul3A_338 = arith.muli %scan3A_336, %mul3A_337 : i32
      %mul3A_339 = arith.constant 16 : i32
      %mul3A_340 = arith.muli %scan3A_336, %mul3A_339 : i32
      %add3A_341 = arith.constant 1408 : i32
      %add3A_342 = arith.addi %add3A_341, %mul3A_340 : i32
      %get3A = arith.index_cast %add3A_342 : i32 to index
      %get3A_343 = tpu.vector_load %arg4[%get3A] {strides = array<i32>} : memref<2048xi32, #tpu.memory_space<vmem>>, vector<16xi32>,
      %get3A_344 = arith.index_cast %add3A_342 : i32 to index
      %get3A_345 = tpu.vector_load %arg5[%get3A_344] {strides = array<i32>} : memref<2048xi32, #tpu.memory_space<vmem>>, vector<16xi32>,
      %gather3A = tpu.vector_load_idx %arg6[%get3A_343] : memref<1024xf32, #tpu.memory_space<vmem>>[vector<16xi32>], vector<16xf32>,
      %gather3A_346 = tpu.vector_load_idx %arg6[%get3A_345] : memref<1024xf32, #tpu.memory_space<vmem>>[vector<16xi32>], vector<16xf32>,
      %sub3A = vector.broadcast %mul3A_4 : i32 to vector<16xi32>
      %sub3A_347 = arith.subi %get3A_345, %sub3A : vector<16xi32>
      %ge3A = arith.constant 0 : i32
      %ge3A_348 = vector.broadcast %ge3A : i32 to vector<16xi32>
      %ge3A_349 = arith.cmpi sge, %sub3A_347, %ge3A_348 : vector<16xi32>
      %lt3A = arith.constant 512 : i32
      %lt3A_350 = vector.broadcast %lt3A : i32 to vector<16xi32>
      %lt3A_351 = arith.cmpi slt, %sub3A_347, %lt3A_350 : vector<16xi32>
      %and3A = arith.andi %ge3A_349, %lt3A_351 : vector<16xi1>
      %mul3A_352 = arith.constant 1024 : i32
      %mul3A_353 = vector.broadcast %mul3A_352 : i32 to vector<16xi32>
      %mul3A_354 = arith.muli %sub3A_347, %mul3A_353 : vector<16xi32>
      %add3A_355 = arith.addi %mul3A_354, %get3A_343 : vector<16xi32>
      %add3A_356 = arith.constant 524288 : i32
      %add3A_357 = vector.broadcast %add3A_356 : i32 to vector<16xi32>
      %add3A_358 = arith.addi %add3A_357, %get3A_343 : vector<16xi32>
      %select_n3A = arith.select %and3A, %add3A_355, %add3A_358 : vector<16xi1>, vector<16xi32>
      %swap3A = arith.constant 11 : i32
      %swap3A_359 = arith.index_cast %swap3A : i32 to index
      %swap3A_360 = arith.index_cast %mul3A_338 : i32 to index
      %swap3A_361 = tpu.vector_load %arg7[%swap3A_359, %swap3A_360] {strides = array<i32>} : memref<17x128xi32, #tpu.memory_space<vmem>>, vector<16xi32>,
      tpu.vector_store %arg7[%swap3A_359, %swap3A_360], %select_n3A {strides = array<i32>} : memref<17x128xi32, #tpu.memory_space<vmem>>, vector<16xi32>,
      %mul3A_362 = arith.mulf %gather3A, %gather3A_346 : vector<16xf32>
      %swap3A_363 = arith.constant 11 : i32
      %swap3A_364 = arith.index_cast %swap3A_363 : i32 to index
      %swap3A_365 = arith.index_cast %mul3A_338 : i32 to index
      %swap3A_366 = tpu.vector_load %arg8[%swap3A_364, %swap3A_365] {strides = array<i32>} : memref<17x128xf32, #tpu.memory_space<vmem>>, vector<16xf32>,
      tpu.vector_store %arg8[%swap3A_364, %swap3A_365], %mul3A_362 {strides = array<i32>} : memref<17x128xf32, #tpu.memory_space<vmem>>, vector<16xf32>,
    }
    %scan3A_279 = arith.constant 8 : i32
    %run_scoped3A_280 = arith.constant 11 : i32
    %run_scoped3A_281 = arith.constant 11 : i32
    "tpu.region"() ({
      %run_scoped3A_336 = tpu.sem_alloc : memref<!tpu.dma_semaphore, #tpu.memory_space<semaphore_mem>>
      %dma_start3A = arith.constant 0 : i32
      %dma_start3A_337 = tpu.memref_slice %arg8[%run_scoped3A_280, %dma_start3A] : memref<17x128xf32, #tpu.memory_space<vmem>> -> memref<1x128xf32, #tpu.memory_space<vmem>>
      %dma_start3A_338 = tpu.memref_squeeze %dma_start3A_337 : memref<1x128xf32, #tpu.memory_space<vmem>> -> memref<128xf32, #tpu.memory_space<vmem>>
      %dma_start3A_339 = arith.constant 0 : i32
      %dma_start3A_340 = tpu.memref_slice %arg7[%run_scoped3A_281, %dma_start3A_339] : memref<17x128xi32, #tpu.memory_space<vmem>> -> memref<1x128xi32, #tpu.memory_space<vmem>>
      %dma_start3A_341 = tpu.memref_squeeze %dma_start3A_340 : memref<1x128xi32, #tpu.memory_space<vmem>> -> memref<128xi32, #tpu.memory_space<vmem>>
      %dma_start3A_342 = arith.constant 0 : i32
      %dma_start3A_343 = tpu.memref_slice %arg11[%dma_start3A_342] : memref<525312xf32, #tpu.memory_space<vmem_shared>> -> memref<525312xf32, #tpu.memory_space<vmem_shared>>
      tpu.enqueue_indirect_dma source(%dma_start3A_338 : memref<128xf32, #tpu.memory_space<vmem>>) target(%dma_start3A_343 : memref<525312xf32, #tpu.memory_space<vmem_shared>>) offsets(%dma_start3A_341 : memref<128xi32, #tpu.memory_space<vmem>>) semaphore(%run_scoped3A_336 : memref<!tpu.dma_semaphore, #tpu.memory_space<semaphore_mem>>) {add = true}
      %dma_wait3A = arith.constant 0 : i32
      %dma_wait3A_344 = tpu.memref_slice %arg8[%run_scoped3A_280, %dma_wait3A] : memref<17x128xf32, #tpu.memory_space<vmem>> -> memref<1x128xf32, #tpu.memory_space<vmem>>
      %dma_wait3A_345 = tpu.memref_squeeze %dma_wait3A_344 : memref<1x128xf32, #tpu.memory_space<vmem>> -> memref<128xf32, #tpu.memory_space<vmem>>
      %dma_wait3A_346 = arith.constant 0 : i32
      %dma_wait3A_347 = tpu.memref_slice %arg7[%run_scoped3A_281, %dma_wait3A_346] : memref<17x128xi32, #tpu.memory_space<vmem>> -> memref<1x128xi32, #tpu.memory_space<vmem>>
      %dma_wait3A_348 = tpu.memref_squeeze %dma_wait3A_347 : memref<1x128xi32, #tpu.memory_space<vmem>> -> memref<128xi32, #tpu.memory_space<vmem>>
      %dma_wait3A_349 = arith.constant 0 : i32
      %dma_wait3A_350 = tpu.memref_slice %arg11[%dma_wait3A_349] : memref<525312xf32, #tpu.memory_space<vmem_shared>> -> memref<525312xf32, #tpu.memory_space<vmem_shared>>
      tpu.wait_indirect_dma semaphore(%run_scoped3A_336 : memref<!tpu.dma_semaphore, #tpu.memory_space<semaphore_mem>>) src(%dma_wait3A_345 : memref<128xf32, #tpu.memory_space<vmem>>) dst(%dma_wait3A_350 : memref<525312xf32, #tpu.memory_space<vmem_shared>>)
      tpu.yield
    }) : () -> ()
    %scan3A_282 = arith.constant 0 : i32
    %scan3A_283 = arith.constant 0 : i32
    %scan3A_284 = arith.constant 8 : i32
    %scan3A_285 = arith.addi %scan3A_283, %scan3A_284 : i32
    %scan3A_286 = arith.constant 1 : i32
    scf.for %scan3A_336 = %scan3A_283 to %scan3A_285 step %scan3A_286  : i32 {
      %mul3A_337 = arith.constant 16 : i32
      %mul3A_338 = arith.muli %scan3A_336, %mul3A_337 : i32
      %mul3A_339 = arith.constant 16 : i32
      %mul3A_340 = arith.muli %scan3A_336, %mul3A_339 : i32
      %add3A_341 = arith.constant 1536 : i32
      %add3A_342 = arith.addi %add3A_341, %mul3A_340 : i32
      %get3A = arith.index_cast %add3A_342 : i32 to index
      %get3A_343 = tpu.vector_load %arg4[%get3A] {strides = array<i32>} : memref<2048xi32, #tpu.memory_space<vmem>>, vector<16xi32>,
      %get3A_344 = arith.index_cast %add3A_342 : i32 to index
      %get3A_345 = tpu.vector_load %arg5[%get3A_344] {strides = array<i32>} : memref<2048xi32, #tpu.memory_space<vmem>>, vector<16xi32>,
      %gather3A = tpu.vector_load_idx %arg6[%get3A_343] : memref<1024xf32, #tpu.memory_space<vmem>>[vector<16xi32>], vector<16xf32>,
      %gather3A_346 = tpu.vector_load_idx %arg6[%get3A_345] : memref<1024xf32, #tpu.memory_space<vmem>>[vector<16xi32>], vector<16xf32>,
      %sub3A = vector.broadcast %mul3A_4 : i32 to vector<16xi32>
      %sub3A_347 = arith.subi %get3A_345, %sub3A : vector<16xi32>
      %ge3A = arith.constant 0 : i32
      %ge3A_348 = vector.broadcast %ge3A : i32 to vector<16xi32>
      %ge3A_349 = arith.cmpi sge, %sub3A_347, %ge3A_348 : vector<16xi32>
      %lt3A = arith.constant 512 : i32
      %lt3A_350 = vector.broadcast %lt3A : i32 to vector<16xi32>
      %lt3A_351 = arith.cmpi slt, %sub3A_347, %lt3A_350 : vector<16xi32>
      %and3A = arith.andi %ge3A_349, %lt3A_351 : vector<16xi1>
      %mul3A_352 = arith.constant 1024 : i32
      %mul3A_353 = vector.broadcast %mul3A_352 : i32 to vector<16xi32>
      %mul3A_354 = arith.muli %sub3A_347, %mul3A_353 : vector<16xi32>
      %add3A_355 = arith.addi %mul3A_354, %get3A_343 : vector<16xi32>
      %add3A_356 = arith.constant 524288 : i32
      %add3A_357 = vector.broadcast %add3A_356 : i32 to vector<16xi32>
      %add3A_358 = arith.addi %add3A_357, %get3A_343 : vector<16xi32>
      %select_n3A = arith.select %and3A, %add3A_355, %add3A_358 : vector<16xi1>, vector<16xi32>
      %swap3A = arith.constant 12 : i32
      %swap3A_359 = arith.index_cast %swap3A : i32 to index
      %swap3A_360 = arith.index_cast %mul3A_338 : i32 to index
      %swap3A_361 = tpu.vector_load %arg7[%swap3A_359, %swap3A_360] {strides = array<i32>} : memref<17x128xi32, #tpu.memory_space<vmem>>, vector<16xi32>,
      tpu.vector_store %arg7[%swap3A_359, %swap3A_360], %select_n3A {strides = array<i32>} : memref<17x128xi32, #tpu.memory_space<vmem>>, vector<16xi32>,
      %mul3A_362 = arith.mulf %gather3A, %gather3A_346 : vector<16xf32>
      %swap3A_363 = arith.constant 12 : i32
      %swap3A_364 = arith.index_cast %swap3A_363 : i32 to index
      %swap3A_365 = arith.index_cast %mul3A_338 : i32 to index
      %swap3A_366 = tpu.vector_load %arg8[%swap3A_364, %swap3A_365] {strides = array<i32>} : memref<17x128xf32, #tpu.memory_space<vmem>>, vector<16xf32>,
      tpu.vector_store %arg8[%swap3A_364, %swap3A_365], %mul3A_362 {strides = array<i32>} : memref<17x128xf32, #tpu.memory_space<vmem>>, vector<16xf32>,
    }
    %scan3A_287 = arith.constant 8 : i32
    %run_scoped3A_288 = arith.constant 12 : i32
    %run_scoped3A_289 = arith.constant 12 : i32
    "tpu.region"() ({
      %run_scoped3A_336 = tpu.sem_alloc : memref<!tpu.dma_semaphore, #tpu.memory_space<semaphore_mem>>
      %dma_start3A = arith.constant 0 : i32
      %dma_start3A_337 = tpu.memref_slice %arg8[%run_scoped3A_288, %dma_start3A] : memref<17x128xf32, #tpu.memory_space<vmem>> -> memref<1x128xf32, #tpu.memory_space<vmem>>
      %dma_start3A_338 = tpu.memref_squeeze %dma_start3A_337 : memref<1x128xf32, #tpu.memory_space<vmem>> -> memref<128xf32, #tpu.memory_space<vmem>>
      %dma_start3A_339 = arith.constant 0 : i32
      %dma_start3A_340 = tpu.memref_slice %arg7[%run_scoped3A_289, %dma_start3A_339] : memref<17x128xi32, #tpu.memory_space<vmem>> -> memref<1x128xi32, #tpu.memory_space<vmem>>
      %dma_start3A_341 = tpu.memref_squeeze %dma_start3A_340 : memref<1x128xi32, #tpu.memory_space<vmem>> -> memref<128xi32, #tpu.memory_space<vmem>>
      %dma_start3A_342 = arith.constant 0 : i32
      %dma_start3A_343 = tpu.memref_slice %arg11[%dma_start3A_342] : memref<525312xf32, #tpu.memory_space<vmem_shared>> -> memref<525312xf32, #tpu.memory_space<vmem_shared>>
      tpu.enqueue_indirect_dma source(%dma_start3A_338 : memref<128xf32, #tpu.memory_space<vmem>>) target(%dma_start3A_343 : memref<525312xf32, #tpu.memory_space<vmem_shared>>) offsets(%dma_start3A_341 : memref<128xi32, #tpu.memory_space<vmem>>) semaphore(%run_scoped3A_336 : memref<!tpu.dma_semaphore, #tpu.memory_space<semaphore_mem>>) {add = true}
      %dma_wait3A = arith.constant 0 : i32
      %dma_wait3A_344 = tpu.memref_slice %arg8[%run_scoped3A_288, %dma_wait3A] : memref<17x128xf32, #tpu.memory_space<vmem>> -> memref<1x128xf32, #tpu.memory_space<vmem>>
      %dma_wait3A_345 = tpu.memref_squeeze %dma_wait3A_344 : memref<1x128xf32, #tpu.memory_space<vmem>> -> memref<128xf32, #tpu.memory_space<vmem>>
      %dma_wait3A_346 = arith.constant 0 : i32
      %dma_wait3A_347 = tpu.memref_slice %arg7[%run_scoped3A_289, %dma_wait3A_346] : memref<17x128xi32, #tpu.memory_space<vmem>> -> memref<1x128xi32, #tpu.memory_space<vmem>>
      %dma_wait3A_348 = tpu.memref_squeeze %dma_wait3A_347 : memref<1x128xi32, #tpu.memory_space<vmem>> -> memref<128xi32, #tpu.memory_space<vmem>>
      %dma_wait3A_349 = arith.constant 0 : i32
      %dma_wait3A_350 = tpu.memref_slice %arg11[%dma_wait3A_349] : memref<525312xf32, #tpu.memory_space<vmem_shared>> -> memref<525312xf32, #tpu.memory_space<vmem_shared>>
      tpu.wait_indirect_dma semaphore(%run_scoped3A_336 : memref<!tpu.dma_semaphore, #tpu.memory_space<semaphore_mem>>) src(%dma_wait3A_345 : memref<128xf32, #tpu.memory_space<vmem>>) dst(%dma_wait3A_350 : memref<525312xf32, #tpu.memory_space<vmem_shared>>)
      tpu.yield
    }) : () -> ()
    %scan3A_290 = arith.constant 0 : i32
    %scan3A_291 = arith.constant 0 : i32
    %scan3A_292 = arith.constant 8 : i32
    %scan3A_293 = arith.addi %scan3A_291, %scan3A_292 : i32
    %scan3A_294 = arith.constant 1 : i32
    scf.for %scan3A_336 = %scan3A_291 to %scan3A_293 step %scan3A_294  : i32 {
      %mul3A_337 = arith.constant 16 : i32
      %mul3A_338 = arith.muli %scan3A_336, %mul3A_337 : i32
      %mul3A_339 = arith.constant 16 : i32
      %mul3A_340 = arith.muli %scan3A_336, %mul3A_339 : i32
      %add3A_341 = arith.constant 1664 : i32
      %add3A_342 = arith.addi %add3A_341, %mul3A_340 : i32
      %get3A = arith.index_cast %add3A_342 : i32 to index
      %get3A_343 = tpu.vector_load %arg4[%get3A] {strides = array<i32>} : memref<2048xi32, #tpu.memory_space<vmem>>, vector<16xi32>,
      %get3A_344 = arith.index_cast %add3A_342 : i32 to index
      %get3A_345 = tpu.vector_load %arg5[%get3A_344] {strides = array<i32>} : memref<2048xi32, #tpu.memory_space<vmem>>, vector<16xi32>,
      %gather3A = tpu.vector_load_idx %arg6[%get3A_343] : memref<1024xf32, #tpu.memory_space<vmem>>[vector<16xi32>], vector<16xf32>,
      %gather3A_346 = tpu.vector_load_idx %arg6[%get3A_345] : memref<1024xf32, #tpu.memory_space<vmem>>[vector<16xi32>], vector<16xf32>,
      %sub3A = vector.broadcast %mul3A_4 : i32 to vector<16xi32>
      %sub3A_347 = arith.subi %get3A_345, %sub3A : vector<16xi32>
      %ge3A = arith.constant 0 : i32
      %ge3A_348 = vector.broadcast %ge3A : i32 to vector<16xi32>
      %ge3A_349 = arith.cmpi sge, %sub3A_347, %ge3A_348 : vector<16xi32>
      %lt3A = arith.constant 512 : i32
      %lt3A_350 = vector.broadcast %lt3A : i32 to vector<16xi32>
      %lt3A_351 = arith.cmpi slt, %sub3A_347, %lt3A_350 : vector<16xi32>
      %and3A = arith.andi %ge3A_349, %lt3A_351 : vector<16xi1>
      %mul3A_352 = arith.constant 1024 : i32
      %mul3A_353 = vector.broadcast %mul3A_352 : i32 to vector<16xi32>
      %mul3A_354 = arith.muli %sub3A_347, %mul3A_353 : vector<16xi32>
      %add3A_355 = arith.addi %mul3A_354, %get3A_343 : vector<16xi32>
      %add3A_356 = arith.constant 524288 : i32
      %add3A_357 = vector.broadcast %add3A_356 : i32 to vector<16xi32>
      %add3A_358 = arith.addi %add3A_357, %get3A_343 : vector<16xi32>
      %select_n3A = arith.select %and3A, %add3A_355, %add3A_358 : vector<16xi1>, vector<16xi32>
      %swap3A = arith.constant 13 : i32
      %swap3A_359 = arith.index_cast %swap3A : i32 to index
      %swap3A_360 = arith.index_cast %mul3A_338 : i32 to index
      %swap3A_361 = tpu.vector_load %arg7[%swap3A_359, %swap3A_360] {strides = array<i32>} : memref<17x128xi32, #tpu.memory_space<vmem>>, vector<16xi32>,
      tpu.vector_store %arg7[%swap3A_359, %swap3A_360], %select_n3A {strides = array<i32>} : memref<17x128xi32, #tpu.memory_space<vmem>>, vector<16xi32>,
      %mul3A_362 = arith.mulf %gather3A, %gather3A_346 : vector<16xf32>
      %swap3A_363 = arith.constant 13 : i32
      %swap3A_364 = arith.index_cast %swap3A_363 : i32 to index
      %swap3A_365 = arith.index_cast %mul3A_338 : i32 to index
      %swap3A_366 = tpu.vector_load %arg8[%swap3A_364, %swap3A_365] {strides = array<i32>} : memref<17x128xf32, #tpu.memory_space<vmem>>, vector<16xf32>,
      tpu.vector_store %arg8[%swap3A_364, %swap3A_365], %mul3A_362 {strides = array<i32>} : memref<17x128xf32, #tpu.memory_space<vmem>>, vector<16xf32>,
    }
    %scan3A_295 = arith.constant 8 : i32
    %run_scoped3A_296 = arith.constant 13 : i32
    %run_scoped3A_297 = arith.constant 13 : i32
    "tpu.region"() ({
      %run_scoped3A_336 = tpu.sem_alloc : memref<!tpu.dma_semaphore, #tpu.memory_space<semaphore_mem>>
      %dma_start3A = arith.constant 0 : i32
      %dma_start3A_337 = tpu.memref_slice %arg8[%run_scoped3A_296, %dma_start3A] : memref<17x128xf32, #tpu.memory_space<vmem>> -> memref<1x128xf32, #tpu.memory_space<vmem>>
      %dma_start3A_338 = tpu.memref_squeeze %dma_start3A_337 : memref<1x128xf32, #tpu.memory_space<vmem>> -> memref<128xf32, #tpu.memory_space<vmem>>
      %dma_start3A_339 = arith.constant 0 : i32
      %dma_start3A_340 = tpu.memref_slice %arg7[%run_scoped3A_297, %dma_start3A_339] : memref<17x128xi32, #tpu.memory_space<vmem>> -> memref<1x128xi32, #tpu.memory_space<vmem>>
      %dma_start3A_341 = tpu.memref_squeeze %dma_start3A_340 : memref<1x128xi32, #tpu.memory_space<vmem>> -> memref<128xi32, #tpu.memory_space<vmem>>
      %dma_start3A_342 = arith.constant 0 : i32
      %dma_start3A_343 = tpu.memref_slice %arg11[%dma_start3A_342] : memref<525312xf32, #tpu.memory_space<vmem_shared>> -> memref<525312xf32, #tpu.memory_space<vmem_shared>>
      tpu.enqueue_indirect_dma source(%dma_start3A_338 : memref<128xf32, #tpu.memory_space<vmem>>) target(%dma_start3A_343 : memref<525312xf32, #tpu.memory_space<vmem_shared>>) offsets(%dma_start3A_341 : memref<128xi32, #tpu.memory_space<vmem>>) semaphore(%run_scoped3A_336 : memref<!tpu.dma_semaphore, #tpu.memory_space<semaphore_mem>>) {add = true}
      %dma_wait3A = arith.constant 0 : i32
      %dma_wait3A_344 = tpu.memref_slice %arg8[%run_scoped3A_296, %dma_wait3A] : memref<17x128xf32, #tpu.memory_space<vmem>> -> memref<1x128xf32, #tpu.memory_space<vmem>>
      %dma_wait3A_345 = tpu.memref_squeeze %dma_wait3A_344 : memref<1x128xf32, #tpu.memory_space<vmem>> -> memref<128xf32, #tpu.memory_space<vmem>>
      %dma_wait3A_346 = arith.constant 0 : i32
      %dma_wait3A_347 = tpu.memref_slice %arg7[%run_scoped3A_297, %dma_wait3A_346] : memref<17x128xi32, #tpu.memory_space<vmem>> -> memref<1x128xi32, #tpu.memory_space<vmem>>
      %dma_wait3A_348 = tpu.memref_squeeze %dma_wait3A_347 : memref<1x128xi32, #tpu.memory_space<vmem>> -> memref<128xi32, #tpu.memory_space<vmem>>
      %dma_wait3A_349 = arith.constant 0 : i32
      %dma_wait3A_350 = tpu.memref_slice %arg11[%dma_wait3A_349] : memref<525312xf32, #tpu.memory_space<vmem_shared>> -> memref<525312xf32, #tpu.memory_space<vmem_shared>>
      tpu.wait_indirect_dma semaphore(%run_scoped3A_336 : memref<!tpu.dma_semaphore, #tpu.memory_space<semaphore_mem>>) src(%dma_wait3A_345 : memref<128xf32, #tpu.memory_space<vmem>>) dst(%dma_wait3A_350 : memref<525312xf32, #tpu.memory_space<vmem_shared>>)
      tpu.yield
    }) : () -> ()
    %scan3A_298 = arith.constant 0 : i32
    %scan3A_299 = arith.constant 0 : i32
    %scan3A_300 = arith.constant 8 : i32
    %scan3A_301 = arith.addi %scan3A_299, %scan3A_300 : i32
    %scan3A_302 = arith.constant 1 : i32
    scf.for %scan3A_336 = %scan3A_299 to %scan3A_301 step %scan3A_302  : i32 {
      %mul3A_337 = arith.constant 16 : i32
      %mul3A_338 = arith.muli %scan3A_336, %mul3A_337 : i32
      %mul3A_339 = arith.constant 16 : i32
      %mul3A_340 = arith.muli %scan3A_336, %mul3A_339 : i32
      %add3A_341 = arith.constant 1792 : i32
      %add3A_342 = arith.addi %add3A_341, %mul3A_340 : i32
      %get3A = arith.index_cast %add3A_342 : i32 to index
      %get3A_343 = tpu.vector_load %arg4[%get3A] {strides = array<i32>} : memref<2048xi32, #tpu.memory_space<vmem>>, vector<16xi32>,
      %get3A_344 = arith.index_cast %add3A_342 : i32 to index
      %get3A_345 = tpu.vector_load %arg5[%get3A_344] {strides = array<i32>} : memref<2048xi32, #tpu.memory_space<vmem>>, vector<16xi32>,
      %gather3A = tpu.vector_load_idx %arg6[%get3A_343] : memref<1024xf32, #tpu.memory_space<vmem>>[vector<16xi32>], vector<16xf32>,
      %gather3A_346 = tpu.vector_load_idx %arg6[%get3A_345] : memref<1024xf32, #tpu.memory_space<vmem>>[vector<16xi32>], vector<16xf32>,
      %sub3A = vector.broadcast %mul3A_4 : i32 to vector<16xi32>
      %sub3A_347 = arith.subi %get3A_345, %sub3A : vector<16xi32>
      %ge3A = arith.constant 0 : i32
      %ge3A_348 = vector.broadcast %ge3A : i32 to vector<16xi32>
      %ge3A_349 = arith.cmpi sge, %sub3A_347, %ge3A_348 : vector<16xi32>
      %lt3A = arith.constant 512 : i32
      %lt3A_350 = vector.broadcast %lt3A : i32 to vector<16xi32>
      %lt3A_351 = arith.cmpi slt, %sub3A_347, %lt3A_350 : vector<16xi32>
      %and3A = arith.andi %ge3A_349, %lt3A_351 : vector<16xi1>
      %mul3A_352 = arith.constant 1024 : i32
      %mul3A_353 = vector.broadcast %mul3A_352 : i32 to vector<16xi32>
      %mul3A_354 = arith.muli %sub3A_347, %mul3A_353 : vector<16xi32>
      %add3A_355 = arith.addi %mul3A_354, %get3A_343 : vector<16xi32>
      %add3A_356 = arith.constant 524288 : i32
      %add3A_357 = vector.broadcast %add3A_356 : i32 to vector<16xi32>
      %add3A_358 = arith.addi %add3A_357, %get3A_343 : vector<16xi32>
      %select_n3A = arith.select %and3A, %add3A_355, %add3A_358 : vector<16xi1>, vector<16xi32>
      %swap3A = arith.constant 14 : i32
      %swap3A_359 = arith.index_cast %swap3A : i32 to index
      %swap3A_360 = arith.index_cast %mul3A_338 : i32 to index
      %swap3A_361 = tpu.vector_load %arg7[%swap3A_359, %swap3A_360] {strides = array<i32>} : memref<17x128xi32, #tpu.memory_space<vmem>>, vector<16xi32>,
      tpu.vector_store %arg7[%swap3A_359, %swap3A_360], %select_n3A {strides = array<i32>} : memref<17x128xi32, #tpu.memory_space<vmem>>, vector<16xi32>,
      %mul3A_362 = arith.mulf %gather3A, %gather3A_346 : vector<16xf32>
      %swap3A_363 = arith.constant 14 : i32
      %swap3A_364 = arith.index_cast %swap3A_363 : i32 to index
      %swap3A_365 = arith.index_cast %mul3A_338 : i32 to index
      %swap3A_366 = tpu.vector_load %arg8[%swap3A_364, %swap3A_365] {strides = array<i32>} : memref<17x128xf32, #tpu.memory_space<vmem>>, vector<16xf32>,
      tpu.vector_store %arg8[%swap3A_364, %swap3A_365], %mul3A_362 {strides = array<i32>} : memref<17x128xf32, #tpu.memory_space<vmem>>, vector<16xf32>,
    }
    %scan3A_303 = arith.constant 8 : i32
    %run_scoped3A_304 = arith.constant 14 : i32
    %run_scoped3A_305 = arith.constant 14 : i32
    "tpu.region"() ({
      %run_scoped3A_336 = tpu.sem_alloc : memref<!tpu.dma_semaphore, #tpu.memory_space<semaphore_mem>>
      %dma_start3A = arith.constant 0 : i32
      %dma_start3A_337 = tpu.memref_slice %arg8[%run_scoped3A_304, %dma_start3A] : memref<17x128xf32, #tpu.memory_space<vmem>> -> memref<1x128xf32, #tpu.memory_space<vmem>>
      %dma_start3A_338 = tpu.memref_squeeze %dma_start3A_337 : memref<1x128xf32, #tpu.memory_space<vmem>> -> memref<128xf32, #tpu.memory_space<vmem>>
      %dma_start3A_339 = arith.constant 0 : i32
      %dma_start3A_340 = tpu.memref_slice %arg7[%run_scoped3A_305, %dma_start3A_339] : memref<17x128xi32, #tpu.memory_space<vmem>> -> memref<1x128xi32, #tpu.memory_space<vmem>>
      %dma_start3A_341 = tpu.memref_squeeze %dma_start3A_340 : memref<1x128xi32, #tpu.memory_space<vmem>> -> memref<128xi32, #tpu.memory_space<vmem>>
      %dma_start3A_342 = arith.constant 0 : i32
      %dma_start3A_343 = tpu.memref_slice %arg11[%dma_start3A_342] : memref<525312xf32, #tpu.memory_space<vmem_shared>> -> memref<525312xf32, #tpu.memory_space<vmem_shared>>
      tpu.enqueue_indirect_dma source(%dma_start3A_338 : memref<128xf32, #tpu.memory_space<vmem>>) target(%dma_start3A_343 : memref<525312xf32, #tpu.memory_space<vmem_shared>>) offsets(%dma_start3A_341 : memref<128xi32, #tpu.memory_space<vmem>>) semaphore(%run_scoped3A_336 : memref<!tpu.dma_semaphore, #tpu.memory_space<semaphore_mem>>) {add = true}
      %dma_wait3A = arith.constant 0 : i32
      %dma_wait3A_344 = tpu.memref_slice %arg8[%run_scoped3A_304, %dma_wait3A] : memref<17x128xf32, #tpu.memory_space<vmem>> -> memref<1x128xf32, #tpu.memory_space<vmem>>
      %dma_wait3A_345 = tpu.memref_squeeze %dma_wait3A_344 : memref<1x128xf32, #tpu.memory_space<vmem>> -> memref<128xf32, #tpu.memory_space<vmem>>
      %dma_wait3A_346 = arith.constant 0 : i32
      %dma_wait3A_347 = tpu.memref_slice %arg7[%run_scoped3A_305, %dma_wait3A_346] : memref<17x128xi32, #tpu.memory_space<vmem>> -> memref<1x128xi32, #tpu.memory_space<vmem>>
      %dma_wait3A_348 = tpu.memref_squeeze %dma_wait3A_347 : memref<1x128xi32, #tpu.memory_space<vmem>> -> memref<128xi32, #tpu.memory_space<vmem>>
      %dma_wait3A_349 = arith.constant 0 : i32
      %dma_wait3A_350 = tpu.memref_slice %arg11[%dma_wait3A_349] : memref<525312xf32, #tpu.memory_space<vmem_shared>> -> memref<525312xf32, #tpu.memory_space<vmem_shared>>
      tpu.wait_indirect_dma semaphore(%run_scoped3A_336 : memref<!tpu.dma_semaphore, #tpu.memory_space<semaphore_mem>>) src(%dma_wait3A_345 : memref<128xf32, #tpu.memory_space<vmem>>) dst(%dma_wait3A_350 : memref<525312xf32, #tpu.memory_space<vmem_shared>>)
      tpu.yield
    }) : () -> ()
    %scan3A_306 = arith.constant 0 : i32
    %scan3A_307 = arith.constant 0 : i32
    %scan3A_308 = arith.constant 8 : i32
    %scan3A_309 = arith.addi %scan3A_307, %scan3A_308 : i32
    %scan3A_310 = arith.constant 1 : i32
    scf.for %scan3A_336 = %scan3A_307 to %scan3A_309 step %scan3A_310  : i32 {
      %mul3A_337 = arith.constant 16 : i32
      %mul3A_338 = arith.muli %scan3A_336, %mul3A_337 : i32
      %mul3A_339 = arith.constant 16 : i32
      %mul3A_340 = arith.muli %scan3A_336, %mul3A_339 : i32
      %add3A_341 = arith.constant 1920 : i32
      %add3A_342 = arith.addi %add3A_341, %mul3A_340 : i32
      %get3A = arith.index_cast %add3A_342 : i32 to index
      %get3A_343 = tpu.vector_load %arg4[%get3A] {strides = array<i32>} : memref<2048xi32, #tpu.memory_space<vmem>>, vector<16xi32>,
      %get3A_344 = arith.index_cast %add3A_342 : i32 to index
      %get3A_345 = tpu.vector_load %arg5[%get3A_344] {strides = array<i32>} : memref<2048xi32, #tpu.memory_space<vmem>>, vector<16xi32>,
      %gather3A = tpu.vector_load_idx %arg6[%get3A_343] : memref<1024xf32, #tpu.memory_space<vmem>>[vector<16xi32>], vector<16xf32>,
      %gather3A_346 = tpu.vector_load_idx %arg6[%get3A_345] : memref<1024xf32, #tpu.memory_space<vmem>>[vector<16xi32>], vector<16xf32>,
      %sub3A = vector.broadcast %mul3A_4 : i32 to vector<16xi32>
      %sub3A_347 = arith.subi %get3A_345, %sub3A : vector<16xi32>
      %ge3A = arith.constant 0 : i32
      %ge3A_348 = vector.broadcast %ge3A : i32 to vector<16xi32>
      %ge3A_349 = arith.cmpi sge, %sub3A_347, %ge3A_348 : vector<16xi32>
      %lt3A = arith.constant 512 : i32
      %lt3A_350 = vector.broadcast %lt3A : i32 to vector<16xi32>
      %lt3A_351 = arith.cmpi slt, %sub3A_347, %lt3A_350 : vector<16xi32>
      %and3A = arith.andi %ge3A_349, %lt3A_351 : vector<16xi1>
      %mul3A_352 = arith.constant 1024 : i32
      %mul3A_353 = vector.broadcast %mul3A_352 : i32 to vector<16xi32>
      %mul3A_354 = arith.muli %sub3A_347, %mul3A_353 : vector<16xi32>
      %add3A_355 = arith.addi %mul3A_354, %get3A_343 : vector<16xi32>
      %add3A_356 = arith.constant 524288 : i32
      %add3A_357 = vector.broadcast %add3A_356 : i32 to vector<16xi32>
      %add3A_358 = arith.addi %add3A_357, %get3A_343 : vector<16xi32>
      %select_n3A = arith.select %and3A, %add3A_355, %add3A_358 : vector<16xi1>, vector<16xi32>
      %swap3A = arith.constant 15 : i32
      %swap3A_359 = arith.index_cast %swap3A : i32 to index
      %swap3A_360 = arith.index_cast %mul3A_338 : i32 to index
      %swap3A_361 = tpu.vector_load %arg7[%swap3A_359, %swap3A_360] {strides = array<i32>} : memref<17x128xi32, #tpu.memory_space<vmem>>, vector<16xi32>,
      tpu.vector_store %arg7[%swap3A_359, %swap3A_360], %select_n3A {strides = array<i32>} : memref<17x128xi32, #tpu.memory_space<vmem>>, vector<16xi32>,
      %mul3A_362 = arith.mulf %gather3A, %gather3A_346 : vector<16xf32>
      %swap3A_363 = arith.constant 15 : i32
      %swap3A_364 = arith.index_cast %swap3A_363 : i32 to index
      %swap3A_365 = arith.index_cast %mul3A_338 : i32 to index
      %swap3A_366 = tpu.vector_load %arg8[%swap3A_364, %swap3A_365] {strides = array<i32>} : memref<17x128xf32, #tpu.memory_space<vmem>>, vector<16xf32>,
      tpu.vector_store %arg8[%swap3A_364, %swap3A_365], %mul3A_362 {strides = array<i32>} : memref<17x128xf32, #tpu.memory_space<vmem>>, vector<16xf32>,
    }
    %scan3A_311 = arith.constant 8 : i32
    %run_scoped3A_312 = arith.constant 15 : i32
    %run_scoped3A_313 = arith.constant 15 : i32
    "tpu.region"() ({
      %run_scoped3A_336 = tpu.sem_alloc : memref<!tpu.dma_semaphore, #tpu.memory_space<semaphore_mem>>
      %dma_start3A = arith.constant 0 : i32
      %dma_start3A_337 = tpu.memref_slice %arg8[%run_scoped3A_312, %dma_start3A] : memref<17x128xf32, #tpu.memory_space<vmem>> -> memref<1x128xf32, #tpu.memory_space<vmem>>
      %dma_start3A_338 = tpu.memref_squeeze %dma_start3A_337 : memref<1x128xf32, #tpu.memory_space<vmem>> -> memref<128xf32, #tpu.memory_space<vmem>>
      %dma_start3A_339 = arith.constant 0 : i32
      %dma_start3A_340 = tpu.memref_slice %arg7[%run_scoped3A_313, %dma_start3A_339] : memref<17x128xi32, #tpu.memory_space<vmem>> -> memref<1x128xi32, #tpu.memory_space<vmem>>
      %dma_start3A_341 = tpu.memref_squeeze %dma_start3A_340 : memref<1x128xi32, #tpu.memory_space<vmem>> -> memref<128xi32, #tpu.memory_space<vmem>>
      %dma_start3A_342 = arith.constant 0 : i32
      %dma_start3A_343 = tpu.memref_slice %arg11[%dma_start3A_342] : memref<525312xf32, #tpu.memory_space<vmem_shared>> -> memref<525312xf32, #tpu.memory_space<vmem_shared>>
      tpu.enqueue_indirect_dma source(%dma_start3A_338 : memref<128xf32, #tpu.memory_space<vmem>>) target(%dma_start3A_343 : memref<525312xf32, #tpu.memory_space<vmem_shared>>) offsets(%dma_start3A_341 : memref<128xi32, #tpu.memory_space<vmem>>) semaphore(%run_scoped3A_336 : memref<!tpu.dma_semaphore, #tpu.memory_space<semaphore_mem>>) {add = true}
      %dma_wait3A = arith.constant 0 : i32
      %dma_wait3A_344 = tpu.memref_slice %arg8[%run_scoped3A_312, %dma_wait3A] : memref<17x128xf32, #tpu.memory_space<vmem>> -> memref<1x128xf32, #tpu.memory_space<vmem>>
      %dma_wait3A_345 = tpu.memref_squeeze %dma_wait3A_344 : memref<1x128xf32, #tpu.memory_space<vmem>> -> memref<128xf32, #tpu.memory_space<vmem>>
      %dma_wait3A_346 = arith.constant 0 : i32
      %dma_wait3A_347 = tpu.memref_slice %arg7[%run_scoped3A_313, %dma_wait3A_346] : memref<17x128xi32, #tpu.memory_space<vmem>> -> memref<1x128xi32, #tpu.memory_space<vmem>>
      %dma_wait3A_348 = tpu.memref_squeeze %dma_wait3A_347 : memref<1x128xi32, #tpu.memory_space<vmem>> -> memref<128xi32, #tpu.memory_space<vmem>>
      %dma_wait3A_349 = arith.constant 0 : i32
      %dma_wait3A_350 = tpu.memref_slice %arg11[%dma_wait3A_349] : memref<525312xf32, #tpu.memory_space<vmem_shared>> -> memref<525312xf32, #tpu.memory_space<vmem_shared>>
      tpu.wait_indirect_dma semaphore(%run_scoped3A_336 : memref<!tpu.dma_semaphore, #tpu.memory_space<semaphore_mem>>) src(%dma_wait3A_345 : memref<128xf32, #tpu.memory_space<vmem>>) dst(%dma_wait3A_350 : memref<525312xf32, #tpu.memory_space<vmem_shared>>)
      tpu.yield
    }) : () -> ()
    %scan3A_314 = arith.constant 0 : i32
    %scan3A_315 = arith.constant 0 : i32
    %scan3A_316 = arith.constant 4 : i32
    %scan3A_317 = arith.addi %scan3A_315, %scan3A_316 : i32
    %scan3A_318 = arith.constant 1 : i32
    scf.for %scan3A_336 = %scan3A_315 to %scan3A_317 step %scan3A_318  : i32 {
      %mul3A_337 = arith.constant 16 : i32
      %mul3A_338 = arith.muli %scan3A_336, %mul3A_337 : i32
      %mul3A_339 = arith.constant 16 : i32
      %mul3A_340 = arith.muli %scan3A_336, %mul3A_339 : i32
      %add3A_341 = arith.addi %mul3A_2, %mul3A_340 : i32
      %add3A_342 = vector.broadcast %add3A_341 : i32 to vector<16xi32>
      %add3A_343 = arith.addi %add3A_342, %iota3A : vector<16xi32>
      %gather3A = tpu.vector_load_idx %arg6[%add3A_343] : memref<1024xf32, #tpu.memory_space<vmem>>[vector<16xi32>], vector<16xf32>,
      %sub3A = vector.broadcast %mul3A_4 : i32 to vector<16xi32>
      %sub3A_344 = arith.subi %add3A_343, %sub3A : vector<16xi32>
      %ge3A = arith.constant 0 : i32
      %ge3A_345 = vector.broadcast %ge3A : i32 to vector<16xi32>
      %ge3A_346 = arith.cmpi sge, %sub3A_344, %ge3A_345 : vector<16xi32>
      %lt3A = arith.constant 512 : i32
      %lt3A_347 = vector.broadcast %lt3A : i32 to vector<16xi32>
      %lt3A_348 = arith.cmpi slt, %sub3A_344, %lt3A_347 : vector<16xi32>
      %and3A = arith.andi %ge3A_346, %lt3A_348 : vector<16xi1>
      %mul3A_349 = arith.constant 1024 : i32
      %mul3A_350 = vector.broadcast %mul3A_349 : i32 to vector<16xi32>
      %mul3A_351 = arith.muli %sub3A_344, %mul3A_350 : vector<16xi32>
      %add3A_352 = arith.addi %mul3A_351, %add3A_343 : vector<16xi32>
      %add3A_353 = arith.constant 524288 : i32
      %add3A_354 = vector.broadcast %add3A_353 : i32 to vector<16xi32>
      %add3A_355 = arith.addi %add3A_354, %add3A_343 : vector<16xi32>
      %select_n3A = arith.select %and3A, %add3A_352, %add3A_355 : vector<16xi1>, vector<16xi32>
      %swap3A = arith.constant 16 : i32
      %swap3A_356 = arith.index_cast %swap3A : i32 to index
      %swap3A_357 = arith.index_cast %mul3A_338 : i32 to index
      %swap3A_358 = tpu.vector_load %arg7[%swap3A_356, %swap3A_357] {strides = array<i32>} : memref<17x128xi32, #tpu.memory_space<vmem>>, vector<16xi32>,
      tpu.vector_store %arg7[%swap3A_356, %swap3A_357], %select_n3A {strides = array<i32>} : memref<17x128xi32, #tpu.memory_space<vmem>>, vector<16xi32>,
      %mul3A_359 = arith.mulf %gather3A, %gather3A : vector<16xf32>
      %swap3A_360 = arith.constant 16 : i32
      %swap3A_361 = arith.index_cast %swap3A_360 : i32 to index
      %swap3A_362 = arith.index_cast %mul3A_338 : i32 to index
      %swap3A_363 = tpu.vector_load %arg8[%swap3A_361, %swap3A_362] {strides = array<i32>} : memref<17x128xf32, #tpu.memory_space<vmem>>, vector<16xf32>,
      tpu.vector_store %arg8[%swap3A_361, %swap3A_362], %mul3A_359 {strides = array<i32>} : memref<17x128xf32, #tpu.memory_space<vmem>>, vector<16xf32>,
    }
    %scan3A_319 = arith.constant 4 : i32
    %scan3A_320 = arith.constant 0 : i32
    %scan3A_321 = arith.constant 0 : i32
    %scan3A_322 = arith.constant 4 : i32
    %scan3A_323 = arith.addi %scan3A_321, %scan3A_322 : i32
    %scan3A_324 = arith.constant 1 : i32
    scf.for %scan3A_336 = %scan3A_321 to %scan3A_323 step %scan3A_324  : i32 {
      %mul3A_337 = arith.constant 16 : i32
      %mul3A_338 = arith.muli %scan3A_336, %mul3A_337 : i32
      %add3A_339 = arith.constant 64 : i32
      %add3A_340 = arith.addi %add3A_339, %mul3A_338 : i32
      %broadcast_in_dim3A_341 = arith.constant 524288 : i32
      %broadcast_in_dim3A_342 = vector.broadcast %broadcast_in_dim3A_341 : i32 to vector<16xi32>
      %swap3A = arith.constant 16 : i32
      %swap3A_343 = arith.index_cast %swap3A : i32 to index
      %swap3A_344 = arith.index_cast %add3A_340 : i32 to index
      %swap3A_345 = tpu.vector_load %arg7[%swap3A_343, %swap3A_344] {strides = array<i32>} : memref<17x128xi32, #tpu.memory_space<vmem>>, vector<16xi32>,
      tpu.vector_store %arg7[%swap3A_343, %swap3A_344], %broadcast_in_dim3A_342 {strides = array<i32>} : memref<17x128xi32, #tpu.memory_space<vmem>>, vector<16xi32>,
      %swap3A_346 = arith.constant 16 : i32
      %swap3A_347 = arith.index_cast %swap3A_346 : i32 to index
      %swap3A_348 = arith.index_cast %add3A_340 : i32 to index
      %swap3A_349 = tpu.vector_load %arg8[%swap3A_347, %swap3A_348] {strides = array<i32>} : memref<17x128xf32, #tpu.memory_space<vmem>>, vector<16xf32>,
      tpu.vector_store %arg8[%swap3A_347, %swap3A_348], %broadcast_in_dim3A_5 {strides = array<i32>} : memref<17x128xf32, #tpu.memory_space<vmem>>, vector<16xf32>,
    }
    %scan3A_325 = arith.constant 4 : i32
    %run_scoped3A_326 = arith.constant 16 : i32
    %run_scoped3A_327 = arith.constant 16 : i32
    "tpu.region"() ({
      %run_scoped3A_336 = tpu.sem_alloc : memref<!tpu.dma_semaphore, #tpu.memory_space<semaphore_mem>>
      %dma_start3A = arith.constant 0 : i32
      %dma_start3A_337 = tpu.memref_slice %arg8[%run_scoped3A_326, %dma_start3A] : memref<17x128xf32, #tpu.memory_space<vmem>> -> memref<1x128xf32, #tpu.memory_space<vmem>>
      %dma_start3A_338 = tpu.memref_squeeze %dma_start3A_337 : memref<1x128xf32, #tpu.memory_space<vmem>> -> memref<128xf32, #tpu.memory_space<vmem>>
      %dma_start3A_339 = arith.constant 0 : i32
      %dma_start3A_340 = tpu.memref_slice %arg7[%run_scoped3A_327, %dma_start3A_339] : memref<17x128xi32, #tpu.memory_space<vmem>> -> memref<1x128xi32, #tpu.memory_space<vmem>>
      %dma_start3A_341 = tpu.memref_squeeze %dma_start3A_340 : memref<1x128xi32, #tpu.memory_space<vmem>> -> memref<128xi32, #tpu.memory_space<vmem>>
      %dma_start3A_342 = arith.constant 0 : i32
      %dma_start3A_343 = tpu.memref_slice %arg11[%dma_start3A_342] : memref<525312xf32, #tpu.memory_space<vmem_shared>> -> memref<525312xf32, #tpu.memory_space<vmem_shared>>
      tpu.enqueue_indirect_dma source(%dma_start3A_338 : memref<128xf32, #tpu.memory_space<vmem>>) target(%dma_start3A_343 : memref<525312xf32, #tpu.memory_space<vmem_shared>>) offsets(%dma_start3A_341 : memref<128xi32, #tpu.memory_space<vmem>>) semaphore(%run_scoped3A_336 : memref<!tpu.dma_semaphore, #tpu.memory_space<semaphore_mem>>) {add = true}
      %dma_wait3A = arith.constant 0 : i32
      %dma_wait3A_344 = tpu.memref_slice %arg8[%run_scoped3A_326, %dma_wait3A] : memref<17x128xf32, #tpu.memory_space<vmem>> -> memref<1x128xf32, #tpu.memory_space<vmem>>
      %dma_wait3A_345 = tpu.memref_squeeze %dma_wait3A_344 : memref<1x128xf32, #tpu.memory_space<vmem>> -> memref<128xf32, #tpu.memory_space<vmem>>
      %dma_wait3A_346 = arith.constant 0 : i32
      %dma_wait3A_347 = tpu.memref_slice %arg7[%run_scoped3A_327, %dma_wait3A_346] : memref<17x128xi32, #tpu.memory_space<vmem>> -> memref<1x128xi32, #tpu.memory_space<vmem>>
      %dma_wait3A_348 = tpu.memref_squeeze %dma_wait3A_347 : memref<1x128xi32, #tpu.memory_space<vmem>> -> memref<128xi32, #tpu.memory_space<vmem>>
      %dma_wait3A_349 = arith.constant 0 : i32
      %dma_wait3A_350 = tpu.memref_slice %arg11[%dma_wait3A_349] : memref<525312xf32, #tpu.memory_space<vmem_shared>> -> memref<525312xf32, #tpu.memory_space<vmem_shared>>
      tpu.wait_indirect_dma semaphore(%run_scoped3A_336 : memref<!tpu.dma_semaphore, #tpu.memory_space<semaphore_mem>>) src(%dma_wait3A_345 : memref<128xf32, #tpu.memory_space<vmem>>) dst(%dma_wait3A_350 : memref<525312xf32, #tpu.memory_space<vmem_shared>>)
      tpu.yield
    }) : () -> ()
    %barrier3A_328 = arith.constant 0 : index
    tpu.barrier barrier_id(%barrier3A_328)
    %mul3A_329 = arith.constant 32768 : i32
    %mul3A_330 = arith.muli %arg1, %mul3A_329 : i32
    %mul3A_331 = arith.constant 524288 : i32
    %mul3A_332 = arith.muli %arg0, %mul3A_331 : i32
    %mul3A_333 = arith.constant 32768 : i32
    %mul3A_334 = arith.muli %arg1, %mul3A_333 : i32
    %add3A_335 = arith.addi %mul3A_332, %mul3A_334 : i32
    "tpu.region"() ({
      %run_scoped3A_336 = tpu.sem_alloc : memref<!tpu.dma_semaphore, #tpu.memory_space<semaphore_mem>>
      %dma_start3A = tpu.memref_slice %arg3[%add3A_335] : memref<1048576xf32, #tpu.memory_space<hbm>> -> memref<32768xf32, #tpu.memory_space<hbm>>
      %dma_start3A_337 = tpu.memref_slice %arg11[%mul3A_330] : memref<525312xf32, #tpu.memory_space<vmem_shared>> -> memref<32768xf32, #tpu.memory_space<vmem_shared>>
      tpu.enqueue_dma source(%dma_start3A_337 : memref<32768xf32, #tpu.memory_space<vmem_shared>>) target(%dma_start3A : memref<32768xf32, #tpu.memory_space<hbm>>) target_semaphore(%run_scoped3A_336 : memref<!tpu.dma_semaphore, #tpu.memory_space<semaphore_mem>>)
      %dma_wait3A = tpu.memref_slice %arg3[%add3A_335] : memref<1048576xf32, #tpu.memory_space<hbm>> -> memref<32768xf32, #tpu.memory_space<hbm>>
      %dma_wait3A_338 = tpu.memref_slice %arg11[%mul3A_330] : memref<525312xf32, #tpu.memory_space<vmem_shared>> -> memref<32768xf32, #tpu.memory_space<vmem_shared>>
      tpu.wait_dma2 semaphore(%run_scoped3A_336 : memref<!tpu.dma_semaphore, #tpu.memory_space<semaphore_mem>>) src(%dma_wait3A_338 : memref<32768xf32, #tpu.memory_space<vmem_shared>>) dst(%dma_wait3A : memref<32768xf32, #tpu.memory_space<hbm>>)
      tpu.yield
    }) : () -> ()
    return
  }
}

module attributes {stable_mosaic.version = 14 : i64} {
  func.func @_tc_all_body(%arg0: i32, %arg1: memref<1024x128xf32, #tpu.memory_space<vmem>>, %arg2: memref<128x16xf32, #tpu.memory_space<vmem>>, %arg3: memref<1024x1024xf32, #tpu.memory_space<vmem>>, %arg4: memref<16xf32, #tpu.memory_space<vmem>>, %arg5: memref<16x2xf32, #tpu.memory_space<vmem>>, %arg6: memref<2xf32, #tpu.memory_space<vmem>>, %arg7: memref<32x16xf32, #tpu.memory_space<vmem>>, %arg8: memref<16xf32, #tpu.memory_space<vmem>>, %arg9: memref<16x1xf32, #tpu.memory_space<smem>>, %arg10: memref<1xf32, #tpu.memory_space<smem>>, %arg11: memref<1024x2xf32, #tpu.memory_space<vmem>>, %arg12: memref<131072xf32, #tpu.memory_space<vmem>>, %arg13: memref<2x131072xi32, #tpu.memory_space<vmem>>, %arg14: memref<1024x16xf32, #tpu.memory_space<vmem>>, %arg15: memref<16x1024xf32, #tpu.memory_space<vmem>>) attributes {dimension_semantics = [#tpu.dimension_semantics<arbitrary>], iteration_bounds = array<i64: 8>, scalar_prefetch = 0 : i64, scratch_operands = 2 : i64, tpu.core_type = #tpu.core_type<tc>, window_params = [{pipeline_mode = #tpu.pipeline_mode<synchronous>, transform_indices = @transform_0, window_bounds = array<i64: 1024, 128>}, {pipeline_mode = #tpu.pipeline_mode<synchronous>, transform_indices = @transform_1, window_bounds = array<i64: 128, 16>}, {pipeline_mode = #tpu.pipeline_mode<synchronous>, transform_indices = @transform_2, window_bounds = array<i64: 1024, 1024>}, {pipeline_mode = #tpu.pipeline_mode<synchronous>, transform_indices = @transform_3, window_bounds = array<i64: 16>}, {pipeline_mode = #tpu.pipeline_mode<synchronous>, transform_indices = @transform_4, window_bounds = array<i64: 16, 2>}, {pipeline_mode = #tpu.pipeline_mode<synchronous>, transform_indices = @transform_5, window_bounds = array<i64: 2>}, {pipeline_mode = #tpu.pipeline_mode<synchronous>, transform_indices = @transform_6, window_bounds = array<i64: 32, 16>}, {pipeline_mode = #tpu.pipeline_mode<synchronous>, transform_indices = @transform_7, window_bounds = array<i64: 16>}, {transform_indices = @transform_8, window_bounds = array<i64: 16, 1>}, {transform_indices = @transform_9, window_bounds = array<i64: 1>}, {pipeline_mode = #tpu.pipeline_mode<synchronous>, transform_indices = @transform_10, window_bounds = array<i64: 1024, 2>}, {transform_indices = @transform_11, window_bounds = array<i64: 131072>}, {transform_indices = @transform_12, window_bounds = array<i64: 2, 131072>}]} {
    %eq3A = arith.constant 0 : i32
    %eq3A_0 = arith.cmpi eq, %arg0, %eq3A : i32
    %convert_element_type3A = arith.extui %eq3A_0 : i1 to i32
    %cond3A = arith.constant 0 : i32
    %cond3A_1 = arith.cmpi ne, %convert_element_type3A, %cond3A : i32
    scf.if %cond3A_1 {
      %get3A_259 = arith.constant 0 : index
      %get3A_260 = arith.constant 0 : index
      %get3A_261 = vector.load %arg1[%get3A_259, %get3A_260] : memref<1024x128xf32, #tpu.memory_space<vmem>>, vector<1024x128xf32>
      %get3A_262 = arith.constant 0 : index
      %get3A_263 = arith.constant 0 : index
      %get3A_264 = vector.load %arg2[%get3A_262, %get3A_263] : memref<128x16xf32, #tpu.memory_space<vmem>>, vector<128x16xf32>
      %convert_element_type3A_265 = arith.truncf %get3A_261 : vector<1024x128xf32> to vector<1024x128xbf16>
      %convert_element_type3A_266 = arith.extf %convert_element_type3A_265 : vector<1024x128xbf16> to vector<1024x128xf32>
      %sub3A = arith.subf %get3A_261, %convert_element_type3A_266 : vector<1024x128xf32>
      %convert_element_type3A_267 = arith.truncf %sub3A : vector<1024x128xf32> to vector<1024x128xbf16>
      %convert_element_type3A_268 = arith.truncf %get3A_264 : vector<128x16xf32> to vector<128x16xbf16>
      %convert_element_type3A_269 = arith.extf %convert_element_type3A_268 : vector<128x16xbf16> to vector<128x16xf32>
      %sub3A_270 = arith.subf %get3A_264, %convert_element_type3A_269 : vector<128x16xf32>
      %convert_element_type3A_271 = arith.truncf %sub3A_270 : vector<128x16xf32> to vector<128x16xbf16>
      %dot_general3A = arith.constant dense<0.000000e+00> : vector<1024x16xf32>
      %dot_general3A_272 = tpu.matmul %convert_element_type3A_265, %convert_element_type3A_268, %dot_general3A {dimension_numbers = #tpu.dot_dimension_numbers<[1], [0], [0], [1], [0, 0, 1, 1], [], []>, transpose_lhs_hint = false} : vector<1024x128xbf16>, vector<128x16xbf16>, vector<1024x16xf32> -> vector<1024x16xf32>
      %dot_general3A_273 = arith.constant dense<0.000000e+00> : vector<1024x16xf32>
      %dot_general3A_274 = tpu.matmul %convert_element_type3A_265, %convert_element_type3A_271, %dot_general3A_273 {dimension_numbers = #tpu.dot_dimension_numbers<[1], [0], [0], [1], [0, 0, 1, 1], [], []>, transpose_lhs_hint = false} : vector<1024x128xbf16>, vector<128x16xbf16>, vector<1024x16xf32> -> vector<1024x16xf32>
      %dot_general3A_275 = arith.constant dense<0.000000e+00> : vector<1024x16xf32>
      %dot_general3A_276 = tpu.matmul %convert_element_type3A_267, %convert_element_type3A_268, %dot_general3A_275 {dimension_numbers = #tpu.dot_dimension_numbers<[1], [0], [0], [1], [0, 0, 1, 1], [], []>, transpose_lhs_hint = false} : vector<1024x128xbf16>, vector<128x16xbf16>, vector<1024x16xf32> -> vector<1024x16xf32>
      %add3A_277 = arith.addf %dot_general3A_274, %dot_general3A_276 : vector<1024x16xf32>
      %add3A_278 = arith.addf %dot_general3A_272, %add3A_277 : vector<1024x16xf32>
      %get3A_279 = arith.constant 0 : index
      %get3A_280 = arith.constant 0 : index
      %get3A_281 = vector.load %arg3[%get3A_279, %get3A_280] : memref<1024x1024xf32, #tpu.memory_space<vmem>>, vector<1024x1024xf32>
      %convert_element_type3A_282 = arith.truncf %get3A_281 : vector<1024x1024xf32> to vector<1024x1024xbf16>
      %convert_element_type3A_283 = arith.extf %convert_element_type3A_282 : vector<1024x1024xbf16> to vector<1024x1024xf32>
      %sub3A_284 = arith.subf %get3A_281, %convert_element_type3A_283 : vector<1024x1024xf32>
      %convert_element_type3A_285 = arith.truncf %sub3A_284 : vector<1024x1024xf32> to vector<1024x1024xbf16>
      %convert_element_type3A_286 = arith.truncf %add3A_278 : vector<1024x16xf32> to vector<1024x16xbf16>
      %convert_element_type3A_287 = arith.extf %convert_element_type3A_286 : vector<1024x16xbf16> to vector<1024x16xf32>
      %sub3A_288 = arith.subf %add3A_278, %convert_element_type3A_287 : vector<1024x16xf32>
      %convert_element_type3A_289 = arith.truncf %sub3A_288 : vector<1024x16xf32> to vector<1024x16xbf16>
      %dot_general3A_290 = arith.constant dense<0.000000e+00> : vector<1024x16xf32>
      %dot_general3A_291 = tpu.matmul %convert_element_type3A_282, %convert_element_type3A_286, %dot_general3A_290 {dimension_numbers = #tpu.dot_dimension_numbers<[1], [0], [0], [1], [0, 0, 1, 1], [], []>, transpose_lhs_hint = false} : vector<1024x1024xbf16>, vector<1024x16xbf16>, vector<1024x16xf32> -> vector<1024x16xf32>
      %dot_general3A_292 = arith.constant dense<0.000000e+00> : vector<1024x16xf32>
      %dot_general3A_293 = tpu.matmul %convert_element_type3A_282, %convert_element_type3A_289, %dot_general3A_292 {dimension_numbers = #tpu.dot_dimension_numbers<[1], [0], [0], [1], [0, 0, 1, 1], [], []>, transpose_lhs_hint = false} : vector<1024x1024xbf16>, vector<1024x16xbf16>, vector<1024x16xf32> -> vector<1024x16xf32>
      %dot_general3A_294 = arith.constant dense<0.000000e+00> : vector<1024x16xf32>
      %dot_general3A_295 = tpu.matmul %convert_element_type3A_285, %convert_element_type3A_286, %dot_general3A_294 {dimension_numbers = #tpu.dot_dimension_numbers<[1], [0], [0], [1], [0, 0, 1, 1], [], []>, transpose_lhs_hint = false} : vector<1024x1024xbf16>, vector<1024x16xbf16>, vector<1024x16xf32> -> vector<1024x16xf32>
      %add3A_296 = arith.addf %dot_general3A_293, %dot_general3A_295 : vector<1024x16xf32>
      %add3A_297 = arith.addf %dot_general3A_291, %add3A_296 : vector<1024x16xf32>
      %get3A_298 = arith.constant 0 : index
      %get3A_299 = vector.load %arg4[%get3A_298] : memref<16xf32, #tpu.memory_space<vmem>>, vector<16xf32>
      %broadcast_in_dim3A_300 = vector.shape_cast %get3A_299 : vector<16xf32> to vector<1x16xf32>
      %add3A_301 = vector.broadcast %broadcast_in_dim3A_300 : vector<1x16xf32> to vector<1024x16xf32>
      %add3A_302 = arith.addf %add3A_297, %add3A_301 : vector<1024x16xf32>
      %max3A_303 = arith.constant 0.000000e+00 : f32
      %max3A_304 = vector.broadcast %max3A_303 : f32 to vector<1024x16xf32>
      %max3A_305 = arith.maximumf %add3A_302, %max3A_304 : vector<1024x16xf32>
      %get3A_306 = arith.constant 0 : index
      %get3A_307 = arith.constant 0 : index
      %get3A_308 = vector.load %arg3[%get3A_306, %get3A_307] : memref<1024x1024xf32, #tpu.memory_space<vmem>>, vector<1024x1024xf32>
      %convert_element_type3A_309 = arith.truncf %get3A_308 : vector<1024x1024xf32> to vector<1024x1024xbf16>
      %convert_element_type3A_310 = arith.extf %convert_element_type3A_309 : vector<1024x1024xbf16> to vector<1024x1024xf32>
      %sub3A_311 = arith.subf %get3A_308, %convert_element_type3A_310 : vector<1024x1024xf32>
      %convert_element_type3A_312 = arith.truncf %sub3A_311 : vector<1024x1024xf32> to vector<1024x1024xbf16>
      %convert_element_type3A_313 = arith.truncf %max3A_305 : vector<1024x16xf32> to vector<1024x16xbf16>
      %convert_element_type3A_314 = arith.extf %convert_element_type3A_313 : vector<1024x16xbf16> to vector<1024x16xf32>
      %sub3A_315 = arith.subf %max3A_305, %convert_element_type3A_314 : vector<1024x16xf32>
      %convert_element_type3A_316 = arith.truncf %sub3A_315 : vector<1024x16xf32> to vector<1024x16xbf16>
      %dot_general3A_317 = arith.constant dense<0.000000e+00> : vector<1024x16xf32>
      %dot_general3A_318 = tpu.matmul %convert_element_type3A_309, %convert_element_type3A_313, %dot_general3A_317 {dimension_numbers = #tpu.dot_dimension_numbers<[1], [0], [0], [1], [0, 0, 1, 1], [], []>, transpose_lhs_hint = false} : vector<1024x1024xbf16>, vector<1024x16xbf16>, vector<1024x16xf32> -> vector<1024x16xf32>
      %dot_general3A_319 = arith.constant dense<0.000000e+00> : vector<1024x16xf32>
      %dot_general3A_320 = tpu.matmul %convert_element_type3A_309, %convert_element_type3A_316, %dot_general3A_319 {dimension_numbers = #tpu.dot_dimension_numbers<[1], [0], [0], [1], [0, 0, 1, 1], [], []>, transpose_lhs_hint = false} : vector<1024x1024xbf16>, vector<1024x16xbf16>, vector<1024x16xf32> -> vector<1024x16xf32>
      %dot_general3A_321 = arith.constant dense<0.000000e+00> : vector<1024x16xf32>
      %dot_general3A_322 = tpu.matmul %convert_element_type3A_312, %convert_element_type3A_313, %dot_general3A_321 {dimension_numbers = #tpu.dot_dimension_numbers<[1], [0], [0], [1], [0, 0, 1, 1], [], []>, transpose_lhs_hint = false} : vector<1024x1024xbf16>, vector<1024x16xbf16>, vector<1024x16xf32> -> vector<1024x16xf32>
      %add3A_323 = arith.addf %dot_general3A_320, %dot_general3A_322 : vector<1024x16xf32>
      %add3A_324 = arith.addf %dot_general3A_318, %add3A_323 : vector<1024x16xf32>
      %get3A_325 = arith.constant 0 : index
      %get3A_326 = arith.constant 0 : index
      %get3A_327 = vector.load %arg5[%get3A_325, %get3A_326] : memref<16x2xf32, #tpu.memory_space<vmem>>, vector<16x2xf32>
      %convert_element_type3A_328 = arith.truncf %add3A_324 : vector<1024x16xf32> to vector<1024x16xbf16>
      %convert_element_type3A_329 = arith.extf %convert_element_type3A_328 : vector<1024x16xbf16> to vector<1024x16xf32>
      %sub3A_330 = arith.subf %add3A_324, %convert_element_type3A_329 : vector<1024x16xf32>
      %convert_element_type3A_331 = arith.truncf %sub3A_330 : vector<1024x16xf32> to vector<1024x16xbf16>
      %convert_element_type3A_332 = arith.truncf %get3A_327 : vector<16x2xf32> to vector<16x2xbf16>
      %convert_element_type3A_333 = arith.extf %convert_element_type3A_332 : vector<16x2xbf16> to vector<16x2xf32>
      %sub3A_334 = arith.subf %get3A_327, %convert_element_type3A_333 : vector<16x2xf32>
      %convert_element_type3A_335 = arith.truncf %sub3A_334 : vector<16x2xf32> to vector<16x2xbf16>
      %dot_general3A_336 = arith.constant dense<0.000000e+00> : vector<1024x2xf32>
      %dot_general3A_337 = tpu.matmul %convert_element_type3A_328, %convert_element_type3A_332, %dot_general3A_336 {dimension_numbers = #tpu.dot_dimension_numbers<[1], [0], [0], [1], [0, 0, 1, 1], [], []>, transpose_lhs_hint = false} : vector<1024x16xbf16>, vector<16x2xbf16>, vector<1024x2xf32> -> vector<1024x2xf32>
      %dot_general3A_338 = arith.constant dense<0.000000e+00> : vector<1024x2xf32>
      %dot_general3A_339 = tpu.matmul %convert_element_type3A_328, %convert_element_type3A_335, %dot_general3A_338 {dimension_numbers = #tpu.dot_dimension_numbers<[1], [0], [0], [1], [0, 0, 1, 1], [], []>, transpose_lhs_hint = false} : vector<1024x16xbf16>, vector<16x2xbf16>, vector<1024x2xf32> -> vector<1024x2xf32>
      %dot_general3A_340 = arith.constant dense<0.000000e+00> : vector<1024x2xf32>
      %dot_general3A_341 = tpu.matmul %convert_element_type3A_331, %convert_element_type3A_332, %dot_general3A_340 {dimension_numbers = #tpu.dot_dimension_numbers<[1], [0], [0], [1], [0, 0, 1, 1], [], []>, transpose_lhs_hint = false} : vector<1024x16xbf16>, vector<16x2xbf16>, vector<1024x2xf32> -> vector<1024x2xf32>
      %add3A_342 = arith.addf %dot_general3A_339, %dot_general3A_341 : vector<1024x2xf32>
      %add3A_343 = arith.addf %dot_general3A_337, %add3A_342 : vector<1024x2xf32>
      %get3A_344 = arith.constant 0 : index
      %get3A_345 = vector.load %arg6[%get3A_344] : memref<2xf32, #tpu.memory_space<vmem>>, vector<2xf32>
      %broadcast_in_dim3A_346 = vector.shape_cast %get3A_345 : vector<2xf32> to vector<1x2xf32>
      %add3A_347 = vector.broadcast %broadcast_in_dim3A_346 : vector<1x2xf32> to vector<1024x2xf32>
      %add3A_348 = arith.addf %add3A_343, %add3A_347 : vector<1024x2xf32>
      %swap3A_349 = arith.constant 0 : index
      %swap3A_350 = arith.constant 0 : index
      %swap3A_351 = vector.load %arg11[%swap3A_349, %swap3A_350] : memref<1024x2xf32, #tpu.memory_space<vmem>>, vector<1024x2xf32>
      tpu.vector_store %arg11[%swap3A_349, %swap3A_350], %add3A_348 {strides = array<i32>} : memref<1024x2xf32, #tpu.memory_space<vmem>>, vector<1024x2xf32>,
      %get3A_352 = arith.constant 0 : index
      %get3A_353 = arith.constant 0 : index
      %get3A_354 = vector.load %arg7[%get3A_352, %get3A_353] : memref<32x16xf32, #tpu.memory_space<vmem>>, vector<16x16xf32>
      %convert_element_type3A_355 = arith.truncf %max3A_305 : vector<1024x16xf32> to vector<1024x16xbf16>
      %convert_element_type3A_356 = arith.extf %convert_element_type3A_355 : vector<1024x16xbf16> to vector<1024x16xf32>
      %sub3A_357 = arith.subf %max3A_305, %convert_element_type3A_356 : vector<1024x16xf32>
      %convert_element_type3A_358 = arith.truncf %sub3A_357 : vector<1024x16xf32> to vector<1024x16xbf16>
      %convert_element_type3A_359 = arith.truncf %get3A_354 : vector<16x16xf32> to vector<16x16xbf16>
      %convert_element_type3A_360 = arith.extf %convert_element_type3A_359 : vector<16x16xbf16> to vector<16x16xf32>
      %sub3A_361 = arith.subf %get3A_354, %convert_element_type3A_360 : vector<16x16xf32>
      %convert_element_type3A_362 = arith.truncf %sub3A_361 : vector<16x16xf32> to vector<16x16xbf16>
      %dot_general3A_363 = arith.constant dense<0.000000e+00> : vector<1024x16xf32>
      %dot_general3A_364 = tpu.matmul %convert_element_type3A_355, %convert_element_type3A_359, %dot_general3A_363 {dimension_numbers = #tpu.dot_dimension_numbers<[1], [0], [0], [1], [0, 0, 1, 1], [], []>, transpose_lhs_hint = false} : vector<1024x16xbf16>, vector<16x16xbf16>, vector<1024x16xf32> -> vector<1024x16xf32>
      %dot_general3A_365 = arith.constant dense<0.000000e+00> : vector<1024x16xf32>
      %dot_general3A_366 = tpu.matmul %convert_element_type3A_355, %convert_element_type3A_362, %dot_general3A_365 {dimension_numbers = #tpu.dot_dimension_numbers<[1], [0], [0], [1], [0, 0, 1, 1], [], []>, transpose_lhs_hint = false} : vector<1024x16xbf16>, vector<16x16xbf16>, vector<1024x16xf32> -> vector<1024x16xf32>
      %dot_general3A_367 = arith.constant dense<0.000000e+00> : vector<1024x16xf32>
      %dot_general3A_368 = tpu.matmul %convert_element_type3A_358, %convert_element_type3A_359, %dot_general3A_367 {dimension_numbers = #tpu.dot_dimension_numbers<[1], [0], [0], [1], [0, 0, 1, 1], [], []>, transpose_lhs_hint = false} : vector<1024x16xbf16>, vector<16x16xbf16>, vector<1024x16xf32> -> vector<1024x16xf32>
      %add3A_369 = arith.addf %dot_general3A_366, %dot_general3A_368 : vector<1024x16xf32>
      %add3A_370 = arith.addf %dot_general3A_364, %add3A_369 : vector<1024x16xf32>
      %get3A_371 = arith.constant 0 : index
      %get3A_372 = vector.load %arg8[%get3A_371] : memref<16xf32, #tpu.memory_space<vmem>>, vector<16xf32>
      %broadcast_in_dim3A_373 = vector.shape_cast %get3A_372 : vector<16xf32> to vector<1x16xf32>
      %add3A_374 = vector.broadcast %broadcast_in_dim3A_373 : vector<1x16xf32> to vector<1024x16xf32>
      %add3A_375 = arith.addf %add3A_370, %add3A_374 : vector<1024x16xf32>
      %swap3A_376 = arith.constant 0 : index
      %swap3A_377 = arith.constant 0 : index
      %swap3A_378 = vector.load %arg14[%swap3A_376, %swap3A_377] : memref<1024x16xf32, #tpu.memory_space<vmem>>, vector<1024x16xf32>
      tpu.vector_store %arg14[%swap3A_376, %swap3A_377], %add3A_375 {strides = array<i32>} : memref<1024x16xf32, #tpu.memory_space<vmem>>, vector<1024x16xf32>,
      %get3A_379 = arith.constant 16 : index
      %get3A_380 = arith.constant 0 : index
      %get3A_381 = vector.load %arg7[%get3A_379, %get3A_380] : memref<32x16xf32, #tpu.memory_space<vmem>>, vector<16x16xf32>
      %convert_element_type3A_382 = arith.truncf %get3A_381 : vector<16x16xf32> to vector<16x16xbf16>
      %convert_element_type3A_383 = arith.extf %convert_element_type3A_382 : vector<16x16xbf16> to vector<16x16xf32>
      %sub3A_384 = arith.subf %get3A_381, %convert_element_type3A_383 : vector<16x16xf32>
      %convert_element_type3A_385 = arith.truncf %sub3A_384 : vector<16x16xf32> to vector<16x16xbf16>
      %convert_element_type3A_386 = arith.truncf %max3A_305 : vector<1024x16xf32> to vector<1024x16xbf16>
      %convert_element_type3A_387 = arith.extf %convert_element_type3A_386 : vector<1024x16xbf16> to vector<1024x16xf32>
      %sub3A_388 = arith.subf %max3A_305, %convert_element_type3A_387 : vector<1024x16xf32>
      %convert_element_type3A_389 = arith.truncf %sub3A_388 : vector<1024x16xf32> to vector<1024x16xbf16>
      %dot_general3A_390 = arith.constant dense<0.000000e+00> : vector<16x1024xf32>
      %dot_general3A_391 = tpu.matmul %convert_element_type3A_382, %convert_element_type3A_386, %dot_general3A_390 {dimension_numbers = #tpu.dot_dimension_numbers<[0], [1], [1], [0], [0, 1, 1, 0], [], []>, transpose_lhs_hint = false} : vector<16x16xbf16>, vector<1024x16xbf16>, vector<16x1024xf32> -> vector<16x1024xf32>
      %dot_general3A_392 = arith.constant dense<0.000000e+00> : vector<16x1024xf32>
      %dot_general3A_393 = tpu.matmul %convert_element_type3A_382, %convert_element_type3A_389, %dot_general3A_392 {dimension_numbers = #tpu.dot_dimension_numbers<[0], [1], [1], [0], [0, 1, 1, 0], [], []>, transpose_lhs_hint = false} : vector<16x16xbf16>, vector<1024x16xbf16>, vector<16x1024xf32> -> vector<16x1024xf32>
      %dot_general3A_394 = arith.constant dense<0.000000e+00> : vector<16x1024xf32>
      %dot_general3A_395 = tpu.matmul %convert_element_type3A_385, %convert_element_type3A_386, %dot_general3A_394 {dimension_numbers = #tpu.dot_dimension_numbers<[0], [1], [1], [0], [0, 1, 1, 0], [], []>, transpose_lhs_hint = false} : vector<16x16xbf16>, vector<1024x16xbf16>, vector<16x1024xf32> -> vector<16x1024xf32>
      %add3A_396 = arith.addf %dot_general3A_393, %dot_general3A_395 : vector<16x1024xf32>
      %add3A_397 = arith.addf %dot_general3A_391, %add3A_396 : vector<16x1024xf32>
      %swap3A_398 = arith.constant 0 : index
      %swap3A_399 = arith.constant 0 : index
      %swap3A_400 = vector.load %arg15[%swap3A_398, %swap3A_399] : memref<16x1024xf32, #tpu.memory_space<vmem>>, vector<16x1024xf32>
      tpu.vector_store %arg15[%swap3A_398, %swap3A_399], %add3A_397 {strides = array<i32>} : memref<16x1024xf32, #tpu.memory_space<vmem>>, vector<16x1024xf32>,
    } else {
    }
    %mul3A = arith.constant 128 : i32
    %mul3A_2 = arith.muli %arg0, %mul3A : i32
    %get3A = arith.index_cast %mul3A_2 : i32 to index
    %get3A_3 = arith.constant 0 : index
    %get3A_4 = vector.load %arg14[%get3A, %get3A_3] : memref<1024x16xf32, #tpu.memory_space<vmem>>, vector<128x16xf32>
    %get3A_5 = arith.constant 0 : index
    %get3A_6 = arith.constant 0 : index
    %get3A_7 = vector.load %arg15[%get3A_5, %get3A_6] : memref<16x1024xf32, #tpu.memory_space<vmem>>, vector<16x1024xf32>
    %broadcast_in_dim3A = arith.constant 0.000000e+00 : f32
    %broadcast_in_dim3A_8 = vector.broadcast %broadcast_in_dim3A : f32 to vector<128x1024xf32>
    %slice3A = vector.extract_strided_slice %get3A_4 {offsets = [0, 0], sizes = [128, 1], strides = [1, 1]} : vector<128x16xf32> to vector<128x1xf32>
    %slice3A_9 = vector.extract_strided_slice %get3A_7 {offsets = [0, 0], sizes = [1, 1024], strides = [1, 1]} : vector<16x1024xf32> to vector<1x1024xf32>
    %add3A = vector.broadcast %slice3A : vector<128x1xf32> to vector<128x1024xf32>
    %add3A_10 = vector.broadcast %slice3A_9 : vector<1x1024xf32> to vector<128x1024xf32>
    %add3A_11 = arith.addf %add3A, %add3A_10 : vector<128x1024xf32>
    %max3A = arith.constant 0.000000e+00 : f32
    %max3A_12 = vector.broadcast %max3A : f32 to vector<128x1024xf32>
    %max3A_13 = arith.maximumf %add3A_11, %max3A_12 : vector<128x1024xf32>
    %get3A_14 = arith.constant 0 : index
    %get3A_15 = arith.constant 0 : index
    %get3A_16 = memref.load %arg9[%get3A_14, %get3A_15] : memref<16x1xf32, #tpu.memory_space<smem>>
    %mul3A_17 = vector.broadcast %get3A_16 : f32 to vector<128x1024xf32>
    %mul3A_18 = arith.mulf %max3A_13, %mul3A_17 : vector<128x1024xf32>
    %add3A_19 = arith.addf %broadcast_in_dim3A_8, %mul3A_18 : vector<128x1024xf32>
    %slice3A_20 = vector.extract_strided_slice %get3A_4 {offsets = [0, 1], sizes = [128, 1], strides = [1, 1]} : vector<128x16xf32> to vector<128x1xf32>
    %slice3A_21 = vector.extract_strided_slice %get3A_7 {offsets = [1, 0], sizes = [1, 1024], strides = [1, 1]} : vector<16x1024xf32> to vector<1x1024xf32>
    %add3A_22 = vector.broadcast %slice3A_20 : vector<128x1xf32> to vector<128x1024xf32>
    %add3A_23 = vector.broadcast %slice3A_21 : vector<1x1024xf32> to vector<128x1024xf32>
    %add3A_24 = arith.addf %add3A_22, %add3A_23 : vector<128x1024xf32>
    %max3A_25 = arith.constant 0.000000e+00 : f32
    %max3A_26 = vector.broadcast %max3A_25 : f32 to vector<128x1024xf32>
    %max3A_27 = arith.maximumf %add3A_24, %max3A_26 : vector<128x1024xf32>
    %get3A_28 = arith.constant 1 : index
    %get3A_29 = arith.constant 0 : index
    %get3A_30 = memref.load %arg9[%get3A_28, %get3A_29] : memref<16x1xf32, #tpu.memory_space<smem>>
    %mul3A_31 = vector.broadcast %get3A_30 : f32 to vector<128x1024xf32>
    %mul3A_32 = arith.mulf %max3A_27, %mul3A_31 : vector<128x1024xf32>
    %add3A_33 = arith.addf %add3A_19, %mul3A_32 : vector<128x1024xf32>
    %slice3A_34 = vector.extract_strided_slice %get3A_4 {offsets = [0, 2], sizes = [128, 1], strides = [1, 1]} : vector<128x16xf32> to vector<128x1xf32>
    %slice3A_35 = vector.extract_strided_slice %get3A_7 {offsets = [2, 0], sizes = [1, 1024], strides = [1, 1]} : vector<16x1024xf32> to vector<1x1024xf32>
    %add3A_36 = vector.broadcast %slice3A_34 : vector<128x1xf32> to vector<128x1024xf32>
    %add3A_37 = vector.broadcast %slice3A_35 : vector<1x1024xf32> to vector<128x1024xf32>
    %add3A_38 = arith.addf %add3A_36, %add3A_37 : vector<128x1024xf32>
    %max3A_39 = arith.constant 0.000000e+00 : f32
    %max3A_40 = vector.broadcast %max3A_39 : f32 to vector<128x1024xf32>
    %max3A_41 = arith.maximumf %add3A_38, %max3A_40 : vector<128x1024xf32>
    %get3A_42 = arith.constant 2 : index
    %get3A_43 = arith.constant 0 : index
    %get3A_44 = memref.load %arg9[%get3A_42, %get3A_43] : memref<16x1xf32, #tpu.memory_space<smem>>
    %mul3A_45 = vector.broadcast %get3A_44 : f32 to vector<128x1024xf32>
    %mul3A_46 = arith.mulf %max3A_41, %mul3A_45 : vector<128x1024xf32>
    %add3A_47 = arith.addf %add3A_33, %mul3A_46 : vector<128x1024xf32>
    %slice3A_48 = vector.extract_strided_slice %get3A_4 {offsets = [0, 3], sizes = [128, 1], strides = [1, 1]} : vector<128x16xf32> to vector<128x1xf32>
    %slice3A_49 = vector.extract_strided_slice %get3A_7 {offsets = [3, 0], sizes = [1, 1024], strides = [1, 1]} : vector<16x1024xf32> to vector<1x1024xf32>
    %add3A_50 = vector.broadcast %slice3A_48 : vector<128x1xf32> to vector<128x1024xf32>
    %add3A_51 = vector.broadcast %slice3A_49 : vector<1x1024xf32> to vector<128x1024xf32>
    %add3A_52 = arith.addf %add3A_50, %add3A_51 : vector<128x1024xf32>
    %max3A_53 = arith.constant 0.000000e+00 : f32
    %max3A_54 = vector.broadcast %max3A_53 : f32 to vector<128x1024xf32>
    %max3A_55 = arith.maximumf %add3A_52, %max3A_54 : vector<128x1024xf32>
    %get3A_56 = arith.constant 3 : index
    %get3A_57 = arith.constant 0 : index
    %get3A_58 = memref.load %arg9[%get3A_56, %get3A_57] : memref<16x1xf32, #tpu.memory_space<smem>>
    %mul3A_59 = vector.broadcast %get3A_58 : f32 to vector<128x1024xf32>
    %mul3A_60 = arith.mulf %max3A_55, %mul3A_59 : vector<128x1024xf32>
    %add3A_61 = arith.addf %add3A_47, %mul3A_60 : vector<128x1024xf32>
    %slice3A_62 = vector.extract_strided_slice %get3A_4 {offsets = [0, 4], sizes = [128, 1], strides = [1, 1]} : vector<128x16xf32> to vector<128x1xf32>
    %slice3A_63 = vector.extract_strided_slice %get3A_7 {offsets = [4, 0], sizes = [1, 1024], strides = [1, 1]} : vector<16x1024xf32> to vector<1x1024xf32>
    %add3A_64 = vector.broadcast %slice3A_62 : vector<128x1xf32> to vector<128x1024xf32>
    %add3A_65 = vector.broadcast %slice3A_63 : vector<1x1024xf32> to vector<128x1024xf32>
    %add3A_66 = arith.addf %add3A_64, %add3A_65 : vector<128x1024xf32>
    %max3A_67 = arith.constant 0.000000e+00 : f32
    %max3A_68 = vector.broadcast %max3A_67 : f32 to vector<128x1024xf32>
    %max3A_69 = arith.maximumf %add3A_66, %max3A_68 : vector<128x1024xf32>
    %get3A_70 = arith.constant 4 : index
    %get3A_71 = arith.constant 0 : index
    %get3A_72 = memref.load %arg9[%get3A_70, %get3A_71] : memref<16x1xf32, #tpu.memory_space<smem>>
    %mul3A_73 = vector.broadcast %get3A_72 : f32 to vector<128x1024xf32>
    %mul3A_74 = arith.mulf %max3A_69, %mul3A_73 : vector<128x1024xf32>
    %add3A_75 = arith.addf %add3A_61, %mul3A_74 : vector<128x1024xf32>
    %slice3A_76 = vector.extract_strided_slice %get3A_4 {offsets = [0, 5], sizes = [128, 1], strides = [1, 1]} : vector<128x16xf32> to vector<128x1xf32>
    %slice3A_77 = vector.extract_strided_slice %get3A_7 {offsets = [5, 0], sizes = [1, 1024], strides = [1, 1]} : vector<16x1024xf32> to vector<1x1024xf32>
    %add3A_78 = vector.broadcast %slice3A_76 : vector<128x1xf32> to vector<128x1024xf32>
    %add3A_79 = vector.broadcast %slice3A_77 : vector<1x1024xf32> to vector<128x1024xf32>
    %add3A_80 = arith.addf %add3A_78, %add3A_79 : vector<128x1024xf32>
    %max3A_81 = arith.constant 0.000000e+00 : f32
    %max3A_82 = vector.broadcast %max3A_81 : f32 to vector<128x1024xf32>
    %max3A_83 = arith.maximumf %add3A_80, %max3A_82 : vector<128x1024xf32>
    %get3A_84 = arith.constant 5 : index
    %get3A_85 = arith.constant 0 : index
    %get3A_86 = memref.load %arg9[%get3A_84, %get3A_85] : memref<16x1xf32, #tpu.memory_space<smem>>
    %mul3A_87 = vector.broadcast %get3A_86 : f32 to vector<128x1024xf32>
    %mul3A_88 = arith.mulf %max3A_83, %mul3A_87 : vector<128x1024xf32>
    %add3A_89 = arith.addf %add3A_75, %mul3A_88 : vector<128x1024xf32>
    %slice3A_90 = vector.extract_strided_slice %get3A_4 {offsets = [0, 6], sizes = [128, 1], strides = [1, 1]} : vector<128x16xf32> to vector<128x1xf32>
    %slice3A_91 = vector.extract_strided_slice %get3A_7 {offsets = [6, 0], sizes = [1, 1024], strides = [1, 1]} : vector<16x1024xf32> to vector<1x1024xf32>
    %add3A_92 = vector.broadcast %slice3A_90 : vector<128x1xf32> to vector<128x1024xf32>
    %add3A_93 = vector.broadcast %slice3A_91 : vector<1x1024xf32> to vector<128x1024xf32>
    %add3A_94 = arith.addf %add3A_92, %add3A_93 : vector<128x1024xf32>
    %max3A_95 = arith.constant 0.000000e+00 : f32
    %max3A_96 = vector.broadcast %max3A_95 : f32 to vector<128x1024xf32>
    %max3A_97 = arith.maximumf %add3A_94, %max3A_96 : vector<128x1024xf32>
    %get3A_98 = arith.constant 6 : index
    %get3A_99 = arith.constant 0 : index
    %get3A_100 = memref.load %arg9[%get3A_98, %get3A_99] : memref<16x1xf32, #tpu.memory_space<smem>>
    %mul3A_101 = vector.broadcast %get3A_100 : f32 to vector<128x1024xf32>
    %mul3A_102 = arith.mulf %max3A_97, %mul3A_101 : vector<128x1024xf32>
    %add3A_103 = arith.addf %add3A_89, %mul3A_102 : vector<128x1024xf32>
    %slice3A_104 = vector.extract_strided_slice %get3A_4 {offsets = [0, 7], sizes = [128, 1], strides = [1, 1]} : vector<128x16xf32> to vector<128x1xf32>
    %slice3A_105 = vector.extract_strided_slice %get3A_7 {offsets = [7, 0], sizes = [1, 1024], strides = [1, 1]} : vector<16x1024xf32> to vector<1x1024xf32>
    %add3A_106 = vector.broadcast %slice3A_104 : vector<128x1xf32> to vector<128x1024xf32>
    %add3A_107 = vector.broadcast %slice3A_105 : vector<1x1024xf32> to vector<128x1024xf32>
    %add3A_108 = arith.addf %add3A_106, %add3A_107 : vector<128x1024xf32>
    %max3A_109 = arith.constant 0.000000e+00 : f32
    %max3A_110 = vector.broadcast %max3A_109 : f32 to vector<128x1024xf32>
    %max3A_111 = arith.maximumf %add3A_108, %max3A_110 : vector<128x1024xf32>
    %get3A_112 = arith.constant 7 : index
    %get3A_113 = arith.constant 0 : index
    %get3A_114 = memref.load %arg9[%get3A_112, %get3A_113] : memref<16x1xf32, #tpu.memory_space<smem>>
    %mul3A_115 = vector.broadcast %get3A_114 : f32 to vector<128x1024xf32>
    %mul3A_116 = arith.mulf %max3A_111, %mul3A_115 : vector<128x1024xf32>
    %add3A_117 = arith.addf %add3A_103, %mul3A_116 : vector<128x1024xf32>
    %slice3A_118 = vector.extract_strided_slice %get3A_4 {offsets = [0, 8], sizes = [128, 1], strides = [1, 1]} : vector<128x16xf32> to vector<128x1xf32>
    %slice3A_119 = vector.extract_strided_slice %get3A_7 {offsets = [8, 0], sizes = [1, 1024], strides = [1, 1]} : vector<16x1024xf32> to vector<1x1024xf32>
    %add3A_120 = vector.broadcast %slice3A_118 : vector<128x1xf32> to vector<128x1024xf32>
    %add3A_121 = vector.broadcast %slice3A_119 : vector<1x1024xf32> to vector<128x1024xf32>
    %add3A_122 = arith.addf %add3A_120, %add3A_121 : vector<128x1024xf32>
    %max3A_123 = arith.constant 0.000000e+00 : f32
    %max3A_124 = vector.broadcast %max3A_123 : f32 to vector<128x1024xf32>
    %max3A_125 = arith.maximumf %add3A_122, %max3A_124 : vector<128x1024xf32>
    %get3A_126 = arith.constant 8 : index
    %get3A_127 = arith.constant 0 : index
    %get3A_128 = memref.load %arg9[%get3A_126, %get3A_127] : memref<16x1xf32, #tpu.memory_space<smem>>
    %mul3A_129 = vector.broadcast %get3A_128 : f32 to vector<128x1024xf32>
    %mul3A_130 = arith.mulf %max3A_125, %mul3A_129 : vector<128x1024xf32>
    %add3A_131 = arith.addf %add3A_117, %mul3A_130 : vector<128x1024xf32>
    %slice3A_132 = vector.extract_strided_slice %get3A_4 {offsets = [0, 9], sizes = [128, 1], strides = [1, 1]} : vector<128x16xf32> to vector<128x1xf32>
    %slice3A_133 = vector.extract_strided_slice %get3A_7 {offsets = [9, 0], sizes = [1, 1024], strides = [1, 1]} : vector<16x1024xf32> to vector<1x1024xf32>
    %add3A_134 = vector.broadcast %slice3A_132 : vector<128x1xf32> to vector<128x1024xf32>
    %add3A_135 = vector.broadcast %slice3A_133 : vector<1x1024xf32> to vector<128x1024xf32>
    %add3A_136 = arith.addf %add3A_134, %add3A_135 : vector<128x1024xf32>
    %max3A_137 = arith.constant 0.000000e+00 : f32
    %max3A_138 = vector.broadcast %max3A_137 : f32 to vector<128x1024xf32>
    %max3A_139 = arith.maximumf %add3A_136, %max3A_138 : vector<128x1024xf32>
    %get3A_140 = arith.constant 9 : index
    %get3A_141 = arith.constant 0 : index
    %get3A_142 = memref.load %arg9[%get3A_140, %get3A_141] : memref<16x1xf32, #tpu.memory_space<smem>>
    %mul3A_143 = vector.broadcast %get3A_142 : f32 to vector<128x1024xf32>
    %mul3A_144 = arith.mulf %max3A_139, %mul3A_143 : vector<128x1024xf32>
    %add3A_145 = arith.addf %add3A_131, %mul3A_144 : vector<128x1024xf32>
    %slice3A_146 = vector.extract_strided_slice %get3A_4 {offsets = [0, 10], sizes = [128, 1], strides = [1, 1]} : vector<128x16xf32> to vector<128x1xf32>
    %slice3A_147 = vector.extract_strided_slice %get3A_7 {offsets = [10, 0], sizes = [1, 1024], strides = [1, 1]} : vector<16x1024xf32> to vector<1x1024xf32>
    %add3A_148 = vector.broadcast %slice3A_146 : vector<128x1xf32> to vector<128x1024xf32>
    %add3A_149 = vector.broadcast %slice3A_147 : vector<1x1024xf32> to vector<128x1024xf32>
    %add3A_150 = arith.addf %add3A_148, %add3A_149 : vector<128x1024xf32>
    %max3A_151 = arith.constant 0.000000e+00 : f32
    %max3A_152 = vector.broadcast %max3A_151 : f32 to vector<128x1024xf32>
    %max3A_153 = arith.maximumf %add3A_150, %max3A_152 : vector<128x1024xf32>
    %get3A_154 = arith.constant 10 : index
    %get3A_155 = arith.constant 0 : index
    %get3A_156 = memref.load %arg9[%get3A_154, %get3A_155] : memref<16x1xf32, #tpu.memory_space<smem>>
    %mul3A_157 = vector.broadcast %get3A_156 : f32 to vector<128x1024xf32>
    %mul3A_158 = arith.mulf %max3A_153, %mul3A_157 : vector<128x1024xf32>
    %add3A_159 = arith.addf %add3A_145, %mul3A_158 : vector<128x1024xf32>
    %slice3A_160 = vector.extract_strided_slice %get3A_4 {offsets = [0, 11], sizes = [128, 1], strides = [1, 1]} : vector<128x16xf32> to vector<128x1xf32>
    %slice3A_161 = vector.extract_strided_slice %get3A_7 {offsets = [11, 0], sizes = [1, 1024], strides = [1, 1]} : vector<16x1024xf32> to vector<1x1024xf32>
    %add3A_162 = vector.broadcast %slice3A_160 : vector<128x1xf32> to vector<128x1024xf32>
    %add3A_163 = vector.broadcast %slice3A_161 : vector<1x1024xf32> to vector<128x1024xf32>
    %add3A_164 = arith.addf %add3A_162, %add3A_163 : vector<128x1024xf32>
    %max3A_165 = arith.constant 0.000000e+00 : f32
    %max3A_166 = vector.broadcast %max3A_165 : f32 to vector<128x1024xf32>
    %max3A_167 = arith.maximumf %add3A_164, %max3A_166 : vector<128x1024xf32>
    %get3A_168 = arith.constant 11 : index
    %get3A_169 = arith.constant 0 : index
    %get3A_170 = memref.load %arg9[%get3A_168, %get3A_169] : memref<16x1xf32, #tpu.memory_space<smem>>
    %mul3A_171 = vector.broadcast %get3A_170 : f32 to vector<128x1024xf32>
    %mul3A_172 = arith.mulf %max3A_167, %mul3A_171 : vector<128x1024xf32>
    %add3A_173 = arith.addf %add3A_159, %mul3A_172 : vector<128x1024xf32>
    %slice3A_174 = vector.extract_strided_slice %get3A_4 {offsets = [0, 12], sizes = [128, 1], strides = [1, 1]} : vector<128x16xf32> to vector<128x1xf32>
    %slice3A_175 = vector.extract_strided_slice %get3A_7 {offsets = [12, 0], sizes = [1, 1024], strides = [1, 1]} : vector<16x1024xf32> to vector<1x1024xf32>
    %add3A_176 = vector.broadcast %slice3A_174 : vector<128x1xf32> to vector<128x1024xf32>
    %add3A_177 = vector.broadcast %slice3A_175 : vector<1x1024xf32> to vector<128x1024xf32>
    %add3A_178 = arith.addf %add3A_176, %add3A_177 : vector<128x1024xf32>
    %max3A_179 = arith.constant 0.000000e+00 : f32
    %max3A_180 = vector.broadcast %max3A_179 : f32 to vector<128x1024xf32>
    %max3A_181 = arith.maximumf %add3A_178, %max3A_180 : vector<128x1024xf32>
    %get3A_182 = arith.constant 12 : index
    %get3A_183 = arith.constant 0 : index
    %get3A_184 = memref.load %arg9[%get3A_182, %get3A_183] : memref<16x1xf32, #tpu.memory_space<smem>>
    %mul3A_185 = vector.broadcast %get3A_184 : f32 to vector<128x1024xf32>
    %mul3A_186 = arith.mulf %max3A_181, %mul3A_185 : vector<128x1024xf32>
    %add3A_187 = arith.addf %add3A_173, %mul3A_186 : vector<128x1024xf32>
    %slice3A_188 = vector.extract_strided_slice %get3A_4 {offsets = [0, 13], sizes = [128, 1], strides = [1, 1]} : vector<128x16xf32> to vector<128x1xf32>
    %slice3A_189 = vector.extract_strided_slice %get3A_7 {offsets = [13, 0], sizes = [1, 1024], strides = [1, 1]} : vector<16x1024xf32> to vector<1x1024xf32>
    %add3A_190 = vector.broadcast %slice3A_188 : vector<128x1xf32> to vector<128x1024xf32>
    %add3A_191 = vector.broadcast %slice3A_189 : vector<1x1024xf32> to vector<128x1024xf32>
    %add3A_192 = arith.addf %add3A_190, %add3A_191 : vector<128x1024xf32>
    %max3A_193 = arith.constant 0.000000e+00 : f32
    %max3A_194 = vector.broadcast %max3A_193 : f32 to vector<128x1024xf32>
    %max3A_195 = arith.maximumf %add3A_192, %max3A_194 : vector<128x1024xf32>
    %get3A_196 = arith.constant 13 : index
    %get3A_197 = arith.constant 0 : index
    %get3A_198 = memref.load %arg9[%get3A_196, %get3A_197] : memref<16x1xf32, #tpu.memory_space<smem>>
    %mul3A_199 = vector.broadcast %get3A_198 : f32 to vector<128x1024xf32>
    %mul3A_200 = arith.mulf %max3A_195, %mul3A_199 : vector<128x1024xf32>
    %add3A_201 = arith.addf %add3A_187, %mul3A_200 : vector<128x1024xf32>
    %slice3A_202 = vector.extract_strided_slice %get3A_4 {offsets = [0, 14], sizes = [128, 1], strides = [1, 1]} : vector<128x16xf32> to vector<128x1xf32>
    %slice3A_203 = vector.extract_strided_slice %get3A_7 {offsets = [14, 0], sizes = [1, 1024], strides = [1, 1]} : vector<16x1024xf32> to vector<1x1024xf32>
    %add3A_204 = vector.broadcast %slice3A_202 : vector<128x1xf32> to vector<128x1024xf32>
    %add3A_205 = vector.broadcast %slice3A_203 : vector<1x1024xf32> to vector<128x1024xf32>
    %add3A_206 = arith.addf %add3A_204, %add3A_205 : vector<128x1024xf32>
    %max3A_207 = arith.constant 0.000000e+00 : f32
    %max3A_208 = vector.broadcast %max3A_207 : f32 to vector<128x1024xf32>
    %max3A_209 = arith.maximumf %add3A_206, %max3A_208 : vector<128x1024xf32>
    %get3A_210 = arith.constant 14 : index
    %get3A_211 = arith.constant 0 : index
    %get3A_212 = memref.load %arg9[%get3A_210, %get3A_211] : memref<16x1xf32, #tpu.memory_space<smem>>
    %mul3A_213 = vector.broadcast %get3A_212 : f32 to vector<128x1024xf32>
    %mul3A_214 = arith.mulf %max3A_209, %mul3A_213 : vector<128x1024xf32>
    %add3A_215 = arith.addf %add3A_201, %mul3A_214 : vector<128x1024xf32>
    %slice3A_216 = vector.extract_strided_slice %get3A_4 {offsets = [0, 15], sizes = [128, 1], strides = [1, 1]} : vector<128x16xf32> to vector<128x1xf32>
    %slice3A_217 = vector.extract_strided_slice %get3A_7 {offsets = [15, 0], sizes = [1, 1024], strides = [1, 1]} : vector<16x1024xf32> to vector<1x1024xf32>
    %add3A_218 = vector.broadcast %slice3A_216 : vector<128x1xf32> to vector<128x1024xf32>
    %add3A_219 = vector.broadcast %slice3A_217 : vector<1x1024xf32> to vector<128x1024xf32>
    %add3A_220 = arith.addf %add3A_218, %add3A_219 : vector<128x1024xf32>
    %max3A_221 = arith.constant 0.000000e+00 : f32
    %max3A_222 = vector.broadcast %max3A_221 : f32 to vector<128x1024xf32>
    %max3A_223 = arith.maximumf %add3A_220, %max3A_222 : vector<128x1024xf32>
    %get3A_224 = arith.constant 15 : index
    %get3A_225 = arith.constant 0 : index
    %get3A_226 = memref.load %arg9[%get3A_224, %get3A_225] : memref<16x1xf32, #tpu.memory_space<smem>>
    %mul3A_227 = vector.broadcast %get3A_226 : f32 to vector<128x1024xf32>
    %mul3A_228 = arith.mulf %max3A_223, %mul3A_227 : vector<128x1024xf32>
    %add3A_229 = arith.addf %add3A_215, %mul3A_228 : vector<128x1024xf32>
    %get3A_230 = arith.constant 0 : index
    %get3A_231 = memref.load %arg10[%get3A_230] : memref<1xf32, #tpu.memory_space<smem>>
    %add3A_232 = vector.broadcast %get3A_231 : f32 to vector<128x1024xf32>
    %add3A_233 = arith.addf %add3A_229, %add3A_232 : vector<128x1024xf32>
    %logistic3A = arith.negf %add3A_233 : vector<128x1024xf32>
    %logistic3A_234 = math.exp %logistic3A : vector<128x1024xf32>
    %logistic3A_235 = arith.constant 1.000000e+00 : f32
    %logistic3A_236 = vector.broadcast %logistic3A_235 : f32 to vector<128x1024xf32>
    %logistic3A_237 = arith.addf %logistic3A_236, %logistic3A_234 : vector<128x1024xf32>
    %logistic3A_238 = arith.divf %logistic3A_236, %logistic3A_237 : vector<128x1024xf32>
    %reshape3A = vector.shape_cast %logistic3A_238 : vector<128x1024xf32> to vector<131072xf32>
    %swap3A = arith.constant 0 : index
    %swap3A_239 = vector.load %arg12[%swap3A] : memref<131072xf32, #tpu.memory_space<vmem>>, vector<131072xf32>
    tpu.vector_store %arg12[%swap3A], %reshape3A {strides = array<i32>} : memref<131072xf32, #tpu.memory_space<vmem>>, vector<131072xf32>,
    %mul3A_240 = arith.constant 131072 : i32
    %mul3A_241 = arith.muli %arg0, %mul3A_240 : i32
    %iota3A = tpu.iota {dimensions = array<i32: 1>} : vector<1x131072xi32>
    %iota3A_242 = vector.shape_cast %iota3A : vector<1x131072xi32> to vector<131072xi32>
    %add3A_243 = vector.broadcast %mul3A_241 : i32 to vector<131072xi32>
    %add3A_244 = arith.addi %add3A_243, %iota3A_242 : vector<131072xi32>
    %shift_right_logical3A = arith.constant 10 : i32
    %shift_right_logical3A_245 = vector.broadcast %shift_right_logical3A : i32 to vector<131072xi32>
    %shift_right_logical3A_246 = arith.shrui %add3A_244, %shift_right_logical3A_245 : vector<131072xi32>
    %swap3A_247 = arith.constant 0 : index
    %swap3A_248 = arith.constant 0 : index
    %swap3A_249 = vector.load %arg13[%swap3A_247, %swap3A_248] : memref<2x131072xi32, #tpu.memory_space<vmem>>, vector<1x131072xi32>
    %swap3A_250 = vector.shape_cast %swap3A_249 : vector<1x131072xi32> to vector<131072xi32>
    %swap3A_251 = vector.shape_cast %shift_right_logical3A_246 : vector<131072xi32> to vector<1x131072xi32>
    tpu.vector_store %arg13[%swap3A_247, %swap3A_248], %swap3A_251 {strides = array<i32>} : memref<2x131072xi32, #tpu.memory_space<vmem>>, vector<1x131072xi32>,
    %and3A = arith.constant 1023 : i32
    %and3A_252 = vector.broadcast %and3A : i32 to vector<131072xi32>
    %and3A_253 = arith.andi %add3A_244, %and3A_252 : vector<131072xi32>
    %swap3A_254 = arith.constant 1 : index
    %swap3A_255 = arith.constant 0 : index
    %swap3A_256 = vector.load %arg13[%swap3A_254, %swap3A_255] : memref<2x131072xi32, #tpu.memory_space<vmem>>, vector<1x131072xi32>
    %swap3A_257 = vector.shape_cast %swap3A_256 : vector<1x131072xi32> to vector<131072xi32>
    %swap3A_258 = vector.shape_cast %and3A_253 : vector<131072xi32> to vector<1x131072xi32>
    tpu.vector_store %arg13[%swap3A_254, %swap3A_255], %swap3A_258 {strides = array<i32>} : memref<2x131072xi32, #tpu.memory_space<vmem>>, vector<1x131072xi32>,
    return
  }
  func.func @transform_0(%arg0: i32) -> (i32, i32) {
    %c0_i32 = arith.constant 0 : i32
    %c0_i32_0 = arith.constant 0 : i32
    %c0_i32_1 = arith.constant 0 : i32
    return %c0_i32, %c0_i32_0 : i32, i32
  }
  func.func @transform_1(%arg0: i32) -> (i32, i32) {
    %c0_i32 = arith.constant 0 : i32
    %c0_i32_0 = arith.constant 0 : i32
    %c0_i32_1 = arith.constant 0 : i32
    return %c0_i32, %c0_i32_0 : i32, i32
  }
  func.func @transform_2(%arg0: i32) -> (i32, i32) {
    %c0_i32 = arith.constant 0 : i32
    %c0_i32_0 = arith.constant 0 : i32
    %c0_i32_1 = arith.constant 0 : i32
    return %c0_i32, %c0_i32_0 : i32, i32
  }
  func.func @transform_3(%arg0: i32) -> i32 {
    %c0_i32 = arith.constant 0 : i32
    %c0_i32_0 = arith.constant 0 : i32
    return %c0_i32 : i32
  }
  func.func @transform_4(%arg0: i32) -> (i32, i32) {
    %c0_i32 = arith.constant 0 : i32
    %c0_i32_0 = arith.constant 0 : i32
    %c0_i32_1 = arith.constant 0 : i32
    return %c0_i32, %c0_i32_0 : i32, i32
  }
  func.func @transform_5(%arg0: i32) -> i32 {
    %c0_i32 = arith.constant 0 : i32
    %c0_i32_0 = arith.constant 0 : i32
    return %c0_i32 : i32
  }
  func.func @transform_6(%arg0: i32) -> (i32, i32) {
    %c0_i32 = arith.constant 0 : i32
    %c0_i32_0 = arith.constant 0 : i32
    %c0_i32_1 = arith.constant 0 : i32
    return %c0_i32, %c0_i32_0 : i32, i32
  }
  func.func @transform_7(%arg0: i32) -> i32 {
    %c0_i32 = arith.constant 0 : i32
    %c0_i32_0 = arith.constant 0 : i32
    return %c0_i32 : i32
  }
  func.func @transform_8(%arg0: i32) -> (i32, i32) {
    %c0_i32 = arith.constant 0 : i32
    %c0_i32_0 = arith.constant 0 : i32
    %c0_i32_1 = arith.constant 0 : i32
    return %c0_i32, %c0_i32_0 : i32, i32
  }
  func.func @transform_9(%arg0: i32) -> i32 {
    %c0_i32 = arith.constant 0 : i32
    %c0_i32_0 = arith.constant 0 : i32
    return %c0_i32 : i32
  }
  func.func @transform_10(%arg0: i32) -> (i32, i32) {
    %c0_i32 = arith.constant 0 : i32
    %c0_i32_0 = arith.constant 0 : i32
    %c0_i32_1 = arith.constant 0 : i32
    return %c0_i32, %c0_i32_0 : i32, i32
  }
  func.func @transform_11(%arg0: i32) -> i32 {
    %c0_i32 = arith.constant 0 : i32
    return %arg0 : i32
  }
  func.func @transform_12(%arg0: i32) -> (i32, i32) {
    %c0_i32 = arith.constant 0 : i32
    %c0_i32_0 = arith.constant 0 : i32
    return %c0_i32, %arg0 : i32, i32
  }
}

</mosaic_0001>

<sc_bundles>
// kernel: kernel.4.cloned.1.call-start
scs
__scs_entry_jumppad:
0x0: {  	(pc) =	sbr.rel $0x88, $3  }
0x1: {  	(tag) =	ssettag $0x0;
	lr =	simm.s32 $0x1  }
0x2: {  	[smem:$0x3F97] =	sst lr;
	_ =	strace $0xD0000000  }
0x3: {  	_ = 	snop  }
0x4: {  	_ = 	snop  }
0x5: {  	_ = 	snop  }
0x6: {  	_ = 	snop  }
0x7: {  	_ = 	snop  }
__scs_overlays_trampoline_lowered:
0x8: {  	[smem:$0x3FA6] =	sst s0  }
0x9: {  	[smem:$0x3FA7] =	sst s1  }
0xa: {  	[smem:$0x3FA8] =	sst s2  }
0xb: {  	[smem:$0x3FA9] =	sst s3  }
0xc: {  	[smem:$0x3FAA] =	sst s4  }
0xd: {  	[smem:$0x3FAB] =	sst s5  }
0xe: {  	[smem:$0x3FAC] =	sst s6  }
0xf: {  	[smem:$0x3FAD] =	sst s7  }
0x10: {  	[smem:$0x3FAE] =	sst s8  }
0x11: {  	[smem:$0x3FAF] =	sst s9;
	s0 =	simm.s32 @!p0 $0x0  }
0x12: {  	s1 =	sld [smem:$0x3F95];
	s0 =	simm.s32 @p0 $0x1  }
0x13: {  	[smem:$0x3FB0] =	sst s0;
	s0 =	simm.s32 @!p1 $0x0  }
0x14: {  	s2 =	sld [smem:$0x3F94];
	s0 =	simm.s32 @p1 $0x1  }
0x15: {  	[smem:$0x3FB1] =	sst s0;
	s0 =	simm.s32 @!p2 $0x0  }
0x16: {  	s3 =	sld [smem:$0x3FDB];
	s0 =	simm.s32 @p2 $0x1  }
0x17: {  	s4 =	simm.s32 $0x1BF5;
	[smem:$0x3FB3] =	sst s0  }
0x18: {  	s0 =	sld [smem:$0x3F96];
	_ =	swait.ge [sflag:s4], $0x0  }
0x19: {  	s7 =	sld [smem:$0x3F97]  }
0x1a: {  	s8 =	sadd.s32 $0xFFFFE003, lr  }
0x1b: {  	s9 =	sadd.s32 $0xFFFFFEF7, lr;
	s5 =	simm.s32 $0xFFFFFFFF;
	p2 =	slt.u32 s8, $0xFFFFF086  }
0x1c: {  	p1 =	slt.u32 s9, $0xF7A;
	s5 =	simm.s32 @!p2 $0x0  }
0x1d: {  	s5 =	simm.s32 @p1 $0x1;
	p0 =	seq.s32 s7, s2  }
0x1e: {  	s7 =	smul.u32 @!p0 $0xF7A, s2;
	p2 =	seq.s32 @!p0 s5, $0x0  }
0x1f: {  	s9 =	smul.u32 $0xF7A, s1;
	s8 =	simm.s32 @!p0 $0x1BF5;
	p2 =	por !p2, p0  }
0x20: {  	[sflag:s8] =	ssyncset.s32 @!p0 $0xFFFFF086;
	s6 =	sadd.s32 @!p0 s3, s7;
	s7 =	simm.s32 @!p0 $0x108  }
0x21: {  	s3 =	sadd.s32 s3, s9;
	s6 =	sadd.s32 @!p0 $0x88, s6;
	s7 =	simm.s32 @p2 $0x1082  }
0x22: {  	[simem:s7], [sflag:s8] =	dma.local @!p0 [hbm:s6], $0xF7A  }
0x23: {  	s9 =	sor.u32 $0xD0000000, s2;
	s6 =	simm.s32 $0x108;
	_ =	swait.ge @!p0 [sflag:s8], $0x0  }
0x24: {  	s3 =	sadd.s32 $0x88, s3;
	s6 =	simm.s32 @!p1 $0x1082;
	[sflag:s4] =	ssyncset.s32 $0xFFFFF086  }
0x25: {  	[simem:s6], [sflag:s4] =	dma.local [hbm:s3], $0xF7A  }
0x26: {  	[smem:$0x3F97] =	sst s1;
	(tag) =	ssettag s2;
	_ =	strace s9  }
0x27: {  	s1 =	sld [smem:$0x3FA7]  }
0x28: {  	s2 =	sld [smem:$0x3FA8]  }
0x29: {  	s4 =	sld [smem:$0x3FAA]  }
0x2a: {  	p0 =	seq.s32 s5, $0x0;
	s5 =	sld [smem:$0x3FAB]  }
0x2b: {  	s6 =	sld [smem:$0x3FAC]  }
0x2c: {  	s7 =	sld [smem:$0x3FAD]  }
0x2d: {  	s3 =	simm.s32 $0x108;
	s8 =	sld [smem:$0x3FAE]  }
0x2e: {  	s3 =	simm.s32 @!p0 $0x1082;
	s9 =	sld [smem:$0x3FAF]  }
0x2f: {  	lr =	sadd.s32 s0, s3;
	s0 =	sld [smem:$0x3FA6]  }
0x30: {  	s3 =	sld [smem:$0x3FA9]  }
0x31: {  	[smem:$0x3FB2] =	sst s10  }
0x32: {  	s10 =	sld [smem:$0x3FB0];
	_ =	sdelay $0x3  }
0x33: {  	p0 =	seq.s32 s10, $0x1;
	s10 =	sld [smem:$0x3FB2];
	_ =	sdelay $0x3  }
0x34: {  	[smem:$0x3FB2] =	sst s10  }
0x35: {  	s10 =	sld [smem:$0x3FB1];
	_ =	sdelay $0x3  }
0x36: {  	p1 =	seq.s32 s10, $0x1;
	s10 =	sld [smem:$0x3FB2];
	_ =	sdelay $0x3  }
0x37: {  	[smem:$0x3FB2] =	sst s10  }
0x38: {  	s10 =	sld [smem:$0x3FB3]  }
0x39: {  	_ = 	snop;
	(pc) =	sbr.ind lr, $3  }
0x3a: {  	_ = 	snop  }
0x3b: {  	_ = 	snop  }
0x3c: {  	p2 =	seq.s32 s10, $0x1;
	s10 =	sld [smem:$0x3FB2]  }
0x3d: {  	_ =	shalt  }
0x3e: {  	_ =	shalt  }
0x3f: {  	_ =	shalt  }
0x40: {  	_ =	shalt  }
0x41: {  	_ =	shalt  }
0x42: {  	_ =	shalt  }
0x43: {  	_ =	shalt  }
0x44: {  	_ =	shalt  }
0x45: {  	_ =	shalt  }
0x46: {  	_ =	shalt  }
0x47: {  	_ =	shalt  }
0x48: {  	_ =	shalt  }
0x49: {  	_ =	shalt  }
0x4a: {  	_ =	shalt  }
0x4b: {  	_ =	shalt  }
0x4c: {  	_ =	shalt  }
0x4d: {  	_ =	shalt  }
0x4e: {  	_ =	shalt  }
0x4f: {  	_ =	shalt  }
0x50: {  	_ =	shalt  }
0x51: {  	_ =	shalt  }
0x52: {  	_ =	shalt  }
0x53: {  	_ =	shalt  }
0x54: {  	_ =	shalt  }
0x55: {  	_ =	shalt  }
0x56: {  	_ =	shalt  }
0x57: {  	_ =	shalt  }
0x58: {  	_ =	shalt  }
0x59: {  	_ =	shalt  }
0x5a: {  	_ =	shalt  }
0x5b: {  	_ =	shalt  }
0x5c: {  	_ =	shalt  }
0x5d: {  	_ =	shalt  }
0x5e: {  	_ =	shalt  }
0x5f: {  	_ =	shalt  }
0x60: {  	_ =	shalt  }
0x61: {  	_ =	shalt  }
0x62: {  	_ =	shalt  }
0x63: {  	_ =	shalt  }
0x64: {  	_ =	shalt  }
0x65: {  	_ =	shalt  }
0x66: {  	_ =	shalt  }
0x67: {  	_ =	shalt  }
0x68: {  	_ =	shalt  }
0x69: {  	_ =	shalt  }
0x6a: {  	_ =	shalt  }
0x6b: {  	_ =	shalt  }
0x6c: {  	_ =	shalt  }
0x6d: {  	_ =	shalt  }
0x6e: {  	_ =	shalt  }
0x6f: {  	_ =	shalt  }
0x70: {  	_ =	shalt  }
0x71: {  	_ =	shalt  }
0x72: {  	_ =	shalt  }
0x73: {  	_ =	shalt  }
0x74: {  	_ =	shalt  }
0x75: {  	_ =	shalt  }
0x76: {  	_ =	shalt  }
0x77: {  	_ =	shalt  }
0x78: {  	_ =	shalt  }
0x79: {  	_ =	shalt  }
0x7a: {  	_ =	shalt  }
0x7b: {  	_ =	shalt  }
0x7c: {  	_ =	shalt  }
0x7d: {  	_ =	shalt  }
0x7e: {  	_ =	shalt  }
0x7f: {  	_ =	shalt  }
0x80: {  	_ =	shalt  }
0x81: {  	_ =	shalt  }
0x82: {  	_ =	shalt  }
0x83: {  	_ =	shalt  }
0x84: {  	_ =	shalt  }
0x85: {  	_ =	shalt  }
0x86: {  	_ =	shalt  }
0x87: {  	_ =	shalt  }
.Lfunc_end0:
.L_simem_size_0:
called_computation_lowered:
.L_overlay_start_0:
0x88: {  	s2 =	sld [smem:$0x3FD9]  }
0x89: {  	s3 =	sld [smem:$0x3FFE];
	_ =	sdelay $0x1  }
0x8a: {  	s1 =	srdreg.scid  }
0x8b: {  	s0 =	sand.u32 $0x1, s1  }
0x8c: {  	s15 =	sshll.u32 s0, $0xA;
	s2 =	sadd.s32 s3, s2  }
0x8d: {  	s2 =	sadd.s32 s2, s15  }
0x8e: {  	[smem:$0x3FBE] =	sst s2  }
0x8f: {  	_ = 	snop  }
0x90: {  	s2 =	sld [smem:$0x3FD0];
	_ =	sdelay $0x2  }
0x91: {  	s4 =	simm.s32 $0xA;
	s5 =	simm.s32 $0x10;
	s16 =	sld [smem:$0x3FC8]  }
0x92: {  	[smem:s5], [sflag:s4] =	dma.local [hbm:s2], $0x1  }
0x93: {  	_ =	swait.eq [sflag:s4], $0x1  }
0x94: {  	[sflag:s4] =	ssyncset.done $0x0  }
0x95: {  	[sflag:s4] =	ssyncadd.s32 $0xFFFFFFFF  }
0x96: {  	s17 =	sld [smem:$0x11];
	(tm) =	ssettm $0x1  }
0x97: {  	s18 =	sld [smem:$0x3FFB];
	_ =	sdelay $0x3  }
0x98: {  	_ =	strace s18  }
0x99: {  	s4 =	sld [smem:$0x3FFC];
	_ =	sdelay $0x3  }
0x9a: {  	_ =	strace s4  }
0x9b: {  	s4 =	sld [smem:$0x3FFD];
	_ =	sdelay $0x3  }
0x9c: {  	_ =	strace s4  }
0x9d: {  	_ =	strace $0x8FFFFFFF  }
0x9e: {  	s19 =	sld [smem:$0x3FDB];
	_ =	sdelay $0x1  }
0x9f: {  	s20 =	simm.s32 $_scs_section_size  }
0xa0: {  	s6 =	simm.s32 $_size__tile_overlayer_lowered;
	s7 =	simm.s32 $_tile_overlayer_lowered  }
0xa1: {  	s23 =	simm.s32 $0x1BFF;
	s22 =	sshll.u32 s7, $0x1;
	s4 =	sadd.s32 s20, s19  }
0xa2: {  	s8 =	simm.s32 $0x0;
	s21 =	sshll.u32 s6, $0x1;
	s6 =	sadd.s32 s22, s4  }
0xa3: {  	[timem:s8], [sflag:s23] =	dma.local [hbm:s6], s21  }
0xa4: {  	_ =	swait.ge [sflag:s23], s21  }
0xa5: {  	s5 =	ssub.s32 $0x0, s21;
	[sflag:s23] =	ssyncset.done $0x0  }
0xa6: {  	[sflag:s23] =	ssyncadd.s32 s5;
	_ =	sdelay $0x1  }
0xa7: {  	s24 =	simm.s32 $0x1B8B  }
0xa8: {  	_ =	swait.ge [sflag:s24], $0x1  }
0xa9: {  	[sflag:s24] =	ssyncset.done $0x0  }
0xaa: {  	s25 =	simm.s32 $0x1B8E;
	[sflag:s24] =	ssyncadd.s32 $0xFFFFFFFF  }
0xab: {  	s26 =	simm.s32 $execute0_lowered;
	[smem:$0x3FD2] =	sst s25  }
0xac: {  	s5 =	sshll.u32 s26, $0x1;
	_ =	strace $0x80000046;
	[dreg:$0x1] =	wrdreg $0xFFFFFFFF  }
0xad: {  	s28 =	simm.s32 $_size_execute0_lowered;
	s4 =	sadd.s32 s4, s5;
	[dreg:$0x0] =	wrdreg $0x0  }
0xae: {  	s5 =	sshll.u32 s28, $0x1;
	[dreg:$0x2] =	wrdreg s4  }
0xaf: {  	[dreg:$0x3] =	wrdreg s5  }
0xb0: {  	[dreg:$0x4] =	wrdreg $0xC0  }
0xb1: {  	_ =	task [dreg:s8], $0x5FFFF  }
0xb2: {  	[dreg:$0x1] =	wrdreg $0xFFFFFFFF  }
0xb3: {  	[dreg:$0x0] =	wrdreg $0x60  }
0xb4: {  	[dreg:$0x2] =	wrdreg s16  }
0xb5: {  	[dreg:$0x3] =	wrdreg s17  }
0xb6: {  	[dreg:$0x4] =	wrdreg $0x3C000  }
0xb7: {  	[dreg:$0x5] =	wrdreg $0x3C400  }
0xb8: {  	[dreg:$0x6] =	wrdreg $0x9  }
0xb9: {  	_ =	task.clear_ibuf [dreg:s8], $0x7FFFF;
	_ =	strace $0x90000046  }
0xba: {  	s29 =	simm.s32 $0x9;
	_ =	strace $0x80000048  }
0xbb: {  	_ =	swait.ge [sflag:s29], $0x1  }
0xbc: {  	[sflag:s29] =	ssyncadd.s32 $0xFFFFFFFF  }
0xbd: {  	_ =	strace $0x90000048  }
0xbe: {  	_ =	sfence  }
0xbf: {  	s30 =	sld [smem:$0x0];
	_ =	sdelay $0x2  }
0xc0: {  	s31 =	sshll.u32 s1, $0xD;
	s1 =	sshrl.u32 s1, $0x2  }
0xc1: {  	s3 =	sand.u32 $0x4000, s31;
	s1 =	sadd.s32 s1, s30  }
0xc2: {  	s0 =	sor.u32 s3, s0;
	s1 =	sshll.u32 s1, $0x11  }
0xc3: {  	s0 =	sor.u32 s1, s0  }
0xc4: {  	s0 =	sadd.s32 $0x8F2B, s0  }
0xc5: {  	[sflag:s0] =	ssyncadd.remote.s32 $0x1  }
0xc6: {  	_ =	sfence.sel $0xFFFF  }
0xc7: {  	[dreg:$0x0] =	wrdreg $0xFFFFFFFF;
	(pc) =	sbr.abs _section_cstart, $3  }
0xc8: {  	[dreg:$0x1] =	wrdreg $0xFFFFFFFF  }
0xc9: {  	_ =	task.clear_ibuf [dreg:s8], $0x2FFFF;
	_ =	strace $0x9FFFFFFF  }
0xca: {  	(tm) =	ssettm $0x7FFFFFFF  }
0xcb: {  	_ =	shalt  }
tec
execute0_lowered:
.L_overlay_start_1:
0x0: {  	(tag) =	ssettag $0x1  }
0x1: {  	s0 =	rddreg [dreg:$0x0]  }
0x2: {  	s3 =	rddreg [dreg:$0x1]  }
0x3: {  	s1 =	rddreg [dreg:$0x2]  }
0x4: {  	s4 =	srdreg.scid;
	s2 =	rddreg [dreg:$0x3]  }
0x5: {  	s6 =	simm.s32 $0x0;
	s8 =	stileid.u32;
	s25 =	simm.s32 $0x2000  }
0x6: {  	s28 =	simm.s32 $0x1A80;
	s29 =	simm.s32 $0x1B00;
	s30 =	simm.s32 $0x1000  }
0x7: {  	s4 =	sand.u32 $0x1, s4;
	[smem:$0x7FF] =	sst s6;
	s19 =	sshll.u32 s8, $0x9  }
0x8: {  	s20 =	sshll.u32 s8, $0xF;
	s5 =	ssub.s32 $0x2, s4;
	_ =	strace $0x80000047  }
0x9: {  	s6 =	sadd.s32 s0, s19;
	s9 =	sshll.u32 s4, $0x9;
	s18 =	sshrl.u32 s5, $0x1  }
0xa: {  	v4 =	vlaneseq.u32;
	s4 =	sshll.u32 s4, $0x13;
	s7 =	ssub.s32 s5, s18;
	s5 =	sshll.u32 s8, $0x6  }
0xb: {  	v5 =	vor.u32 $0x80000, v4;
	s19 =	simm.s32 $0x80;
	v0 =	vmov s9;
	s24 =	sor.u32 $0x10, s5;
	s26 =	sor.u32 $0x20, s5;
	v2 =	vor.u32 s5, v4  }
0xc: {  	s21 =	sadd.s32 $0x10, s6;
	s0 =	sor.u32 s20, s4;
	s31 =	sor.u32 $0x30, s5;
	v1 =	vor.u32 s24, v4;
	v6 =	vor.u32 s24, v5;
	v3 =	vor.u32 s26, v4  }
0xd: {  	s4 =	simm.s32 $0x1880;
	s9 =	simm.s32 $0x0;
	[dreg:$0x5] =	wrdreg s21;
	v7 =	vor.u32 s26, v5;
	v8 =	vsub.s32 v2, v0;
	v4 =	vor.u32 s31, v4  }
0xe: {  	s8 =	sadd.s32 s20, s2;
	s0 =	sshrl.u32 s0, $0x3;
	s21 =	simm.s32 $0x1;
	v9 =	vor.u32 s31, v5;
	v5 =	vor.u32 s5, v5;
	vm0 =	vlt.u32 v8, $0x200  }
0xf: {  	s20 =	simm.s32 $0x1900;
	s10 =	sadd.s32 s5, s1;
	s22 =	sadd.s32 $0x1000, s8;
	v8 =	vshll.u32 v8, $0xA;
	v10 =	vsub.s32 v1, v0;
	v11 =	vsub.s32 v4, v0  }
0x10: {  	s23 =	sadd.s32 $0x2000, s8;
	s12 =	sadd.s32 $0x3000, s8;
	s13 =	sadd.s32 $0x4000, s8;
	v8 =	vor.u32 v2, v8;
	vm15 =	vlt.u32 v10, $0x200;
	v10 =	vshll.u32 v10, $0xA  }
0x11: {  	s14 =	sadd.s32 $0x5000, s8;
	s15 =	sadd.s32 $0x6000, s8;
	s16 =	sadd.s32 $0x7000, s8;
	vm2 =	vlt.u32 v11, $0x200;
	v5 =	vsel vm0, v8, v5;
	v8 =	vsub.s32 v3, v0  }
0x12: {  	s17 =	sadd.s32 s3, s0;
	s18 =	smax.u32 s7, $0x1;
	[dreg:$0x6] =	wrdreg s10;
	v11 =	vshll.u32 v11, $0xA;
	vm1 =	vlt.u32 v8, $0x200;
	v8 =	vshll.u32 v8, $0xA  }
0x13: {  	s0 =	simm.s32 $0x1700;
	s3 =	simm.s32 $0x1780;
	[dreg:$0x7] =	wrdreg s22;
	v10 =	vor.u32 v1, v10;
	v11 =	vor.u32 v4, v11;
	v8 =	vor.u32 v3, v8  }
0x14: {  	s7 =	simm.s32 $0x1B80;
	[dreg:$0x8] =	wrdreg s23;
	s23 =	simm.s32 $0x2C00;
	v6 =	vsel vm15, v10, v6;
	v10 =	vimm.f32 $1.000000000e+00;
	v7 =	vsel vm1, v8, v7  }
0x15: {  	s22 =	simm.s32 $0x1800;
	s24 =	simm.s32 $0x1980;
	s26 =	simm.s32 $0x1A00;
	v8 =	vsel vm2, v11, v9;
	v9 =	vimm.f32 $0.0e+00;
	v11 =	vimm.s32 $0x80000  }
.LBB2_1:
0x16: {  	s10 =	simm.s32 $0x0;
	s31 =	simm.s32 $0x100  }
0x17: {  	[tilespmem:s10], [sflag:$0x1] =	stream.strided.gather [hbm4b:s6+s19], $0x800, s31, s19, $0x38;
	[tilespmem:$0xBC80] =	vst v63  }
0x18: {  	_ =	swait.ge [sflag:s21], $0x800  }
0x19: {  	[sflag:s21] =	ssyncset.done $0x0  }
0x1a: {  	s11 =	simm.s32 $0x800;
	s10 =	rddreg [dreg:$0x5];
	[sflag:s21] =	ssyncadd.s32 $0xFFFFF800  }
0x1b: {  	[tilespmem:s11], [sflag:$0x1] =	stream.strided.gather [hbm4b:s10+s19], $0x800, s31, s19, $0x38;
	[tilespmem:$0xBC80] =	vst v63  }
0x1c: {  	_ =	swait.ge [sflag:s21], $0x800  }
0x1d: {  	[sflag:s21] =	ssyncset.done $0x0  }
0x1e: {  	s10 =	simm.s32 $0x40;
	s31 =	simm.s32 $0x0;
	[sflag:s21] =	ssyncadd.s32 $0xFFFFF800  }
.LBB2_2:
0x1f: {  	p0 =	sne.s32 s10, $0x3FC0;
	[tilespmem:s31+$0x2C00] =	vst v9;
	s31 =	smov.u32 s10;
	s10 =	sadd.s32 $0x40, s10  }
.Ltmp0:
0x20: {  	(pc) =	sbr.rel @p0 .LBB2_2-.Ltmp0, $2  }
0x21: {  	_ =	sdelay $0x2  }
0x22: {  	s31 =	sshra.s32 s31, $0x2  }
0x23: {  	[tilespmem:s31+$0x2C00] =	vst v9;
	s10 =	rddreg [dreg:$0x6]  }
0x24: {  	[spmem:s10] =	stream.linear.scatter [tilespmem:s23], [sflag:$0x1], $0x40, $0x38;
	[tilespmem:$0xBC80] =	vst v63  }
0x25: {  	_ =	swait.ge [sflag:s21], $0x40  }
0x26: {  	[sflag:s21] =	ssyncset.done $0x0  }
0x27: {  	[sflag:s21] =	ssyncadd.s32 $0xFFFFFFC0  }
0x28: {  	[spmem:s8] =	stream.linear.scatter [tilespmem:s23], [sflag:$0x1], $0x1000, $0x38;
	[tilespmem:$0xBC80] =	vst v63  }
0x29: {  	_ =	swait.ge [sflag:s21], $0x1000  }
0x2a: {  	[sflag:s21] =	ssyncset.done $0x0  }
0x2b: {  	s11 =	rddreg [dreg:$0x7];
	[sflag:s21] =	ssyncadd.s32 $0xFFFFF000  }
0x2c: {  	[spmem:s11] =	stream.linear.scatter [tilespmem:s23], [sflag:$0x1], $0x1000, $0x38;
	[tilespmem:$0xBC80] =	vst v63  }
0x2d: {  	_ =	swait.ge [sflag:s21], $0x1000  }
0x2e: {  	[sflag:s21] =	ssyncset.done $0x0  }
0x2f: {  	s11 =	rddreg [dreg:$0x8];
	[sflag:s21] =	ssyncadd.s32 $0xFFFFF000  }
0x30: {  	[spmem:s11] =	stream.linear.scatter [tilespmem:s23], [sflag:$0x1], $0x1000, $0x38;
	[tilespmem:$0xBC80] =	vst v63  }
0x31: {  	_ =	swait.ge [sflag:s21], $0x1000  }
0x32: {  	[sflag:s21] =	ssyncset.done $0x0  }
0x33: {  	[sflag:s21] =	ssyncadd.s32 $0xFFFFF000  }
0x34: {  	[spmem:s12] =	stream.linear.scatter [tilespmem:s23], [sflag:$0x1], $0x1000, $0x38;
	[tilespmem:$0xBC80] =	vst v63  }
0x35: {  	_ =	swait.ge [sflag:s21], $0x1000  }
0x36: {  	[sflag:s21] =	ssyncset.done $0x0  }
0x37: {  	[sflag:s21] =	ssyncadd.s32 $0xFFFFF000  }
0x38: {  	[spmem:s13] =	stream.linear.scatter [tilespmem:s23], [sflag:$0x1], $0x1000, $0x38;
	[tilespmem:$0xBC80] =	vst v63  }
0x39: {  	_ =	swait.ge [sflag:s21], $0x1000  }
0x3a: {  	[sflag:s21] =	ssyncset.done $0x0  }
0x3b: {  	[sflag:s21] =	ssyncadd.s32 $0xFFFFF000  }
0x3c: {  	[spmem:s14] =	stream.linear.scatter [tilespmem:s23], [sflag:$0x1], $0x1000, $0x38;
	[tilespmem:$0xBC80] =	vst v63  }
0x3d: {  	_ =	swait.ge [sflag:s21], $0x1000  }
0x3e: {  	[sflag:s21] =	ssyncset.done $0x0  }
0x3f: {  	[sflag:s21] =	ssyncadd.s32 $0xFFFFF000  }
0x40: {  	[spmem:s15] =	stream.linear.scatter [tilespmem:s23], [sflag:$0x1], $0x1000, $0x38;
	[tilespmem:$0xBC80] =	vst v63  }
0x41: {  	_ =	swait.ge [sflag:s21], $0x1000  }
0x42: {  	[sflag:s21] =	ssyncset.done $0x0  }
0x43: {  	[sflag:s21] =	ssyncadd.s32 $0xFFFFF000  }
0x44: {  	[spmem:s16] =	stream.linear.scatter [tilespmem:s23], [sflag:$0x1], $0x1000, $0x38;
	[tilespmem:$0xBC80] =	vst v63  }
0x45: {  	_ =	swait.ge [sflag:s21], $0x1000  }
0x46: {  	[sflag:s21] =	ssyncset.done $0x0  }
0x47: {  	[sflag:s21] =	ssyncadd.s32 $0xFFFFF000  }
0x48: {  	[bflag:$0x0] =	sbarrier.arrive $0xFFFF  }
0x49: {  	[tilespmem:$0x2000] =	vst v10  }
0x4a: {  	[tilespmem:$0x2010] =	vst v10  }
0x4b: {  	[tilespmem:$0x2020] =	vst v10  }
0x4c: {  	v12 =	vld [tilespmem:$0x800];
	[tilespmem:$0x2030] =	vst v10  }
0x4d: {  	v13 =	vld [tilespmem:$0x810];
	[tilespmem:$0x2040] =	vst v10  }
0x4e: {  	v14 =	vld [tilespmem:$0x820];
	[tilespmem:$0x2050] =	vst v10  }
0x4f: {  	v15 =	vld [tilespmem:$0x830];
	[tilespmem:$0x2060] =	vst v10  }
0x50: {  	v16 =	vld [tilespmem:$0x840];
	[tilespmem:$0x2070] =	vst v10  }
0x51: {  	v29 =	vld [tilespmem:$0x850];
	[tilespmem:$0x1400] =	vst v12  }
0x52: {  	v30 =	vld [tilespmem:$0x860];
	[tilespmem:$0x1410] =	vst v13  }
0x53: {  	v31 =	vld [tilespmem:$0x870];
	[tilespmem:$0x1420] =	vst v14  }
0x54: {  	v32 =	vld [tilespmem:$0x880];
	[tilespmem:$0x1430] =	vst v15  }
0x55: {  	v33 =	vld [tilespmem:$0x890];
	[tilespmem:$0x1440] =	vst v16  }
0x56: {  	v34 =	vld [tilespmem:$0x8A0];
	[tilespmem:$0x1450] =	vst v29  }
0x57: {  	v35 =	vld [tilespmem:$0x8B0];
	[tilespmem:$0x1460] =	vst v30  }
0x58: {  	v36 =	vld [tilespmem:$0x8C0];
	[tilespmem:$0x1470] =	vst v31  }
0x59: {  	v37 =	vld [tilespmem:$0x8D0];
	[tilespmem:$0x1480] =	vst v32  }
0x5a: {  	v38 =	vld [tilespmem:$0x8E0];
	[tilespmem:$0x1490] =	vst v33  }
0x5b: {  	v39 =	vld [tilespmem:$0x8F0];
	[tilespmem:$0x14A0] =	vst v34  }
0x5c: {  	v40 =	vld [tilespmem:$0x900];
	[tilespmem:$0x14B0] =	vst v35  }
0x5d: {  	v41 =	vld [tilespmem:$0x910];
	[tilespmem:$0x14C0] =	vst v36  }
0x5e: {  	v42 =	vld [tilespmem:$0x920];
	[tilespmem:$0x14D0] =	vst v37  }
0x5f: {  	v43 =	vld [tilespmem:$0x930];
	[tilespmem:$0x14E0] =	vst v38  }
0x60: {  	v44 =	vld [tilespmem:$0x940];
	[tilespmem:$0x14F0] =	vst v39  }
0x61: {  	v45 =	vld [tilespmem:$0x950];
	[tilespmem:$0x1500] =	vst v40  }
0x62: {  	v46 =	vld [tilespmem:$0x960];
	[tilespmem:$0x1510] =	vst v41  }
0x63: {  	v47 =	vld [tilespmem:$0x970];
	[tilespmem:$0x1520] =	vst v42  }
0x64: {  	v48 =	vld [tilespmem:$0x980];
	[tilespmem:$0x1530] =	vst v43  }
0x65: {  	v49 =	vld [tilespmem:$0x990];
	[tilespmem:$0x1540] =	vst v44  }
0x66: {  	v50 =	vld [tilespmem:$0x9A0];
	[tilespmem:$0x1550] =	vst v45  }
0x67: {  	v51 =	vld [tilespmem:$0x9B0];
	[tilespmem:$0x1560] =	vst v46  }
0x68: {  	v52 =	vld [tilespmem:$0x9C0];
	[tilespmem:$0x1570] =	vst v47  }
0x69: {  	v53 =	vld [tilespmem:$0x9D0];
	[tilespmem:$0x1580] =	vst v48  }
0x6a: {  	v54 =	vld [tilespmem:$0x9E0];
	[tilespmem:$0x1590] =	vst v49  }
0x6b: {  	v55 =	vld [tilespmem:$0x9F0];
	[tilespmem:$0x15A0] =	vst v50  }
0x6c: {  	v56 =	vld [tilespmem:$0xA00];
	[tilespmem:$0x15B0] =	vst v51  }
0x6d: {  	v57 =	vld [tilespmem:$0xA10];
	[tilespmem:$0x15C0] =	vst v52  }
0x6e: {  	v58 =	vld [tilespmem:$0xA20];
	[tilespmem:$0x15D0] =	vst v53  }
0x6f: {  	v59 =	vld [tilespmem:$0xA30];
	[tilespmem:$0x15E0] =	vst v54  }
0x70: {  	v60 =	vld [tilespmem:$0xA40];
	[tilespmem:$0x15F0] =	vst v55  }
0x71: {  	v61 =	vld [tilespmem:$0xA50];
	[tilespmem:$0x1600] =	vst v56  }
0x72: {  	v62 =	vld [tilespmem:$0xA60];
	[tilespmem:$0x1610] =	vst v57  }
0x73: {  	v63 =	vld [tilespmem:$0xA70];
	[tilespmem:$0x1620] =	vst v58  }
0x74: {  	v20 =	vld [tilespmem:$0xA80];
	[tilespmem:$0x1630] =	vst v59  }
0x75: {  	v21 =	vld [tilespmem:$0xA90];
	[tilespmem:$0x1640] =	vst v60  }
0x76: {  	v22 =	vld [tilespmem:$0xAA0];
	[tilespmem:$0x1650] =	vst v61  }
0x77: {  	v23 =	vld [tilespmem:$0xAB0];
	[tilespmem:$0x1660] =	vst v62  }
0x78: {  	v24 =	vld [tilespmem:$0xAC0];
	[tilespmem:$0x1670] =	vst v63  }
0x79: {  	v25 =	vld [tilespmem:$0xAD0];
	[tilespmem:$0x1680] =	vst v20  }
0x7a: {  	v26 =	vld [tilespmem:$0xAE0];
	[tilespmem:$0x1690] =	vst v21  }
0x7b: {  	v27 =	vld [tilespmem:$0xAF0];
	[tilespmem:$0x16A0] =	vst v22  }
0x7c: {  	v28 =	vld [tilespmem:$0xB00];
	[tilespmem:$0x16B0] =	vst v23  }
0x7d: {  	[tilespmem:$0x16C0] =	vst v24;
	v29 =	vld [tilespmem:$0xB10]  }
0x7e: {  	[tilespmem:$0x16D0] =	vst v25;
	v30 =	vld [tilespmem:$0xB20]  }
0x7f: {  	[tilespmem:$0x16E0] =	vst v26;
	v31 =	vld [tilespmem:$0xB30]  }
0x80: {  	[tilespmem:$0x16F0] =	vst v27;
	v32 =	vld [tilespmem:$0xB40]  }
0x81: {  	[tilespmem:$0x1700] =	vst v28;
	v33 =	vld [tilespmem:$0xB50]  }
0x82: {  	v34 =	vld [tilespmem:$0xB60];
	[tilespmem:$0x1710] =	vst v29  }
0x83: {  	v35 =	vld [tilespmem:$0xB70];
	[tilespmem:$0x1720] =	vst v30  }
0x84: {  	v36 =	vld [tilespmem:$0xB80];
	[tilespmem:$0x1730] =	vst v31  }
0x85: {  	v37 =	vld [tilespmem:$0xB90];
	[tilespmem:$0x1740] =	vst v32  }
0x86: {  	v38 =	vld [tilespmem:$0xBA0];
	[tilespmem:$0x1750] =	vst v33  }
0x87: {  	v39 =	vld [tilespmem:$0xBB0];
	[tilespmem:$0x1760] =	vst v34  }
0x88: {  	v40 =	vld [tilespmem:$0xBC0];
	[tilespmem:$0x1770] =	vst v35  }
0x89: {  	v41 =	vld [tilespmem:$0xBD0];
	[tilespmem:$0x1780] =	vst v36  }
0x8a: {  	v42 =	vld [tilespmem:$0xBE0];
	[tilespmem:$0x1790] =	vst v37  }
0x8b: {  	v43 =	vld [tilespmem:$0xBF0];
	[tilespmem:$0x17A0] =	vst v38  }
0x8c: {  	v44 =	vld [tilespmem:$0xC00];
	[tilespmem:$0x17B0] =	vst v39  }
0x8d: {  	v45 =	vld [tilespmem:$0xC10];
	[tilespmem:$0x17C0] =	vst v40  }
0x8e: {  	v46 =	vld [tilespmem:$0xC20];
	[tilespmem:$0x17D0] =	vst v41  }
0x8f: {  	v47 =	vld [tilespmem:$0xC30];
	[tilespmem:$0x17E0] =	vst v42  }
0x90: {  	v48 =	vld [tilespmem:$0xC40];
	[tilespmem:$0x17F0] =	vst v43  }
0x91: {  	v49 =	vld [tilespmem:$0xC50];
	[tilespmem:$0x1800] =	vst v44  }
0x92: {  	v50 =	vld [tilespmem:$0xC60];
	[tilespmem:$0x1810] =	vst v45  }
0x93: {  	v51 =	vld [tilespmem:$0xC70];
	[tilespmem:$0x1820] =	vst v46  }
0x94: {  	v52 =	vld [tilespmem:$0xC80];
	[tilespmem:$0x1830] =	vst v47  }
0x95: {  	v53 =	vld [tilespmem:$0xC90];
	[tilespmem:$0x1840] =	vst v48  }
0x96: {  	v54 =	vld [tilespmem:$0xCA0];
	[tilespmem:$0x1850] =	vst v49  }
0x97: {  	v55 =	vld [tilespmem:$0xCB0];
	[tilespmem:$0x1860] =	vst v50  }
0x98: {  	v56 =	vld [tilespmem:$0xCC0];
	[tilespmem:$0x1870] =	vst v51  }
0x99: {  	v57 =	vld [tilespmem:$0xCD0];
	[tilespmem:$0x1880] =	vst v52  }
0x9a: {  	v58 =	vld [tilespmem:$0xCE0];
	[tilespmem:$0x1890] =	vst v53  }
0x9b: {  	v59 =	vld [tilespmem:$0xCF0];
	[tilespmem:$0x18A0] =	vst v54  }
0x9c: {  	v60 =	vld [tilespmem:$0xD00];
	[tilespmem:$0x18B0] =	vst v55  }
0x9d: {  	v61 =	vld [tilespmem:$0xD10];
	[tilespmem:$0x18C0] =	vst v56  }
0x9e: {  	v62 =	vld [tilespmem:$0xD20];
	[tilespmem:$0x18D0] =	vst v57  }
0x9f: {  	v63 =	vld [tilespmem:$0xD30];
	[tilespmem:$0x18E0] =	vst v58  }
0xa0: {  	v20 =	vld [tilespmem:$0xD40];
	[tilespmem:$0x18F0] =	vst v59  }
0xa1: {  	v21 =	vld [tilespmem:$0xD50];
	[tilespmem:$0x1900] =	vst v60  }
0xa2: {  	v22 =	vld [tilespmem:$0xD60];
	[tilespmem:$0x1910] =	vst v61  }
0xa3: {  	v23 =	vld [tilespmem:$0xD70];
	[tilespmem:$0x1920] =	vst v62  }
0xa4: {  	v24 =	vld [tilespmem:$0xD80];
	[tilespmem:$0x1930] =	vst v63  }
0xa5: {  	v25 =	vld [tilespmem:$0xD90];
	[tilespmem:$0x1940] =	vst v20  }
0xa6: {  	v26 =	vld [tilespmem:$0xDA0];
	[tilespmem:$0x1950] =	vst v21  }
0xa7: {  	v27 =	vld [tilespmem:$0xDB0];
	[tilespmem:$0x1960] =	vst v22  }
0xa8: {  	v28 =	vld [tilespmem:$0xDC0];
	[tilespmem:$0x1970] =	vst v23  }
0xa9: {  	[tilespmem:$0x1980] =	vst v24;
	v29 =	vld [tilespmem:$0xDD0]  }
0xaa: {  	[tilespmem:$0x1990] =	vst v25;
	v30 =	vld [tilespmem:$0xDE0]  }
0xab: {  	[tilespmem:$0x19A0] =	vst v26;
	v31 =	vld [tilespmem:$0xDF0]  }
0xac: {  	[tilespmem:$0x19B0] =	vst v27;
	v32 =	vld [tilespmem:$0xE00]  }
0xad: {  	[tilespmem:$0x19C0] =	vst v28;
	v33 =	vld [tilespmem:$0xE10]  }
0xae: {  	v34 =	vld [tilespmem:$0xE20];
	[tilespmem:$0x19D0] =	vst v29  }
0xaf: {  	v35 =	vld [tilespmem:$0xE30];
	[tilespmem:$0x19E0] =	vst v30  }
0xb0: {  	v36 =	vld [tilespmem:$0xE40];
	[tilespmem:$0x19F0] =	vst v31  }
0xb1: {  	v37 =	vld [tilespmem:$0xE50];
	[tilespmem:$0x1A00] =	vst v32  }
0xb2: {  	v38 =	vld [tilespmem:$0xE60];
	[tilespmem:$0x1A10] =	vst v33  }
0xb3: {  	v39 =	vld [tilespmem:$0xE70];
	[tilespmem:$0x1A20] =	vst v34  }
0xb4: {  	v40 =	vld [tilespmem:$0xE80];
	[tilespmem:$0x1A30] =	vst v35  }
0xb5: {  	v41 =	vld [tilespmem:$0xE90];
	[tilespmem:$0x1A40] =	vst v36  }
0xb6: {  	v42 =	vld [tilespmem:$0xEA0];
	[tilespmem:$0x1A50] =	vst v37  }
0xb7: {  	v43 =	vld [tilespmem:$0xEB0];
	[tilespmem:$0x1A60] =	vst v38  }
0xb8: {  	v44 =	vld [tilespmem:$0xEC0];
	[tilespmem:$0x1A70] =	vst v39  }
0xb9: {  	v45 =	vld [tilespmem:$0xED0];
	[tilespmem:$0x1A80] =	vst v40  }
0xba: {  	v46 =	vld [tilespmem:$0xEE0];
	[tilespmem:$0x1A90] =	vst v41  }
0xbb: {  	v47 =	vld [tilespmem:$0xEF0];
	[tilespmem:$0x1AA0] =	vst v42  }
0xbc: {  	v48 =	vld [tilespmem:$0xF00];
	[tilespmem:$0x1AB0] =	vst v43  }
0xbd: {  	v49 =	vld [tilespmem:$0xF10];
	[tilespmem:$0x1AC0] =	vst v44  }
0xbe: {  	v50 =	vld [tilespmem:$0xF20];
	[tilespmem:$0x1AD0] =	vst v45  }
0xbf: {  	v51 =	vld [tilespmem:$0xF30];
	[tilespmem:$0x1AE0] =	vst v46  }
0xc0: {  	v52 =	vld [tilespmem:$0xF40];
	[tilespmem:$0x1AF0] =	vst v47  }
0xc1: {  	v53 =	vld [tilespmem:$0xF50];
	[tilespmem:$0x1B00] =	vst v48  }
0xc2: {  	v54 =	vld [tilespmem:$0xF60];
	[tilespmem:$0x1B10] =	vst v49  }
0xc3: {  	v55 =	vld [tilespmem:$0xF70];
	[tilespmem:$0x1B20] =	vst v50  }
0xc4: {  	v56 =	vld [tilespmem:$0xF80];
	[tilespmem:$0x1B30] =	vst v51  }
0xc5: {  	v57 =	vld [tilespmem:$0xF90];
	[tilespmem:$0x1B40] =	vst v52  }
0xc6: {  	v58 =	vld [tilespmem:$0xFA0];
	[tilespmem:$0x1B50] =	vst v53  }
0xc7: {  	v59 =	vld [tilespmem:$0xFB0];
	[tilespmem:$0x1B60] =	vst v54  }
0xc8: {  	v60 =	vld [tilespmem:$0xFC0];
	[tilespmem:$0x1B70] =	vst v55  }
0xc9: {  	v61 =	vld [tilespmem:$0xFD0];
	[tilespmem:$0x1B80] =	vst v56  }
0xca: {  	v62 =	vld [tilespmem:$0xFE0];
	[tilespmem:$0x1B90] =	vst v57  }
0xcb: {  	v63 =	vld [tilespmem:$0xFF0];
	[tilespmem:$0x1BA0] =	vst v58  }
0xcc: {  	[tilespmem:$0x1BB0] =	vst v59  }
0xcd: {  	[tilespmem:$0x1BC0] =	vst v60  }
0xce: {  	[tilespmem:$0x1BD0] =	vst v61  }
0xcf: {  	[tilespmem:$0x1BE0] =	vst v62  }
0xd0: {  	s11 =	simm.s32 $0x1400;
	[tilespmem:$0x1BF0] =	vst v63  }
0xd1: {  	[spmem:s1] =	stream.indirect.scatter.add.f32 [tilespmem:s25], [sflag:$0x1], $0x1, s11, s19, $0xb8;
	[tilespmem:$0xBC80] =	vst v63  }
0xd2: {  	_ =	swait.ge [sflag:s21], $0x80  }
0xd3: {  	[sflag:s21] =	ssyncset.done $0x0  }
0xd4: {  	s10 =	simm.s32 $0x1480;
	[sflag:s21] =	ssyncadd.s32 $0xFFFFFF80  }
0xd5: {  	[spmem:s1] =	stream.indirect.scatter.add.f32 [tilespmem:s25], [sflag:$0x1], $0x1, s10, s19, $0xb8;
	[tilespmem:$0xBC80] =	vst v63  }
0xd6: {  	_ =	swait.ge [sflag:s21], $0x80  }
0xd7: {  	[sflag:s21] =	ssyncset.done $0x0  }
0xd8: {  	s10 =	simm.s32 $0x1500;
	[sflag:s21] =	ssyncadd.s32 $0xFFFFFF80  }
0xd9: {  	[spmem:s1] =	stream.indirect.scatter.add.f32 [tilespmem:s25], [sflag:$0x1], $0x1, s10, s19, $0xb8;
	[tilespmem:$0xBC80] =	vst v63  }
0xda: {  	_ =	swait.ge [sflag:s21], $0x80  }
0xdb: {  	[sflag:s21] =	ssyncset.done $0x0  }
0xdc: {  	s10 =	simm.s32 $0x1580;
	[sflag:s21] =	ssyncadd.s32 $0xFFFFFF80  }
0xdd: {  	[spmem:s1] =	stream.indirect.scatter.add.f32 [tilespmem:s25], [sflag:$0x1], $0x1, s10, s19, $0xb8;
	[tilespmem:$0xBC80] =	vst v63  }
0xde: {  	_ =	swait.ge [sflag:s21], $0x80  }
0xdf: {  	[sflag:s21] =	ssyncset.done $0x0  }
0xe0: {  	s10 =	simm.s32 $0x1600;
	[sflag:s21] =	ssyncadd.s32 $0xFFFFFF80  }
0xe1: {  	[spmem:s1] =	stream.indirect.scatter.add.f32 [tilespmem:s25], [sflag:$0x1], $0x1, s10, s19, $0xb8;
	[tilespmem:$0xBC80] =	vst v63  }
0xe2: {  	_ =	swait.ge [sflag:s21], $0x80  }
0xe3: {  	[sflag:s21] =	ssyncset.done $0x0  }
0xe4: {  	s10 =	simm.s32 $0x1680;
	[sflag:s21] =	ssyncadd.s32 $0xFFFFFF80  }
0xe5: {  	[spmem:s1] =	stream.indirect.scatter.add.f32 [tilespmem:s25], [sflag:$0x1], $0x1, s10, s19, $0xb8;
	[tilespmem:$0xBC80] =	vst v63  }
0xe6: {  	_ =	swait.ge [sflag:s21], $0x80  }
0xe7: {  	[sflag:s21] =	ssyncset.done $0x0  }
0xe8: {  	[sflag:s21] =	ssyncadd.s32 $0xFFFFFF80  }
0xe9: {  	[spmem:s1] =	stream.indirect.scatter.add.f32 [tilespmem:s25], [sflag:$0x1], $0x1, s0, s19, $0xb8;
	[tilespmem:$0xBC80] =	vst v63  }
0xea: {  	_ =	swait.ge [sflag:s21], $0x80  }
0xeb: {  	[sflag:s21] =	ssyncset.done $0x0  }
0xec: {  	[sflag:s21] =	ssyncadd.s32 $0xFFFFFF80  }
0xed: {  	[spmem:s1] =	stream.indirect.scatter.add.f32 [tilespmem:s25], [sflag:$0x1], $0x1, s3, s19, $0xb8;
	[tilespmem:$0xBC80] =	vst v63  }
0xee: {  	_ =	swait.ge [sflag:s21], $0x80  }
0xef: {  	[sflag:s21] =	ssyncset.done $0x0  }
0xf0: {  	[sflag:s21] =	ssyncadd.s32 $0xFFFFFF80  }
0xf1: {  	[spmem:s1] =	stream.indirect.scatter.add.f32 [tilespmem:s25], [sflag:$0x1], $0x1, s22, s19, $0xb8;
	[tilespmem:$0xBC80] =	vst v63  }
0xf2: {  	_ =	swait.ge [sflag:s21], $0x80  }
0xf3: {  	[sflag:s21] =	ssyncset.done $0x0  }
0xf4: {  	[sflag:s21] =	ssyncadd.s32 $0xFFFFFF80  }
0xf5: {  	[spmem:s1] =	stream.indirect.scatter.add.f32 [tilespmem:s25], [sflag:$0x1], $0x1, s4, s19, $0xb8;
	[tilespmem:$0xBC80] =	vst v63  }
0xf6: {  	_ =	swait.ge [sflag:s21], $0x80  }
0xf7: {  	[sflag:s21] =	ssyncset.done $0x0  }
0xf8: {  	[sflag:s21] =	ssyncadd.s32 $0xFFFFFF80  }
0xf9: {  	[spmem:s1] =	stream.indirect.scatter.add.f32 [tilespmem:s25], [sflag:$0x1], $0x1, s20, s19, $0xb8;
	[tilespmem:$0xBC80] =	vst v63  }
0xfa: {  	_ =	swait.ge [sflag:s21], $0x80  }
0xfb: {  	[sflag:s21] =	ssyncset.done $0x0  }
0xfc: {  	[sflag:s21] =	ssyncadd.s32 $0xFFFFFF80  }
0xfd: {  	[spmem:s1] =	stream.indirect.scatter.add.f32 [tilespmem:s25], [sflag:$0x1], $0x1, s24, s19, $0xb8;
	[tilespmem:$0xBC80] =	vst v63  }
0xfe: {  	_ =	swait.ge [sflag:s21], $0x80  }
0xff: {  	[sflag:s21] =	ssyncset.done $0x0  }
0x100: {  	[sflag:s21] =	ssyncadd.s32 $0xFFFFFF80  }
0x101: {  	[spmem:s1] =	stream.indirect.scatter.add.f32 [tilespmem:s25], [sflag:$0x1], $0x1, s26, s19, $0xb8;
	[tilespmem:$0xBC80] =	vst v63  }
0x102: {  	_ =	swait.ge [sflag:s21], $0x80  }
0x103: {  	[sflag:s21] =	ssyncset.done $0x0  }
0x104: {  	[sflag:s21] =	ssyncadd.s32 $0xFFFFFF80  }
0x105: {  	[spmem:s1] =	stream.indirect.scatter.add.f32 [tilespmem:s25], [sflag:$0x1], $0x1, s28, s19, $0xb8;
	[tilespmem:$0xBC80] =	vst v63  }
0x106: {  	_ =	swait.ge [sflag:s21], $0x80  }
0x107: {  	[sflag:s21] =	ssyncset.done $0x0  }
0x108: {  	[sflag:s21] =	ssyncadd.s32 $0xFFFFFF80  }
0x109: {  	[spmem:s1] =	stream.indirect.scatter.add.f32 [tilespmem:s25], [sflag:$0x1], $0x1, s29, s19, $0xb8;
	[tilespmem:$0xBC80] =	vst v63  }
0x10a: {  	_ =	swait.ge [sflag:s21], $0x80  }
0x10b: {  	[sflag:s21] =	ssyncset.done $0x0  }
0x10c: {  	[sflag:s21] =	ssyncadd.s32 $0xFFFFFF80  }
0x10d: {  	[spmem:s1] =	stream.indirect.scatter.add.f32 [tilespmem:s25], [sflag:$0x1], $0x1, s7, s19, $0xb8;
	[tilespmem:$0xBC80] =	vst v63  }
0x10e: {  	_ =	swait.ge [sflag:s21], $0x80  }
0x10f: {  	[sflag:s21] =	ssyncset.done $0x0  }
0x110: {  	[sflag:s21] =	ssyncadd.s32 $0xFFFFFF80  }
0x111: {  	[bflag:$0x0] =	sbarrier.arrive $0xFFFF  }
0x112: {  	[tilespmem:s30], [sflag:$0x1] =	stream.linear.gather [spmem:s1], $0x400, $0x38;
	[tilespmem:$0xBC80] =	vst v63  }
0x113: {  	_ =	swait.ge [sflag:s21], $0x400  }
0x114: {  	[sflag:s21] =	ssyncset.done $0x0  }
0x115: {  	s31 =	simm.s32 $0x40;
	s10 =	simm.s32 $0x0;
	[sflag:s21] =	ssyncadd.s32 $0xFFFFFC00  }
.LBB2_4:
0x116: {  	p0 =	sne.s32 s31, $0xFC0;
	v12 =	vld [tilespmem:s10+$0x1000];
	_ =	sdelay $0x4  }
0x117: {  	v12 =	vadd.f32 $1.000000000e+00, v12;
	_ =	sdelay $0x1  }
0x118: {  	v13 =	vshrl.u32 v12, $0x1;
	v12 =	vmul.f32 $5.000000000e-01, v12  }
0x119: {  	v13 =	vsub.s32 $0x5F3759DF, v13  }
0x11a: {  	v14 =	vmul.f32 v13, v12;
	_ =	sdelay $0x1  }
0x11b: {  	v14 =	vmul.f32 v13, v14;
	_ =	sdelay $0x1  }
0x11c: {  	v14 =	vsub.f32 $1.500000000e+00, v14;
	_ =	sdelay $0x1  }
0x11d: {  	v13 =	vmul.f32 v13, v14;
	_ =	sdelay $0x1  }
0x11e: {  	v14 =	vmul.f32 v13, v12;
	_ =	sdelay $0x1  }
0x11f: {  	v14 =	vmul.f32 v14, v13;
	_ =	sdelay $0x1  }
0x120: {  	v14 =	vsub.f32 $1.500000000e+00, v14;
	_ =	sdelay $0x1  }
0x121: {  	v13 =	vmul.f32 v14, v13;
	_ =	sdelay $0x1  }
0x122: {  	v12 =	vmul.f32 v13, v12;
	_ =	sdelay $0x1  }
0x123: {  	v12 =	vmul.f32 v12, v13;
	_ =	sdelay $0x1  }
.Ltmp1:
0x124: {  	v12 =	vsub.f32 $1.500000000e+00, v12;
	(pc) =	sbr.rel @p0 .LBB2_4-.Ltmp1, $3  }
0x125: {  	_ = 	snop  }
0x126: {  	v12 =	vmul.f32 v12, v13;
	_ =	sdelay $0x1  }
0x127: {  	[tilespmem:s10+$0x1000] =	vst v12;
	s10 =	sshra.s32 s31, $0x2;
	s31 =	sadd.s32 $0x40, s31  }
0x128: {  	v12 =	vld [tilespmem:s10+$0x1000];
	_ =	sdelay $0x4  }
0x129: {  	v12 =	vadd.f32 $1.000000000e+00, v12;
	_ =	sdelay $0x1  }
0x12a: {  	v13 =	vshrl.u32 v12, $0x1;
	v12 =	vmul.f32 $5.000000000e-01, v12  }
0x12b: {  	v13 =	vsub.s32 $0x5F3759DF, v13  }
0x12c: {  	v14 =	vmul.f32 v13, v12;
	_ =	sdelay $0x1  }
0x12d: {  	v14 =	vmul.f32 v13, v14;
	_ =	sdelay $0x1  }
0x12e: {  	v14 =	vsub.f32 $1.500000000e+00, v14;
	_ =	sdelay $0x1  }
0x12f: {  	v13 =	vmul.f32 v13, v14;
	_ =	sdelay $0x1  }
0x130: {  	v14 =	vmul.f32 v13, v12;
	_ =	sdelay $0x1  }
0x131: {  	v14 =	vmul.f32 v14, v13;
	_ =	sdelay $0x1  }
0x132: {  	v14 =	vsub.f32 $1.500000000e+00, v14;
	_ =	sdelay $0x1  }
0x133: {  	v13 =	vmul.f32 v14, v13;
	_ =	sdelay $0x1  }
0x134: {  	v12 =	vmul.f32 v13, v12;
	_ =	sdelay $0x1  }
0x135: {  	v12 =	vmul.f32 v12, v13;
	_ =	sdelay $0x1  }
0x136: {  	v12 =	vsub.f32 $1.500000000e+00, v12;
	_ =	sdelay $0x1  }
0x137: {  	v12 =	vmul.f32 v12, v13;
	_ =	sdelay $0x1  }
0x138: {  	[tilespmem:s10+$0x1000] =	vst v12  }
0x139: {  	v12 =	vld [tilespmem:$0x0]  }
0x13a: {  	v47 =	vld [tilespmem:$0x800];
	_ =	sdelay $0x5  }
0x13b: {  	v16 =	vld [tilespmem:$0x10]  }
0x13c: {  	v48 =	vld.idx.msk [tilespmem:v12+s30+$0x0], $0xffff  }
0x13d: {  	v15 =	vld.idx.msk [tilespmem:v47+s30+$0x0], $0xffff  }
0x13e: {  	v17 =	vld [tilespmem:$0x810]  }
0x13f: {  	v13 =	vsub.s32 v47, v0  }
0x140: {  	v13 =	vmin.u32 v13, $0x200  }
0x141: {  	v13 =	vshll.u32 v13, $0xA  }
0x142: {  	v12 =	vadd.s32 v12, v13;
	v49 =	vmul.f32 v15, v48  }
0x143: {  	[tilespmem:$0x1400] =	vst v12  }
0x144: {  	v50 =	vld [tilespmem:$0x20];
	[tilespmem:$0x2000] =	vst v49  }
0x145: {  	v12 =	vld.idx.msk [tilespmem:v16+s30+$0x0], $0xffff  }
0x146: {  	v13 =	vld.idx.msk [tilespmem:v17+s30+$0x0], $0xffff  }
0x147: {  	v51 =	vld [tilespmem:$0x820]  }
0x148: {  	v17 =	vsub.s32 v17, v0  }
0x149: {  	v17 =	vmin.u32 v17, $0x200  }
0x14a: {  	v17 =	vshll.u32 v17, $0xA  }
0x14b: {  	v16 =	vadd.s32 v16, v17;
	v12 =	vmul.f32 v13, v12  }
0x14c: {  	[tilespmem:$0x1410] =	vst v16  }
0x14d: {  	v53 =	vld [tilespmem:$0x30];
	[tilespmem:$0x2010] =	vst v12  }
0x14e: {  	v12 =	vld.idx.msk [tilespmem:v50+s30+$0x0], $0xffff  }
0x14f: {  	v52 =	vld.idx.msk [tilespmem:v51+s30+$0x0], $0xffff  }
0x150: {  	v54 =	vld [tilespmem:$0x830]  }
0x151: {  	v15 =	vsub.s32 v51, v0  }
0x152: {  	v15 =	vmin.u32 v15, $0x200  }
0x153: {  	v15 =	vshll.u32 v15, $0xA  }
0x154: {  	v14 =	vadd.s32 v50, v15;
	v12 =	vmul.f32 v52, v12  }
0x155: {  	[tilespmem:$0x1420] =	vst v14  }
0x156: {  	v56 =	vld [tilespmem:$0x40];
	[tilespmem:$0x2020] =	vst v12  }
0x157: {  	v12 =	vld.idx.msk [tilespmem:v53+s30+$0x0], $0xffff  }
0x158: {  	v55 =	vld.idx.msk [tilespmem:v54+s30+$0x0], $0xffff  }
0x159: {  	v57 =	vld [tilespmem:$0x840]  }
0x15a: {  	v17 =	vsub.s32 v54, v0  }
0x15b: {  	v17 =	vmin.u32 v17, $0x200  }
0x15c: {  	v17 =	vshll.u32 v17, $0xA  }
0x15d: {  	v16 =	vadd.s32 v53, v17;
	v12 =	vmul.f32 v55, v12  }
0x15e: {  	[tilespmem:$0x1430] =	vst v16  }
0x15f: {  	v59 =	vld [tilespmem:$0x50];
	[tilespmem:$0x2030] =	vst v12  }
0x160: {  	v12 =	vld.idx.msk [tilespmem:v56+s30+$0x0], $0xffff  }
0x161: {  	v58 =	vld.idx.msk [tilespmem:v57+s30+$0x0], $0xffff  }
0x162: {  	v60 =	vld [tilespmem:$0x850]  }
0x163: {  	v15 =	vsub.s32 v57, v0  }
0x164: {  	v15 =	vmin.u32 v15, $0x200  }
0x165: {  	v15 =	vshll.u32 v15, $0xA  }
0x166: {  	v14 =	vadd.s32 v56, v15;
	v12 =	vmul.f32 v58, v12  }
0x167: {  	[tilespmem:$0x1440] =	vst v14  }
0x168: {  	v62 =	vld [tilespmem:$0x60];
	[tilespmem:$0x2040] =	vst v12  }
0x169: {  	v12 =	vld.idx.msk [tilespmem:v59+s30+$0x0], $0xffff  }
0x16a: {  	v61 =	vld.idx.msk [tilespmem:v60+s30+$0x0], $0xffff  }
0x16b: {  	v63 =	vld [tilespmem:$0x860]  }
0x16c: {  	v17 =	vsub.s32 v60, v0  }
0x16d: {  	v17 =	vmin.u32 v17, $0x200  }
0x16e: {  	v17 =	vshll.u32 v17, $0xA  }
0x16f: {  	v16 =	vadd.s32 v59, v17;
	v12 =	vmul.f32 v61, v12  }
0x170: {  	[tilespmem:$0x1450] =	vst v16  }
0x171: {  	v21 =	vld [tilespmem:$0x70];
	[tilespmem:$0x2050] =	vst v12  }
0x172: {  	v12 =	vld.idx.msk [tilespmem:v62+s30+$0x0], $0xffff  }
0x173: {  	v20 =	vld.idx.msk [tilespmem:v63+s30+$0x0], $0xffff  }
0x174: {  	v22 =	vld [tilespmem:$0x870]  }
0x175: {  	v15 =	vsub.s32 v63, v0  }
0x176: {  	v15 =	vmin.u32 v15, $0x200  }
0x177: {  	v15 =	vshll.u32 v15, $0xA  }
0x178: {  	v14 =	vadd.s32 v62, v15;
	v12 =	vmul.f32 v20, v12  }
0x179: {  	[tilespmem:$0x1460] =	vst v14  }
0x17a: {  	[tilespmem:$0x2060] =	vst v12  }
0x17b: {  	v12 =	vld.idx.msk [tilespmem:v21+s30+$0x0], $0xffff  }
0x17c: {  	v23 =	vld.idx.msk [tilespmem:v22+s30+$0x0], $0xffff;
	_ =	sdelay $0x1  }
0x17d: {  	v24 =	vsub.s32 v22, v0  }
0x17e: {  	v14 =	vmin.u32 v24, $0x200  }
0x17f: {  	v14 =	vshll.u32 v14, $0xA  }
0x180: {  	v14 =	vadd.s32 v21, v14;
	v12 =	vmul.f32 v23, v12  }
0x181: {  	[tilespmem:$0x1470] =	vst v14  }
0x182: {  	[tilespmem:$0x2070] =	vst v12  }
0x183: {  	[spmem:s2] =	stream.indirect.scatter.add.f32 [tilespmem:s25], [sflag:$0x1], $0x1, s11, s19, $0xb8;
	[tilespmem:$0xBC80] =	vst v63  }
0x184: {  	_ =	swait.ge [sflag:s21], $0x80  }
0x185: {  	[sflag:s21] =	ssyncset.done $0x0  }
0x186: {  	[sflag:s21] =	ssyncadd.s32 $0xFFFFFF80  }
0x187: {  	v25 =	vld [tilespmem:$0x80]  }
0x188: {  	v26 =	vld [tilespmem:$0x880];
	_ =	sdelay $0x5  }
0x189: {  	v29 =	vld [tilespmem:$0x90]  }
0x18a: {  	v27 =	vld.idx.msk [tilespmem:v25+s30+$0x0], $0xffff  }
0x18b: {  	v28 =	vld.idx.msk [tilespmem:v26+s30+$0x0], $0xffff  }
0x18c: {  	v30 =	vld [tilespmem:$0x890]  }
0x18d: {  	v13 =	vsub.s32 v26, v0  }
0x18e: {  	v13 =	vmin.u32 v13, $0x200  }
0x18f: {  	v13 =	vshll.u32 v13, $0xA  }
0x190: {  	v12 =	vadd.s32 v25, v13;
	v31 =	vmul.f32 v28, v27  }
0x191: {  	[tilespmem:$0x1480] =	vst v12  }
0x192: {  	v32 =	vld [tilespmem:$0xA0];
	[tilespmem:$0x2080] =	vst v31  }
0x193: {  	v12 =	vld.idx.msk [tilespmem:v29+s30+$0x0], $0xffff  }
0x194: {  	v13 =	vld.idx.msk [tilespmem:v30+s30+$0x0], $0xffff  }
0x195: {  	v33 =	vld [tilespmem:$0x8A0]  }
0x196: {  	v17 =	vsub.s32 v30, v0  }
0x197: {  	v17 =	vmin.u32 v17, $0x200  }
0x198: {  	v17 =	vshll.u32 v17, $0xA  }
0x199: {  	v16 =	vadd.s32 v29, v17;
	v12 =	vmul.f32 v13, v12  }
0x19a: {  	[tilespmem:$0x1490] =	vst v16  }
0x19b: {  	v35 =	vld [tilespmem:$0xB0];
	[tilespmem:$0x2090] =	vst v12  }
0x19c: {  	v12 =	vld.idx.msk [tilespmem:v32+s30+$0x0], $0xffff  }
0x19d: {  	v34 =	vld.idx.msk [tilespmem:v33+s30+$0x0], $0xffff  }
0x19e: {  	v36 =	vld [tilespmem:$0x8B0]  }
0x19f: {  	v15 =	vsub.s32 v33, v0  }
0x1a0: {  	v15 =	vmin.u32 v15, $0x200  }
0x1a1: {  	v15 =	vshll.u32 v15, $0xA  }
0x1a2: {  	v14 =	vadd.s32 v32, v15;
	v12 =	vmul.f32 v34, v12  }
0x1a3: {  	[tilespmem:$0x14A0] =	vst v14  }
0x1a4: {  	v38 =	vld [tilespmem:$0xC0];
	[tilespmem:$0x20A0] =	vst v12  }
0x1a5: {  	v12 =	vld.idx.msk [tilespmem:v35+s30+$0x0], $0xffff  }
0x1a6: {  	v37 =	vld.idx.msk [tilespmem:v36+s30+$0x0], $0xffff  }
0x1a7: {  	v39 =	vld [tilespmem:$0x8C0]  }
0x1a8: {  	v17 =	vsub.s32 v36, v0  }
0x1a9: {  	v17 =	vmin.u32 v17, $0x200  }
0x1aa: {  	v17 =	vshll.u32 v17, $0xA  }
0x1ab: {  	v16 =	vadd.s32 v35, v17;
	v12 =	vmul.f32 v37, v12  }
0x1ac: {  	[tilespmem:$0x14B0] =	vst v16  }
0x1ad: {  	v41 =	vld [tilespmem:$0xD0];
	[tilespmem:$0x20B0] =	vst v12  }
0x1ae: {  	v12 =	vld.idx.msk [tilespmem:v38+s30+$0x0], $0xffff  }
0x1af: {  	v40 =	vld.idx.msk [tilespmem:v39+s30+$0x0], $0xffff  }
0x1b0: {  	v42 =	vld [tilespmem:$0x8D0]  }
0x1b1: {  	v15 =	vsub.s32 v39, v0  }
0x1b2: {  	v15 =	vmin.u32 v15, $0x200  }
0x1b3: {  	v15 =	vshll.u32 v15, $0xA  }
0x1b4: {  	v14 =	vadd.s32 v38, v15;
	v12 =	vmul.f32 v40, v12  }
0x1b5: {  	[tilespmem:$0x14C0] =	vst v14  }
0x1b6: {  	v44 =	vld [tilespmem:$0xE0];
	[tilespmem:$0x20C0] =	vst v12  }
0x1b7: {  	v12 =	vld.idx.msk [tilespmem:v41+s30+$0x0], $0xffff  }
0x1b8: {  	v43 =	vld.idx.msk [tilespmem:v42+s30+$0x0], $0xffff  }
0x1b9: {  	v45 =	vld [tilespmem:$0x8E0]  }
0x1ba: {  	v17 =	vsub.s32 v42, v0  }
0x1bb: {  	v17 =	vmin.u32 v17, $0x200  }
0x1bc: {  	v17 =	vshll.u32 v17, $0xA  }
0x1bd: {  	v16 =	vadd.s32 v41, v17;
	v12 =	vmul.f32 v43, v12  }
0x1be: {  	[tilespmem:$0x14D0] =	vst v16  }
0x1bf: {  	v47 =	vld [tilespmem:$0xF0];
	[tilespmem:$0x20D0] =	vst v12  }
0x1c0: {  	v12 =	vld.idx.msk [tilespmem:v44+s30+$0x0], $0xffff  }
0x1c1: {  	v46 =	vld.idx.msk [tilespmem:v45+s30+$0x0], $0xffff  }
0x1c2: {  	v48 =	vld [tilespmem:$0x8F0]  }
0x1c3: {  	v15 =	vsub.s32 v45, v0  }
0x1c4: {  	v15 =	vmin.u32 v15, $0x200  }
0x1c5: {  	v15 =	vshll.u32 v15, $0xA  }
0x1c6: {  	v14 =	vadd.s32 v44, v15;
	v12 =	vmul.f32 v46, v12  }
0x1c7: {  	[tilespmem:$0x14E0] =	vst v14  }
0x1c8: {  	[tilespmem:$0x20E0] =	vst v12  }
0x1c9: {  	v12 =	vld.idx.msk [tilespmem:v47+s30+$0x0], $0xffff  }
0x1ca: {  	v49 =	vld.idx.msk [tilespmem:v48+s30+$0x0], $0xffff;
	_ =	sdelay $0x1  }
0x1cb: {  	v50 =	vsub.s32 v48, v0  }
0x1cc: {  	v14 =	vmin.u32 v50, $0x200  }
0x1cd: {  	v14 =	vshll.u32 v14, $0xA  }
0x1ce: {  	v14 =	vadd.s32 v47, v14;
	v12 =	vmul.f32 v49, v12  }
0x1cf: {  	[tilespmem:$0x14F0] =	vst v14  }
0x1d0: {  	s31 =	simm.s32 $0x2080;
	s11 =	simm.s32 $0x1480;
	[tilespmem:$0x20F0] =	vst v12  }
0x1d1: {  	[spmem:s2] =	stream.indirect.scatter.add.f32 [tilespmem:s31], [sflag:$0x1], $0x1, s11, s19, $0xb8;
	[tilespmem:$0xBC80] =	vst v63  }
0x1d2: {  	_ =	swait.ge [sflag:s21], $0x80  }
0x1d3: {  	[sflag:s21] =	ssyncset.done $0x0  }
0x1d4: {  	[sflag:s21] =	ssyncadd.s32 $0xFFFFFF80  }
0x1d5: {  	v51 =	vld [tilespmem:$0x100]  }
0x1d6: {  	v52 =	vld [tilespmem:$0x900];
	_ =	sdelay $0x5  }
0x1d7: {  	v55 =	vld [tilespmem:$0x110]  }
0x1d8: {  	v53 =	vld.idx.msk [tilespmem:v51+s30+$0x0], $0xffff  }
0x1d9: {  	v54 =	vld.idx.msk [tilespmem:v52+s30+$0x0], $0xffff  }
0x1da: {  	v56 =	vld [tilespmem:$0x910]  }
0x1db: {  	v13 =	vsub.s32 v52, v0  }
0x1dc: {  	v13 =	vmin.u32 v13, $0x200  }
0x1dd: {  	v13 =	vshll.u32 v13, $0xA  }
0x1de: {  	v12 =	vadd.s32 v51, v13;
	v57 =	vmul.f32 v54, v53  }
0x1df: {  	[tilespmem:$0x1500] =	vst v12  }
0x1e0: {  	v58 =	vld [tilespmem:$0x120];
	[tilespmem:$0x2100] =	vst v57  }
0x1e1: {  	v12 =	vld.idx.msk [tilespmem:v55+s30+$0x0], $0xffff  }
0x1e2: {  	v13 =	vld.idx.msk [tilespmem:v56+s30+$0x0], $0xffff  }
0x1e3: {  	v59 =	vld [tilespmem:$0x920]  }
0x1e4: {  	v17 =	vsub.s32 v56, v0  }
0x1e5: {  	v17 =	vmin.u32 v17, $0x200  }
0x1e6: {  	v17 =	vshll.u32 v17, $0xA  }
0x1e7: {  	v16 =	vadd.s32 v55, v17;
	v12 =	vmul.f32 v13, v12  }
0x1e8: {  	[tilespmem:$0x1510] =	vst v16  }
0x1e9: {  	v61 =	vld [tilespmem:$0x130];
	[tilespmem:$0x2110] =	vst v12  }
0x1ea: {  	v12 =	vld.idx.msk [tilespmem:v58+s30+$0x0], $0xffff  }
0x1eb: {  	v60 =	vld.idx.msk [tilespmem:v59+s30+$0x0], $0xffff  }
0x1ec: {  	v62 =	vld [tilespmem:$0x930]  }
0x1ed: {  	v15 =	vsub.s32 v59, v0  }
0x1ee: {  	v15 =	vmin.u32 v15, $0x200  }
0x1ef: {  	v15 =	vshll.u32 v15, $0xA  }
0x1f0: {  	v14 =	vadd.s32 v58, v15;
	v12 =	vmul.f32 v60, v12  }
0x1f1: {  	[tilespmem:$0x1520] =	vst v14  }
0x1f2: {  	v20 =	vld [tilespmem:$0x140];
	[tilespmem:$0x2120] =	vst v12  }
0x1f3: {  	v12 =	vld.idx.msk [tilespmem:v61+s30+$0x0], $0xffff  }
0x1f4: {  	v63 =	vld.idx.msk [tilespmem:v62+s30+$0x0], $0xffff  }
0x1f5: {  	v21 =	vld [tilespmem:$0x940]  }
0x1f6: {  	v17 =	vsub.s32 v62, v0  }
0x1f7: {  	v17 =	vmin.u32 v17, $0x200  }
0x1f8: {  	v17 =	vshll.u32 v17, $0xA  }
0x1f9: {  	v16 =	vadd.s32 v61, v17;
	v12 =	vmul.f32 v63, v12  }
0x1fa: {  	[tilespmem:$0x1530] =	vst v16  }
0x1fb: {  	v23 =	vld [tilespmem:$0x150];
	[tilespmem:$0x2130] =	vst v12  }
0x1fc: {  	v12 =	vld.idx.msk [tilespmem:v20+s30+$0x0], $0xffff  }
0x1fd: {  	v22 =	vld.idx.msk [tilespmem:v21+s30+$0x0], $0xffff  }
0x1fe: {  	v24 =	vld [tilespmem:$0x950]  }
0x1ff: {  	v15 =	vsub.s32 v21, v0  }
0x200: {  	v15 =	vmin.u32 v15, $0x200  }
0x201: {  	v15 =	vshll.u32 v15, $0xA  }
0x202: {  	v14 =	vadd.s32 v20, v15;
	v12 =	vmul.f32 v22, v12  }
0x203: {  	[tilespmem:$0x1540] =	vst v14  }
0x204: {  	v26 =	vld [tilespmem:$0x160];
	[tilespmem:$0x2140] =	vst v12  }
0x205: {  	v12 =	vld.idx.msk [tilespmem:v23+s30+$0x0], $0xffff  }
0x206: {  	v25 =	vld.idx.msk [tilespmem:v24+s30+$0x0], $0xffff  }
0x207: {  	v27 =	vld [tilespmem:$0x960]  }
0x208: {  	v17 =	vsub.s32 v24, v0  }
0x209: {  	v17 =	vmin.u32 v17, $0x200  }
0x20a: {  	v17 =	vshll.u32 v17, $0xA  }
0x20b: {  	v16 =	vadd.s32 v23, v17;
	v12 =	vmul.f32 v25, v12  }
0x20c: {  	[tilespmem:$0x1550] =	vst v16  }
0x20d: {  	v29 =	vld [tilespmem:$0x170];
	[tilespmem:$0x2150] =	vst v12  }
0x20e: {  	v12 =	vld.idx.msk [tilespmem:v26+s30+$0x0], $0xffff  }
0x20f: {  	v28 =	vld.idx.msk [tilespmem:v27+s30+$0x0], $0xffff  }
0x210: {  	v30 =	vld [tilespmem:$0x970]  }
0x211: {  	v15 =	vsub.s32 v27, v0  }
0x212: {  	v15 =	vmin.u32 v15, $0x200  }
0x213: {  	v15 =	vshll.u32 v15, $0xA  }
0x214: {  	v14 =	vadd.s32 v26, v15;
	v12 =	vmul.f32 v28, v12  }
0x215: {  	[tilespmem:$0x1560] =	vst v14  }
0x216: {  	[tilespmem:$0x2160] =	vst v12  }
0x217: {  	v12 =	vld.idx.msk [tilespmem:v29+s30+$0x0], $0xffff  }
0x218: {  	v31 =	vld.idx.msk [tilespmem:v30+s30+$0x0], $0xffff;
	_ =	sdelay $0x1  }
0x219: {  	v32 =	vsub.s32 v30, v0  }
0x21a: {  	v14 =	vmin.u32 v32, $0x200  }
0x21b: {  	v14 =	vshll.u32 v14, $0xA  }
0x21c: {  	v14 =	vadd.s32 v29, v14;
	v12 =	vmul.f32 v31, v12  }
0x21d: {  	[tilespmem:$0x1570] =	vst v14  }
0x21e: {  	s11 =	simm.s32 $0x1500;
	s31 =	simm.s32 $0x2100;
	[tilespmem:$0x2170] =	vst v12  }
0x21f: {  	[spmem:s2] =	stream.indirect.scatter.add.f32 [tilespmem:s31], [sflag:$0x1], $0x1, s11, s19, $0xb8;
	[tilespmem:$0xBC80] =	vst v63  }
0x220: {  	_ =	swait.ge [sflag:s21], $0x80  }
0x221: {  	[sflag:s21] =	ssyncset.done $0x0  }
0x222: {  	[sflag:s21] =	ssyncadd.s32 $0xFFFFFF80  }
0x223: {  	v33 =	vld [tilespmem:$0x180]  }
0x224: {  	v34 =	vld [tilespmem:$0x980];
	_ =	sdelay $0x5  }
0x225: {  	v37 =	vld [tilespmem:$0x190]  }
0x226: {  	v35 =	vld.idx.msk [tilespmem:v33+s30+$0x0], $0xffff  }
0x227: {  	v36 =	vld.idx.msk [tilespmem:v34+s30+$0x0], $0xffff  }
0x228: {  	v38 =	vld [tilespmem:$0x990]  }
0x229: {  	v13 =	vsub.s32 v34, v0  }
0x22a: {  	v13 =	vmin.u32 v13, $0x200  }
0x22b: {  	v13 =	vshll.u32 v13, $0xA  }
0x22c: {  	v12 =	vadd.s32 v33, v13;
	v39 =	vmul.f32 v36, v35  }
0x22d: {  	[tilespmem:$0x1580] =	vst v12  }
0x22e: {  	v40 =	vld [tilespmem:$0x1A0];
	[tilespmem:$0x2180] =	vst v39  }
0x22f: {  	v12 =	vld.idx.msk [tilespmem:v37+s30+$0x0], $0xffff  }
0x230: {  	v13 =	vld.idx.msk [tilespmem:v38+s30+$0x0], $0xffff  }
0x231: {  	v41 =	vld [tilespmem:$0x9A0]  }
0x232: {  	v17 =	vsub.s32 v38, v0  }
0x233: {  	v17 =	vmin.u32 v17, $0x200  }
0x234: {  	v17 =	vshll.u32 v17, $0xA  }
0x235: {  	v16 =	vadd.s32 v37, v17;
	v12 =	vmul.f32 v13, v12  }
0x236: {  	[tilespmem:$0x1590] =	vst v16  }
0x237: {  	v43 =	vld [tilespmem:$0x1B0];
	[tilespmem:$0x2190] =	vst v12  }
0x238: {  	v12 =	vld.idx.msk [tilespmem:v40+s30+$0x0], $0xffff  }
0x239: {  	v42 =	vld.idx.msk [tilespmem:v41+s30+$0x0], $0xffff  }
0x23a: {  	v44 =	vld [tilespmem:$0x9B0]  }
0x23b: {  	v15 =	vsub.s32 v41, v0  }
0x23c: {  	v15 =	vmin.u32 v15, $0x200  }
0x23d: {  	v15 =	vshll.u32 v15, $0xA  }
0x23e: {  	v14 =	vadd.s32 v40, v15;
	v12 =	vmul.f32 v42, v12  }
0x23f: {  	[tilespmem:$0x15A0] =	vst v14  }
0x240: {  	v46 =	vld [tilespmem:$0x1C0];
	[tilespmem:$0x21A0] =	vst v12  }
0x241: {  	v12 =	vld.idx.msk [tilespmem:v43+s30+$0x0], $0xffff  }
0x242: {  	v45 =	vld.idx.msk [tilespmem:v44+s30+$0x0], $0xffff  }
0x243: {  	v47 =	vld [tilespmem:$0x9C0]  }
0x244: {  	v17 =	vsub.s32 v44, v0  }
0x245: {  	v17 =	vmin.u32 v17, $0x200  }
0x246: {  	v17 =	vshll.u32 v17, $0xA  }
0x247: {  	v16 =	vadd.s32 v43, v17;
	v12 =	vmul.f32 v45, v12  }
0x248: {  	[tilespmem:$0x15B0] =	vst v16  }
0x249: {  	v49 =	vld [tilespmem:$0x1D0];
	[tilespmem:$0x21B0] =	vst v12  }
0x24a: {  	v12 =	vld.idx.msk [tilespmem:v46+s30+$0x0], $0xffff  }
0x24b: {  	v48 =	vld.idx.msk [tilespmem:v47+s30+$0x0], $0xffff  }
0x24c: {  	v50 =	vld [tilespmem:$0x9D0]  }
0x24d: {  	v15 =	vsub.s32 v47, v0  }
0x24e: {  	v15 =	vmin.u32 v15, $0x200  }
0x24f: {  	v15 =	vshll.u32 v15, $0xA  }
0x250: {  	v14 =	vadd.s32 v46, v15;
	v12 =	vmul.f32 v48, v12  }
0x251: {  	[tilespmem:$0x15C0] =	vst v14  }
0x252: {  	v52 =	vld [tilespmem:$0x1E0];
	[tilespmem:$0x21C0] =	vst v12  }
0x253: {  	v12 =	vld.idx.msk [tilespmem:v49+s30+$0x0], $0xffff  }
0x254: {  	v51 =	vld.idx.msk [tilespmem:v50+s30+$0x0], $0xffff  }
0x255: {  	v53 =	vld [tilespmem:$0x9E0]  }
0x256: {  	v17 =	vsub.s32 v50, v0  }
0x257: {  	v17 =	vmin.u32 v17, $0x200  }
0x258: {  	v17 =	vshll.u32 v17, $0xA  }
0x259: {  	v16 =	vadd.s32 v49, v17;
	v12 =	vmul.f32 v51, v12  }
0x25a: {  	[tilespmem:$0x15D0] =	vst v16  }
0x25b: {  	v55 =	vld [tilespmem:$0x1F0];
	[tilespmem:$0x21D0] =	vst v12  }
0x25c: {  	v12 =	vld.idx.msk [tilespmem:v52+s30+$0x0], $0xffff  }
0x25d: {  	v54 =	vld.idx.msk [tilespmem:v53+s30+$0x0], $0xffff  }
0x25e: {  	v56 =	vld [tilespmem:$0x9F0]  }
0x25f: {  	v15 =	vsub.s32 v53, v0  }
0x260: {  	v15 =	vmin.u32 v15, $0x200  }
0x261: {  	v15 =	vshll.u32 v15, $0xA  }
0x262: {  	v14 =	vadd.s32 v52, v15;
	v12 =	vmul.f32 v54, v12  }
0x263: {  	[tilespmem:$0x15E0] =	vst v14  }
0x264: {  	[tilespmem:$0x21E0] =	vst v12  }
0x265: {  	v12 =	vld.idx.msk [tilespmem:v55+s30+$0x0], $0xffff  }
0x266: {  	v57 =	vld.idx.msk [tilespmem:v56+s30+$0x0], $0xffff;
	_ =	sdelay $0x1  }
0x267: {  	v58 =	vsub.s32 v56, v0  }
0x268: {  	v14 =	vmin.u32 v58, $0x200  }
0x269: {  	v14 =	vshll.u32 v14, $0xA  }
0x26a: {  	v14 =	vadd.s32 v55, v14;
	v12 =	vmul.f32 v57, v12  }
0x26b: {  	[tilespmem:$0x15F0] =	vst v14  }
0x26c: {  	s11 =	simm.s32 $0x1580;
	s31 =	simm.s32 $0x2180;
	[tilespmem:$0x21F0] =	vst v12  }
0x26d: {  	[spmem:s2] =	stream.indirect.scatter.add.f32 [tilespmem:s31], [sflag:$0x1], $0x1, s11, s19, $0xb8;
	[tilespmem:$0xBC80] =	vst v63  }
0x26e: {  	_ =	swait.ge [sflag:s21], $0x80  }
0x26f: {  	[sflag:s21] =	ssyncset.done $0x0  }
0x270: {  	[sflag:s21] =	ssyncadd.s32 $0xFFFFFF80  }
0x271: {  	v59 =	vld [tilespmem:$0x200]  }
0x272: {  	v60 =	vld [tilespmem:$0xA00];
	_ =	sdelay $0x5  }
0x273: {  	v63 =	vld [tilespmem:$0x210]  }
0x274: {  	v61 =	vld.idx.msk [tilespmem:v59+s30+$0x0], $0xffff  }
0x275: {  	v62 =	vld.idx.msk [tilespmem:v60+s30+$0x0], $0xffff  }
0x276: {  	v20 =	vld [tilespmem:$0xA10]  }
0x277: {  	v13 =	vsub.s32 v60, v0  }
0x278: {  	v13 =	vmin.u32 v13, $0x200  }
0x279: {  	v13 =	vshll.u32 v13, $0xA  }
0x27a: {  	v12 =	vadd.s32 v59, v13;
	v21 =	vmul.f32 v62, v61  }
0x27b: {  	[tilespmem:$0x1600] =	vst v12  }
0x27c: {  	v22 =	vld [tilespmem:$0x220];
	[tilespmem:$0x2200] =	vst v21  }
0x27d: {  	v12 =	vld.idx.msk [tilespmem:v63+s30+$0x0], $0xffff  }
0x27e: {  	v13 =	vld.idx.msk [tilespmem:v20+s30+$0x0], $0xffff  }
0x27f: {  	v23 =	vld [tilespmem:$0xA20]  }
0x280: {  	v17 =	vsub.s32 v20, v0  }
0x281: {  	v17 =	vmin.u32 v17, $0x200  }
0x282: {  	v17 =	vshll.u32 v17, $0xA  }
0x283: {  	v16 =	vadd.s32 v63, v17;
	v12 =	vmul.f32 v13, v12  }
0x284: {  	[tilespmem:$0x1610] =	vst v16  }
0x285: {  	v25 =	vld [tilespmem:$0x230];
	[tilespmem:$0x2210] =	vst v12  }
0x286: {  	v12 =	vld.idx.msk [tilespmem:v22+s30+$0x0], $0xffff  }
0x287: {  	v24 =	vld.idx.msk [tilespmem:v23+s30+$0x0], $0xffff  }
0x288: {  	v26 =	vld [tilespmem:$0xA30]  }
0x289: {  	v15 =	vsub.s32 v23, v0  }
0x28a: {  	v15 =	vmin.u32 v15, $0x200  }
0x28b: {  	v15 =	vshll.u32 v15, $0xA  }
0x28c: {  	v14 =	vadd.s32 v22, v15;
	v12 =	vmul.f32 v24, v12  }
0x28d: {  	[tilespmem:$0x1620] =	vst v14  }
0x28e: {  	v28 =	vld [tilespmem:$0x240];
	[tilespmem:$0x2220] =	vst v12  }
0x28f: {  	v12 =	vld.idx.msk [tilespmem:v25+s30+$0x0], $0xffff  }
0x290: {  	v27 =	vld.idx.msk [tilespmem:v26+s30+$0x0], $0xffff  }
0x291: {  	v29 =	vld [tilespmem:$0xA40]  }
0x292: {  	v17 =	vsub.s32 v26, v0  }
0x293: {  	v17 =	vmin.u32 v17, $0x200  }
0x294: {  	v17 =	vshll.u32 v17, $0xA  }
0x295: {  	v16 =	vadd.s32 v25, v17;
	v12 =	vmul.f32 v27, v12  }
0x296: {  	[tilespmem:$0x1630] =	vst v16  }
0x297: {  	v31 =	vld [tilespmem:$0x250];
	[tilespmem:$0x2230] =	vst v12  }
0x298: {  	v12 =	vld.idx.msk [tilespmem:v28+s30+$0x0], $0xffff  }
0x299: {  	v30 =	vld.idx.msk [tilespmem:v29+s30+$0x0], $0xffff  }
0x29a: {  	v32 =	vld [tilespmem:$0xA50]  }
0x29b: {  	v15 =	vsub.s32 v29, v0  }
0x29c: {  	v15 =	vmin.u32 v15, $0x200  }
0x29d: {  	v15 =	vshll.u32 v15, $0xA  }
0x29e: {  	v14 =	vadd.s32 v28, v15;
	v12 =	vmul.f32 v30, v12  }
0x29f: {  	[tilespmem:$0x1640] =	vst v14  }
0x2a0: {  	v34 =	vld [tilespmem:$0x260];
	[tilespmem:$0x2240] =	vst v12  }
0x2a1: {  	v12 =	vld.idx.msk [tilespmem:v31+s30+$0x0], $0xffff  }
0x2a2: {  	v33 =	vld.idx.msk [tilespmem:v32+s30+$0x0], $0xffff  }
0x2a3: {  	v35 =	vld [tilespmem:$0xA60]  }
0x2a4: {  	v17 =	vsub.s32 v32, v0  }
0x2a5: {  	v17 =	vmin.u32 v17, $0x200  }
0x2a6: {  	v17 =	vshll.u32 v17, $0xA  }
0x2a7: {  	v16 =	vadd.s32 v31, v17;
	v12 =	vmul.f32 v33, v12  }
0x2a8: {  	[tilespmem:$0x1650] =	vst v16  }
0x2a9: {  	v37 =	vld [tilespmem:$0x270];
	[tilespmem:$0x2250] =	vst v12  }
0x2aa: {  	v12 =	vld.idx.msk [tilespmem:v34+s30+$0x0], $0xffff  }
0x2ab: {  	v36 =	vld.idx.msk [tilespmem:v35+s30+$0x0], $0xffff  }
0x2ac: {  	v38 =	vld [tilespmem:$0xA70]  }
0x2ad: {  	v15 =	vsub.s32 v35, v0  }
0x2ae: {  	v15 =	vmin.u32 v15, $0x200  }
0x2af: {  	v15 =	vshll.u32 v15, $0xA  }
0x2b0: {  	v14 =	vadd.s32 v34, v15;
	v12 =	vmul.f32 v36, v12  }
0x2b1: {  	[tilespmem:$0x1660] =	vst v14  }
0x2b2: {  	[tilespmem:$0x2260] =	vst v12  }
0x2b3: {  	v12 =	vld.idx.msk [tilespmem:v37+s30+$0x0], $0xffff  }
0x2b4: {  	v39 =	vld.idx.msk [tilespmem:v38+s30+$0x0], $0xffff;
	_ =	sdelay $0x1  }
0x2b5: {  	v40 =	vsub.s32 v38, v0  }
0x2b6: {  	v14 =	vmin.u32 v40, $0x200  }
0x2b7: {  	v14 =	vshll.u32 v14, $0xA  }
0x2b8: {  	v14 =	vadd.s32 v37, v14;
	v12 =	vmul.f32 v39, v12  }
0x2b9: {  	[tilespmem:$0x1670] =	vst v14  }
0x2ba: {  	s11 =	simm.s32 $0x1600;
	s31 =	simm.s32 $0x2200;
	[tilespmem:$0x2270] =	vst v12  }
0x2bb: {  	[spmem:s2] =	stream.indirect.scatter.add.f32 [tilespmem:s31], [sflag:$0x1], $0x1, s11, s19, $0xb8;
	[tilespmem:$0xBC80] =	vst v63  }
0x2bc: {  	_ =	swait.ge [sflag:s21], $0x80  }
0x2bd: {  	[sflag:s21] =	ssyncset.done $0x0  }
0x2be: {  	[sflag:s21] =	ssyncadd.s32 $0xFFFFFF80  }
0x2bf: {  	v41 =	vld [tilespmem:$0x280]  }
0x2c0: {  	v42 =	vld [tilespmem:$0xA80];
	_ =	sdelay $0x5  }
0x2c1: {  	v45 =	vld [tilespmem:$0x290]  }
0x2c2: {  	v43 =	vld.idx.msk [tilespmem:v41+s30+$0x0], $0xffff  }
0x2c3: {  	v44 =	vld.idx.msk [tilespmem:v42+s30+$0x0], $0xffff  }
0x2c4: {  	v46 =	vld [tilespmem:$0xA90]  }
0x2c5: {  	v13 =	vsub.s32 v42, v0  }
0x2c6: {  	v13 =	vmin.u32 v13, $0x200  }
0x2c7: {  	v13 =	vshll.u32 v13, $0xA  }
0x2c8: {  	v12 =	vadd.s32 v41, v13;
	v47 =	vmul.f32 v44, v43  }
0x2c9: {  	[tilespmem:$0x1680] =	vst v12  }
0x2ca: {  	v48 =	vld [tilespmem:$0x2A0];
	[tilespmem:$0x2280] =	vst v47  }
0x2cb: {  	v12 =	vld.idx.msk [tilespmem:v45+s30+$0x0], $0xffff  }
0x2cc: {  	v13 =	vld.idx.msk [tilespmem:v46+s30+$0x0], $0xffff  }
0x2cd: {  	v49 =	vld [tilespmem:$0xAA0]  }
0x2ce: {  	v17 =	vsub.s32 v46, v0  }
0x2cf: {  	v17 =	vmin.u32 v17, $0x200  }
0x2d0: {  	v17 =	vshll.u32 v17, $0xA  }
0x2d1: {  	v16 =	vadd.s32 v45, v17;
	v12 =	vmul.f32 v13, v12  }
0x2d2: {  	[tilespmem:$0x1690] =	vst v16  }
0x2d3: {  	v51 =	vld [tilespmem:$0x2B0];
	[tilespmem:$0x2290] =	vst v12  }
0x2d4: {  	v12 =	vld.idx.msk [tilespmem:v48+s30+$0x0], $0xffff  }
0x2d5: {  	v50 =	vld.idx.msk [tilespmem:v49+s30+$0x0], $0xffff  }
0x2d6: {  	v52 =	vld [tilespmem:$0xAB0]  }
0x2d7: {  	v15 =	vsub.s32 v49, v0  }
0x2d8: {  	v15 =	vmin.u32 v15, $0x200  }
0x2d9: {  	v15 =	vshll.u32 v15, $0xA  }
0x2da: {  	v14 =	vadd.s32 v48, v15;
	v12 =	vmul.f32 v50, v12  }
0x2db: {  	[tilespmem:$0x16A0] =	vst v14  }
0x2dc: {  	v54 =	vld [tilespmem:$0x2C0];
	[tilespmem:$0x22A0] =	vst v12  }
0x2dd: {  	v12 =	vld.idx.msk [tilespmem:v51+s30+$0x0], $0xffff  }
0x2de: {  	v53 =	vld.idx.msk [tilespmem:v52+s30+$0x0], $0xffff  }
0x2df: {  	v55 =	vld [tilespmem:$0xAC0]  }
0x2e0: {  	v17 =	vsub.s32 v52, v0  }
0x2e1: {  	v17 =	vmin.u32 v17, $0x200  }
0x2e2: {  	v17 =	vshll.u32 v17, $0xA  }
0x2e3: {  	v16 =	vadd.s32 v51, v17;
	v12 =	vmul.f32 v53, v12  }
0x2e4: {  	[tilespmem:$0x16B0] =	vst v16  }
0x2e5: {  	v57 =	vld [tilespmem:$0x2D0];
	[tilespmem:$0x22B0] =	vst v12  }
0x2e6: {  	v12 =	vld.idx.msk [tilespmem:v54+s30+$0x0], $0xffff  }
0x2e7: {  	v56 =	vld.idx.msk [tilespmem:v55+s30+$0x0], $0xffff  }
0x2e8: {  	v58 =	vld [tilespmem:$0xAD0]  }
0x2e9: {  	v15 =	vsub.s32 v55, v0  }
0x2ea: {  	v15 =	vmin.u32 v15, $0x200  }
0x2eb: {  	v15 =	vshll.u32 v15, $0xA  }
0x2ec: {  	v14 =	vadd.s32 v54, v15;
	v12 =	vmul.f32 v56, v12  }
0x2ed: {  	[tilespmem:$0x16C0] =	vst v14  }
0x2ee: {  	v60 =	vld [tilespmem:$0x2E0];
	[tilespmem:$0x22C0] =	vst v12  }
0x2ef: {  	v12 =	vld.idx.msk [tilespmem:v57+s30+$0x0], $0xffff  }
0x2f0: {  	v59 =	vld.idx.msk [tilespmem:v58+s30+$0x0], $0xffff  }
0x2f1: {  	v61 =	vld [tilespmem:$0xAE0]  }
0x2f2: {  	v17 =	vsub.s32 v58, v0  }
0x2f3: {  	v17 =	vmin.u32 v17, $0x200  }
0x2f4: {  	v17 =	vshll.u32 v17, $0xA  }
0x2f5: {  	v16 =	vadd.s32 v57, v17;
	v12 =	vmul.f32 v59, v12  }
0x2f6: {  	[tilespmem:$0x16D0] =	vst v16  }
0x2f7: {  	v63 =	vld [tilespmem:$0x2F0];
	[tilespmem:$0x22D0] =	vst v12  }
0x2f8: {  	v12 =	vld.idx.msk [tilespmem:v60+s30+$0x0], $0xffff  }
0x2f9: {  	v62 =	vld.idx.msk [tilespmem:v61+s30+$0x0], $0xffff  }
0x2fa: {  	v20 =	vld [tilespmem:$0xAF0]  }
0x2fb: {  	v15 =	vsub.s32 v61, v0  }
0x2fc: {  	v15 =	vmin.u32 v15, $0x200  }
0x2fd: {  	v15 =	vshll.u32 v15, $0xA  }
0x2fe: {  	v14 =	vadd.s32 v60, v15;
	v12 =	vmul.f32 v62, v12  }
0x2ff: {  	[tilespmem:$0x16E0] =	vst v14  }
0x300: {  	[tilespmem:$0x22E0] =	vst v12  }
0x301: {  	v12 =	vld.idx.msk [tilespmem:v63+s30+$0x0], $0xffff  }
0x302: {  	v21 =	vld.idx.msk [tilespmem:v20+s30+$0x0], $0xffff;
	_ =	sdelay $0x1  }
0x303: {  	v22 =	vsub.s32 v20, v0  }
0x304: {  	v14 =	vmin.u32 v22, $0x200  }
0x305: {  	v14 =	vshll.u32 v14, $0xA  }
0x306: {  	v14 =	vadd.s32 v63, v14;
	v12 =	vmul.f32 v21, v12  }
0x307: {  	[tilespmem:$0x16F0] =	vst v14  }
0x308: {  	s11 =	simm.s32 $0x1680;
	s31 =	simm.s32 $0x2280;
	[tilespmem:$0x22F0] =	vst v12  }
0x309: {  	[spmem:s2] =	stream.indirect.scatter.add.f32 [tilespmem:s31], [sflag:$0x1], $0x1, s11, s19, $0xb8;
	[tilespmem:$0xBC80] =	vst v63  }
0x30a: {  	_ =	swait.ge [sflag:s21], $0x80  }
0x30b: {  	[sflag:s21] =	ssyncset.done $0x0  }
0x30c: {  	[sflag:s21] =	ssyncadd.s32 $0xFFFFFF80  }
0x30d: {  	v23 =	vld [tilespmem:$0x300]  }
0x30e: {  	v24 =	vld [tilespmem:$0xB00];
	_ =	sdelay $0x5  }
0x30f: {  	v27 =	vld [tilespmem:$0x310]  }
0x310: {  	v25 =	vld.idx.msk [tilespmem:v23+s30+$0x0], $0xffff  }
0x311: {  	v26 =	vld.idx.msk [tilespmem:v24+s30+$0x0], $0xffff  }
0x312: {  	v28 =	vld [tilespmem:$0xB10]  }
0x313: {  	v13 =	vsub.s32 v24, v0  }
0x314: {  	v13 =	vmin.u32 v13, $0x200  }
0x315: {  	v13 =	vshll.u32 v13, $0xA  }
0x316: {  	v12 =	vadd.s32 v23, v13;
	v29 =	vmul.f32 v26, v25  }
0x317: {  	[tilespmem:$0x1700] =	vst v12  }
0x318: {  	v30 =	vld [tilespmem:$0x320];
	[tilespmem:$0x2300] =	vst v29  }
0x319: {  	v12 =	vld.idx.msk [tilespmem:v27+s30+$0x0], $0xffff  }
0x31a: {  	v13 =	vld.idx.msk [tilespmem:v28+s30+$0x0], $0xffff  }
0x31b: {  	v31 =	vld [tilespmem:$0xB20]  }
0x31c: {  	v17 =	vsub.s32 v28, v0  }
0x31d: {  	v17 =	vmin.u32 v17, $0x200  }
0x31e: {  	v17 =	vshll.u32 v17, $0xA  }
0x31f: {  	v16 =	vadd.s32 v27, v17;
	v12 =	vmul.f32 v13, v12  }
0x320: {  	[tilespmem:$0x1710] =	vst v16  }
0x321: {  	v33 =	vld [tilespmem:$0x330];
	[tilespmem:$0x2310] =	vst v12  }
0x322: {  	v12 =	vld.idx.msk [tilespmem:v30+s30+$0x0], $0xffff  }
0x323: {  	v32 =	vld.idx.msk [tilespmem:v31+s30+$0x0], $0xffff  }
0x324: {  	v34 =	vld [tilespmem:$0xB30]  }
0x325: {  	v15 =	vsub.s32 v31, v0  }
0x326: {  	v15 =	vmin.u32 v15, $0x200  }
0x327: {  	v15 =	vshll.u32 v15, $0xA  }
0x328: {  	v14 =	vadd.s32 v30, v15;
	v12 =	vmul.f32 v32, v12  }
0x329: {  	[tilespmem:$0x1720] =	vst v14  }
0x32a: {  	v36 =	vld [tilespmem:$0x340];
	[tilespmem:$0x2320] =	vst v12  }
0x32b: {  	v12 =	vld.idx.msk [tilespmem:v33+s30+$0x0], $0xffff  }
0x32c: {  	v35 =	vld.idx.msk [tilespmem:v34+s30+$0x0], $0xffff  }
0x32d: {  	v37 =	vld [tilespmem:$0xB40]  }
0x32e: {  	v17 =	vsub.s32 v34, v0  }
0x32f: {  	v17 =	vmin.u32 v17, $0x200  }
0x330: {  	v17 =	vshll.u32 v17, $0xA  }
0x331: {  	v16 =	vadd.s32 v33, v17;
	v12 =	vmul.f32 v35, v12  }
0x332: {  	[tilespmem:$0x1730] =	vst v16  }
0x333: {  	v39 =	vld [tilespmem:$0x350];
	[tilespmem:$0x2330] =	vst v12  }
0x334: {  	v12 =	vld.idx.msk [tilespmem:v36+s30+$0x0], $0xffff  }
0x335: {  	v38 =	vld.idx.msk [tilespmem:v37+s30+$0x0], $0xffff  }
0x336: {  	v40 =	vld [tilespmem:$0xB50]  }
0x337: {  	v15 =	vsub.s32 v37, v0  }
0x338: {  	v15 =	vmin.u32 v15, $0x200  }
0x339: {  	v15 =	vshll.u32 v15, $0xA  }
0x33a: {  	v14 =	vadd.s32 v36, v15;
	v12 =	vmul.f32 v38, v12  }
0x33b: {  	[tilespmem:$0x1740] =	vst v14  }
0x33c: {  	[tilespmem:$0x2340] =	vst v12  }
0x33d: {  	v12 =	vld.idx.msk [tilespmem:v39+s30+$0x0], $0xffff  }
0x33e: {  	v41 =	vld.idx.msk [tilespmem:v40+s30+$0x0], $0xffff;
	_ =	sdelay $0x1  }
0x33f: {  	v42 =	vsub.s32 v40, v0  }
0x340: {  	v14 =	vmin.u32 v42, $0x200  }
0x341: {  	v14 =	vshll.u32 v14, $0xA  }
0x342: {  	v14 =	vadd.s32 v39, v14;
	v12 =	vmul.f32 v41, v12  }
0x343: {  	[tilespmem:$0x1750] =	vst v14  }
0x344: {  	[tilespmem:$0x2350] =	vst v12  }
0x345: {  	v12 =	vld [tilespmem:$0x360]  }
0x346: {  	v43 =	vld [tilespmem:$0xB60];
	_ =	sdelay $0x5  }
0x347: {  	v46 =	vld [tilespmem:$0x370]  }
0x348: {  	v44 =	vld.idx.msk [tilespmem:v12+s30+$0x0], $0xffff  }
0x349: {  	v45 =	vld.idx.msk [tilespmem:v43+s30+$0x0], $0xffff  }
0x34a: {  	v47 =	vld [tilespmem:$0xB70]  }
0x34b: {  	v13 =	vsub.s32 v43, v0  }
0x34c: {  	v13 =	vmin.u32 v13, $0x200  }
0x34d: {  	v13 =	vshll.u32 v13, $0xA  }
0x34e: {  	v12 =	vadd.s32 v12, v13;
	v48 =	vmul.f32 v45, v44  }
0x34f: {  	[tilespmem:$0x1760] =	vst v12  }
0x350: {  	[tilespmem:$0x2360] =	vst v48  }
0x351: {  	v12 =	vld.idx.msk [tilespmem:v46+s30+$0x0], $0xffff  }
0x352: {  	v13 =	vld.idx.msk [tilespmem:v47+s30+$0x0], $0xffff;
	_ =	sdelay $0x1  }
0x353: {  	v49 =	vsub.s32 v47, v0  }
0x354: {  	v14 =	vmin.u32 v49, $0x200  }
0x355: {  	v14 =	vshll.u32 v14, $0xA  }
0x356: {  	v14 =	vadd.s32 v46, v14;
	v12 =	vmul.f32 v13, v12  }
0x357: {  	[tilespmem:$0x1770] =	vst v14  }
0x358: {  	s11 =	simm.s32 $0x2300;
	[tilespmem:$0x2370] =	vst v12  }
0x359: {  	[spmem:s2] =	stream.indirect.scatter.add.f32 [tilespmem:s11], [sflag:$0x1], $0x1, s0, s19, $0xb8;
	[tilespmem:$0xBC80] =	vst v63  }
0x35a: {  	_ =	swait.ge [sflag:s21], $0x80  }
0x35b: {  	[sflag:s21] =	ssyncset.done $0x0  }
0x35c: {  	[sflag:s21] =	ssyncadd.s32 $0xFFFFFF80  }
0x35d: {  	v50 =	vld [tilespmem:$0x380]  }
0x35e: {  	v51 =	vld [tilespmem:$0xB80];
	_ =	sdelay $0x5  }
0x35f: {  	v54 =	vld [tilespmem:$0x390]  }
0x360: {  	v52 =	vld.idx.msk [tilespmem:v50+s30+$0x0], $0xffff  }
0x361: {  	v53 =	vld.idx.msk [tilespmem:v51+s30+$0x0], $0xffff  }
0x362: {  	v55 =	vld [tilespmem:$0xB90]  }
0x363: {  	v13 =	vsub.s32 v51, v0  }
0x364: {  	v13 =	vmin.u32 v13, $0x200  }
0x365: {  	v13 =	vshll.u32 v13, $0xA  }
0x366: {  	v12 =	vadd.s32 v50, v13;
	v56 =	vmul.f32 v53, v52  }
0x367: {  	[tilespmem:$0x1780] =	vst v12  }
0x368: {  	v57 =	vld [tilespmem:$0x3A0];
	[tilespmem:$0x2380] =	vst v56  }
0x369: {  	v12 =	vld.idx.msk [tilespmem:v54+s30+$0x0], $0xffff  }
0x36a: {  	v13 =	vld.idx.msk [tilespmem:v55+s30+$0x0], $0xffff  }
0x36b: {  	v58 =	vld [tilespmem:$0xBA0]  }
0x36c: {  	v17 =	vsub.s32 v55, v0  }
0x36d: {  	v17 =	vmin.u32 v17, $0x200  }
0x36e: {  	v17 =	vshll.u32 v17, $0xA  }
0x36f: {  	v16 =	vadd.s32 v54, v17;
	v12 =	vmul.f32 v13, v12  }
0x370: {  	[tilespmem:$0x1790] =	vst v16  }
0x371: {  	v60 =	vld [tilespmem:$0x3B0];
	[tilespmem:$0x2390] =	vst v12  }
0x372: {  	v12 =	vld.idx.msk [tilespmem:v57+s30+$0x0], $0xffff  }
0x373: {  	v59 =	vld.idx.msk [tilespmem:v58+s30+$0x0], $0xffff  }
0x374: {  	v61 =	vld [tilespmem:$0xBB0]  }
0x375: {  	v15 =	vsub.s32 v58, v0  }
0x376: {  	v15 =	vmin.u32 v15, $0x200  }
0x377: {  	v15 =	vshll.u32 v15, $0xA  }
0x378: {  	v14 =	vadd.s32 v57, v15;
	v12 =	vmul.f32 v59, v12  }
0x379: {  	[tilespmem:$0x17A0] =	vst v14  }
0x37a: {  	v63 =	vld [tilespmem:$0x3C0];
	[tilespmem:$0x23A0] =	vst v12  }
0x37b: {  	v12 =	vld.idx.msk [tilespmem:v60+s30+$0x0], $0xffff  }
0x37c: {  	v62 =	vld.idx.msk [tilespmem:v61+s30+$0x0], $0xffff  }
0x37d: {  	v20 =	vld [tilespmem:$0xBC0]  }
0x37e: {  	v17 =	vsub.s32 v61, v0  }
0x37f: {  	v17 =	vmin.u32 v17, $0x200  }
0x380: {  	v17 =	vshll.u32 v17, $0xA  }
0x381: {  	v16 =	vadd.s32 v60, v17;
	v12 =	vmul.f32 v62, v12  }
0x382: {  	[tilespmem:$0x17B0] =	vst v16  }
0x383: {  	v22 =	vld [tilespmem:$0x3D0];
	[tilespmem:$0x23B0] =	vst v12  }
0x384: {  	v12 =	vld.idx.msk [tilespmem:v63+s30+$0x0], $0xffff  }
0x385: {  	v21 =	vld.idx.msk [tilespmem:v20+s30+$0x0], $0xffff  }
0x386: {  	v23 =	vld [tilespmem:$0xBD0]  }
0x387: {  	v15 =	vsub.s32 v20, v0  }
0x388: {  	v15 =	vmin.u32 v15, $0x200  }
0x389: {  	v15 =	vshll.u32 v15, $0xA  }
0x38a: {  	v14 =	vadd.s32 v63, v15;
	v12 =	vmul.f32 v21, v12  }
0x38b: {  	[tilespmem:$0x17C0] =	vst v14  }
0x38c: {  	v25 =	vld [tilespmem:$0x3E0];
	[tilespmem:$0x23C0] =	vst v12  }
0x38d: {  	v12 =	vld.idx.msk [tilespmem:v22+s30+$0x0], $0xffff  }
0x38e: {  	v24 =	vld.idx.msk [tilespmem:v23+s30+$0x0], $0xffff  }
0x38f: {  	v26 =	vld [tilespmem:$0xBE0]  }
0x390: {  	v17 =	vsub.s32 v23, v0  }
0x391: {  	v17 =	vmin.u32 v17, $0x200  }
0x392: {  	v17 =	vshll.u32 v17, $0xA  }
0x393: {  	v16 =	vadd.s32 v22, v17;
	v12 =	vmul.f32 v24, v12  }
0x394: {  	[tilespmem:$0x17D0] =	vst v16  }
0x395: {  	v28 =	vld [tilespmem:$0x3F0];
	[tilespmem:$0x23D0] =	vst v12  }
0x396: {  	v12 =	vld.idx.msk [tilespmem:v25+s30+$0x0], $0xffff  }
0x397: {  	v27 =	vld.idx.msk [tilespmem:v26+s30+$0x0], $0xffff  }
0x398: {  	v29 =	vld [tilespmem:$0xBF0]  }
0x399: {  	v15 =	vsub.s32 v26, v0  }
0x39a: {  	v15 =	vmin.u32 v15, $0x200  }
0x39b: {  	v15 =	vshll.u32 v15, $0xA  }
0x39c: {  	v14 =	vadd.s32 v25, v15;
	v12 =	vmul.f32 v27, v12  }
0x39d: {  	[tilespmem:$0x17E0] =	vst v14  }
0x39e: {  	[tilespmem:$0x23E0] =	vst v12  }
0x39f: {  	v12 =	vld.idx.msk [tilespmem:v28+s30+$0x0], $0xffff  }
0x3a0: {  	v30 =	vld.idx.msk [tilespmem:v29+s30+$0x0], $0xffff;
	_ =	sdelay $0x1  }
0x3a1: {  	v31 =	vsub.s32 v29, v0  }
0x3a2: {  	v14 =	vmin.u32 v31, $0x200  }
0x3a3: {  	v14 =	vshll.u32 v14, $0xA  }
0x3a4: {  	v14 =	vadd.s32 v28, v14;
	v12 =	vmul.f32 v30, v12  }
0x3a5: {  	[tilespmem:$0x17F0] =	vst v14  }
0x3a6: {  	s31 =	simm.s32 $0x2380;
	[tilespmem:$0x23F0] =	vst v12  }
0x3a7: {  	[spmem:s2] =	stream.indirect.scatter.add.f32 [tilespmem:s31], [sflag:$0x1], $0x1, s3, s19, $0xb8;
	[tilespmem:$0xBC80] =	vst v63  }
0x3a8: {  	_ =	swait.ge [sflag:s21], $0x80  }
0x3a9: {  	[sflag:s21] =	ssyncset.done $0x0  }
0x3aa: {  	[sflag:s21] =	ssyncadd.s32 $0xFFFFFF80  }
0x3ab: {  	v32 =	vld [tilespmem:$0x400]  }
0x3ac: {  	v33 =	vld [tilespmem:$0xC00];
	_ =	sdelay $0x5  }
0x3ad: {  	v36 =	vld [tilespmem:$0x410]  }
0x3ae: {  	v34 =	vld.idx.msk [tilespmem:v32+s30+$0x0], $0xffff  }
0x3af: {  	v35 =	vld.idx.msk [tilespmem:v33+s30+$0x0], $0xffff  }
0x3b0: {  	v37 =	vld [tilespmem:$0xC10]  }
0x3b1: {  	v13 =	vsub.s32 v33, v0  }
0x3b2: {  	v13 =	vmin.u32 v13, $0x200  }
0x3b3: {  	v13 =	vshll.u32 v13, $0xA  }
0x3b4: {  	v12 =	vadd.s32 v32, v13;
	v38 =	vmul.f32 v35, v34  }
0x3b5: {  	[tilespmem:$0x1800] =	vst v12  }
0x3b6: {  	v39 =	vld [tilespmem:$0x420];
	[tilespmem:$0x2400] =	vst v38  }
0x3b7: {  	v12 =	vld.idx.msk [tilespmem:v36+s30+$0x0], $0xffff  }
0x3b8: {  	v13 =	vld.idx.msk [tilespmem:v37+s30+$0x0], $0xffff  }
0x3b9: {  	v40 =	vld [tilespmem:$0xC20]  }
0x3ba: {  	v17 =	vsub.s32 v37, v0  }
0x3bb: {  	v17 =	vmin.u32 v17, $0x200  }
0x3bc: {  	v17 =	vshll.u32 v17, $0xA  }
0x3bd: {  	v16 =	vadd.s32 v36, v17;
	v12 =	vmul.f32 v13, v12  }
0x3be: {  	[tilespmem:$0x1810] =	vst v16  }
0x3bf: {  	v42 =	vld [tilespmem:$0x430];
	[tilespmem:$0x2410] =	vst v12  }
0x3c0: {  	v12 =	vld.idx.msk [tilespmem:v39+s30+$0x0], $0xffff  }
0x3c1: {  	v41 =	vld.idx.msk [tilespmem:v40+s30+$0x0], $0xffff  }
0x3c2: {  	v43 =	vld [tilespmem:$0xC30]  }
0x3c3: {  	v15 =	vsub.s32 v40, v0  }
0x3c4: {  	v15 =	vmin.u32 v15, $0x200  }
0x3c5: {  	v15 =	vshll.u32 v15, $0xA  }
0x3c6: {  	v14 =	vadd.s32 v39, v15;
	v12 =	vmul.f32 v41, v12  }
0x3c7: {  	[tilespmem:$0x1820] =	vst v14  }
0x3c8: {  	v45 =	vld [tilespmem:$0x440];
	[tilespmem:$0x2420] =	vst v12  }
0x3c9: {  	v12 =	vld.idx.msk [tilespmem:v42+s30+$0x0], $0xffff  }
0x3ca: {  	v44 =	vld.idx.msk [tilespmem:v43+s30+$0x0], $0xffff  }
0x3cb: {  	v46 =	vld [tilespmem:$0xC40]  }
0x3cc: {  	v17 =	vsub.s32 v43, v0  }
0x3cd: {  	v17 =	vmin.u32 v17, $0x200  }
0x3ce: {  	v17 =	vshll.u32 v17, $0xA  }
0x3cf: {  	v16 =	vadd.s32 v42, v17;
	v12 =	vmul.f32 v44, v12  }
0x3d0: {  	[tilespmem:$0x1830] =	vst v16  }
0x3d1: {  	v48 =	vld [tilespmem:$0x450];
	[tilespmem:$0x2430] =	vst v12  }
0x3d2: {  	v12 =	vld.idx.msk [tilespmem:v45+s30+$0x0], $0xffff  }
0x3d3: {  	v47 =	vld.idx.msk [tilespmem:v46+s30+$0x0], $0xffff  }
0x3d4: {  	v49 =	vld [tilespmem:$0xC50]  }
0x3d5: {  	v15 =	vsub.s32 v46, v0  }
0x3d6: {  	v15 =	vmin.u32 v15, $0x200  }
0x3d7: {  	v15 =	vshll.u32 v15, $0xA  }
0x3d8: {  	v14 =	vadd.s32 v45, v15;
	v12 =	vmul.f32 v47, v12  }
0x3d9: {  	[tilespmem:$0x1840] =	vst v14  }
0x3da: {  	v51 =	vld [tilespmem:$0x460];
	[tilespmem:$0x2440] =	vst v12  }
0x3db: {  	v12 =	vld.idx.msk [tilespmem:v48+s30+$0x0], $0xffff  }
0x3dc: {  	v50 =	vld.idx.msk [tilespmem:v49+s30+$0x0], $0xffff  }
0x3dd: {  	v52 =	vld [tilespmem:$0xC60]  }
0x3de: {  	v17 =	vsub.s32 v49, v0  }
0x3df: {  	v17 =	vmin.u32 v17, $0x200  }
0x3e0: {  	v17 =	vshll.u32 v17, $0xA  }
0x3e1: {  	v16 =	vadd.s32 v48, v17;
	v12 =	vmul.f32 v50, v12  }
0x3e2: {  	[tilespmem:$0x1850] =	vst v16  }
0x3e3: {  	v54 =	vld [tilespmem:$0x470];
	[tilespmem:$0x2450] =	vst v12  }
0x3e4: {  	v12 =	vld.idx.msk [tilespmem:v51+s30+$0x0], $0xffff  }
0x3e5: {  	v53 =	vld.idx.msk [tilespmem:v52+s30+$0x0], $0xffff  }
0x3e6: {  	v55 =	vld [tilespmem:$0xC70]  }
0x3e7: {  	v15 =	vsub.s32 v52, v0  }
0x3e8: {  	v15 =	vmin.u32 v15, $0x200  }
0x3e9: {  	v15 =	vshll.u32 v15, $0xA  }
0x3ea: {  	v14 =	vadd.s32 v51, v15;
	v12 =	vmul.f32 v53, v12  }
0x3eb: {  	[tilespmem:$0x1860] =	vst v14  }
0x3ec: {  	[tilespmem:$0x2460] =	vst v12  }
0x3ed: {  	v12 =	vld.idx.msk [tilespmem:v54+s30+$0x0], $0xffff  }
0x3ee: {  	v56 =	vld.idx.msk [tilespmem:v55+s30+$0x0], $0xffff;
	_ =	sdelay $0x1  }
0x3ef: {  	v57 =	vsub.s32 v55, v0  }
0x3f0: {  	v14 =	vmin.u32 v57, $0x200  }
0x3f1: {  	v14 =	vshll.u32 v14, $0xA  }
0x3f2: {  	v14 =	vadd.s32 v54, v14;
	v12 =	vmul.f32 v56, v12  }
0x3f3: {  	[tilespmem:$0x1870] =	vst v14  }
0x3f4: {  	s11 =	simm.s32 $0x2400;
	[tilespmem:$0x2470] =	vst v12  }
0x3f5: {  	[spmem:s2] =	stream.indirect.scatter.add.f32 [tilespmem:s11], [sflag:$0x1], $0x1, s22, s19, $0xb8;
	[tilespmem:$0xBC80] =	vst v63  }
0x3f6: {  	_ =	swait.ge [sflag:s21], $0x80  }
0x3f7: {  	[sflag:s21] =	ssyncset.done $0x0  }
0x3f8: {  	[sflag:s21] =	ssyncadd.s32 $0xFFFFFF80  }
0x3f9: {  	v58 =	vld [tilespmem:$0x480]  }
0x3fa: {  	v59 =	vld [tilespmem:$0xC80];
	_ =	sdelay $0x5  }
0x3fb: {  	v62 =	vld [tilespmem:$0x490]  }
0x3fc: {  	v60 =	vld.idx.msk [tilespmem:v58+s30+$0x0], $0xffff  }
0x3fd: {  	v61 =	vld.idx.msk [tilespmem:v59+s30+$0x0], $0xffff  }
0x3fe: {  	v63 =	vld [tilespmem:$0xC90]  }
0x3ff: {  	v13 =	vsub.s32 v59, v0  }
0x400: {  	v13 =	vmin.u32 v13, $0x200  }
0x401: {  	v13 =	vshll.u32 v13, $0xA  }
0x402: {  	v12 =	vadd.s32 v58, v13;
	v20 =	vmul.f32 v61, v60  }
0x403: {  	[tilespmem:$0x1880] =	vst v12  }
0x404: {  	v21 =	vld [tilespmem:$0x4A0];
	[tilespmem:$0x2480] =	vst v20  }
0x405: {  	v12 =	vld.idx.msk [tilespmem:v62+s30+$0x0], $0xffff  }
0x406: {  	v13 =	vld.idx.msk [tilespmem:v63+s30+$0x0], $0xffff  }
0x407: {  	v22 =	vld [tilespmem:$0xCA0]  }
0x408: {  	v17 =	vsub.s32 v63, v0  }
0x409: {  	v17 =	vmin.u32 v17, $0x200  }
0x40a: {  	v17 =	vshll.u32 v17, $0xA  }
0x40b: {  	v16 =	vadd.s32 v62, v17;
	v12 =	vmul.f32 v13, v12  }
0x40c: {  	[tilespmem:$0x1890] =	vst v16  }
0x40d: {  	v24 =	vld [tilespmem:$0x4B0];
	[tilespmem:$0x2490] =	vst v12  }
0x40e: {  	v12 =	vld.idx.msk [tilespmem:v21+s30+$0x0], $0xffff  }
0x40f: {  	v23 =	vld.idx.msk [tilespmem:v22+s30+$0x0], $0xffff  }
0x410: {  	v25 =	vld [tilespmem:$0xCB0]  }
0x411: {  	v15 =	vsub.s32 v22, v0  }
0x412: {  	v15 =	vmin.u32 v15, $0x200  }
0x413: {  	v15 =	vshll.u32 v15, $0xA  }
0x414: {  	v14 =	vadd.s32 v21, v15;
	v12 =	vmul.f32 v23, v12  }
0x415: {  	[tilespmem:$0x18A0] =	vst v14  }
0x416: {  	v27 =	vld [tilespmem:$0x4C0];
	[tilespmem:$0x24A0] =	vst v12  }
0x417: {  	v12 =	vld.idx.msk [tilespmem:v24+s30+$0x0], $0xffff  }
0x418: {  	v26 =	vld.idx.msk [tilespmem:v25+s30+$0x0], $0xffff  }
0x419: {  	v28 =	vld [tilespmem:$0xCC0]  }
0x41a: {  	v17 =	vsub.s32 v25, v0  }
0x41b: {  	v17 =	vmin.u32 v17, $0x200  }
0x41c: {  	v17 =	vshll.u32 v17, $0xA  }
0x41d: {  	v16 =	vadd.s32 v24, v17;
	v12 =	vmul.f32 v26, v12  }
0x41e: {  	[tilespmem:$0x18B0] =	vst v16  }
0x41f: {  	v30 =	vld [tilespmem:$0x4D0];
	[tilespmem:$0x24B0] =	vst v12  }
0x420: {  	v12 =	vld.idx.msk [tilespmem:v27+s30+$0x0], $0xffff  }
0x421: {  	v29 =	vld.idx.msk [tilespmem:v28+s30+$0x0], $0xffff  }
0x422: {  	v31 =	vld [tilespmem:$0xCD0]  }
0x423: {  	v15 =	vsub.s32 v28, v0  }
0x424: {  	v15 =	vmin.u32 v15, $0x200  }
0x425: {  	v15 =	vshll.u32 v15, $0xA  }
0x426: {  	v14 =	vadd.s32 v27, v15;
	v12 =	vmul.f32 v29, v12  }
0x427: {  	[tilespmem:$0x18C0] =	vst v14  }
0x428: {  	v33 =	vld [tilespmem:$0x4E0];
	[tilespmem:$0x24C0] =	vst v12  }
0x429: {  	v12 =	vld.idx.msk [tilespmem:v30+s30+$0x0], $0xffff  }
0x42a: {  	v32 =	vld.idx.msk [tilespmem:v31+s30+$0x0], $0xffff  }
0x42b: {  	v34 =	vld [tilespmem:$0xCE0]  }
0x42c: {  	v17 =	vsub.s32 v31, v0  }
0x42d: {  	v17 =	vmin.u32 v17, $0x200  }
0x42e: {  	v17 =	vshll.u32 v17, $0xA  }
0x42f: {  	v16 =	vadd.s32 v30, v17;
	v12 =	vmul.f32 v32, v12  }
0x430: {  	[tilespmem:$0x18D0] =	vst v16  }
0x431: {  	v36 =	vld [tilespmem:$0x4F0];
	[tilespmem:$0x24D0] =	vst v12  }
0x432: {  	v12 =	vld.idx.msk [tilespmem:v33+s30+$0x0], $0xffff  }
0x433: {  	v35 =	vld.idx.msk [tilespmem:v34+s30+$0x0], $0xffff  }
0x434: {  	v37 =	vld [tilespmem:$0xCF0]  }
0x435: {  	v15 =	vsub.s32 v34, v0  }
0x436: {  	v15 =	vmin.u32 v15, $0x200  }
0x437: {  	v15 =	vshll.u32 v15, $0xA  }
0x438: {  	v14 =	vadd.s32 v33, v15;
	v12 =	vmul.f32 v35, v12  }
0x439: {  	[tilespmem:$0x18E0] =	vst v14  }
0x43a: {  	[tilespmem:$0x24E0] =	vst v12  }
0x43b: {  	v12 =	vld.idx.msk [tilespmem:v36+s30+$0x0], $0xffff  }
0x43c: {  	v38 =	vld.idx.msk [tilespmem:v37+s30+$0x0], $0xffff;
	_ =	sdelay $0x1  }
0x43d: {  	v39 =	vsub.s32 v37, v0  }
0x43e: {  	v14 =	vmin.u32 v39, $0x200  }
0x43f: {  	v14 =	vshll.u32 v14, $0xA  }
0x440: {  	v14 =	vadd.s32 v36, v14;
	v12 =	vmul.f32 v38, v12  }
0x441: {  	[tilespmem:$0x18F0] =	vst v14  }
0x442: {  	s31 =	simm.s32 $0x2480;
	[tilespmem:$0x24F0] =	vst v12  }
0x443: {  	[spmem:s2] =	stream.indirect.scatter.add.f32 [tilespmem:s31], [sflag:$0x1], $0x1, s4, s19, $0xb8;
	[tilespmem:$0xBC80] =	vst v63  }
0x444: {  	_ =	swait.ge [sflag:s21], $0x80  }
0x445: {  	[sflag:s21] =	ssyncset.done $0x0  }
0x446: {  	[sflag:s21] =	ssyncadd.s32 $0xFFFFFF80  }
0x447: {  	v40 =	vld [tilespmem:$0x500]  }
0x448: {  	v41 =	vld [tilespmem:$0xD00];
	_ =	sdelay $0x5  }
0x449: {  	v44 =	vld [tilespmem:$0x510]  }
0x44a: {  	v42 =	vld.idx.msk [tilespmem:v40+s30+$0x0], $0xffff  }
0x44b: {  	v43 =	vld.idx.msk [tilespmem:v41+s30+$0x0], $0xffff  }
0x44c: {  	v45 =	vld [tilespmem:$0xD10]  }
0x44d: {  	v13 =	vsub.s32 v41, v0  }
0x44e: {  	v13 =	vmin.u32 v13, $0x200  }
0x44f: {  	v13 =	vshll.u32 v13, $0xA  }
0x450: {  	v12 =	vadd.s32 v40, v13;
	v46 =	vmul.f32 v43, v42  }
0x451: {  	[tilespmem:$0x1900] =	vst v12  }
0x452: {  	v47 =	vld [tilespmem:$0x520];
	[tilespmem:$0x2500] =	vst v46  }
0x453: {  	v12 =	vld.idx.msk [tilespmem:v44+s30+$0x0], $0xffff  }
0x454: {  	v13 =	vld.idx.msk [tilespmem:v45+s30+$0x0], $0xffff  }
0x455: {  	v48 =	vld [tilespmem:$0xD20]  }
0x456: {  	v17 =	vsub.s32 v45, v0  }
0x457: {  	v17 =	vmin.u32 v17, $0x200  }
0x458: {  	v17 =	vshll.u32 v17, $0xA  }
0x459: {  	v16 =	vadd.s32 v44, v17;
	v12 =	vmul.f32 v13, v12  }
0x45a: {  	[tilespmem:$0x1910] =	vst v16  }
0x45b: {  	v50 =	vld [tilespmem:$0x530];
	[tilespmem:$0x2510] =	vst v12  }
0x45c: {  	v12 =	vld.idx.msk [tilespmem:v47+s30+$0x0], $0xffff  }
0x45d: {  	v49 =	vld.idx.msk [tilespmem:v48+s30+$0x0], $0xffff  }
0x45e: {  	v51 =	vld [tilespmem:$0xD30]  }
0x45f: {  	v15 =	vsub.s32 v48, v0  }
0x460: {  	v15 =	vmin.u32 v15, $0x200  }
0x461: {  	v15 =	vshll.u32 v15, $0xA  }
0x462: {  	v14 =	vadd.s32 v47, v15;
	v12 =	vmul.f32 v49, v12  }
0x463: {  	[tilespmem:$0x1920] =	vst v14  }
0x464: {  	v53 =	vld [tilespmem:$0x540];
	[tilespmem:$0x2520] =	vst v12  }
0x465: {  	v12 =	vld.idx.msk [tilespmem:v50+s30+$0x0], $0xffff  }
0x466: {  	v52 =	vld.idx.msk [tilespmem:v51+s30+$0x0], $0xffff  }
0x467: {  	v54 =	vld [tilespmem:$0xD40]  }
0x468: {  	v17 =	vsub.s32 v51, v0  }
0x469: {  	v17 =	vmin.u32 v17, $0x200  }
0x46a: {  	v17 =	vshll.u32 v17, $0xA  }
0x46b: {  	v16 =	vadd.s32 v50, v17;
	v12 =	vmul.f32 v52, v12  }
0x46c: {  	[tilespmem:$0x1930] =	vst v16  }
0x46d: {  	v56 =	vld [tilespmem:$0x550];
	[tilespmem:$0x2530] =	vst v12  }
0x46e: {  	v12 =	vld.idx.msk [tilespmem:v53+s30+$0x0], $0xffff  }
0x46f: {  	v55 =	vld.idx.msk [tilespmem:v54+s30+$0x0], $0xffff  }
0x470: {  	v57 =	vld [tilespmem:$0xD50]  }
0x471: {  	v15 =	vsub.s32 v54, v0  }
0x472: {  	v15 =	vmin.u32 v15, $0x200  }
0x473: {  	v15 =	vshll.u32 v15, $0xA  }
0x474: {  	v14 =	vadd.s32 v53, v15;
	v12 =	vmul.f32 v55, v12  }
0x475: {  	[tilespmem:$0x1940] =	vst v14  }
0x476: {  	v59 =	vld [tilespmem:$0x560];
	[tilespmem:$0x2540] =	vst v12  }
0x477: {  	v12 =	vld.idx.msk [tilespmem:v56+s30+$0x0], $0xffff  }
0x478: {  	v58 =	vld.idx.msk [tilespmem:v57+s30+$0x0], $0xffff  }
0x479: {  	v60 =	vld [tilespmem:$0xD60]  }
0x47a: {  	v17 =	vsub.s32 v57, v0  }
0x47b: {  	v17 =	vmin.u32 v17, $0x200  }
0x47c: {  	v17 =	vshll.u32 v17, $0xA  }
0x47d: {  	v16 =	vadd.s32 v56, v17;
	v12 =	vmul.f32 v58, v12  }
0x47e: {  	[tilespmem:$0x1950] =	vst v16  }
0x47f: {  	v62 =	vld [tilespmem:$0x570];
	[tilespmem:$0x2550] =	vst v12  }
0x480: {  	v12 =	vld.idx.msk [tilespmem:v59+s30+$0x0], $0xffff  }
0x481: {  	v61 =	vld.idx.msk [tilespmem:v60+s30+$0x0], $0xffff  }
0x482: {  	v63 =	vld [tilespmem:$0xD70]  }
0x483: {  	v15 =	vsub.s32 v60, v0  }
0x484: {  	v15 =	vmin.u32 v15, $0x200  }
0x485: {  	v15 =	vshll.u32 v15, $0xA  }
0x486: {  	v14 =	vadd.s32 v59, v15;
	v12 =	vmul.f32 v61, v12  }
0x487: {  	[tilespmem:$0x1960] =	vst v14  }
0x488: {  	[tilespmem:$0x2560] =	vst v12  }
0x489: {  	v12 =	vld.idx.msk [tilespmem:v62+s30+$0x0], $0xffff  }
0x48a: {  	v19 =	vld.idx.msk [tilespmem:v63+s30+$0x0], $0xffff;
	_ =	sdelay $0x1  }
0x48b: {  	v20 =	vsub.s32 v63, v0  }
0x48c: {  	v14 =	vmin.u32 v20, $0x200  }
0x48d: {  	v14 =	vshll.u32 v14, $0xA  }
0x48e: {  	v14 =	vadd.s32 v62, v14;
	v12 =	vmul.f32 v19, v12  }
0x48f: {  	[tilespmem:$0x1970] =	vst v14  }
0x490: {  	s11 =	simm.s32 $0x2500;
	[tilespmem:$0x2570] =	vst v12  }
0x491: {  	[spmem:s2] =	stream.indirect.scatter.add.f32 [tilespmem:s11], [sflag:$0x1], $0x1, s20, s19, $0xb8;
	[tilespmem:$0xBC80] =	vst v63  }
0x492: {  	_ =	swait.ge [sflag:s21], $0x80  }
0x493: {  	[sflag:s21] =	ssyncset.done $0x0  }
0x494: {  	[sflag:s21] =	ssyncadd.s32 $0xFFFFFF80  }
0x495: {  	v21 =	vld [tilespmem:$0x580]  }
0x496: {  	v22 =	vld [tilespmem:$0xD80];
	_ =	sdelay $0x5  }
0x497: {  	v25 =	vld [tilespmem:$0x590]  }
0x498: {  	v23 =	vld.idx.msk [tilespmem:v21+s30+$0x0], $0xffff  }
0x499: {  	v24 =	vld.idx.msk [tilespmem:v22+s30+$0x0], $0xffff  }
0x49a: {  	v26 =	vld [tilespmem:$0xD90]  }
0x49b: {  	v13 =	vsub.s32 v22, v0  }
0x49c: {  	v13 =	vmin.u32 v13, $0x200  }
0x49d: {  	v13 =	vshll.u32 v13, $0xA  }
0x49e: {  	v12 =	vadd.s32 v21, v13;
	v27 =	vmul.f32 v24, v23  }
0x49f: {  	[tilespmem:$0x1980] =	vst v12  }
0x4a0: {  	v28 =	vld [tilespmem:$0x5A0];
	[tilespmem:$0x2580] =	vst v27  }
0x4a1: {  	v12 =	vld.idx.msk [tilespmem:v25+s30+$0x0], $0xffff  }
0x4a2: {  	v13 =	vld.idx.msk [tilespmem:v26+s30+$0x0], $0xffff  }
0x4a3: {  	v29 =	vld [tilespmem:$0xDA0]  }
0x4a4: {  	v17 =	vsub.s32 v26, v0  }
0x4a5: {  	v17 =	vmin.u32 v17, $0x200  }
0x4a6: {  	v17 =	vshll.u32 v17, $0xA  }
0x4a7: {  	v16 =	vadd.s32 v25, v17;
	v12 =	vmul.f32 v13, v12  }
0x4a8: {  	[tilespmem:$0x1990] =	vst v16  }
0x4a9: {  	v31 =	vld [tilespmem:$0x5B0];
	[tilespmem:$0x2590] =	vst v12  }
0x4aa: {  	v12 =	vld.idx.msk [tilespmem:v28+s30+$0x0], $0xffff  }
0x4ab: {  	v30 =	vld.idx.msk [tilespmem:v29+s30+$0x0], $0xffff  }
0x4ac: {  	v32 =	vld [tilespmem:$0xDB0]  }
0x4ad: {  	v15 =	vsub.s32 v29, v0  }
0x4ae: {  	v15 =	vmin.u32 v15, $0x200  }
0x4af: {  	v15 =	vshll.u32 v15, $0xA  }
0x4b0: {  	v14 =	vadd.s32 v28, v15;
	v12 =	vmul.f32 v30, v12  }
0x4b1: {  	[tilespmem:$0x19A0] =	vst v14  }
0x4b2: {  	v34 =	vld [tilespmem:$0x5C0];
	[tilespmem:$0x25A0] =	vst v12  }
0x4b3: {  	v12 =	vld.idx.msk [tilespmem:v31+s30+$0x0], $0xffff  }
0x4b4: {  	v33 =	vld.idx.msk [tilespmem:v32+s30+$0x0], $0xffff  }
0x4b5: {  	v35 =	vld [tilespmem:$0xDC0]  }
0x4b6: {  	v17 =	vsub.s32 v32, v0  }
0x4b7: {  	v17 =	vmin.u32 v17, $0x200  }
0x4b8: {  	v17 =	vshll.u32 v17, $0xA  }
0x4b9: {  	v16 =	vadd.s32 v31, v17;
	v12 =	vmul.f32 v33, v12  }
0x4ba: {  	[tilespmem:$0x19B0] =	vst v16  }
0x4bb: {  	v37 =	vld [tilespmem:$0x5D0];
	[tilespmem:$0x25B0] =	vst v12  }
0x4bc: {  	v12 =	vld.idx.msk [tilespmem:v34+s30+$0x0], $0xffff  }
0x4bd: {  	v36 =	vld.idx.msk [tilespmem:v35+s30+$0x0], $0xffff  }
0x4be: {  	v38 =	vld [tilespmem:$0xDD0]  }
0x4bf: {  	v15 =	vsub.s32 v35, v0  }
0x4c0: {  	v15 =	vmin.u32 v15, $0x200  }
0x4c1: {  	v15 =	vshll.u32 v15, $0xA  }
0x4c2: {  	v14 =	vadd.s32 v34, v15;
	v12 =	vmul.f32 v36, v12  }
0x4c3: {  	[tilespmem:$0x19C0] =	vst v14  }
0x4c4: {  	v40 =	vld [tilespmem:$0x5E0];
	[tilespmem:$0x25C0] =	vst v12  }
0x4c5: {  	v12 =	vld.idx.msk [tilespmem:v37+s30+$0x0], $0xffff  }
0x4c6: {  	v39 =	vld.idx.msk [tilespmem:v38+s30+$0x0], $0xffff  }
0x4c7: {  	v41 =	vld [tilespmem:$0xDE0]  }
0x4c8: {  	v17 =	vsub.s32 v38, v0  }
0x4c9: {  	v17 =	vmin.u32 v17, $0x200  }
0x4ca: {  	v17 =	vshll.u32 v17, $0xA  }
0x4cb: {  	v16 =	vadd.s32 v37, v17;
	v12 =	vmul.f32 v39, v12  }
0x4cc: {  	[tilespmem:$0x19D0] =	vst v16  }
0x4cd: {  	v43 =	vld [tilespmem:$0x5F0];
	[tilespmem:$0x25D0] =	vst v12  }
0x4ce: {  	v12 =	vld.idx.msk [tilespmem:v40+s30+$0x0], $0xffff  }
0x4cf: {  	v42 =	vld.idx.msk [tilespmem:v41+s30+$0x0], $0xffff  }
0x4d0: {  	v44 =	vld [tilespmem:$0xDF0]  }
0x4d1: {  	v15 =	vsub.s32 v41, v0  }
0x4d2: {  	v15 =	vmin.u32 v15, $0x200  }
0x4d3: {  	v15 =	vshll.u32 v15, $0xA  }
0x4d4: {  	v14 =	vadd.s32 v40, v15;
	v12 =	vmul.f32 v42, v12  }
0x4d5: {  	[tilespmem:$0x19E0] =	vst v14  }
0x4d6: {  	[tilespmem:$0x25E0] =	vst v12  }
0x4d7: {  	v12 =	vld.idx.msk [tilespmem:v43+s30+$0x0], $0xffff  }
0x4d8: {  	v45 =	vld.idx.msk [tilespmem:v44+s30+$0x0], $0xffff;
	_ =	sdelay $0x1  }
0x4d9: {  	v46 =	vsub.s32 v44, v0  }
0x4da: {  	v14 =	vmin.u32 v46, $0x200  }
0x4db: {  	v14 =	vshll.u32 v14, $0xA  }
0x4dc: {  	v14 =	vadd.s32 v43, v14;
	v12 =	vmul.f32 v45, v12  }
0x4dd: {  	[tilespmem:$0x19F0] =	vst v14  }
0x4de: {  	s31 =	simm.s32 $0x2580;
	[tilespmem:$0x25F0] =	vst v12  }
0x4df: {  	[spmem:s2] =	stream.indirect.scatter.add.f32 [tilespmem:s31], [sflag:$0x1], $0x1, s24, s19, $0xb8;
	[tilespmem:$0xBC80] =	vst v63  }
0x4e0: {  	_ =	swait.ge [sflag:s21], $0x80  }
0x4e1: {  	[sflag:s21] =	ssyncset.done $0x0  }
0x4e2: {  	[sflag:s21] =	ssyncadd.s32 $0xFFFFFF80  }
0x4e3: {  	v47 =	vld [tilespmem:$0x600]  }
0x4e4: {  	v48 =	vld [tilespmem:$0xE00];
	_ =	sdelay $0x5  }
0x4e5: {  	v51 =	vld [tilespmem:$0x610]  }
0x4e6: {  	v49 =	vld.idx.msk [tilespmem:v47+s30+$0x0], $0xffff  }
0x4e7: {  	v50 =	vld.idx.msk [tilespmem:v48+s30+$0x0], $0xffff  }
0x4e8: {  	v52 =	vld [tilespmem:$0xE10]  }
0x4e9: {  	v13 =	vsub.s32 v48, v0  }
0x4ea: {  	v13 =	vmin.u32 v13, $0x200  }
0x4eb: {  	v13 =	vshll.u32 v13, $0xA  }
0x4ec: {  	v12 =	vadd.s32 v47, v13;
	v53 =	vmul.f32 v50, v49  }
0x4ed: {  	[tilespmem:$0x1A00] =	vst v12  }
0x4ee: {  	v54 =	vld [tilespmem:$0x620];
	[tilespmem:$0x2600] =	vst v53  }
0x4ef: {  	v12 =	vld.idx.msk [tilespmem:v51+s30+$0x0], $0xffff  }
0x4f0: {  	v13 =	vld.idx.msk [tilespmem:v52+s30+$0x0], $0xffff  }
0x4f1: {  	v55 =	vld [tilespmem:$0xE20]  }
0x4f2: {  	v17 =	vsub.s32 v52, v0  }
0x4f3: {  	v17 =	vmin.u32 v17, $0x200  }
0x4f4: {  	v17 =	vshll.u32 v17, $0xA  }
0x4f5: {  	v16 =	vadd.s32 v51, v17;
	v12 =	vmul.f32 v13, v12  }
0x4f6: {  	[tilespmem:$0x1A10] =	vst v16  }
0x4f7: {  	v57 =	vld [tilespmem:$0x630];
	[tilespmem:$0x2610] =	vst v12  }
0x4f8: {  	v12 =	vld.idx.msk [tilespmem:v54+s30+$0x0], $0xffff  }
0x4f9: {  	v56 =	vld.idx.msk [tilespmem:v55+s30+$0x0], $0xffff  }
0x4fa: {  	v58 =	vld [tilespmem:$0xE30]  }
0x4fb: {  	v15 =	vsub.s32 v55, v0  }
0x4fc: {  	v15 =	vmin.u32 v15, $0x200  }
0x4fd: {  	v15 =	vshll.u32 v15, $0xA  }
0x4fe: {  	v14 =	vadd.s32 v54, v15;
	v12 =	vmul.f32 v56, v12  }
0x4ff: {  	[tilespmem:$0x1A20] =	vst v14  }
0x500: {  	v60 =	vld [tilespmem:$0x640];
	[tilespmem:$0x2620] =	vst v12  }
0x501: {  	v12 =	vld.idx.msk [tilespmem:v57+s30+$0x0], $0xffff  }
0x502: {  	v59 =	vld.idx.msk [tilespmem:v58+s30+$0x0], $0xffff  }
0x503: {  	v61 =	vld [tilespmem:$0xE40]  }
0x504: {  	v17 =	vsub.s32 v58, v0  }
0x505: {  	v17 =	vmin.u32 v17, $0x200  }
0x506: {  	v17 =	vshll.u32 v17, $0xA  }
0x507: {  	v16 =	vadd.s32 v57, v17;
	v12 =	vmul.f32 v59, v12  }
0x508: {  	[tilespmem:$0x1A30] =	vst v16  }
0x509: {  	v63 =	vld [tilespmem:$0x650];
	[tilespmem:$0x2630] =	vst v12  }
0x50a: {  	v12 =	vld.idx.msk [tilespmem:v60+s30+$0x0], $0xffff  }
0x50b: {  	v62 =	vld.idx.msk [tilespmem:v61+s30+$0x0], $0xffff  }
0x50c: {  	v20 =	vld [tilespmem:$0xE50]  }
0x50d: {  	v15 =	vsub.s32 v61, v0  }
0x50e: {  	v15 =	vmin.u32 v15, $0x200  }
0x50f: {  	v15 =	vshll.u32 v15, $0xA  }
0x510: {  	v14 =	vadd.s32 v60, v15;
	v12 =	vmul.f32 v62, v12  }
0x511: {  	[tilespmem:$0x1A40] =	vst v14  }
0x512: {  	v22 =	vld [tilespmem:$0x660];
	[tilespmem:$0x2640] =	vst v12  }
0x513: {  	v12 =	vld.idx.msk [tilespmem:v63+s30+$0x0], $0xffff  }
0x514: {  	v21 =	vld.idx.msk [tilespmem:v20+s30+$0x0], $0xffff  }
0x515: {  	v23 =	vld [tilespmem:$0xE60]  }
0x516: {  	v17 =	vsub.s32 v20, v0  }
0x517: {  	v17 =	vmin.u32 v17, $0x200  }
0x518: {  	v17 =	vshll.u32 v17, $0xA  }
0x519: {  	v16 =	vadd.s32 v63, v17;
	v12 =	vmul.f32 v21, v12  }
0x51a: {  	[tilespmem:$0x1A50] =	vst v16  }
0x51b: {  	v25 =	vld [tilespmem:$0x670];
	[tilespmem:$0x2650] =	vst v12  }
0x51c: {  	v12 =	vld.idx.msk [tilespmem:v22+s30+$0x0], $0xffff  }
0x51d: {  	v24 =	vld.idx.msk [tilespmem:v23+s30+$0x0], $0xffff  }
0x51e: {  	v26 =	vld [tilespmem:$0xE70]  }
0x51f: {  	v15 =	vsub.s32 v23, v0  }
0x520: {  	v15 =	vmin.u32 v15, $0x200  }
0x521: {  	v15 =	vshll.u32 v15, $0xA  }
0x522: {  	v14 =	vadd.s32 v22, v15;
	v12 =	vmul.f32 v24, v12  }
0x523: {  	[tilespmem:$0x1A60] =	vst v14  }
0x524: {  	[tilespmem:$0x2660] =	vst v12  }
0x525: {  	v12 =	vld.idx.msk [tilespmem:v25+s30+$0x0], $0xffff  }
0x526: {  	v27 =	vld.idx.msk [tilespmem:v26+s30+$0x0], $0xffff;
	_ =	sdelay $0x1  }
0x527: {  	v28 =	vsub.s32 v26, v0  }
0x528: {  	v14 =	vmin.u32 v28, $0x200  }
0x529: {  	v14 =	vshll.u32 v14, $0xA  }
0x52a: {  	v14 =	vadd.s32 v25, v14;
	v12 =	vmul.f32 v27, v12  }
0x52b: {  	[tilespmem:$0x1A70] =	vst v14  }
0x52c: {  	s11 =	simm.s32 $0x2600;
	[tilespmem:$0x2670] =	vst v12  }
0x52d: {  	[spmem:s2] =	stream.indirect.scatter.add.f32 [tilespmem:s11], [sflag:$0x1], $0x1, s26, s19, $0xb8;
	[tilespmem:$0xBC80] =	vst v63  }
0x52e: {  	_ =	swait.ge [sflag:s21], $0x80  }
0x52f: {  	[sflag:s21] =	ssyncset.done $0x0  }
0x530: {  	[sflag:s21] =	ssyncadd.s32 $0xFFFFFF80  }
0x531: {  	v29 =	vld [tilespmem:$0x680]  }
0x532: {  	v30 =	vld [tilespmem:$0xE80];
	_ =	sdelay $0x5  }
0x533: {  	v33 =	vld [tilespmem:$0x690]  }
0x534: {  	v31 =	vld.idx.msk [tilespmem:v29+s30+$0x0], $0xffff  }
0x535: {  	v32 =	vld.idx.msk [tilespmem:v30+s30+$0x0], $0xffff  }
0x536: {  	v34 =	vld [tilespmem:$0xE90]  }
0x537: {  	v13 =	vsub.s32 v30, v0  }
0x538: {  	v13 =	vmin.u32 v13, $0x200  }
0x539: {  	v13 =	vshll.u32 v13, $0xA  }
0x53a: {  	v12 =	vadd.s32 v29, v13;
	v35 =	vmul.f32 v32, v31  }
0x53b: {  	[tilespmem:$0x1A80] =	vst v12  }
0x53c: {  	v36 =	vld [tilespmem:$0x6A0];
	[tilespmem:$0x2680] =	vst v35  }
0x53d: {  	v12 =	vld.idx.msk [tilespmem:v33+s30+$0x0], $0xffff  }
0x53e: {  	v13 =	vld.idx.msk [tilespmem:v34+s30+$0x0], $0xffff  }
0x53f: {  	v37 =	vld [tilespmem:$0xEA0]  }
0x540: {  	v17 =	vsub.s32 v34, v0  }
0x541: {  	v17 =	vmin.u32 v17, $0x200  }
0x542: {  	v17 =	vshll.u32 v17, $0xA  }
0x543: {  	v16 =	vadd.s32 v33, v17;
	v12 =	vmul.f32 v13, v12  }
0x544: {  	[tilespmem:$0x1A90] =	vst v16  }
0x545: {  	v39 =	vld [tilespmem:$0x6B0];
	[tilespmem:$0x2690] =	vst v12  }
0x546: {  	v12 =	vld.idx.msk [tilespmem:v36+s30+$0x0], $0xffff  }
0x547: {  	v38 =	vld.idx.msk [tilespmem:v37+s30+$0x0], $0xffff  }
0x548: {  	v40 =	vld [tilespmem:$0xEB0]  }
0x549: {  	v15 =	vsub.s32 v37, v0  }
0x54a: {  	v15 =	vmin.u32 v15, $0x200  }
0x54b: {  	v15 =	vshll.u32 v15, $0xA  }
0x54c: {  	v14 =	vadd.s32 v36, v15;
	v12 =	vmul.f32 v38, v12  }
0x54d: {  	[tilespmem:$0x1AA0] =	vst v14  }
0x54e: {  	v42 =	vld [tilespmem:$0x6C0];
	[tilespmem:$0x26A0] =	vst v12  }
0x54f: {  	v12 =	vld.idx.msk [tilespmem:v39+s30+$0x0], $0xffff  }
0x550: {  	v41 =	vld.idx.msk [tilespmem:v40+s30+$0x0], $0xffff  }
0x551: {  	v43 =	vld [tilespmem:$0xEC0]  }
0x552: {  	v17 =	vsub.s32 v40, v0  }
0x553: {  	v17 =	vmin.u32 v17, $0x200  }
0x554: {  	v17 =	vshll.u32 v17, $0xA  }
0x555: {  	v16 =	vadd.s32 v39, v17;
	v12 =	vmul.f32 v41, v12  }
0x556: {  	[tilespmem:$0x1AB0] =	vst v16  }
0x557: {  	v45 =	vld [tilespmem:$0x6D0];
	[tilespmem:$0x26B0] =	vst v12  }
0x558: {  	v12 =	vld.idx.msk [tilespmem:v42+s30+$0x0], $0xffff  }
0x559: {  	v44 =	vld.idx.msk [tilespmem:v43+s30+$0x0], $0xffff  }
0x55a: {  	v46 =	vld [tilespmem:$0xED0]  }
0x55b: {  	v15 =	vsub.s32 v43, v0  }
0x55c: {  	v15 =	vmin.u32 v15, $0x200  }
0x55d: {  	v15 =	vshll.u32 v15, $0xA  }
0x55e: {  	v14 =	vadd.s32 v42, v15;
	v12 =	vmul.f32 v44, v12  }
0x55f: {  	[tilespmem:$0x1AC0] =	vst v14  }
0x560: {  	v48 =	vld [tilespmem:$0x6E0];
	[tilespmem:$0x26C0] =	vst v12  }
0x561: {  	v12 =	vld.idx.msk [tilespmem:v45+s30+$0x0], $0xffff  }
0x562: {  	v47 =	vld.idx.msk [tilespmem:v46+s30+$0x0], $0xffff  }
0x563: {  	v49 =	vld [tilespmem:$0xEE0]  }
0x564: {  	v17 =	vsub.s32 v46, v0  }
0x565: {  	v17 =	vmin.u32 v17, $0x200  }
0x566: {  	v17 =	vshll.u32 v17, $0xA  }
0x567: {  	v16 =	vadd.s32 v45, v17;
	v12 =	vmul.f32 v47, v12  }
0x568: {  	[tilespmem:$0x1AD0] =	vst v16  }
0x569: {  	v51 =	vld [tilespmem:$0x6F0];
	[tilespmem:$0x26D0] =	vst v12  }
0x56a: {  	v12 =	vld.idx.msk [tilespmem:v48+s30+$0x0], $0xffff  }
0x56b: {  	v50 =	vld.idx.msk [tilespmem:v49+s30+$0x0], $0xffff  }
0x56c: {  	v52 =	vld [tilespmem:$0xEF0]  }
0x56d: {  	v15 =	vsub.s32 v49, v0  }
0x56e: {  	v15 =	vmin.u32 v15, $0x200  }
0x56f: {  	v15 =	vshll.u32 v15, $0xA  }
0x570: {  	v14 =	vadd.s32 v48, v15;
	v12 =	vmul.f32 v50, v12  }
0x571: {  	[tilespmem:$0x1AE0] =	vst v14  }
0x572: {  	[tilespmem:$0x26E0] =	vst v12  }
0x573: {  	v12 =	vld.idx.msk [tilespmem:v51+s30+$0x0], $0xffff  }
0x574: {  	v53 =	vld.idx.msk [tilespmem:v52+s30+$0x0], $0xffff;
	_ =	sdelay $0x1  }
0x575: {  	v54 =	vsub.s32 v52, v0  }
0x576: {  	v14 =	vmin.u32 v54, $0x200  }
0x577: {  	v14 =	vshll.u32 v14, $0xA  }
0x578: {  	v14 =	vadd.s32 v51, v14;
	v12 =	vmul.f32 v53, v12  }
0x579: {  	[tilespmem:$0x1AF0] =	vst v14  }
0x57a: {  	s31 =	simm.s32 $0x2680;
	[tilespmem:$0x26F0] =	vst v12  }
0x57b: {  	[spmem:s2] =	stream.indirect.scatter.add.f32 [tilespmem:s31], [sflag:$0x1], $0x1, s28, s19, $0xb8;
	[tilespmem:$0xBC80] =	vst v63  }
0x57c: {  	_ =	swait.ge [sflag:s21], $0x80  }
0x57d: {  	[sflag:s21] =	ssyncset.done $0x0  }
0x57e: {  	[sflag:s21] =	ssyncadd.s32 $0xFFFFFF80  }
0x57f: {  	v55 =	vld [tilespmem:$0x700]  }
0x580: {  	v56 =	vld [tilespmem:$0xF00];
	_ =	sdelay $0x5  }
0x581: {  	v59 =	vld [tilespmem:$0x710]  }
0x582: {  	v57 =	vld.idx.msk [tilespmem:v55+s30+$0x0], $0xffff  }
0x583: {  	v58 =	vld.idx.msk [tilespmem:v56+s30+$0x0], $0xffff  }
0x584: {  	v60 =	vld [tilespmem:$0xF10]  }
0x585: {  	v13 =	vsub.s32 v56, v0  }
0x586: {  	v13 =	vmin.u32 v13, $0x200  }
0x587: {  	v13 =	vshll.u32 v13, $0xA  }
0x588: {  	v12 =	vadd.s32 v55, v13;
	v61 =	vmul.f32 v58, v57  }
0x589: {  	[tilespmem:$0x1B00] =	vst v12  }
0x58a: {  	v62 =	vld [tilespmem:$0x720];
	[tilespmem:$0x2700] =	vst v61  }
0x58b: {  	v12 =	vld.idx.msk [tilespmem:v59+s30+$0x0], $0xffff  }
0x58c: {  	v13 =	vld.idx.msk [tilespmem:v60+s30+$0x0], $0xffff  }
0x58d: {  	v63 =	vld [tilespmem:$0xF20]  }
0x58e: {  	v17 =	vsub.s32 v60, v0  }
0x58f: {  	v17 =	vmin.u32 v17, $0x200  }
0x590: {  	v17 =	vshll.u32 v17, $0xA  }
0x591: {  	v16 =	vadd.s32 v59, v17;
	v12 =	vmul.f32 v13, v12  }
0x592: {  	[tilespmem:$0x1B10] =	vst v16  }
0x593: {  	v21 =	vld [tilespmem:$0x730];
	[tilespmem:$0x2710] =	vst v12  }
0x594: {  	v12 =	vld.idx.msk [tilespmem:v62+s30+$0x0], $0xffff  }
0x595: {  	v20 =	vld.idx.msk [tilespmem:v63+s30+$0x0], $0xffff  }
0x596: {  	v22 =	vld [tilespmem:$0xF30]  }
0x597: {  	v15 =	vsub.s32 v63, v0  }
0x598: {  	v15 =	vmin.u32 v15, $0x200  }
0x599: {  	v15 =	vshll.u32 v15, $0xA  }
0x59a: {  	v14 =	vadd.s32 v62, v15;
	v12 =	vmul.f32 v20, v12  }
0x59b: {  	[tilespmem:$0x1B20] =	vst v14  }
0x59c: {  	v24 =	vld [tilespmem:$0x740];
	[tilespmem:$0x2720] =	vst v12  }
0x59d: {  	v12 =	vld.idx.msk [tilespmem:v21+s30+$0x0], $0xffff  }
0x59e: {  	v23 =	vld.idx.msk [tilespmem:v22+s30+$0x0], $0xffff  }
0x59f: {  	v25 =	vld [tilespmem:$0xF40]  }
0x5a0: {  	v17 =	vsub.s32 v22, v0  }
0x5a1: {  	v17 =	vmin.u32 v17, $0x200  }
0x5a2: {  	v17 =	vshll.u32 v17, $0xA  }
0x5a3: {  	v16 =	vadd.s32 v21, v17;
	v12 =	vmul.f32 v23, v12  }
0x5a4: {  	[tilespmem:$0x1B30] =	vst v16  }
0x5a5: {  	v27 =	vld [tilespmem:$0x750];
	[tilespmem:$0x2730] =	vst v12  }
0x5a6: {  	v12 =	vld.idx.msk [tilespmem:v24+s30+$0x0], $0xffff  }
0x5a7: {  	v26 =	vld.idx.msk [tilespmem:v25+s30+$0x0], $0xffff  }
0x5a8: {  	v28 =	vld [tilespmem:$0xF50]  }
0x5a9: {  	v15 =	vsub.s32 v25, v0  }
0x5aa: {  	v15 =	vmin.u32 v15, $0x200  }
0x5ab: {  	v15 =	vshll.u32 v15, $0xA  }
0x5ac: {  	v14 =	vadd.s32 v24, v15;
	v12 =	vmul.f32 v26, v12  }
0x5ad: {  	[tilespmem:$0x1B40] =	vst v14  }
0x5ae: {  	v30 =	vld [tilespmem:$0x760];
	[tilespmem:$0x2740] =	vst v12  }
0x5af: {  	v12 =	vld.idx.msk [tilespmem:v27+s30+$0x0], $0xffff  }
0x5b0: {  	v29 =	vld.idx.msk [tilespmem:v28+s30+$0x0], $0xffff  }
0x5b1: {  	v31 =	vld [tilespmem:$0xF60]  }
0x5b2: {  	v17 =	vsub.s32 v28, v0  }
0x5b3: {  	v17 =	vmin.u32 v17, $0x200  }
0x5b4: {  	v17 =	vshll.u32 v17, $0xA  }
0x5b5: {  	v16 =	vadd.s32 v27, v17;
	v12 =	vmul.f32 v29, v12  }
0x5b6: {  	[tilespmem:$0x1B50] =	vst v16  }
0x5b7: {  	v33 =	vld [tilespmem:$0x770];
	[tilespmem:$0x2750] =	vst v12  }
0x5b8: {  	v12 =	vld.idx.msk [tilespmem:v30+s30+$0x0], $0xffff  }
0x5b9: {  	v32 =	vld.idx.msk [tilespmem:v31+s30+$0x0], $0xffff  }
0x5ba: {  	v34 =	vld [tilespmem:$0xF70]  }
0x5bb: {  	v15 =	vsub.s32 v31, v0  }
0x5bc: {  	v15 =	vmin.u32 v15, $0x200  }
0x5bd: {  	v15 =	vshll.u32 v15, $0xA  }
0x5be: {  	v14 =	vadd.s32 v30, v15;
	v12 =	vmul.f32 v32, v12  }
0x5bf: {  	[tilespmem:$0x1B60] =	vst v14  }
0x5c0: {  	[tilespmem:$0x2760] =	vst v12  }
0x5c1: {  	v12 =	vld.idx.msk [tilespmem:v33+s30+$0x0], $0xffff  }
0x5c2: {  	v35 =	vld.idx.msk [tilespmem:v34+s30+$0x0], $0xffff;
	_ =	sdelay $0x1  }
0x5c3: {  	v36 =	vsub.s32 v34, v0  }
0x5c4: {  	v14 =	vmin.u32 v36, $0x200  }
0x5c5: {  	v14 =	vshll.u32 v14, $0xA  }
0x5c6: {  	v14 =	vadd.s32 v33, v14;
	v12 =	vmul.f32 v35, v12  }
0x5c7: {  	[tilespmem:$0x1B70] =	vst v14  }
0x5c8: {  	s11 =	simm.s32 $0x2700;
	[tilespmem:$0x2770] =	vst v12  }
0x5c9: {  	[spmem:s2] =	stream.indirect.scatter.add.f32 [tilespmem:s11], [sflag:$0x1], $0x1, s29, s19, $0xb8;
	[tilespmem:$0xBC80] =	vst v63  }
0x5ca: {  	_ =	swait.ge [sflag:s21], $0x80  }
0x5cb: {  	[sflag:s21] =	ssyncset.done $0x0  }
0x5cc: {  	[sflag:s21] =	ssyncadd.s32 $0xFFFFFF80  }
0x5cd: {  	v37 =	vld [tilespmem:$0x780]  }
0x5ce: {  	v38 =	vld [tilespmem:$0xF80];
	_ =	sdelay $0x5  }
0x5cf: {  	v41 =	vld [tilespmem:$0x790]  }
0x5d0: {  	v39 =	vld.idx.msk [tilespmem:v37+s30+$0x0], $0xffff  }
0x5d1: {  	v40 =	vld.idx.msk [tilespmem:v38+s30+$0x0], $0xffff  }
0x5d2: {  	v42 =	vld [tilespmem:$0xF90]  }
0x5d3: {  	v13 =	vsub.s32 v38, v0  }
0x5d4: {  	v13 =	vmin.u32 v13, $0x200  }
0x5d5: {  	v13 =	vshll.u32 v13, $0xA  }
0x5d6: {  	v12 =	vadd.s32 v37, v13;
	v43 =	vmul.f32 v40, v39  }
0x5d7: {  	[tilespmem:$0x1B80] =	vst v12  }
0x5d8: {  	v44 =	vld [tilespmem:$0x7A0];
	[tilespmem:$0x2780] =	vst v43  }
0x5d9: {  	v12 =	vld.idx.msk [tilespmem:v41+s30+$0x0], $0xffff  }
0x5da: {  	v13 =	vld.idx.msk [tilespmem:v42+s30+$0x0], $0xffff  }
0x5db: {  	v45 =	vld [tilespmem:$0xFA0]  }
0x5dc: {  	v17 =	vsub.s32 v42, v0  }
0x5dd: {  	v17 =	vmin.u32 v17, $0x200  }
0x5de: {  	v17 =	vshll.u32 v17, $0xA  }
0x5df: {  	v16 =	vadd.s32 v41, v17;
	v12 =	vmul.f32 v13, v12  }
0x5e0: {  	[tilespmem:$0x1B90] =	vst v16  }
0x5e1: {  	v47 =	vld [tilespmem:$0x7B0];
	[tilespmem:$0x2790] =	vst v12  }
0x5e2: {  	v12 =	vld.idx.msk [tilespmem:v44+s30+$0x0], $0xffff  }
0x5e3: {  	v46 =	vld.idx.msk [tilespmem:v45+s30+$0x0], $0xffff  }
0x5e4: {  	v48 =	vld [tilespmem:$0xFB0]  }
0x5e5: {  	v15 =	vsub.s32 v45, v0  }
0x5e6: {  	v15 =	vmin.u32 v15, $0x200  }
0x5e7: {  	v15 =	vshll.u32 v15, $0xA  }
0x5e8: {  	v14 =	vadd.s32 v44, v15;
	v12 =	vmul.f32 v46, v12  }
0x5e9: {  	[tilespmem:$0x1BA0] =	vst v14  }
0x5ea: {  	v50 =	vld [tilespmem:$0x7C0];
	[tilespmem:$0x27A0] =	vst v12  }
0x5eb: {  	v12 =	vld.idx.msk [tilespmem:v47+s30+$0x0], $0xffff  }
0x5ec: {  	v49 =	vld.idx.msk [tilespmem:v48+s30+$0x0], $0xffff  }
0x5ed: {  	v51 =	vld [tilespmem:$0xFC0]  }
0x5ee: {  	v17 =	vsub.s32 v48, v0  }
0x5ef: {  	v17 =	vmin.u32 v17, $0x200  }
0x5f0: {  	v17 =	vshll.u32 v17, $0xA  }
0x5f1: {  	v16 =	vadd.s32 v47, v17;
	v12 =	vmul.f32 v49, v12  }
0x5f2: {  	[tilespmem:$0x1BB0] =	vst v16  }
0x5f3: {  	v53 =	vld [tilespmem:$0x7D0];
	[tilespmem:$0x27B0] =	vst v12  }
0x5f4: {  	v12 =	vld.idx.msk [tilespmem:v50+s30+$0x0], $0xffff  }
0x5f5: {  	v52 =	vld.idx.msk [tilespmem:v51+s30+$0x0], $0xffff  }
0x5f6: {  	v54 =	vld [tilespmem:$0xFD0]  }
0x5f7: {  	v15 =	vsub.s32 v51, v0  }
0x5f8: {  	v15 =	vmin.u32 v15, $0x200  }
0x5f9: {  	v15 =	vshll.u32 v15, $0xA  }
0x5fa: {  	v14 =	vadd.s32 v50, v15;
	v12 =	vmul.f32 v52, v12  }
0x5fb: {  	[tilespmem:$0x1BC0] =	vst v14  }
0x5fc: {  	v56 =	vld [tilespmem:$0x7E0];
	[tilespmem:$0x27C0] =	vst v12  }
0x5fd: {  	v12 =	vld.idx.msk [tilespmem:v53+s30+$0x0], $0xffff  }
0x5fe: {  	v55 =	vld.idx.msk [tilespmem:v54+s30+$0x0], $0xffff  }
0x5ff: {  	v57 =	vld [tilespmem:$0xFE0]  }
0x600: {  	v17 =	vsub.s32 v54, v0  }
0x601: {  	v17 =	vmin.u32 v17, $0x200  }
0x602: {  	v17 =	vshll.u32 v17, $0xA  }
0x603: {  	v16 =	vadd.s32 v53, v17;
	v12 =	vmul.f32 v55, v12  }
0x604: {  	[tilespmem:$0x1BD0] =	vst v16  }
0x605: {  	v59 =	vld [tilespmem:$0x7F0];
	[tilespmem:$0x27D0] =	vst v12  }
0x606: {  	v12 =	vld.idx.msk [tilespmem:v56+s30+$0x0], $0xffff  }
0x607: {  	v58 =	vld.idx.msk [tilespmem:v57+s30+$0x0], $0xffff  }
0x608: {  	v60 =	vld [tilespmem:$0xFF0]  }
0x609: {  	v15 =	vsub.s32 v57, v0  }
0x60a: {  	v15 =	vmin.u32 v15, $0x200  }
0x60b: {  	v15 =	vshll.u32 v15, $0xA  }
0x60c: {  	v14 =	vadd.s32 v56, v15;
	v12 =	vmul.f32 v58, v12  }
0x60d: {  	[tilespmem:$0x1BE0] =	vst v14  }
0x60e: {  	[tilespmem:$0x27E0] =	vst v12  }
0x60f: {  	v12 =	vld.idx.msk [tilespmem:v59+s30+$0x0], $0xffff  }
0x610: {  	v61 =	vld.idx.msk [tilespmem:v60+s30+$0x0], $0xffff;
	_ =	sdelay $0x1  }
0x611: {  	v62 =	vsub.s32 v60, v0  }
0x612: {  	v14 =	vmin.u32 v62, $0x200  }
0x613: {  	v14 =	vshll.u32 v14, $0xA  }
0x614: {  	v14 =	vadd.s32 v59, v14;
	v12 =	vmul.f32 v61, v12  }
0x615: {  	[tilespmem:$0x1BF0] =	vst v14  }
0x616: {  	s31 =	simm.s32 $0x2780;
	[tilespmem:$0x27F0] =	vst v12  }
0x617: {  	[spmem:s2] =	stream.indirect.scatter.add.f32 [tilespmem:s31], [sflag:$0x1], $0x1, s7, s19, $0xb8;
	[tilespmem:$0xBC80] =	vst v63  }
0x618: {  	_ =	swait.ge [sflag:s21], $0x80  }
0x619: {  	[sflag:s21] =	ssyncset.done $0x0  }
0x61a: {  	[sflag:s21] =	ssyncadd.s32 $0xFFFFFF80  }
0x61b: {  	v63 =	vld.idx.msk [tilespmem:v2+s30+$0x0], $0xffff;
	_ =	sdelay $0x4  }
0x61c: {  	v12 =	vmul.f32 v63, v63  }
0x61d: {  	[tilespmem:$0x1C00] =	vst v5  }
0x61e: {  	[tilespmem:$0x2800] =	vst v12  }
0x61f: {  	v12 =	vld.idx.msk [tilespmem:v1+s30+$0x0], $0xffff;
	_ =	sdelay $0x4  }
0x620: {  	v12 =	vmul.f32 v12, v12  }
0x621: {  	[tilespmem:$0x1C10] =	vst v6  }
0x622: {  	[tilespmem:$0x2810] =	vst v12  }
0x623: {  	v12 =	vld.idx.msk [tilespmem:v3+s30+$0x0], $0xffff;
	_ =	sdelay $0x4  }
0x624: {  	v12 =	vmul.f32 v12, v12  }
0x625: {  	[tilespmem:$0x1C20] =	vst v7  }
0x626: {  	[tilespmem:$0x2820] =	vst v12  }
0x627: {  	v12 =	vld.idx.msk [tilespmem:v4+s30+$0x0], $0xffff;
	[tilespmem:$0x1C30] =	vst v8  }
0x628: {  	[tilespmem:$0x1C40] =	vst v11  }
0x629: {  	[tilespmem:$0x2840] =	vst v9  }
0x62a: {  	[tilespmem:$0x1C50] =	vst v11  }
0x62b: {  	[tilespmem:$0x2850] =	vst v9  }
0x62c: {  	[tilespmem:$0x1C60] =	vst v11  }
0x62d: {  	[tilespmem:$0x2860] =	vst v9  }
0x62e: {  	[tilespmem:$0x1C70] =	vst v11;
	v12 =	vmul.f32 v12, v12  }
0x62f: {  	[tilespmem:$0x2870] =	vst v9  }
0x630: {  	s11 =	simm.s32 $0x1C00;
	s31 =	simm.s32 $0x2800;
	[tilespmem:$0x2830] =	vst v12  }
0x631: {  	[spmem:s2] =	stream.indirect.scatter.add.f32 [tilespmem:s31], [sflag:$0x1], $0x1, s11, s19, $0xb8;
	[tilespmem:$0xBC80] =	vst v63  }
0x632: {  	_ =	swait.ge [sflag:s21], $0x80  }
0x633: {  	s9 =	sadd.s32 $0x1, s9;
	[sflag:s21] =	ssyncset.done $0x0  }
0x634: {  	p0 =	sne.s32 s9, s18;
	s11 =	sor.u32 $0x1C01, s5;
	[sflag:s21] =	ssyncadd.s32 $0xFFFFFF80  }
.Ltmp2:
0x635: {  	s31 =	sshrl.u32 s8, $0x3;
	[bflag:$0x0] =	sbarrier.arrive $0xFFFF;
	(pc) =	sbr.rel @p0 .LBB2_1-.Ltmp2, $4  }
0x636: {  	[hbm:s17], [sflag:s11] =	dma.local [spmem:s31], $0x1000  }
0x637: {  	_ =	swait.ge [sflag:s21], $0x1000  }
0x638: {  	[sflag:s21] =	ssyncset.done $0x0  }
0x639: {  	[sflag:s21] =	ssyncadd.s32 $0xFFFFF000  }
0x63a: {  	_ =	sfence.sel $0x180000  }
0x63b: {  	[bflag:$0x0] =	sbarrier.arrive $0xFFFF  }
0x63c: {  	_ =	strace $0x90000047  }
0x63d: {  	s0 =	stileid.u32;
	[bflag:$0x2] =	sbarrier.arrive $0xFFFF  }
0x63e: {  	p0 =	sne.s32 s0, $0x0;
	s0 =	rddreg [dreg:$0x4]  }
0x63f: {  	s0 =	sadd.s32 @!p0 $0x100000, s0  }
0x640: {  	[sflag:s0] =	ssyncadd.tile.s32 @!p0 $0x1;
	_ =	shalt  }
.Lfunc_end2:
_tile_overlayer_lowered:
.L_overlay_start_2:
0x641: {  	(tag) =	ssettag $0x2  }
0x642: {  	s0 =	rddreg [dreg:$0x0];
	s2 =	stileid.u32  }
0x643: {  	s1 =	rddreg [dreg:$0x1];
	p0 =	sne.s32 s2, $0x0  }
0x644: {  	s3 =	rddreg [dreg:$0x2];
	[bflag:$0x3] =	sbarrier.arrive $0xFFFF;
	s2 =	simm.s32 @!p0 $0x1C01  }
0x645: {  	[timem:s3], [sflag:s2] =	dma.local @!p0 [hbm:s0], s1  }
0x646: {  	s0 =	simm.s32 @!p0 $0x1  }
0x647: {  	_ =	swait.ge @!p0 [sflag:s0], s1  }
0x648: {  	s1 =	ssub.s32 @!p0 $0x0, s1;
	[sflag:s0] =	ssyncset.done @!p0 $0x0  }
0x649: {  	[sflag:s0] =	ssyncadd.s32 @!p0 s1  }
0x64a: {  	[bflag:$0x3] =	sbarrier.arrive $0xFFFF  }
0x64b: {  	_ =	shalt  }

</sc_bundles>
